<compile_context>
chip_gen: v7x
topology: tpu7x:2x2x1
jax: 0.10.2.dev20260603
libtpu: 0.0.44.dev20260713+nightly
codegen_flags: <defaults>
</compile_context>

<pallas_src>
import functools

import jax
import jax.numpy as jnp
from jax import lax
from jax.experimental import pallas as pl
from jax.experimental.pallas import tpu as pltpu
from jax.experimental.pallas import tpu_sc as plsc

_N = 2048
_HEADS = 16
_NUM_BUCKETS = 32
_MAX_DISTANCE = 128
_T = 4096
_WB = 4224
_LANES = 16


def _diag_buckets(n):
    n_zero = jnp.asarray(n, dtype=jnp.int32) - jnp.asarray(n, dtype=jnp.int32)
    k = jnp.arange(_WB, dtype=jnp.int32) + n_zero
    rel = k - (_N - 1)
    nn = -rel
    num_buckets = _NUM_BUCKETS // 2
    ret = (nn < 0).astype(jnp.int32) * num_buckets
    nn = jnp.abs(nn)
    max_exact = num_buckets // 2
    is_small = nn < max_exact
    m_safe = jnp.maximum(nn, 1)
    e = (m_safe.astype(jnp.float32).view(jnp.int32) >> 23) - 127
    hi = (m_safe * m_safe) >= (jnp.int32(1) << (2 * e + 1))
    val_if_large = max_exact + (2 * e + hi.astype(jnp.int32)) - 6
    val_if_large = jnp.minimum(val_if_large, num_buckets - 1)
    return ret + jnp.where(is_small, nn, val_if_large)


def _sc_body(table_hbm, bucket_hbm, out_hbm, table_v, bucket_v, bidx_v, f_v, sem):
    t = lax.axis_index("s")
    c = lax.axis_index("c")
    h0 = c * 8

    pltpu.sync_copy(table_hbm, table_v)
    pltpu.sync_copy(bucket_hbm, bucket_v)

    lane = lax.iota(jnp.int32, _LANES)
    base_shift = 127 - 8 * t

    def prefill(m0, carry):
        mbase = m0 * _LANES
        for r in range(8):
            bidx = plsc.load_gather(bucket_v, [lane + (mbase + (base_shift - r))])
            bidx_v[r, pl.ds(pl.multiple_of(mbase, _LANES), _LANES)] = bidx * _HEADS
        return carry

    lax.fori_loop(0, _T // _LANES, prefill, 0)

    def fill(h, buf):
        hv = jnp.broadcast_to(h, (_LANES,))
        v_lo = plsc.load_gather(table_v, [hv + 15 * _HEADS])
        v_hi = plsc.load_gather(table_v, [hv + 31 * _HEADS])

        for r in range(8):
            bs_r = base_shift - r
            n_lo = jnp.right_shift(1941 - bs_r, 4) + 1
            v_hi0 = jnp.right_shift(2153 - bs_r, 4)

            def body_lo(v, carry):
                f_v[buf, r, pl.ds(pl.multiple_of(v * _LANES, _LANES), _LANES)] = v_lo
                return carry

            def body_mid(v, carry):
                off = pl.multiple_of(v * _LANES, _LANES)
                bvec = bidx_v[r, pl.ds(off, _LANES)]
                f_v[buf, r, pl.ds(off, _LANES)] = plsc.load_gather(
                    table_v, [bvec + hv]
                )
                return carry

            def body_hi(v, carry):
                f_v[buf, r, pl.ds(pl.multiple_of(v * _LANES, _LANES), _LANES)] = v_hi
                return carry

            lax.fori_loop(0, n_lo, body_lo, 0)
            lax.fori_loop(n_lo, v_hi0, body_mid, 0)
            lax.fori_loop(v_hi0, _T // _LANES, body_hi, 0)

    fill(h0, 0)

    def head_loop(hl, carry):
        h = h0 + hl
        buf = jnp.bitwise_and(hl, 1)
        copies = []
        for k in range(16):
            i0 = pl.multiple_of(8 * t + 128 * k, 8)
            m0 = 1920 - 128 * k
            copies.append(
                pltpu.async_copy(
                    f_v.at[buf, pl.ds(0, 8), pl.ds(m0, _N)],
                    out_hbm.at[h, pl.ds(i0, 8), pl.ds(0, _N)],
                    sem,
                )
            )
        fill(jnp.minimum(h + 1, h0 + 7), 1 - buf)
        for cp in copies:
            cp.wait()
        return carry

    lax.fori_loop(0, 8, head_loop, 0)


def kernel(n, table):
    bucket = _diag_buckets(n)
    mesh = plsc.VectorSubcoreMesh(core_axis_name="c", subcore_axis_name="s")
    call = functools.partial(
        pl.kernel,
        mesh=mesh,
        out_type=jax.ShapeDtypeStruct((_HEADS, _N, _N), jnp.float32),
        scratch_types=[
            pltpu.VMEM((_NUM_BUCKETS * _HEADS,), jnp.float32),
            pltpu.VMEM((_WB,), jnp.int32),
            pltpu.VMEM((8, _T), jnp.int32),
            pltpu.VMEM((2, 8, _T), jnp.float32),
            pltpu.SemaphoreType.DMA,
        ],
        compiler_params=pltpu.CompilerParams(needs_layout_passes=False),
    )(_sc_body)
    return call(table.reshape(-1), bucket)

# --- scband reference (transcript-rebuilt; emitter-appended) ---
"""Pipeline reference for scband-relative-position-bias-4879082848937 (READ-ONLY COPY).

The authoritative reference and input builder live on the scoring server;
editing this copy changes nothing except your own understanding.
"""

import math
import jax, jax.numpy as jnp
import numpy as np

NUM_BUCKETS = 32
MAX_DISTANCE = 128
HEADS = 16
SCALE = 1.0
CAUSAL = False


def _relative_position_bucket(relative_position, causal=False, num_buckets=32, max_distance=128):
    ret = jnp.zeros_like(relative_position)
    n = -relative_position
    if not causal:
        num_buckets //= 2
        ret = ret + (n < 0).astype(relative_position.dtype) * num_buckets
        n = jnp.abs(n)
    else:
        n = jnp.maximum(n, jnp.zeros_like(n))
    max_exact = num_buckets // 2
    is_small = n < max_exact
    # guard log(0); is_small branch is taken for n < max_exact anyway
    n_safe = jnp.maximum(n, 1)
    val_if_large = max_exact + (
        jnp.log(n_safe.astype(jnp.float32) / max_exact)
        / math.log(max_distance / max_exact)
        * (num_buckets - max_exact)
    ).astype(relative_position.dtype)
    val_if_large = jnp.minimum(val_if_large, jnp.full_like(val_if_large, num_buckets - 1))
    ret = ret + jnp.where(is_small, n, val_if_large)
    return ret


def setup_inputs(seed: int = 0) -> dict:
    key = jax.random.key(seed)
    table = jax.random.normal(key, (NUM_BUCKETS, HEADS), dtype=jnp.float32)
    return {"n": 2048, "table": table}


def reference(n, table):
    n_static = 2048
    n_zero = (jnp.asarray(n, dtype=jnp.int32) - jnp.asarray(n, dtype=jnp.int32))
    pos = jnp.arange(n_static, dtype=jnp.int32) + n_zero
    rel_pos = pos[None, :] - pos[:, None]  # (i, j) -> j - i
    rp_bucket = _relative_position_bucket(rel_pos, causal=CAUSAL, num_buckets=NUM_BUCKETS, max_distance=MAX_DISTANCE)
    values = jnp.take(table, rp_bucket, axis=0)  # [n, n, heads]
    bias = jnp.transpose(values, (2, 0, 1))  # [heads, n, n]
    return bias * SCALE

if __name__ == "__main__":
    import jax
    _d = setup_inputs()
    print(jax.jit(kernel)(*tuple(_d.values())))

</pallas_src>

<mosaic_0001>
#map = affine_map<(d0, d1) -> (0)>
#map1 = affine_map<(d0, d1) -> (0, 0, 0)>
module attributes {stable_mosaic.version = 14 : i64} {
  func.func @_sc_body(%arg0: i32, %arg1: i32, %arg2: memref<512xf32, #tpu.memory_space<hbm>>, %arg3: memref<4224xi32, #tpu.memory_space<hbm>>, %arg4: memref<16x2048x2048xf32, #tpu.memory_space<hbm>>, %arg5: memref<512xf32, #tpu.memory_space<vmem>>, %arg6: memref<4224xi32, #tpu.memory_space<vmem>>, %arg7: memref<8x4096xi32, #tpu.memory_space<vmem>>, %arg8: memref<2x8x4096xf32, #tpu.memory_space<vmem>>, %arg9: memref<!tpu.dma_semaphore, #tpu.memory_space<semaphore_mem>>) attributes {dimension_semantics = [#tpu.dimension_semantics<core_parallel>, #tpu.dimension_semantics<subcore_parallel>], iteration_bounds = array<i64: 2, 16>, scalar_prefetch = 0 : i64, scratch_operands = 5 : i64, tpu.core_type = #tpu.core_type<sc_vector_subcore>, window_params = [{transform_indices = #map}, {transform_indices = #map}, {transform_indices = #map1}]} {
    %mul3A = arith.constant 8 : i32
    %mul3A_0 = arith.muli %arg0, %mul3A : i32
    "tpu.region"() ({
      %run_scoped3A = tpu.sem_alloc : memref<!tpu.dma_semaphore, #tpu.memory_space<semaphore_mem>>
      tpu.enqueue_dma source(%arg2 : memref<512xf32, #tpu.memory_space<hbm>>) target(%arg5 : memref<512xf32, #tpu.memory_space<vmem>>) target_semaphore(%run_scoped3A : memref<!tpu.dma_semaphore, #tpu.memory_space<semaphore_mem>>)
      tpu.wait_dma2 semaphore(%run_scoped3A : memref<!tpu.dma_semaphore, #tpu.memory_space<semaphore_mem>>) src(%arg2 : memref<512xf32, #tpu.memory_space<hbm>>) dst(%arg5 : memref<512xf32, #tpu.memory_space<vmem>>)
      tpu.yield
    }) : () -> ()
    "tpu.region"() ({
      %run_scoped3A = tpu.sem_alloc : memref<!tpu.dma_semaphore, #tpu.memory_space<semaphore_mem>>
      tpu.enqueue_dma source(%arg3 : memref<4224xi32, #tpu.memory_space<hbm>>) target(%arg6 : memref<4224xi32, #tpu.memory_space<vmem>>) target_semaphore(%run_scoped3A : memref<!tpu.dma_semaphore, #tpu.memory_space<semaphore_mem>>)
      tpu.wait_dma2 semaphore(%run_scoped3A : memref<!tpu.dma_semaphore, #tpu.memory_space<semaphore_mem>>) src(%arg3 : memref<4224xi32, #tpu.memory_space<hbm>>) dst(%arg6 : memref<4224xi32, #tpu.memory_space<vmem>>)
      tpu.yield
    }) : () -> ()
    %iota3A = tpu.iota {dimensions = array<i32: 0>} : vector<16xi32>
    %mul3A_1 = arith.constant 8 : i32
    %mul3A_2 = arith.muli %mul3A_1, %arg1 : i32
    %sub3A = arith.constant 127 : i32
    %sub3A_3 = arith.subi %sub3A, %mul3A_2 : i32
    %scan3A = arith.constant 0 : i32
    %scan3A_4 = arith.constant 0 : i32
    %scan3A_5 = arith.constant 256 : i32
    %scan3A_6 = arith.addi %scan3A_4, %scan3A_5 : i32
    %scan3A_7 = arith.constant 1 : i32
    scf.for %scan3A_347 = %scan3A_4 to %scan3A_6 step %scan3A_7  : i32 {
      %mul3A_348 = arith.constant 16 : i32
      %mul3A_349 = arith.muli %scan3A_347, %mul3A_348 : i32
      %sub3A_350 = arith.constant 0 : i32
      %sub3A_351 = arith.subi %sub3A_3, %sub3A_350 : i32
      %add3A_352 = arith.addi %mul3A_349, %sub3A_351 : i32
      %add3A_353 = vector.broadcast %add3A_352 : i32 to vector<16xi32>
      %add3A_354 = arith.addi %iota3A, %add3A_353 : vector<16xi32>
      %gather3A_355 = tpu.vector_load_idx %arg6[%add3A_354] : memref<4224xi32, #tpu.memory_space<vmem>>[vector<16xi32>], vector<16xi32>,
      %mul3A_356 = arith.constant 16 : i32
      %mul3A_357 = vector.broadcast %mul3A_356 : i32 to vector<16xi32>
      %mul3A_358 = arith.muli %gather3A_355, %mul3A_357 : vector<16xi32>
      %multiple_of3A = tpu.assume_multiple %mul3A_349, 16 : i32
      %swap3A = arith.constant 0 : i32
      %swap3A_359 = arith.index_cast %swap3A : i32 to index
      %swap3A_360 = arith.index_cast %multiple_of3A : i32 to index
      %swap3A_361 = tpu.vector_load %arg7[%swap3A_359, %swap3A_360] {strides = array<i32>} : memref<8x4096xi32, #tpu.memory_space<vmem>>, vector<16xi32>,
      tpu.vector_store %arg7[%swap3A_359, %swap3A_360], %mul3A_358 {strides = array<i32>} : memref<8x4096xi32, #tpu.memory_space<vmem>>, vector<16xi32>,
      %sub3A_362 = arith.constant 1 : i32
      %sub3A_363 = arith.subi %sub3A_3, %sub3A_362 : i32
      %add3A_364 = arith.addi %mul3A_349, %sub3A_363 : i32
      %add3A_365 = vector.broadcast %add3A_364 : i32 to vector<16xi32>
      %add3A_366 = arith.addi %iota3A, %add3A_365 : vector<16xi32>
      %gather3A_367 = tpu.vector_load_idx %arg6[%add3A_366] : memref<4224xi32, #tpu.memory_space<vmem>>[vector<16xi32>], vector<16xi32>,
      %mul3A_368 = arith.constant 16 : i32
      %mul3A_369 = vector.broadcast %mul3A_368 : i32 to vector<16xi32>
      %mul3A_370 = arith.muli %gather3A_367, %mul3A_369 : vector<16xi32>
      %multiple_of3A_371 = tpu.assume_multiple %mul3A_349, 16 : i32
      %swap3A_372 = arith.constant 1 : i32
      %swap3A_373 = arith.index_cast %swap3A_372 : i32 to index
      %swap3A_374 = arith.index_cast %multiple_of3A_371 : i32 to index
      %swap3A_375 = tpu.vector_load %arg7[%swap3A_373, %swap3A_374] {strides = array<i32>} : memref<8x4096xi32, #tpu.memory_space<vmem>>, vector<16xi32>,
      tpu.vector_store %arg7[%swap3A_373, %swap3A_374], %mul3A_370 {strides = array<i32>} : memref<8x4096xi32, #tpu.memory_space<vmem>>, vector<16xi32>,
      %sub3A_376 = arith.constant 2 : i32
      %sub3A_377 = arith.subi %sub3A_3, %sub3A_376 : i32
      %add3A_378 = arith.addi %mul3A_349, %sub3A_377 : i32
      %add3A_379 = vector.broadcast %add3A_378 : i32 to vector<16xi32>
      %add3A_380 = arith.addi %iota3A, %add3A_379 : vector<16xi32>
      %gather3A_381 = tpu.vector_load_idx %arg6[%add3A_380] : memref<4224xi32, #tpu.memory_space<vmem>>[vector<16xi32>], vector<16xi32>,
      %mul3A_382 = arith.constant 16 : i32
      %mul3A_383 = vector.broadcast %mul3A_382 : i32 to vector<16xi32>
      %mul3A_384 = arith.muli %gather3A_381, %mul3A_383 : vector<16xi32>
      %multiple_of3A_385 = tpu.assume_multiple %mul3A_349, 16 : i32
      %swap3A_386 = arith.constant 2 : i32
      %swap3A_387 = arith.index_cast %swap3A_386 : i32 to index
      %swap3A_388 = arith.index_cast %multiple_of3A_385 : i32 to index
      %swap3A_389 = tpu.vector_load %arg7[%swap3A_387, %swap3A_388] {strides = array<i32>} : memref<8x4096xi32, #tpu.memory_space<vmem>>, vector<16xi32>,
      tpu.vector_store %arg7[%swap3A_387, %swap3A_388], %mul3A_384 {strides = array<i32>} : memref<8x4096xi32, #tpu.memory_space<vmem>>, vector<16xi32>,
      %sub3A_390 = arith.constant 3 : i32
      %sub3A_391 = arith.subi %sub3A_3, %sub3A_390 : i32
      %add3A_392 = arith.addi %mul3A_349, %sub3A_391 : i32
      %add3A_393 = vector.broadcast %add3A_392 : i32 to vector<16xi32>
      %add3A_394 = arith.addi %iota3A, %add3A_393 : vector<16xi32>
      %gather3A_395 = tpu.vector_load_idx %arg6[%add3A_394] : memref<4224xi32, #tpu.memory_space<vmem>>[vector<16xi32>], vector<16xi32>,
      %mul3A_396 = arith.constant 16 : i32
      %mul3A_397 = vector.broadcast %mul3A_396 : i32 to vector<16xi32>
      %mul3A_398 = arith.muli %gather3A_395, %mul3A_397 : vector<16xi32>
      %multiple_of3A_399 = tpu.assume_multiple %mul3A_349, 16 : i32
      %swap3A_400 = arith.constant 3 : i32
      %swap3A_401 = arith.index_cast %swap3A_400 : i32 to index
      %swap3A_402 = arith.index_cast %multiple_of3A_399 : i32 to index
      %swap3A_403 = tpu.vector_load %arg7[%swap3A_401, %swap3A_402] {strides = array<i32>} : memref<8x4096xi32, #tpu.memory_space<vmem>>, vector<16xi32>,
      tpu.vector_store %arg7[%swap3A_401, %swap3A_402], %mul3A_398 {strides = array<i32>} : memref<8x4096xi32, #tpu.memory_space<vmem>>, vector<16xi32>,
      %sub3A_404 = arith.constant 4 : i32
      %sub3A_405 = arith.subi %sub3A_3, %sub3A_404 : i32
      %add3A_406 = arith.addi %mul3A_349, %sub3A_405 : i32
      %add3A_407 = vector.broadcast %add3A_406 : i32 to vector<16xi32>
      %add3A_408 = arith.addi %iota3A, %add3A_407 : vector<16xi32>
      %gather3A_409 = tpu.vector_load_idx %arg6[%add3A_408] : memref<4224xi32, #tpu.memory_space<vmem>>[vector<16xi32>], vector<16xi32>,
      %mul3A_410 = arith.constant 16 : i32
      %mul3A_411 = vector.broadcast %mul3A_410 : i32 to vector<16xi32>
      %mul3A_412 = arith.muli %gather3A_409, %mul3A_411 : vector<16xi32>
      %multiple_of3A_413 = tpu.assume_multiple %mul3A_349, 16 : i32
      %swap3A_414 = arith.constant 4 : i32
      %swap3A_415 = arith.index_cast %swap3A_414 : i32 to index
      %swap3A_416 = arith.index_cast %multiple_of3A_413 : i32 to index
      %swap3A_417 = tpu.vector_load %arg7[%swap3A_415, %swap3A_416] {strides = array<i32>} : memref<8x4096xi32, #tpu.memory_space<vmem>>, vector<16xi32>,
      tpu.vector_store %arg7[%swap3A_415, %swap3A_416], %mul3A_412 {strides = array<i32>} : memref<8x4096xi32, #tpu.memory_space<vmem>>, vector<16xi32>,
      %sub3A_418 = arith.constant 5 : i32
      %sub3A_419 = arith.subi %sub3A_3, %sub3A_418 : i32
      %add3A_420 = arith.addi %mul3A_349, %sub3A_419 : i32
      %add3A_421 = vector.broadcast %add3A_420 : i32 to vector<16xi32>
      %add3A_422 = arith.addi %iota3A, %add3A_421 : vector<16xi32>
      %gather3A_423 = tpu.vector_load_idx %arg6[%add3A_422] : memref<4224xi32, #tpu.memory_space<vmem>>[vector<16xi32>], vector<16xi32>,
      %mul3A_424 = arith.constant 16 : i32
      %mul3A_425 = vector.broadcast %mul3A_424 : i32 to vector<16xi32>
      %mul3A_426 = arith.muli %gather3A_423, %mul3A_425 : vector<16xi32>
      %multiple_of3A_427 = tpu.assume_multiple %mul3A_349, 16 : i32
      %swap3A_428 = arith.constant 5 : i32
      %swap3A_429 = arith.index_cast %swap3A_428 : i32 to index
      %swap3A_430 = arith.index_cast %multiple_of3A_427 : i32 to index
      %swap3A_431 = tpu.vector_load %arg7[%swap3A_429, %swap3A_430] {strides = array<i32>} : memref<8x4096xi32, #tpu.memory_space<vmem>>, vector<16xi32>,
      tpu.vector_store %arg7[%swap3A_429, %swap3A_430], %mul3A_426 {strides = array<i32>} : memref<8x4096xi32, #tpu.memory_space<vmem>>, vector<16xi32>,
      %sub3A_432 = arith.constant 6 : i32
      %sub3A_433 = arith.subi %sub3A_3, %sub3A_432 : i32
      %add3A_434 = arith.addi %mul3A_349, %sub3A_433 : i32
      %add3A_435 = vector.broadcast %add3A_434 : i32 to vector<16xi32>
      %add3A_436 = arith.addi %iota3A, %add3A_435 : vector<16xi32>
      %gather3A_437 = tpu.vector_load_idx %arg6[%add3A_436] : memref<4224xi32, #tpu.memory_space<vmem>>[vector<16xi32>], vector<16xi32>,
      %mul3A_438 = arith.constant 16 : i32
      %mul3A_439 = vector.broadcast %mul3A_438 : i32 to vector<16xi32>
      %mul3A_440 = arith.muli %gather3A_437, %mul3A_439 : vector<16xi32>
      %multiple_of3A_441 = tpu.assume_multiple %mul3A_349, 16 : i32
      %swap3A_442 = arith.constant 6 : i32
      %swap3A_443 = arith.index_cast %swap3A_442 : i32 to index
      %swap3A_444 = arith.index_cast %multiple_of3A_441 : i32 to index
      %swap3A_445 = tpu.vector_load %arg7[%swap3A_443, %swap3A_444] {strides = array<i32>} : memref<8x4096xi32, #tpu.memory_space<vmem>>, vector<16xi32>,
      tpu.vector_store %arg7[%swap3A_443, %swap3A_444], %mul3A_440 {strides = array<i32>} : memref<8x4096xi32, #tpu.memory_space<vmem>>, vector<16xi32>,
      %sub3A_446 = arith.constant 7 : i32
      %sub3A_447 = arith.subi %sub3A_3, %sub3A_446 : i32
      %add3A_448 = arith.addi %mul3A_349, %sub3A_447 : i32
      %add3A_449 = vector.broadcast %add3A_448 : i32 to vector<16xi32>
      %add3A_450 = arith.addi %iota3A, %add3A_449 : vector<16xi32>
      %gather3A_451 = tpu.vector_load_idx %arg6[%add3A_450] : memref<4224xi32, #tpu.memory_space<vmem>>[vector<16xi32>], vector<16xi32>,
      %mul3A_452 = arith.constant 16 : i32
      %mul3A_453 = vector.broadcast %mul3A_452 : i32 to vector<16xi32>
      %mul3A_454 = arith.muli %gather3A_451, %mul3A_453 : vector<16xi32>
      %multiple_of3A_455 = tpu.assume_multiple %mul3A_349, 16 : i32
      %swap3A_456 = arith.constant 7 : i32
      %swap3A_457 = arith.index_cast %swap3A_456 : i32 to index
      %swap3A_458 = arith.index_cast %multiple_of3A_455 : i32 to index
      %swap3A_459 = tpu.vector_load %arg7[%swap3A_457, %swap3A_458] {strides = array<i32>} : memref<8x4096xi32, #tpu.memory_space<vmem>>, vector<16xi32>,
      tpu.vector_store %arg7[%swap3A_457, %swap3A_458], %mul3A_454 {strides = array<i32>} : memref<8x4096xi32, #tpu.memory_space<vmem>>, vector<16xi32>,
    }
    %scan3A_8 = arith.constant 256 : i32
    %broadcast_in_dim3A = vector.broadcast %mul3A_0 : i32 to vector<16xi32>
    %add3A = arith.constant 240 : i32
    %add3A_9 = vector.broadcast %add3A : i32 to vector<16xi32>
    %add3A_10 = arith.addi %broadcast_in_dim3A, %add3A_9 : vector<16xi32>
    %gather3A = tpu.vector_load_idx %arg5[%add3A_10] : memref<512xf32, #tpu.memory_space<vmem>>[vector<16xi32>], vector<16xf32>,
    %add3A_11 = arith.constant 496 : i32
    %add3A_12 = vector.broadcast %add3A_11 : i32 to vector<16xi32>
    %add3A_13 = arith.addi %broadcast_in_dim3A, %add3A_12 : vector<16xi32>
    %gather3A_14 = tpu.vector_load_idx %arg5[%add3A_13] : memref<512xf32, #tpu.memory_space<vmem>>[vector<16xi32>], vector<16xf32>,
    %sub3A_15 = arith.constant 0 : i32
    %sub3A_16 = arith.subi %sub3A_3, %sub3A_15 : i32
    %sub3A_17 = arith.constant 1941 : i32
    %sub3A_18 = arith.subi %sub3A_17, %sub3A_16 : i32
    %shift_right_arithmetic3A = arith.constant 4 : i32
    %shift_right_arithmetic3A_19 = arith.shrsi %sub3A_18, %shift_right_arithmetic3A : i32
    %add3A_20 = arith.constant 1 : i32
    %add3A_21 = arith.addi %shift_right_arithmetic3A_19, %add3A_20 : i32
    %sub3A_22 = arith.constant 2153 : i32
    %sub3A_23 = arith.subi %sub3A_22, %sub3A_16 : i32
    %shift_right_arithmetic3A_24 = arith.constant 4 : i32
    %shift_right_arithmetic3A_25 = arith.shrsi %sub3A_23, %shift_right_arithmetic3A_24 : i32
    %while3A = arith.constant 0 : i32
    %while3A_26 = arith.constant 0 : i32
    %while3A_27 = arith.subi %add3A_21, %while3A_26 : i32
    %while3A_28 = arith.addi %while3A_26, %while3A_27 : i32
    %while3A_29 = arith.constant 1 : i32
    %while3A_30 = arith.divsi %while3A_27, %while3A_29 : i32
    %while3A_31 = arith.muli %while3A_30, %while3A_29 : i32
    %while3A_32 = arith.addi %while3A_26, %while3A_31 : i32
    %while3A_33 = arith.constant 1 : i32
    scf.for %while3A_347 = %while3A_26 to %while3A_32 step %while3A_33  : i32 {
      %mul3A_348 = arith.constant 16 : i32
      %mul3A_349 = arith.muli %while3A_347, %mul3A_348 : i32
      %multiple_of3A = tpu.assume_multiple %mul3A_349, 16 : i32
      %swap3A = arith.constant 0 : i32
      %swap3A_350 = arith.constant 0 : i32
      %swap3A_351 = arith.index_cast %swap3A : i32 to index
      %swap3A_352 = arith.index_cast %swap3A_350 : i32 to index
      %swap3A_353 = arith.index_cast %multiple_of3A : i32 to index
      %swap3A_354 = tpu.vector_load %arg8[%swap3A_351, %swap3A_352, %swap3A_353] {strides = array<i32>} : memref<2x8x4096xf32, #tpu.memory_space<vmem>>, vector<16xf32>,
      tpu.vector_store %arg8[%swap3A_351, %swap3A_352, %swap3A_353], %gather3A {strides = array<i32>} : memref<2x8x4096xf32, #tpu.memory_space<vmem>>, vector<16xf32>,
    }
    %while3A_34 = arith.constant 1 : i32
    scf.for %while3A_347 = %while3A_32 to %while3A_28 step %while3A_34  : i32 {
      %mul3A_348 = arith.constant 16 : i32
      %mul3A_349 = arith.muli %while3A_347, %mul3A_348 : i32
      %multiple_of3A = tpu.assume_multiple %mul3A_349, 16 : i32
      %swap3A = arith.constant 0 : i32
      %swap3A_350 = arith.constant 0 : i32
      %swap3A_351 = arith.index_cast %swap3A : i32 to index
      %swap3A_352 = arith.index_cast %swap3A_350 : i32 to index
      %swap3A_353 = arith.index_cast %multiple_of3A : i32 to index
      %swap3A_354 = tpu.vector_load %arg8[%swap3A_351, %swap3A_352, %swap3A_353] {strides = array<i32>} : memref<2x8x4096xf32, #tpu.memory_space<vmem>>, vector<16xf32>,
      tpu.vector_store %arg8[%swap3A_351, %swap3A_352, %swap3A_353], %gather3A {strides = array<i32>} : memref<2x8x4096xf32, #tpu.memory_space<vmem>>, vector<16xf32>,
    }
    %while3A_35 = arith.constant 0 : i32
    %while3A_36 = arith.subi %shift_right_arithmetic3A_25, %add3A_21 : i32
    %while3A_37 = arith.addi %add3A_21, %while3A_36 : i32
    %while3A_38 = arith.constant 1 : i32
    %while3A_39 = arith.divsi %while3A_36, %while3A_38 : i32
    %while3A_40 = arith.muli %while3A_39, %while3A_38 : i32
    %while3A_41 = arith.addi %add3A_21, %while3A_40 : i32
    %while3A_42 = arith.constant 1 : i32
    scf.for %while3A_347 = %add3A_21 to %while3A_41 step %while3A_42  : i32 {
      %mul3A_348 = arith.constant 16 : i32
      %mul3A_349 = arith.muli %while3A_347, %mul3A_348 : i32
      %multiple_of3A = tpu.assume_multiple %mul3A_349, 16 : i32
      %get3A = arith.constant 0 : i32
      %get3A_350 = arith.index_cast %get3A : i32 to index
      %get3A_351 = arith.index_cast %multiple_of3A : i32 to index
      %get3A_352 = tpu.vector_load %arg7[%get3A_350, %get3A_351] {strides = array<i32>} : memref<8x4096xi32, #tpu.memory_space<vmem>>, vector<16xi32>,
      %add3A_353 = arith.addi %get3A_352, %broadcast_in_dim3A : vector<16xi32>
      %gather3A_354 = tpu.vector_load_idx %arg5[%add3A_353] : memref<512xf32, #tpu.memory_space<vmem>>[vector<16xi32>], vector<16xf32>,
      %swap3A = arith.constant 0 : i32
      %swap3A_355 = arith.constant 0 : i32
      %swap3A_356 = arith.index_cast %swap3A : i32 to index
      %swap3A_357 = arith.index_cast %swap3A_355 : i32 to index
      %swap3A_358 = arith.index_cast %multiple_of3A : i32 to index
      %swap3A_359 = tpu.vector_load %arg8[%swap3A_356, %swap3A_357, %swap3A_358] {strides = array<i32>} : memref<2x8x4096xf32, #tpu.memory_space<vmem>>, vector<16xf32>,
      tpu.vector_store %arg8[%swap3A_356, %swap3A_357, %swap3A_358], %gather3A_354 {strides = array<i32>} : memref<2x8x4096xf32, #tpu.memory_space<vmem>>, vector<16xf32>,
    }
    %while3A_43 = arith.constant 1 : i32
    scf.for %while3A_347 = %while3A_41 to %while3A_37 step %while3A_43  : i32 {
      %mul3A_348 = arith.constant 16 : i32
      %mul3A_349 = arith.muli %while3A_347, %mul3A_348 : i32
      %multiple_of3A = tpu.assume_multiple %mul3A_349, 16 : i32
      %get3A = arith.constant 0 : i32
      %get3A_350 = arith.index_cast %get3A : i32 to index
      %get3A_351 = arith.index_cast %multiple_of3A : i32 to index
      %get3A_352 = tpu.vector_load %arg7[%get3A_350, %get3A_351] {strides = array<i32>} : memref<8x4096xi32, #tpu.memory_space<vmem>>, vector<16xi32>,
      %add3A_353 = arith.addi %get3A_352, %broadcast_in_dim3A : vector<16xi32>
      %gather3A_354 = tpu.vector_load_idx %arg5[%add3A_353] : memref<512xf32, #tpu.memory_space<vmem>>[vector<16xi32>], vector<16xf32>,
      %swap3A = arith.constant 0 : i32
      %swap3A_355 = arith.constant 0 : i32
      %swap3A_356 = arith.index_cast %swap3A : i32 to index
      %swap3A_357 = arith.index_cast %swap3A_355 : i32 to index
      %swap3A_358 = arith.index_cast %multiple_of3A : i32 to index
      %swap3A_359 = tpu.vector_load %arg8[%swap3A_356, %swap3A_357, %swap3A_358] {strides = array<i32>} : memref<2x8x4096xf32, #tpu.memory_space<vmem>>, vector<16xf32>,
      tpu.vector_store %arg8[%swap3A_356, %swap3A_357, %swap3A_358], %gather3A_354 {strides = array<i32>} : memref<2x8x4096xf32, #tpu.memory_space<vmem>>, vector<16xf32>,
    }
    %while3A_44 = arith.constant 0 : i32
    %while3A_45 = arith.constant 256 : i32
    %while3A_46 = arith.subi %while3A_45, %shift_right_arithmetic3A_25 : i32
    %while3A_47 = arith.addi %shift_right_arithmetic3A_25, %while3A_46 : i32
    %while3A_48 = arith.constant 1 : i32
    %while3A_49 = arith.divsi %while3A_46, %while3A_48 : i32
    %while3A_50 = arith.muli %while3A_49, %while3A_48 : i32
    %while3A_51 = arith.addi %shift_right_arithmetic3A_25, %while3A_50 : i32
    %while3A_52 = arith.constant 1 : i32
    scf.for %while3A_347 = %shift_right_arithmetic3A_25 to %while3A_51 step %while3A_52  : i32 {
      %mul3A_348 = arith.constant 16 : i32
      %mul3A_349 = arith.muli %while3A_347, %mul3A_348 : i32
      %multiple_of3A = tpu.assume_multiple %mul3A_349, 16 : i32
      %swap3A = arith.constant 0 : i32
      %swap3A_350 = arith.constant 0 : i32
      %swap3A_351 = arith.index_cast %swap3A : i32 to index
      %swap3A_352 = arith.index_cast %swap3A_350 : i32 to index
      %swap3A_353 = arith.index_cast %multiple_of3A : i32 to index
      %swap3A_354 = tpu.vector_load %arg8[%swap3A_351, %swap3A_352, %swap3A_353] {strides = array<i32>} : memref<2x8x4096xf32, #tpu.memory_space<vmem>>, vector<16xf32>,
      tpu.vector_store %arg8[%swap3A_351, %swap3A_352, %swap3A_353], %gather3A_14 {strides = array<i32>} : memref<2x8x4096xf32, #tpu.memory_space<vmem>>, vector<16xf32>,
    }
    %while3A_53 = arith.constant 1 : i32
    scf.for %while3A_347 = %while3A_51 to %while3A_47 step %while3A_53  : i32 {
      %mul3A_348 = arith.constant 16 : i32
      %mul3A_349 = arith.muli %while3A_347, %mul3A_348 : i32
      %multiple_of3A = tpu.assume_multiple %mul3A_349, 16 : i32
      %swap3A = arith.constant 0 : i32
      %swap3A_350 = arith.constant 0 : i32
      %swap3A_351 = arith.index_cast %swap3A : i32 to index
      %swap3A_352 = arith.index_cast %swap3A_350 : i32 to index
      %swap3A_353 = arith.index_cast %multiple_of3A : i32 to index
      %swap3A_354 = tpu.vector_load %arg8[%swap3A_351, %swap3A_352, %swap3A_353] {strides = array<i32>} : memref<2x8x4096xf32, #tpu.memory_space<vmem>>, vector<16xf32>,
      tpu.vector_store %arg8[%swap3A_351, %swap3A_352, %swap3A_353], %gather3A_14 {strides = array<i32>} : memref<2x8x4096xf32, #tpu.memory_space<vmem>>, vector<16xf32>,
    }
    %sub3A_54 = arith.constant 1 : i32
    %sub3A_55 = arith.subi %sub3A_3, %sub3A_54 : i32
    %sub3A_56 = arith.constant 1941 : i32
    %sub3A_57 = arith.subi %sub3A_56, %sub3A_55 : i32
    %shift_right_arithmetic3A_58 = arith.constant 4 : i32
    %shift_right_arithmetic3A_59 = arith.shrsi %sub3A_57, %shift_right_arithmetic3A_58 : i32
    %add3A_60 = arith.constant 1 : i32
    %add3A_61 = arith.addi %shift_right_arithmetic3A_59, %add3A_60 : i32
    %sub3A_62 = arith.constant 2153 : i32
    %sub3A_63 = arith.subi %sub3A_62, %sub3A_55 : i32
    %shift_right_arithmetic3A_64 = arith.constant 4 : i32
    %shift_right_arithmetic3A_65 = arith.shrsi %sub3A_63, %shift_right_arithmetic3A_64 : i32
    %while3A_66 = arith.constant 0 : i32
    %while3A_67 = arith.constant 0 : i32
    %while3A_68 = arith.subi %add3A_61, %while3A_67 : i32
    %while3A_69 = arith.addi %while3A_67, %while3A_68 : i32
    %while3A_70 = arith.constant 1 : i32
    %while3A_71 = arith.divsi %while3A_68, %while3A_70 : i32
    %while3A_72 = arith.muli %while3A_71, %while3A_70 : i32
    %while3A_73 = arith.addi %while3A_67, %while3A_72 : i32
    %while3A_74 = arith.constant 1 : i32
    scf.for %while3A_347 = %while3A_67 to %while3A_73 step %while3A_74  : i32 {
      %mul3A_348 = arith.constant 16 : i32
      %mul3A_349 = arith.muli %while3A_347, %mul3A_348 : i32
      %multiple_of3A = tpu.assume_multiple %mul3A_349, 16 : i32
      %swap3A = arith.constant 0 : i32
      %swap3A_350 = arith.constant 1 : i32
      %swap3A_351 = arith.index_cast %swap3A : i32 to index
      %swap3A_352 = arith.index_cast %swap3A_350 : i32 to index
      %swap3A_353 = arith.index_cast %multiple_of3A : i32 to index
      %swap3A_354 = tpu.vector_load %arg8[%swap3A_351, %swap3A_352, %swap3A_353] {strides = array<i32>} : memref<2x8x4096xf32, #tpu.memory_space<vmem>>, vector<16xf32>,
      tpu.vector_store %arg8[%swap3A_351, %swap3A_352, %swap3A_353], %gather3A {strides = array<i32>} : memref<2x8x4096xf32, #tpu.memory_space<vmem>>, vector<16xf32>,
    }
    %while3A_75 = arith.constant 1 : i32
    scf.for %while3A_347 = %while3A_73 to %while3A_69 step %while3A_75  : i32 {
      %mul3A_348 = arith.constant 16 : i32
      %mul3A_349 = arith.muli %while3A_347, %mul3A_348 : i32
      %multiple_of3A = tpu.assume_multiple %mul3A_349, 16 : i32
      %swap3A = arith.constant 0 : i32
      %swap3A_350 = arith.constant 1 : i32
      %swap3A_351 = arith.index_cast %swap3A : i32 to index
      %swap3A_352 = arith.index_cast %swap3A_350 : i32 to index
      %swap3A_353 = arith.index_cast %multiple_of3A : i32 to index
      %swap3A_354 = tpu.vector_load %arg8[%swap3A_351, %swap3A_352, %swap3A_353] {strides = array<i32>} : memref<2x8x4096xf32, #tpu.memory_space<vmem>>, vector<16xf32>,
      tpu.vector_store %arg8[%swap3A_351, %swap3A_352, %swap3A_353], %gather3A {strides = array<i32>} : memref<2x8x4096xf32, #tpu.memory_space<vmem>>, vector<16xf32>,
    }
    %while3A_76 = arith.constant 0 : i32
    %while3A_77 = arith.subi %shift_right_arithmetic3A_65, %add3A_61 : i32
    %while3A_78 = arith.addi %add3A_61, %while3A_77 : i32
    %while3A_79 = arith.constant 1 : i32
    %while3A_80 = arith.divsi %while3A_77, %while3A_79 : i32
    %while3A_81 = arith.muli %while3A_80, %while3A_79 : i32
    %while3A_82 = arith.addi %add3A_61, %while3A_81 : i32
    %while3A_83 = arith.constant 1 : i32
    scf.for %while3A_347 = %add3A_61 to %while3A_82 step %while3A_83  : i32 {
      %mul3A_348 = arith.constant 16 : i32
      %mul3A_349 = arith.muli %while3A_347, %mul3A_348 : i32
      %multiple_of3A = tpu.assume_multiple %mul3A_349, 16 : i32
      %get3A = arith.constant 1 : i32
      %get3A_350 = arith.index_cast %get3A : i32 to index
      %get3A_351 = arith.index_cast %multiple_of3A : i32 to index
      %get3A_352 = tpu.vector_load %arg7[%get3A_350, %get3A_351] {strides = array<i32>} : memref<8x4096xi32, #tpu.memory_space<vmem>>, vector<16xi32>,
      %add3A_353 = arith.addi %get3A_352, %broadcast_in_dim3A : vector<16xi32>
      %gather3A_354 = tpu.vector_load_idx %arg5[%add3A_353] : memref<512xf32, #tpu.memory_space<vmem>>[vector<16xi32>], vector<16xf32>,
      %swap3A = arith.constant 0 : i32
      %swap3A_355 = arith.constant 1 : i32
      %swap3A_356 = arith.index_cast %swap3A : i32 to index
      %swap3A_357 = arith.index_cast %swap3A_355 : i32 to index
      %swap3A_358 = arith.index_cast %multiple_of3A : i32 to index
      %swap3A_359 = tpu.vector_load %arg8[%swap3A_356, %swap3A_357, %swap3A_358] {strides = array<i32>} : memref<2x8x4096xf32, #tpu.memory_space<vmem>>, vector<16xf32>,
      tpu.vector_store %arg8[%swap3A_356, %swap3A_357, %swap3A_358], %gather3A_354 {strides = array<i32>} : memref<2x8x4096xf32, #tpu.memory_space<vmem>>, vector<16xf32>,
    }
    %while3A_84 = arith.constant 1 : i32
    scf.for %while3A_347 = %while3A_82 to %while3A_78 step %while3A_84  : i32 {
      %mul3A_348 = arith.constant 16 : i32
      %mul3A_349 = arith.muli %while3A_347, %mul3A_348 : i32
      %multiple_of3A = tpu.assume_multiple %mul3A_349, 16 : i32
      %get3A = arith.constant 1 : i32
      %get3A_350 = arith.index_cast %get3A : i32 to index
      %get3A_351 = arith.index_cast %multiple_of3A : i32 to index
      %get3A_352 = tpu.vector_load %arg7[%get3A_350, %get3A_351] {strides = array<i32>} : memref<8x4096xi32, #tpu.memory_space<vmem>>, vector<16xi32>,
      %add3A_353 = arith.addi %get3A_352, %broadcast_in_dim3A : vector<16xi32>
      %gather3A_354 = tpu.vector_load_idx %arg5[%add3A_353] : memref<512xf32, #tpu.memory_space<vmem>>[vector<16xi32>], vector<16xf32>,
      %swap3A = arith.constant 0 : i32
      %swap3A_355 = arith.constant 1 : i32
      %swap3A_356 = arith.index_cast %swap3A : i32 to index
      %swap3A_357 = arith.index_cast %swap3A_355 : i32 to index
      %swap3A_358 = arith.index_cast %multiple_of3A : i32 to index
      %swap3A_359 = tpu.vector_load %arg8[%swap3A_356, %swap3A_357, %swap3A_358] {strides = array<i32>} : memref<2x8x4096xf32, #tpu.memory_space<vmem>>, vector<16xf32>,
      tpu.vector_store %arg8[%swap3A_356, %swap3A_357, %swap3A_358], %gather3A_354 {strides = array<i32>} : memref<2x8x4096xf32, #tpu.memory_space<vmem>>, vector<16xf32>,
    }
    %while3A_85 = arith.constant 0 : i32
    %while3A_86 = arith.constant 256 : i32
    %while3A_87 = arith.subi %while3A_86, %shift_right_arithmetic3A_65 : i32
    %while3A_88 = arith.addi %shift_right_arithmetic3A_65, %while3A_87 : i32
    %while3A_89 = arith.constant 1 : i32
    %while3A_90 = arith.divsi %while3A_87, %while3A_89 : i32
    %while3A_91 = arith.muli %while3A_90, %while3A_89 : i32
    %while3A_92 = arith.addi %shift_right_arithmetic3A_65, %while3A_91 : i32
    %while3A_93 = arith.constant 1 : i32
    scf.for %while3A_347 = %shift_right_arithmetic3A_65 to %while3A_92 step %while3A_93  : i32 {
      %mul3A_348 = arith.constant 16 : i32
      %mul3A_349 = arith.muli %while3A_347, %mul3A_348 : i32
      %multiple_of3A = tpu.assume_multiple %mul3A_349, 16 : i32
      %swap3A = arith.constant 0 : i32
      %swap3A_350 = arith.constant 1 : i32
      %swap3A_351 = arith.index_cast %swap3A : i32 to index
      %swap3A_352 = arith.index_cast %swap3A_350 : i32 to index
      %swap3A_353 = arith.index_cast %multiple_of3A : i32 to index
      %swap3A_354 = tpu.vector_load %arg8[%swap3A_351, %swap3A_352, %swap3A_353] {strides = array<i32>} : memref<2x8x4096xf32, #tpu.memory_space<vmem>>, vector<16xf32>,
      tpu.vector_store %arg8[%swap3A_351, %swap3A_352, %swap3A_353], %gather3A_14 {strides = array<i32>} : memref<2x8x4096xf32, #tpu.memory_space<vmem>>, vector<16xf32>,
    }
    %while3A_94 = arith.constant 1 : i32
    scf.for %while3A_347 = %while3A_92 to %while3A_88 step %while3A_94  : i32 {
      %mul3A_348 = arith.constant 16 : i32
      %mul3A_349 = arith.muli %while3A_347, %mul3A_348 : i32
      %multiple_of3A = tpu.assume_multiple %mul3A_349, 16 : i32
      %swap3A = arith.constant 0 : i32
      %swap3A_350 = arith.constant 1 : i32
      %swap3A_351 = arith.index_cast %swap3A : i32 to index
      %swap3A_352 = arith.index_cast %swap3A_350 : i32 to index
      %swap3A_353 = arith.index_cast %multiple_of3A : i32 to index
      %swap3A_354 = tpu.vector_load %arg8[%swap3A_351, %swap3A_352, %swap3A_353] {strides = array<i32>} : memref<2x8x4096xf32, #tpu.memory_space<vmem>>, vector<16xf32>,
      tpu.vector_store %arg8[%swap3A_351, %swap3A_352, %swap3A_353], %gather3A_14 {strides = array<i32>} : memref<2x8x4096xf32, #tpu.memory_space<vmem>>, vector<16xf32>,
    }
    %sub3A_95 = arith.constant 2 : i32
    %sub3A_96 = arith.subi %sub3A_3, %sub3A_95 : i32
    %sub3A_97 = arith.constant 1941 : i32
    %sub3A_98 = arith.subi %sub3A_97, %sub3A_96 : i32
    %shift_right_arithmetic3A_99 = arith.constant 4 : i32
    %shift_right_arithmetic3A_100 = arith.shrsi %sub3A_98, %shift_right_arithmetic3A_99 : i32
    %add3A_101 = arith.constant 1 : i32
    %add3A_102 = arith.addi %shift_right_arithmetic3A_100, %add3A_101 : i32
    %sub3A_103 = arith.constant 2153 : i32
    %sub3A_104 = arith.subi %sub3A_103, %sub3A_96 : i32
    %shift_right_arithmetic3A_105 = arith.constant 4 : i32
    %shift_right_arithmetic3A_106 = arith.shrsi %sub3A_104, %shift_right_arithmetic3A_105 : i32
    %while3A_107 = arith.constant 0 : i32
    %while3A_108 = arith.constant 0 : i32
    %while3A_109 = arith.subi %add3A_102, %while3A_108 : i32
    %while3A_110 = arith.addi %while3A_108, %while3A_109 : i32
    %while3A_111 = arith.constant 1 : i32
    %while3A_112 = arith.divsi %while3A_109, %while3A_111 : i32
    %while3A_113 = arith.muli %while3A_112, %while3A_111 : i32
    %while3A_114 = arith.addi %while3A_108, %while3A_113 : i32
    %while3A_115 = arith.constant 1 : i32
    scf.for %while3A_347 = %while3A_108 to %while3A_114 step %while3A_115  : i32 {
      %mul3A_348 = arith.constant 16 : i32
      %mul3A_349 = arith.muli %while3A_347, %mul3A_348 : i32
      %multiple_of3A = tpu.assume_multiple %mul3A_349, 16 : i32
      %swap3A = arith.constant 0 : i32
      %swap3A_350 = arith.constant 2 : i32
      %swap3A_351 = arith.index_cast %swap3A : i32 to index
      %swap3A_352 = arith.index_cast %swap3A_350 : i32 to index
      %swap3A_353 = arith.index_cast %multiple_of3A : i32 to index
      %swap3A_354 = tpu.vector_load %arg8[%swap3A_351, %swap3A_352, %swap3A_353] {strides = array<i32>} : memref<2x8x4096xf32, #tpu.memory_space<vmem>>, vector<16xf32>,
      tpu.vector_store %arg8[%swap3A_351, %swap3A_352, %swap3A_353], %gather3A {strides = array<i32>} : memref<2x8x4096xf32, #tpu.memory_space<vmem>>, vector<16xf32>,
    }
    %while3A_116 = arith.constant 1 : i32
    scf.for %while3A_347 = %while3A_114 to %while3A_110 step %while3A_116  : i32 {
      %mul3A_348 = arith.constant 16 : i32
      %mul3A_349 = arith.muli %while3A_347, %mul3A_348 : i32
      %multiple_of3A = tpu.assume_multiple %mul3A_349, 16 : i32
      %swap3A = arith.constant 0 : i32
      %swap3A_350 = arith.constant 2 : i32
      %swap3A_351 = arith.index_cast %swap3A : i32 to index
      %swap3A_352 = arith.index_cast %swap3A_350 : i32 to index
      %swap3A_353 = arith.index_cast %multiple_of3A : i32 to index
      %swap3A_354 = tpu.vector_load %arg8[%swap3A_351, %swap3A_352, %swap3A_353] {strides = array<i32>} : memref<2x8x4096xf32, #tpu.memory_space<vmem>>, vector<16xf32>,
      tpu.vector_store %arg8[%swap3A_351, %swap3A_352, %swap3A_353], %gather3A {strides = array<i32>} : memref<2x8x4096xf32, #tpu.memory_space<vmem>>, vector<16xf32>,
    }
    %while3A_117 = arith.constant 0 : i32
    %while3A_118 = arith.subi %shift_right_arithmetic3A_106, %add3A_102 : i32
    %while3A_119 = arith.addi %add3A_102, %while3A_118 : i32
    %while3A_120 = arith.constant 1 : i32
    %while3A_121 = arith.divsi %while3A_118, %while3A_120 : i32
    %while3A_122 = arith.muli %while3A_121, %while3A_120 : i32
    %while3A_123 = arith.addi %add3A_102, %while3A_122 : i32
    %while3A_124 = arith.constant 1 : i32
    scf.for %while3A_347 = %add3A_102 to %while3A_123 step %while3A_124  : i32 {
      %mul3A_348 = arith.constant 16 : i32
      %mul3A_349 = arith.muli %while3A_347, %mul3A_348 : i32
      %multiple_of3A = tpu.assume_multiple %mul3A_349, 16 : i32
      %get3A = arith.constant 2 : i32
      %get3A_350 = arith.index_cast %get3A : i32 to index
      %get3A_351 = arith.index_cast %multiple_of3A : i32 to index
      %get3A_352 = tpu.vector_load %arg7[%get3A_350, %get3A_351] {strides = array<i32>} : memref<8x4096xi32, #tpu.memory_space<vmem>>, vector<16xi32>,
      %add3A_353 = arith.addi %get3A_352, %broadcast_in_dim3A : vector<16xi32>
      %gather3A_354 = tpu.vector_load_idx %arg5[%add3A_353] : memref<512xf32, #tpu.memory_space<vmem>>[vector<16xi32>], vector<16xf32>,
      %swap3A = arith.constant 0 : i32
      %swap3A_355 = arith.constant 2 : i32
      %swap3A_356 = arith.index_cast %swap3A : i32 to index
      %swap3A_357 = arith.index_cast %swap3A_355 : i32 to index
      %swap3A_358 = arith.index_cast %multiple_of3A : i32 to index
      %swap3A_359 = tpu.vector_load %arg8[%swap3A_356, %swap3A_357, %swap3A_358] {strides = array<i32>} : memref<2x8x4096xf32, #tpu.memory_space<vmem>>, vector<16xf32>,
      tpu.vector_store %arg8[%swap3A_356, %swap3A_357, %swap3A_358], %gather3A_354 {strides = array<i32>} : memref<2x8x4096xf32, #tpu.memory_space<vmem>>, vector<16xf32>,
    }
    %while3A_125 = arith.constant 1 : i32
    scf.for %while3A_347 = %while3A_123 to %while3A_119 step %while3A_125  : i32 {
      %mul3A_348 = arith.constant 16 : i32
      %mul3A_349 = arith.muli %while3A_347, %mul3A_348 : i32
      %multiple_of3A = tpu.assume_multiple %mul3A_349, 16 : i32
      %get3A = arith.constant 2 : i32
      %get3A_350 = arith.index_cast %get3A : i32 to index
      %get3A_351 = arith.index_cast %multiple_of3A : i32 to index
      %get3A_352 = tpu.vector_load %arg7[%get3A_350, %get3A_351] {strides = array<i32>} : memref<8x4096xi32, #tpu.memory_space<vmem>>, vector<16xi32>,
      %add3A_353 = arith.addi %get3A_352, %broadcast_in_dim3A : vector<16xi32>
      %gather3A_354 = tpu.vector_load_idx %arg5[%add3A_353] : memref<512xf32, #tpu.memory_space<vmem>>[vector<16xi32>], vector<16xf32>,
      %swap3A = arith.constant 0 : i32
      %swap3A_355 = arith.constant 2 : i32
      %swap3A_356 = arith.index_cast %swap3A : i32 to index
      %swap3A_357 = arith.index_cast %swap3A_355 : i32 to index
      %swap3A_358 = arith.index_cast %multiple_of3A : i32 to index
      %swap3A_359 = tpu.vector_load %arg8[%swap3A_356, %swap3A_357, %swap3A_358] {strides = array<i32>} : memref<2x8x4096xf32, #tpu.memory_space<vmem>>, vector<16xf32>,
      tpu.vector_store %arg8[%swap3A_356, %swap3A_357, %swap3A_358], %gather3A_354 {strides = array<i32>} : memref<2x8x4096xf32, #tpu.memory_space<vmem>>, vector<16xf32>,
    }
    %while3A_126 = arith.constant 0 : i32
    %while3A_127 = arith.constant 256 : i32
    %while3A_128 = arith.subi %while3A_127, %shift_right_arithmetic3A_106 : i32
    %while3A_129 = arith.addi %shift_right_arithmetic3A_106, %while3A_128 : i32
    %while3A_130 = arith.constant 1 : i32
    %while3A_131 = arith.divsi %while3A_128, %while3A_130 : i32
    %while3A_132 = arith.muli %while3A_131, %while3A_130 : i32
    %while3A_133 = arith.addi %shift_right_arithmetic3A_106, %while3A_132 : i32
    %while3A_134 = arith.constant 1 : i32
    scf.for %while3A_347 = %shift_right_arithmetic3A_106 to %while3A_133 step %while3A_134  : i32 {
      %mul3A_348 = arith.constant 16 : i32
      %mul3A_349 = arith.muli %while3A_347, %mul3A_348 : i32
      %multiple_of3A = tpu.assume_multiple %mul3A_349, 16 : i32
      %swap3A = arith.constant 0 : i32
      %swap3A_350 = arith.constant 2 : i32
      %swap3A_351 = arith.index_cast %swap3A : i32 to index
      %swap3A_352 = arith.index_cast %swap3A_350 : i32 to index
      %swap3A_353 = arith.index_cast %multiple_of3A : i32 to index
      %swap3A_354 = tpu.vector_load %arg8[%swap3A_351, %swap3A_352, %swap3A_353] {strides = array<i32>} : memref<2x8x4096xf32, #tpu.memory_space<vmem>>, vector<16xf32>,
      tpu.vector_store %arg8[%swap3A_351, %swap3A_352, %swap3A_353], %gather3A_14 {strides = array<i32>} : memref<2x8x4096xf32, #tpu.memory_space<vmem>>, vector<16xf32>,
    }
    %while3A_135 = arith.constant 1 : i32
    scf.for %while3A_347 = %while3A_133 to %while3A_129 step %while3A_135  : i32 {
      %mul3A_348 = arith.constant 16 : i32
      %mul3A_349 = arith.muli %while3A_347, %mul3A_348 : i32
      %multiple_of3A = tpu.assume_multiple %mul3A_349, 16 : i32
      %swap3A = arith.constant 0 : i32
      %swap3A_350 = arith.constant 2 : i32
      %swap3A_351 = arith.index_cast %swap3A : i32 to index
      %swap3A_352 = arith.index_cast %swap3A_350 : i32 to index
      %swap3A_353 = arith.index_cast %multiple_of3A : i32 to index
      %swap3A_354 = tpu.vector_load %arg8[%swap3A_351, %swap3A_352, %swap3A_353] {strides = array<i32>} : memref<2x8x4096xf32, #tpu.memory_space<vmem>>, vector<16xf32>,
      tpu.vector_store %arg8[%swap3A_351, %swap3A_352, %swap3A_353], %gather3A_14 {strides = array<i32>} : memref<2x8x4096xf32, #tpu.memory_space<vmem>>, vector<16xf32>,
    }
    %sub3A_136 = arith.constant 3 : i32
    %sub3A_137 = arith.subi %sub3A_3, %sub3A_136 : i32
    %sub3A_138 = arith.constant 1941 : i32
    %sub3A_139 = arith.subi %sub3A_138, %sub3A_137 : i32
    %shift_right_arithmetic3A_140 = arith.constant 4 : i32
    %shift_right_arithmetic3A_141 = arith.shrsi %sub3A_139, %shift_right_arithmetic3A_140 : i32
    %add3A_142 = arith.constant 1 : i32
    %add3A_143 = arith.addi %shift_right_arithmetic3A_141, %add3A_142 : i32
    %sub3A_144 = arith.constant 2153 : i32
    %sub3A_145 = arith.subi %sub3A_144, %sub3A_137 : i32
    %shift_right_arithmetic3A_146 = arith.constant 4 : i32
    %shift_right_arithmetic3A_147 = arith.shrsi %sub3A_145, %shift_right_arithmetic3A_146 : i32
    %while3A_148 = arith.constant 0 : i32
    %while3A_149 = arith.constant 0 : i32
    %while3A_150 = arith.subi %add3A_143, %while3A_149 : i32
    %while3A_151 = arith.addi %while3A_149, %while3A_150 : i32
    %while3A_152 = arith.constant 1 : i32
    %while3A_153 = arith.divsi %while3A_150, %while3A_152 : i32
    %while3A_154 = arith.muli %while3A_153, %while3A_152 : i32
    %while3A_155 = arith.addi %while3A_149, %while3A_154 : i32
    %while3A_156 = arith.constant 1 : i32
    scf.for %while3A_347 = %while3A_149 to %while3A_155 step %while3A_156  : i32 {
      %mul3A_348 = arith.constant 16 : i32
      %mul3A_349 = arith.muli %while3A_347, %mul3A_348 : i32
      %multiple_of3A = tpu.assume_multiple %mul3A_349, 16 : i32
      %swap3A = arith.constant 0 : i32
      %swap3A_350 = arith.constant 3 : i32
      %swap3A_351 = arith.index_cast %swap3A : i32 to index
      %swap3A_352 = arith.index_cast %swap3A_350 : i32 to index
      %swap3A_353 = arith.index_cast %multiple_of3A : i32 to index
      %swap3A_354 = tpu.vector_load %arg8[%swap3A_351, %swap3A_352, %swap3A_353] {strides = array<i32>} : memref<2x8x4096xf32, #tpu.memory_space<vmem>>, vector<16xf32>,
      tpu.vector_store %arg8[%swap3A_351, %swap3A_352, %swap3A_353], %gather3A {strides = array<i32>} : memref<2x8x4096xf32, #tpu.memory_space<vmem>>, vector<16xf32>,
    }
    %while3A_157 = arith.constant 1 : i32
    scf.for %while3A_347 = %while3A_155 to %while3A_151 step %while3A_157  : i32 {
      %mul3A_348 = arith.constant 16 : i32
      %mul3A_349 = arith.muli %while3A_347, %mul3A_348 : i32
      %multiple_of3A = tpu.assume_multiple %mul3A_349, 16 : i32
      %swap3A = arith.constant 0 : i32
      %swap3A_350 = arith.constant 3 : i32
      %swap3A_351 = arith.index_cast %swap3A : i32 to index
      %swap3A_352 = arith.index_cast %swap3A_350 : i32 to index
      %swap3A_353 = arith.index_cast %multiple_of3A : i32 to index
      %swap3A_354 = tpu.vector_load %arg8[%swap3A_351, %swap3A_352, %swap3A_353] {strides = array<i32>} : memref<2x8x4096xf32, #tpu.memory_space<vmem>>, vector<16xf32>,
      tpu.vector_store %arg8[%swap3A_351, %swap3A_352, %swap3A_353], %gather3A {strides = array<i32>} : memref<2x8x4096xf32, #tpu.memory_space<vmem>>, vector<16xf32>,
    }
    %while3A_158 = arith.constant 0 : i32
    %while3A_159 = arith.subi %shift_right_arithmetic3A_147, %add3A_143 : i32
    %while3A_160 = arith.addi %add3A_143, %while3A_159 : i32
    %while3A_161 = arith.constant 1 : i32
    %while3A_162 = arith.divsi %while3A_159, %while3A_161 : i32
    %while3A_163 = arith.muli %while3A_162, %while3A_161 : i32
    %while3A_164 = arith.addi %add3A_143, %while3A_163 : i32
    %while3A_165 = arith.constant 1 : i32
    scf.for %while3A_347 = %add3A_143 to %while3A_164 step %while3A_165  : i32 {
      %mul3A_348 = arith.constant 16 : i32
      %mul3A_349 = arith.muli %while3A_347, %mul3A_348 : i32
      %multiple_of3A = tpu.assume_multiple %mul3A_349, 16 : i32
      %get3A = arith.constant 3 : i32
      %get3A_350 = arith.index_cast %get3A : i32 to index
      %get3A_351 = arith.index_cast %multiple_of3A : i32 to index
      %get3A_352 = tpu.vector_load %arg7[%get3A_350, %get3A_351] {strides = array<i32>} : memref<8x4096xi32, #tpu.memory_space<vmem>>, vector<16xi32>,
      %add3A_353 = arith.addi %get3A_352, %broadcast_in_dim3A : vector<16xi32>
      %gather3A_354 = tpu.vector_load_idx %arg5[%add3A_353] : memref<512xf32, #tpu.memory_space<vmem>>[vector<16xi32>], vector<16xf32>,
      %swap3A = arith.constant 0 : i32
      %swap3A_355 = arith.constant 3 : i32
      %swap3A_356 = arith.index_cast %swap3A : i32 to index
      %swap3A_357 = arith.index_cast %swap3A_355 : i32 to index
      %swap3A_358 = arith.index_cast %multiple_of3A : i32 to index
      %swap3A_359 = tpu.vector_load %arg8[%swap3A_356, %swap3A_357, %swap3A_358] {strides = array<i32>} : memref<2x8x4096xf32, #tpu.memory_space<vmem>>, vector<16xf32>,
      tpu.vector_store %arg8[%swap3A_356, %swap3A_357, %swap3A_358], %gather3A_354 {strides = array<i32>} : memref<2x8x4096xf32, #tpu.memory_space<vmem>>, vector<16xf32>,
    }
    %while3A_166 = arith.constant 1 : i32
    scf.for %while3A_347 = %while3A_164 to %while3A_160 step %while3A_166  : i32 {
      %mul3A_348 = arith.constant 16 : i32
      %mul3A_349 = arith.muli %while3A_347, %mul3A_348 : i32
      %multiple_of3A = tpu.assume_multiple %mul3A_349, 16 : i32
      %get3A = arith.constant 3 : i32
      %get3A_350 = arith.index_cast %get3A : i32 to index
      %get3A_351 = arith.index_cast %multiple_of3A : i32 to index
      %get3A_352 = tpu.vector_load %arg7[%get3A_350, %get3A_351] {strides = array<i32>} : memref<8x4096xi32, #tpu.memory_space<vmem>>, vector<16xi32>,
      %add3A_353 = arith.addi %get3A_352, %broadcast_in_dim3A : vector<16xi32>
      %gather3A_354 = tpu.vector_load_idx %arg5[%add3A_353] : memref<512xf32, #tpu.memory_space<vmem>>[vector<16xi32>], vector<16xf32>,
      %swap3A = arith.constant 0 : i32
      %swap3A_355 = arith.constant 3 : i32
      %swap3A_356 = arith.index_cast %swap3A : i32 to index
      %swap3A_357 = arith.index_cast %swap3A_355 : i32 to index
      %swap3A_358 = arith.index_cast %multiple_of3A : i32 to index
      %swap3A_359 = tpu.vector_load %arg8[%swap3A_356, %swap3A_357, %swap3A_358] {strides = array<i32>} : memref<2x8x4096xf32, #tpu.memory_space<vmem>>, vector<16xf32>,
      tpu.vector_store %arg8[%swap3A_356, %swap3A_357, %swap3A_358], %gather3A_354 {strides = array<i32>} : memref<2x8x4096xf32, #tpu.memory_space<vmem>>, vector<16xf32>,
    }
    %while3A_167 = arith.constant 0 : i32
    %while3A_168 = arith.constant 256 : i32
    %while3A_169 = arith.subi %while3A_168, %shift_right_arithmetic3A_147 : i32
    %while3A_170 = arith.addi %shift_right_arithmetic3A_147, %while3A_169 : i32
    %while3A_171 = arith.constant 1 : i32
    %while3A_172 = arith.divsi %while3A_169, %while3A_171 : i32
    %while3A_173 = arith.muli %while3A_172, %while3A_171 : i32
    %while3A_174 = arith.addi %shift_right_arithmetic3A_147, %while3A_173 : i32
    %while3A_175 = arith.constant 1 : i32
    scf.for %while3A_347 = %shift_right_arithmetic3A_147 to %while3A_174 step %while3A_175  : i32 {
      %mul3A_348 = arith.constant 16 : i32
      %mul3A_349 = arith.muli %while3A_347, %mul3A_348 : i32
      %multiple_of3A = tpu.assume_multiple %mul3A_349, 16 : i32
      %swap3A = arith.constant 0 : i32
      %swap3A_350 = arith.constant 3 : i32
      %swap3A_351 = arith.index_cast %swap3A : i32 to index
      %swap3A_352 = arith.index_cast %swap3A_350 : i32 to index
      %swap3A_353 = arith.index_cast %multiple_of3A : i32 to index
      %swap3A_354 = tpu.vector_load %arg8[%swap3A_351, %swap3A_352, %swap3A_353] {strides = array<i32>} : memref<2x8x4096xf32, #tpu.memory_space<vmem>>, vector<16xf32>,
      tpu.vector_store %arg8[%swap3A_351, %swap3A_352, %swap3A_353], %gather3A_14 {strides = array<i32>} : memref<2x8x4096xf32, #tpu.memory_space<vmem>>, vector<16xf32>,
    }
    %while3A_176 = arith.constant 1 : i32
    scf.for %while3A_347 = %while3A_174 to %while3A_170 step %while3A_176  : i32 {
      %mul3A_348 = arith.constant 16 : i32
      %mul3A_349 = arith.muli %while3A_347, %mul3A_348 : i32
      %multiple_of3A = tpu.assume_multiple %mul3A_349, 16 : i32
      %swap3A = arith.constant 0 : i32
      %swap3A_350 = arith.constant 3 : i32
      %swap3A_351 = arith.index_cast %swap3A : i32 to index
      %swap3A_352 = arith.index_cast %swap3A_350 : i32 to index
      %swap3A_353 = arith.index_cast %multiple_of3A : i32 to index
      %swap3A_354 = tpu.vector_load %arg8[%swap3A_351, %swap3A_352, %swap3A_353] {strides = array<i32>} : memref<2x8x4096xf32, #tpu.memory_space<vmem>>, vector<16xf32>,
      tpu.vector_store %arg8[%swap3A_351, %swap3A_352, %swap3A_353], %gather3A_14 {strides = array<i32>} : memref<2x8x4096xf32, #tpu.memory_space<vmem>>, vector<16xf32>,
    }
    %sub3A_177 = arith.constant 4 : i32
    %sub3A_178 = arith.subi %sub3A_3, %sub3A_177 : i32
    %sub3A_179 = arith.constant 1941 : i32
    %sub3A_180 = arith.subi %sub3A_179, %sub3A_178 : i32
    %shift_right_arithmetic3A_181 = arith.constant 4 : i32
    %shift_right_arithmetic3A_182 = arith.shrsi %sub3A_180, %shift_right_arithmetic3A_181 : i32
    %add3A_183 = arith.constant 1 : i32
    %add3A_184 = arith.addi %shift_right_arithmetic3A_182, %add3A_183 : i32
    %sub3A_185 = arith.constant 2153 : i32
    %sub3A_186 = arith.subi %sub3A_185, %sub3A_178 : i32
    %shift_right_arithmetic3A_187 = arith.constant 4 : i32
    %shift_right_arithmetic3A_188 = arith.shrsi %sub3A_186, %shift_right_arithmetic3A_187 : i32
    %while3A_189 = arith.constant 0 : i32
    %while3A_190 = arith.constant 0 : i32
    %while3A_191 = arith.subi %add3A_184, %while3A_190 : i32
    %while3A_192 = arith.addi %while3A_190, %while3A_191 : i32
    %while3A_193 = arith.constant 1 : i32
    %while3A_194 = arith.divsi %while3A_191, %while3A_193 : i32
    %while3A_195 = arith.muli %while3A_194, %while3A_193 : i32
    %while3A_196 = arith.addi %while3A_190, %while3A_195 : i32
    %while3A_197 = arith.constant 1 : i32
    scf.for %while3A_347 = %while3A_190 to %while3A_196 step %while3A_197  : i32 {
      %mul3A_348 = arith.constant 16 : i32
      %mul3A_349 = arith.muli %while3A_347, %mul3A_348 : i32
      %multiple_of3A = tpu.assume_multiple %mul3A_349, 16 : i32
      %swap3A = arith.constant 0 : i32
      %swap3A_350 = arith.constant 4 : i32
      %swap3A_351 = arith.index_cast %swap3A : i32 to index
      %swap3A_352 = arith.index_cast %swap3A_350 : i32 to index
      %swap3A_353 = arith.index_cast %multiple_of3A : i32 to index
      %swap3A_354 = tpu.vector_load %arg8[%swap3A_351, %swap3A_352, %swap3A_353] {strides = array<i32>} : memref<2x8x4096xf32, #tpu.memory_space<vmem>>, vector<16xf32>,
      tpu.vector_store %arg8[%swap3A_351, %swap3A_352, %swap3A_353], %gather3A {strides = array<i32>} : memref<2x8x4096xf32, #tpu.memory_space<vmem>>, vector<16xf32>,
    }
    %while3A_198 = arith.constant 1 : i32
    scf.for %while3A_347 = %while3A_196 to %while3A_192 step %while3A_198  : i32 {
      %mul3A_348 = arith.constant 16 : i32
      %mul3A_349 = arith.muli %while3A_347, %mul3A_348 : i32
      %multiple_of3A = tpu.assume_multiple %mul3A_349, 16 : i32
      %swap3A = arith.constant 0 : i32
      %swap3A_350 = arith.constant 4 : i32
      %swap3A_351 = arith.index_cast %swap3A : i32 to index
      %swap3A_352 = arith.index_cast %swap3A_350 : i32 to index
      %swap3A_353 = arith.index_cast %multiple_of3A : i32 to index
      %swap3A_354 = tpu.vector_load %arg8[%swap3A_351, %swap3A_352, %swap3A_353] {strides = array<i32>} : memref<2x8x4096xf32, #tpu.memory_space<vmem>>, vector<16xf32>,
      tpu.vector_store %arg8[%swap3A_351, %swap3A_352, %swap3A_353], %gather3A {strides = array<i32>} : memref<2x8x4096xf32, #tpu.memory_space<vmem>>, vector<16xf32>,
    }
    %while3A_199 = arith.constant 0 : i32
    %while3A_200 = arith.subi %shift_right_arithmetic3A_188, %add3A_184 : i32
    %while3A_201 = arith.addi %add3A_184, %while3A_200 : i32
    %while3A_202 = arith.constant 1 : i32
    %while3A_203 = arith.divsi %while3A_200, %while3A_202 : i32
    %while3A_204 = arith.muli %while3A_203, %while3A_202 : i32
    %while3A_205 = arith.addi %add3A_184, %while3A_204 : i32
    %while3A_206 = arith.constant 1 : i32
    scf.for %while3A_347 = %add3A_184 to %while3A_205 step %while3A_206  : i32 {
      %mul3A_348 = arith.constant 16 : i32
      %mul3A_349 = arith.muli %while3A_347, %mul3A_348 : i32
      %multiple_of3A = tpu.assume_multiple %mul3A_349, 16 : i32
      %get3A = arith.constant 4 : i32
      %get3A_350 = arith.index_cast %get3A : i32 to index
      %get3A_351 = arith.index_cast %multiple_of3A : i32 to index
      %get3A_352 = tpu.vector_load %arg7[%get3A_350, %get3A_351] {strides = array<i32>} : memref<8x4096xi32, #tpu.memory_space<vmem>>, vector<16xi32>,
      %add3A_353 = arith.addi %get3A_352, %broadcast_in_dim3A : vector<16xi32>
      %gather3A_354 = tpu.vector_load_idx %arg5[%add3A_353] : memref<512xf32, #tpu.memory_space<vmem>>[vector<16xi32>], vector<16xf32>,
      %swap3A = arith.constant 0 : i32
      %swap3A_355 = arith.constant 4 : i32
      %swap3A_356 = arith.index_cast %swap3A : i32 to index
      %swap3A_357 = arith.index_cast %swap3A_355 : i32 to index
      %swap3A_358 = arith.index_cast %multiple_of3A : i32 to index
      %swap3A_359 = tpu.vector_load %arg8[%swap3A_356, %swap3A_357, %swap3A_358] {strides = array<i32>} : memref<2x8x4096xf32, #tpu.memory_space<vmem>>, vector<16xf32>,
      tpu.vector_store %arg8[%swap3A_356, %swap3A_357, %swap3A_358], %gather3A_354 {strides = array<i32>} : memref<2x8x4096xf32, #tpu.memory_space<vmem>>, vector<16xf32>,
    }
    %while3A_207 = arith.constant 1 : i32
    scf.for %while3A_347 = %while3A_205 to %while3A_201 step %while3A_207  : i32 {
      %mul3A_348 = arith.constant 16 : i32
      %mul3A_349 = arith.muli %while3A_347, %mul3A_348 : i32
      %multiple_of3A = tpu.assume_multiple %mul3A_349, 16 : i32
      %get3A = arith.constant 4 : i32
      %get3A_350 = arith.index_cast %get3A : i32 to index
      %get3A_351 = arith.index_cast %multiple_of3A : i32 to index
      %get3A_352 = tpu.vector_load %arg7[%get3A_350, %get3A_351] {strides = array<i32>} : memref<8x4096xi32, #tpu.memory_space<vmem>>, vector<16xi32>,
      %add3A_353 = arith.addi %get3A_352, %broadcast_in_dim3A : vector<16xi32>
      %gather3A_354 = tpu.vector_load_idx %arg5[%add3A_353] : memref<512xf32, #tpu.memory_space<vmem>>[vector<16xi32>], vector<16xf32>,
      %swap3A = arith.constant 0 : i32
      %swap3A_355 = arith.constant 4 : i32
      %swap3A_356 = arith.index_cast %swap3A : i32 to index
      %swap3A_357 = arith.index_cast %swap3A_355 : i32 to index
      %swap3A_358 = arith.index_cast %multiple_of3A : i32 to index
      %swap3A_359 = tpu.vector_load %arg8[%swap3A_356, %swap3A_357, %swap3A_358] {strides = array<i32>} : memref<2x8x4096xf32, #tpu.memory_space<vmem>>, vector<16xf32>,
      tpu.vector_store %arg8[%swap3A_356, %swap3A_357, %swap3A_358], %gather3A_354 {strides = array<i32>} : memref<2x8x4096xf32, #tpu.memory_space<vmem>>, vector<16xf32>,
    }
    %while3A_208 = arith.constant 0 : i32
    %while3A_209 = arith.constant 256 : i32
    %while3A_210 = arith.subi %while3A_209, %shift_right_arithmetic3A_188 : i32
    %while3A_211 = arith.addi %shift_right_arithmetic3A_188, %while3A_210 : i32
    %while3A_212 = arith.constant 1 : i32
    %while3A_213 = arith.divsi %while3A_210, %while3A_212 : i32
    %while3A_214 = arith.muli %while3A_213, %while3A_212 : i32
    %while3A_215 = arith.addi %shift_right_arithmetic3A_188, %while3A_214 : i32
    %while3A_216 = arith.constant 1 : i32
    scf.for %while3A_347 = %shift_right_arithmetic3A_188 to %while3A_215 step %while3A_216  : i32 {
      %mul3A_348 = arith.constant 16 : i32
      %mul3A_349 = arith.muli %while3A_347, %mul3A_348 : i32
      %multiple_of3A = tpu.assume_multiple %mul3A_349, 16 : i32
      %swap3A = arith.constant 0 : i32
      %swap3A_350 = arith.constant 4 : i32
      %swap3A_351 = arith.index_cast %swap3A : i32 to index
      %swap3A_352 = arith.index_cast %swap3A_350 : i32 to index
      %swap3A_353 = arith.index_cast %multiple_of3A : i32 to index
      %swap3A_354 = tpu.vector_load %arg8[%swap3A_351, %swap3A_352, %swap3A_353] {strides = array<i32>} : memref<2x8x4096xf32, #tpu.memory_space<vmem>>, vector<16xf32>,
      tpu.vector_store %arg8[%swap3A_351, %swap3A_352, %swap3A_353], %gather3A_14 {strides = array<i32>} : memref<2x8x4096xf32, #tpu.memory_space<vmem>>, vector<16xf32>,
    }
    %while3A_217 = arith.constant 1 : i32
    scf.for %while3A_347 = %while3A_215 to %while3A_211 step %while3A_217  : i32 {
      %mul3A_348 = arith.constant 16 : i32
      %mul3A_349 = arith.muli %while3A_347, %mul3A_348 : i32
      %multiple_of3A = tpu.assume_multiple %mul3A_349, 16 : i32
      %swap3A = arith.constant 0 : i32
      %swap3A_350 = arith.constant 4 : i32
      %swap3A_351 = arith.index_cast %swap3A : i32 to index
      %swap3A_352 = arith.index_cast %swap3A_350 : i32 to index
      %swap3A_353 = arith.index_cast %multiple_of3A : i32 to index
      %swap3A_354 = tpu.vector_load %arg8[%swap3A_351, %swap3A_352, %swap3A_353] {strides = array<i32>} : memref<2x8x4096xf32, #tpu.memory_space<vmem>>, vector<16xf32>,
      tpu.vector_store %arg8[%swap3A_351, %swap3A_352, %swap3A_353], %gather3A_14 {strides = array<i32>} : memref<2x8x4096xf32, #tpu.memory_space<vmem>>, vector<16xf32>,
    }
    %sub3A_218 = arith.constant 5 : i32
    %sub3A_219 = arith.subi %sub3A_3, %sub3A_218 : i32
    %sub3A_220 = arith.constant 1941 : i32
    %sub3A_221 = arith.subi %sub3A_220, %sub3A_219 : i32
    %shift_right_arithmetic3A_222 = arith.constant 4 : i32
    %shift_right_arithmetic3A_223 = arith.shrsi %sub3A_221, %shift_right_arithmetic3A_222 : i32
    %add3A_224 = arith.constant 1 : i32
    %add3A_225 = arith.addi %shift_right_arithmetic3A_223, %add3A_224 : i32
    %sub3A_226 = arith.constant 2153 : i32
    %sub3A_227 = arith.subi %sub3A_226, %sub3A_219 : i32
    %shift_right_arithmetic3A_228 = arith.constant 4 : i32
    %shift_right_arithmetic3A_229 = arith.shrsi %sub3A_227, %shift_right_arithmetic3A_228 : i32
    %while3A_230 = arith.constant 0 : i32
    %while3A_231 = arith.constant 0 : i32
    %while3A_232 = arith.subi %add3A_225, %while3A_231 : i32
    %while3A_233 = arith.addi %while3A_231, %while3A_232 : i32
    %while3A_234 = arith.constant 1 : i32
    %while3A_235 = arith.divsi %while3A_232, %while3A_234 : i32
    %while3A_236 = arith.muli %while3A_235, %while3A_234 : i32
    %while3A_237 = arith.addi %while3A_231, %while3A_236 : i32
    %while3A_238 = arith.constant 1 : i32
    scf.for %while3A_347 = %while3A_231 to %while3A_237 step %while3A_238  : i32 {
      %mul3A_348 = arith.constant 16 : i32
      %mul3A_349 = arith.muli %while3A_347, %mul3A_348 : i32
      %multiple_of3A = tpu.assume_multiple %mul3A_349, 16 : i32
      %swap3A = arith.constant 0 : i32
      %swap3A_350 = arith.constant 5 : i32
      %swap3A_351 = arith.index_cast %swap3A : i32 to index
      %swap3A_352 = arith.index_cast %swap3A_350 : i32 to index
      %swap3A_353 = arith.index_cast %multiple_of3A : i32 to index
      %swap3A_354 = tpu.vector_load %arg8[%swap3A_351, %swap3A_352, %swap3A_353] {strides = array<i32>} : memref<2x8x4096xf32, #tpu.memory_space<vmem>>, vector<16xf32>,
      tpu.vector_store %arg8[%swap3A_351, %swap3A_352, %swap3A_353], %gather3A {strides = array<i32>} : memref<2x8x4096xf32, #tpu.memory_space<vmem>>, vector<16xf32>,
    }
    %while3A_239 = arith.constant 1 : i32
    scf.for %while3A_347 = %while3A_237 to %while3A_233 step %while3A_239  : i32 {
      %mul3A_348 = arith.constant 16 : i32
      %mul3A_349 = arith.muli %while3A_347, %mul3A_348 : i32
      %multiple_of3A = tpu.assume_multiple %mul3A_349, 16 : i32
      %swap3A = arith.constant 0 : i32
      %swap3A_350 = arith.constant 5 : i32
      %swap3A_351 = arith.index_cast %swap3A : i32 to index
      %swap3A_352 = arith.index_cast %swap3A_350 : i32 to index
      %swap3A_353 = arith.index_cast %multiple_of3A : i32 to index
      %swap3A_354 = tpu.vector_load %arg8[%swap3A_351, %swap3A_352, %swap3A_353] {strides = array<i32>} : memref<2x8x4096xf32, #tpu.memory_space<vmem>>, vector<16xf32>,
      tpu.vector_store %arg8[%swap3A_351, %swap3A_352, %swap3A_353], %gather3A {strides = array<i32>} : memref<2x8x4096xf32, #tpu.memory_space<vmem>>, vector<16xf32>,
    }
    %while3A_240 = arith.constant 0 : i32
    %while3A_241 = arith.subi %shift_right_arithmetic3A_229, %add3A_225 : i32
    %while3A_242 = arith.addi %add3A_225, %while3A_241 : i32
    %while3A_243 = arith.constant 1 : i32
    %while3A_244 = arith.divsi %while3A_241, %while3A_243 : i32
    %while3A_245 = arith.muli %while3A_244, %while3A_243 : i32
    %while3A_246 = arith.addi %add3A_225, %while3A_245 : i32
    %while3A_247 = arith.constant 1 : i32
    scf.for %while3A_347 = %add3A_225 to %while3A_246 step %while3A_247  : i32 {
      %mul3A_348 = arith.constant 16 : i32
      %mul3A_349 = arith.muli %while3A_347, %mul3A_348 : i32
      %multiple_of3A = tpu.assume_multiple %mul3A_349, 16 : i32
      %get3A = arith.constant 5 : i32
      %get3A_350 = arith.index_cast %get3A : i32 to index
      %get3A_351 = arith.index_cast %multiple_of3A : i32 to index
      %get3A_352 = tpu.vector_load %arg7[%get3A_350, %get3A_351] {strides = array<i32>} : memref<8x4096xi32, #tpu.memory_space<vmem>>, vector<16xi32>,
      %add3A_353 = arith.addi %get3A_352, %broadcast_in_dim3A : vector<16xi32>
      %gather3A_354 = tpu.vector_load_idx %arg5[%add3A_353] : memref<512xf32, #tpu.memory_space<vmem>>[vector<16xi32>], vector<16xf32>,
      %swap3A = arith.constant 0 : i32
      %swap3A_355 = arith.constant 5 : i32
      %swap3A_356 = arith.index_cast %swap3A : i32 to index
      %swap3A_357 = arith.index_cast %swap3A_355 : i32 to index
      %swap3A_358 = arith.index_cast %multiple_of3A : i32 to index
      %swap3A_359 = tpu.vector_load %arg8[%swap3A_356, %swap3A_357, %swap3A_358] {strides = array<i32>} : memref<2x8x4096xf32, #tpu.memory_space<vmem>>, vector<16xf32>,
      tpu.vector_store %arg8[%swap3A_356, %swap3A_357, %swap3A_358], %gather3A_354 {strides = array<i32>} : memref<2x8x4096xf32, #tpu.memory_space<vmem>>, vector<16xf32>,
    }
    %while3A_248 = arith.constant 1 : i32
    scf.for %while3A_347 = %while3A_246 to %while3A_242 step %while3A_248  : i32 {
      %mul3A_348 = arith.constant 16 : i32
      %mul3A_349 = arith.muli %while3A_347, %mul3A_348 : i32
      %multiple_of3A = tpu.assume_multiple %mul3A_349, 16 : i32
      %get3A = arith.constant 5 : i32
      %get3A_350 = arith.index_cast %get3A : i32 to index
      %get3A_351 = arith.index_cast %multiple_of3A : i32 to index
      %get3A_352 = tpu.vector_load %arg7[%get3A_350, %get3A_351] {strides = array<i32>} : memref<8x4096xi32, #tpu.memory_space<vmem>>, vector<16xi32>,
      %add3A_353 = arith.addi %get3A_352, %broadcast_in_dim3A : vector<16xi32>
      %gather3A_354 = tpu.vector_load_idx %arg5[%add3A_353] : memref<512xf32, #tpu.memory_space<vmem>>[vector<16xi32>], vector<16xf32>,
      %swap3A = arith.constant 0 : i32
      %swap3A_355 = arith.constant 5 : i32
      %swap3A_356 = arith.index_cast %swap3A : i32 to index
      %swap3A_357 = arith.index_cast %swap3A_355 : i32 to index
      %swap3A_358 = arith.index_cast %multiple_of3A : i32 to index
      %swap3A_359 = tpu.vector_load %arg8[%swap3A_356, %swap3A_357, %swap3A_358] {strides = array<i32>} : memref<2x8x4096xf32, #tpu.memory_space<vmem>>, vector<16xf32>,
      tpu.vector_store %arg8[%swap3A_356, %swap3A_357, %swap3A_358], %gather3A_354 {strides = array<i32>} : memref<2x8x4096xf32, #tpu.memory_space<vmem>>, vector<16xf32>,
    }
    %while3A_249 = arith.constant 0 : i32
    %while3A_250 = arith.constant 256 : i32
    %while3A_251 = arith.subi %while3A_250, %shift_right_arithmetic3A_229 : i32
    %while3A_252 = arith.addi %shift_right_arithmetic3A_229, %while3A_251 : i32
    %while3A_253 = arith.constant 1 : i32
    %while3A_254 = arith.divsi %while3A_251, %while3A_253 : i32
    %while3A_255 = arith.muli %while3A_254, %while3A_253 : i32
    %while3A_256 = arith.addi %shift_right_arithmetic3A_229, %while3A_255 : i32
    %while3A_257 = arith.constant 1 : i32
    scf.for %while3A_347 = %shift_right_arithmetic3A_229 to %while3A_256 step %while3A_257  : i32 {
      %mul3A_348 = arith.constant 16 : i32
      %mul3A_349 = arith.muli %while3A_347, %mul3A_348 : i32
      %multiple_of3A = tpu.assume_multiple %mul3A_349, 16 : i32
      %swap3A = arith.constant 0 : i32
      %swap3A_350 = arith.constant 5 : i32
      %swap3A_351 = arith.index_cast %swap3A : i32 to index
      %swap3A_352 = arith.index_cast %swap3A_350 : i32 to index
      %swap3A_353 = arith.index_cast %multiple_of3A : i32 to index
      %swap3A_354 = tpu.vector_load %arg8[%swap3A_351, %swap3A_352, %swap3A_353] {strides = array<i32>} : memref<2x8x4096xf32, #tpu.memory_space<vmem>>, vector<16xf32>,
      tpu.vector_store %arg8[%swap3A_351, %swap3A_352, %swap3A_353], %gather3A_14 {strides = array<i32>} : memref<2x8x4096xf32, #tpu.memory_space<vmem>>, vector<16xf32>,
    }
    %while3A_258 = arith.constant 1 : i32
    scf.for %while3A_347 = %while3A_256 to %while3A_252 step %while3A_258  : i32 {
      %mul3A_348 = arith.constant 16 : i32
      %mul3A_349 = arith.muli %while3A_347, %mul3A_348 : i32
      %multiple_of3A = tpu.assume_multiple %mul3A_349, 16 : i32
      %swap3A = arith.constant 0 : i32
      %swap3A_350 = arith.constant 5 : i32
      %swap3A_351 = arith.index_cast %swap3A : i32 to index
      %swap3A_352 = arith.index_cast %swap3A_350 : i32 to index
      %swap3A_353 = arith.index_cast %multiple_of3A : i32 to index
      %swap3A_354 = tpu.vector_load %arg8[%swap3A_351, %swap3A_352, %swap3A_353] {strides = array<i32>} : memref<2x8x4096xf32, #tpu.memory_space<vmem>>, vector<16xf32>,
      tpu.vector_store %arg8[%swap3A_351, %swap3A_352, %swap3A_353], %gather3A_14 {strides = array<i32>} : memref<2x8x4096xf32, #tpu.memory_space<vmem>>, vector<16xf32>,
    }
    %sub3A_259 = arith.constant 6 : i32
    %sub3A_260 = arith.subi %sub3A_3, %sub3A_259 : i32
    %sub3A_261 = arith.constant 1941 : i32
    %sub3A_262 = arith.subi %sub3A_261, %sub3A_260 : i32
    %shift_right_arithmetic3A_263 = arith.constant 4 : i32
    %shift_right_arithmetic3A_264 = arith.shrsi %sub3A_262, %shift_right_arithmetic3A_263 : i32
    %add3A_265 = arith.constant 1 : i32
    %add3A_266 = arith.addi %shift_right_arithmetic3A_264, %add3A_265 : i32
    %sub3A_267 = arith.constant 2153 : i32
    %sub3A_268 = arith.subi %sub3A_267, %sub3A_260 : i32
    %shift_right_arithmetic3A_269 = arith.constant 4 : i32
    %shift_right_arithmetic3A_270 = arith.shrsi %sub3A_268, %shift_right_arithmetic3A_269 : i32
    %while3A_271 = arith.constant 0 : i32
    %while3A_272 = arith.constant 0 : i32
    %while3A_273 = arith.subi %add3A_266, %while3A_272 : i32
    %while3A_274 = arith.addi %while3A_272, %while3A_273 : i32
    %while3A_275 = arith.constant 1 : i32
    %while3A_276 = arith.divsi %while3A_273, %while3A_275 : i32
    %while3A_277 = arith.muli %while3A_276, %while3A_275 : i32
    %while3A_278 = arith.addi %while3A_272, %while3A_277 : i32
    %while3A_279 = arith.constant 1 : i32
    scf.for %while3A_347 = %while3A_272 to %while3A_278 step %while3A_279  : i32 {
      %mul3A_348 = arith.constant 16 : i32
      %mul3A_349 = arith.muli %while3A_347, %mul3A_348 : i32
      %multiple_of3A = tpu.assume_multiple %mul3A_349, 16 : i32
      %swap3A = arith.constant 0 : i32
      %swap3A_350 = arith.constant 6 : i32
      %swap3A_351 = arith.index_cast %swap3A : i32 to index
      %swap3A_352 = arith.index_cast %swap3A_350 : i32 to index
      %swap3A_353 = arith.index_cast %multiple_of3A : i32 to index
      %swap3A_354 = tpu.vector_load %arg8[%swap3A_351, %swap3A_352, %swap3A_353] {strides = array<i32>} : memref<2x8x4096xf32, #tpu.memory_space<vmem>>, vector<16xf32>,
      tpu.vector_store %arg8[%swap3A_351, %swap3A_352, %swap3A_353], %gather3A {strides = array<i32>} : memref<2x8x4096xf32, #tpu.memory_space<vmem>>, vector<16xf32>,
    }
    %while3A_280 = arith.constant 1 : i32
    scf.for %while3A_347 = %while3A_278 to %while3A_274 step %while3A_280  : i32 {
      %mul3A_348 = arith.constant 16 : i32
      %mul3A_349 = arith.muli %while3A_347, %mul3A_348 : i32
      %multiple_of3A = tpu.assume_multiple %mul3A_349, 16 : i32
      %swap3A = arith.constant 0 : i32
      %swap3A_350 = arith.constant 6 : i32
      %swap3A_351 = arith.index_cast %swap3A : i32 to index
      %swap3A_352 = arith.index_cast %swap3A_350 : i32 to index
      %swap3A_353 = arith.index_cast %multiple_of3A : i32 to index
      %swap3A_354 = tpu.vector_load %arg8[%swap3A_351, %swap3A_352, %swap3A_353] {strides = array<i32>} : memref<2x8x4096xf32, #tpu.memory_space<vmem>>, vector<16xf32>,
      tpu.vector_store %arg8[%swap3A_351, %swap3A_352, %swap3A_353], %gather3A {strides = array<i32>} : memref<2x8x4096xf32, #tpu.memory_space<vmem>>, vector<16xf32>,
    }
    %while3A_281 = arith.constant 0 : i32
    %while3A_282 = arith.subi %shift_right_arithmetic3A_270, %add3A_266 : i32
    %while3A_283 = arith.addi %add3A_266, %while3A_282 : i32
    %while3A_284 = arith.constant 1 : i32
    %while3A_285 = arith.divsi %while3A_282, %while3A_284 : i32
    %while3A_286 = arith.muli %while3A_285, %while3A_284 : i32
    %while3A_287 = arith.addi %add3A_266, %while3A_286 : i32
    %while3A_288 = arith.constant 1 : i32
    scf.for %while3A_347 = %add3A_266 to %while3A_287 step %while3A_288  : i32 {
      %mul3A_348 = arith.constant 16 : i32
      %mul3A_349 = arith.muli %while3A_347, %mul3A_348 : i32
      %multiple_of3A = tpu.assume_multiple %mul3A_349, 16 : i32
      %get3A = arith.constant 6 : i32
      %get3A_350 = arith.index_cast %get3A : i32 to index
      %get3A_351 = arith.index_cast %multiple_of3A : i32 to index
      %get3A_352 = tpu.vector_load %arg7[%get3A_350, %get3A_351] {strides = array<i32>} : memref<8x4096xi32, #tpu.memory_space<vmem>>, vector<16xi32>,
      %add3A_353 = arith.addi %get3A_352, %broadcast_in_dim3A : vector<16xi32>
      %gather3A_354 = tpu.vector_load_idx %arg5[%add3A_353] : memref<512xf32, #tpu.memory_space<vmem>>[vector<16xi32>], vector<16xf32>,
      %swap3A = arith.constant 0 : i32
      %swap3A_355 = arith.constant 6 : i32
      %swap3A_356 = arith.index_cast %swap3A : i32 to index
      %swap3A_357 = arith.index_cast %swap3A_355 : i32 to index
      %swap3A_358 = arith.index_cast %multiple_of3A : i32 to index
      %swap3A_359 = tpu.vector_load %arg8[%swap3A_356, %swap3A_357, %swap3A_358] {strides = array<i32>} : memref<2x8x4096xf32, #tpu.memory_space<vmem>>, vector<16xf32>,
      tpu.vector_store %arg8[%swap3A_356, %swap3A_357, %swap3A_358], %gather3A_354 {strides = array<i32>} : memref<2x8x4096xf32, #tpu.memory_space<vmem>>, vector<16xf32>,
    }
    %while3A_289 = arith.constant 1 : i32
    scf.for %while3A_347 = %while3A_287 to %while3A_283 step %while3A_289  : i32 {
      %mul3A_348 = arith.constant 16 : i32
      %mul3A_349 = arith.muli %while3A_347, %mul3A_348 : i32
      %multiple_of3A = tpu.assume_multiple %mul3A_349, 16 : i32
      %get3A = arith.constant 6 : i32
      %get3A_350 = arith.index_cast %get3A : i32 to index
      %get3A_351 = arith.index_cast %multiple_of3A : i32 to index
      %get3A_352 = tpu.vector_load %arg7[%get3A_350, %get3A_351] {strides = array<i32>} : memref<8x4096xi32, #tpu.memory_space<vmem>>, vector<16xi32>,
      %add3A_353 = arith.addi %get3A_352, %broadcast_in_dim3A : vector<16xi32>
      %gather3A_354 = tpu.vector_load_idx %arg5[%add3A_353] : memref<512xf32, #tpu.memory_space<vmem>>[vector<16xi32>], vector<16xf32>,
      %swap3A = arith.constant 0 : i32
      %swap3A_355 = arith.constant 6 : i32
      %swap3A_356 = arith.index_cast %swap3A : i32 to index
      %swap3A_357 = arith.index_cast %swap3A_355 : i32 to index
      %swap3A_358 = arith.index_cast %multiple_of3A : i32 to index
      %swap3A_359 = tpu.vector_load %arg8[%swap3A_356, %swap3A_357, %swap3A_358] {strides = array<i32>} : memref<2x8x4096xf32, #tpu.memory_space<vmem>>, vector<16xf32>,
      tpu.vector_store %arg8[%swap3A_356, %swap3A_357, %swap3A_358], %gather3A_354 {strides = array<i32>} : memref<2x8x4096xf32, #tpu.memory_space<vmem>>, vector<16xf32>,
    }
    %while3A_290 = arith.constant 0 : i32
    %while3A_291 = arith.constant 256 : i32
    %while3A_292 = arith.subi %while3A_291, %shift_right_arithmetic3A_270 : i32
    %while3A_293 = arith.addi %shift_right_arithmetic3A_270, %while3A_292 : i32
    %while3A_294 = arith.constant 1 : i32
    %while3A_295 = arith.divsi %while3A_292, %while3A_294 : i32
    %while3A_296 = arith.muli %while3A_295, %while3A_294 : i32
    %while3A_297 = arith.addi %shift_right_arithmetic3A_270, %while3A_296 : i32
    %while3A_298 = arith.constant 1 : i32
    scf.for %while3A_347 = %shift_right_arithmetic3A_270 to %while3A_297 step %while3A_298  : i32 {
      %mul3A_348 = arith.constant 16 : i32
      %mul3A_349 = arith.muli %while3A_347, %mul3A_348 : i32
      %multiple_of3A = tpu.assume_multiple %mul3A_349, 16 : i32
      %swap3A = arith.constant 0 : i32
      %swap3A_350 = arith.constant 6 : i32
      %swap3A_351 = arith.index_cast %swap3A : i32 to index
      %swap3A_352 = arith.index_cast %swap3A_350 : i32 to index
      %swap3A_353 = arith.index_cast %multiple_of3A : i32 to index
      %swap3A_354 = tpu.vector_load %arg8[%swap3A_351, %swap3A_352, %swap3A_353] {strides = array<i32>} : memref<2x8x4096xf32, #tpu.memory_space<vmem>>, vector<16xf32>,
      tpu.vector_store %arg8[%swap3A_351, %swap3A_352, %swap3A_353], %gather3A_14 {strides = array<i32>} : memref<2x8x4096xf32, #tpu.memory_space<vmem>>, vector<16xf32>,
    }
    %while3A_299 = arith.constant 1 : i32
    scf.for %while3A_347 = %while3A_297 to %while3A_293 step %while3A_299  : i32 {
      %mul3A_348 = arith.constant 16 : i32
      %mul3A_349 = arith.muli %while3A_347, %mul3A_348 : i32
      %multiple_of3A = tpu.assume_multiple %mul3A_349, 16 : i32
      %swap3A = arith.constant 0 : i32
      %swap3A_350 = arith.constant 6 : i32
      %swap3A_351 = arith.index_cast %swap3A : i32 to index
      %swap3A_352 = arith.index_cast %swap3A_350 : i32 to index
      %swap3A_353 = arith.index_cast %multiple_of3A : i32 to index
      %swap3A_354 = tpu.vector_load %arg8[%swap3A_351, %swap3A_352, %swap3A_353] {strides = array<i32>} : memref<2x8x4096xf32, #tpu.memory_space<vmem>>, vector<16xf32>,
      tpu.vector_store %arg8[%swap3A_351, %swap3A_352, %swap3A_353], %gather3A_14 {strides = array<i32>} : memref<2x8x4096xf32, #tpu.memory_space<vmem>>, vector<16xf32>,
    }
    %sub3A_300 = arith.constant 7 : i32
    %sub3A_301 = arith.subi %sub3A_3, %sub3A_300 : i32
    %sub3A_302 = arith.constant 1941 : i32
    %sub3A_303 = arith.subi %sub3A_302, %sub3A_301 : i32
    %shift_right_arithmetic3A_304 = arith.constant 4 : i32
    %shift_right_arithmetic3A_305 = arith.shrsi %sub3A_303, %shift_right_arithmetic3A_304 : i32
    %add3A_306 = arith.constant 1 : i32
    %add3A_307 = arith.addi %shift_right_arithmetic3A_305, %add3A_306 : i32
    %sub3A_308 = arith.constant 2153 : i32
    %sub3A_309 = arith.subi %sub3A_308, %sub3A_301 : i32
    %shift_right_arithmetic3A_310 = arith.constant 4 : i32
    %shift_right_arithmetic3A_311 = arith.shrsi %sub3A_309, %shift_right_arithmetic3A_310 : i32
    %while3A_312 = arith.constant 0 : i32
    %while3A_313 = arith.constant 0 : i32
    %while3A_314 = arith.subi %add3A_307, %while3A_313 : i32
    %while3A_315 = arith.addi %while3A_313, %while3A_314 : i32
    %while3A_316 = arith.constant 1 : i32
    %while3A_317 = arith.divsi %while3A_314, %while3A_316 : i32
    %while3A_318 = arith.muli %while3A_317, %while3A_316 : i32
    %while3A_319 = arith.addi %while3A_313, %while3A_318 : i32
    %while3A_320 = arith.constant 1 : i32
    scf.for %while3A_347 = %while3A_313 to %while3A_319 step %while3A_320  : i32 {
      %mul3A_348 = arith.constant 16 : i32
      %mul3A_349 = arith.muli %while3A_347, %mul3A_348 : i32
      %multiple_of3A = tpu.assume_multiple %mul3A_349, 16 : i32
      %swap3A = arith.constant 0 : i32
      %swap3A_350 = arith.constant 7 : i32
      %swap3A_351 = arith.index_cast %swap3A : i32 to index
      %swap3A_352 = arith.index_cast %swap3A_350 : i32 to index
      %swap3A_353 = arith.index_cast %multiple_of3A : i32 to index
      %swap3A_354 = tpu.vector_load %arg8[%swap3A_351, %swap3A_352, %swap3A_353] {strides = array<i32>} : memref<2x8x4096xf32, #tpu.memory_space<vmem>>, vector<16xf32>,
      tpu.vector_store %arg8[%swap3A_351, %swap3A_352, %swap3A_353], %gather3A {strides = array<i32>} : memref<2x8x4096xf32, #tpu.memory_space<vmem>>, vector<16xf32>,
    }
    %while3A_321 = arith.constant 1 : i32
    scf.for %while3A_347 = %while3A_319 to %while3A_315 step %while3A_321  : i32 {
      %mul3A_348 = arith.constant 16 : i32
      %mul3A_349 = arith.muli %while3A_347, %mul3A_348 : i32
      %multiple_of3A = tpu.assume_multiple %mul3A_349, 16 : i32
      %swap3A = arith.constant 0 : i32
      %swap3A_350 = arith.constant 7 : i32
      %swap3A_351 = arith.index_cast %swap3A : i32 to index
      %swap3A_352 = arith.index_cast %swap3A_350 : i32 to index
      %swap3A_353 = arith.index_cast %multiple_of3A : i32 to index
      %swap3A_354 = tpu.vector_load %arg8[%swap3A_351, %swap3A_352, %swap3A_353] {strides = array<i32>} : memref<2x8x4096xf32, #tpu.memory_space<vmem>>, vector<16xf32>,
      tpu.vector_store %arg8[%swap3A_351, %swap3A_352, %swap3A_353], %gather3A {strides = array<i32>} : memref<2x8x4096xf32, #tpu.memory_space<vmem>>, vector<16xf32>,
    }
    %while3A_322 = arith.constant 0 : i32
    %while3A_323 = arith.subi %shift_right_arithmetic3A_311, %add3A_307 : i32
    %while3A_324 = arith.addi %add3A_307, %while3A_323 : i32
    %while3A_325 = arith.constant 1 : i32
    %while3A_326 = arith.divsi %while3A_323, %while3A_325 : i32
    %while3A_327 = arith.muli %while3A_326, %while3A_325 : i32
    %while3A_328 = arith.addi %add3A_307, %while3A_327 : i32
    %while3A_329 = arith.constant 1 : i32
    scf.for %while3A_347 = %add3A_307 to %while3A_328 step %while3A_329  : i32 {
      %mul3A_348 = arith.constant 16 : i32
      %mul3A_349 = arith.muli %while3A_347, %mul3A_348 : i32
      %multiple_of3A = tpu.assume_multiple %mul3A_349, 16 : i32
      %get3A = arith.constant 7 : i32
      %get3A_350 = arith.index_cast %get3A : i32 to index
      %get3A_351 = arith.index_cast %multiple_of3A : i32 to index
      %get3A_352 = tpu.vector_load %arg7[%get3A_350, %get3A_351] {strides = array<i32>} : memref<8x4096xi32, #tpu.memory_space<vmem>>, vector<16xi32>,
      %add3A_353 = arith.addi %get3A_352, %broadcast_in_dim3A : vector<16xi32>
      %gather3A_354 = tpu.vector_load_idx %arg5[%add3A_353] : memref<512xf32, #tpu.memory_space<vmem>>[vector<16xi32>], vector<16xf32>,
      %swap3A = arith.constant 0 : i32
      %swap3A_355 = arith.constant 7 : i32
      %swap3A_356 = arith.index_cast %swap3A : i32 to index
      %swap3A_357 = arith.index_cast %swap3A_355 : i32 to index
      %swap3A_358 = arith.index_cast %multiple_of3A : i32 to index
      %swap3A_359 = tpu.vector_load %arg8[%swap3A_356, %swap3A_357, %swap3A_358] {strides = array<i32>} : memref<2x8x4096xf32, #tpu.memory_space<vmem>>, vector<16xf32>,
      tpu.vector_store %arg8[%swap3A_356, %swap3A_357, %swap3A_358], %gather3A_354 {strides = array<i32>} : memref<2x8x4096xf32, #tpu.memory_space<vmem>>, vector<16xf32>,
    }
    %while3A_330 = arith.constant 1 : i32
    scf.for %while3A_347 = %while3A_328 to %while3A_324 step %while3A_330  : i32 {
      %mul3A_348 = arith.constant 16 : i32
      %mul3A_349 = arith.muli %while3A_347, %mul3A_348 : i32
      %multiple_of3A = tpu.assume_multiple %mul3A_349, 16 : i32
      %get3A = arith.constant 7 : i32
      %get3A_350 = arith.index_cast %get3A : i32 to index
      %get3A_351 = arith.index_cast %multiple_of3A : i32 to index
      %get3A_352 = tpu.vector_load %arg7[%get3A_350, %get3A_351] {strides = array<i32>} : memref<8x4096xi32, #tpu.memory_space<vmem>>, vector<16xi32>,
      %add3A_353 = arith.addi %get3A_352, %broadcast_in_dim3A : vector<16xi32>
      %gather3A_354 = tpu.vector_load_idx %arg5[%add3A_353] : memref<512xf32, #tpu.memory_space<vmem>>[vector<16xi32>], vector<16xf32>,
      %swap3A = arith.constant 0 : i32
      %swap3A_355 = arith.constant 7 : i32
      %swap3A_356 = arith.index_cast %swap3A : i32 to index
      %swap3A_357 = arith.index_cast %swap3A_355 : i32 to index
      %swap3A_358 = arith.index_cast %multiple_of3A : i32 to index
      %swap3A_359 = tpu.vector_load %arg8[%swap3A_356, %swap3A_357, %swap3A_358] {strides = array<i32>} : memref<2x8x4096xf32, #tpu.memory_space<vmem>>, vector<16xf32>,
      tpu.vector_store %arg8[%swap3A_356, %swap3A_357, %swap3A_358], %gather3A_354 {strides = array<i32>} : memref<2x8x4096xf32, #tpu.memory_space<vmem>>, vector<16xf32>,
    }
    %while3A_331 = arith.constant 0 : i32
    %while3A_332 = arith.constant 256 : i32
    %while3A_333 = arith.subi %while3A_332, %shift_right_arithmetic3A_311 : i32
    %while3A_334 = arith.addi %shift_right_arithmetic3A_311, %while3A_333 : i32
    %while3A_335 = arith.constant 1 : i32
    %while3A_336 = arith.divsi %while3A_333, %while3A_335 : i32
    %while3A_337 = arith.muli %while3A_336, %while3A_335 : i32
    %while3A_338 = arith.addi %shift_right_arithmetic3A_311, %while3A_337 : i32
    %while3A_339 = arith.constant 1 : i32
    scf.for %while3A_347 = %shift_right_arithmetic3A_311 to %while3A_338 step %while3A_339  : i32 {
      %mul3A_348 = arith.constant 16 : i32
      %mul3A_349 = arith.muli %while3A_347, %mul3A_348 : i32
      %multiple_of3A = tpu.assume_multiple %mul3A_349, 16 : i32
      %swap3A = arith.constant 0 : i32
      %swap3A_350 = arith.constant 7 : i32
      %swap3A_351 = arith.index_cast %swap3A : i32 to index
      %swap3A_352 = arith.index_cast %swap3A_350 : i32 to index
      %swap3A_353 = arith.index_cast %multiple_of3A : i32 to index
      %swap3A_354 = tpu.vector_load %arg8[%swap3A_351, %swap3A_352, %swap3A_353] {strides = array<i32>} : memref<2x8x4096xf32, #tpu.memory_space<vmem>>, vector<16xf32>,
      tpu.vector_store %arg8[%swap3A_351, %swap3A_352, %swap3A_353], %gather3A_14 {strides = array<i32>} : memref<2x8x4096xf32, #tpu.memory_space<vmem>>, vector<16xf32>,
    }
    %while3A_340 = arith.constant 1 : i32
    scf.for %while3A_347 = %while3A_338 to %while3A_334 step %while3A_340  : i32 {
      %mul3A_348 = arith.constant 16 : i32
      %mul3A_349 = arith.muli %while3A_347, %mul3A_348 : i32
      %multiple_of3A = tpu.assume_multiple %mul3A_349, 16 : i32
      %swap3A = arith.constant 0 : i32
      %swap3A_350 = arith.constant 7 : i32
      %swap3A_351 = arith.index_cast %swap3A : i32 to index
      %swap3A_352 = arith.index_cast %swap3A_350 : i32 to index
      %swap3A_353 = arith.index_cast %multiple_of3A : i32 to index
      %swap3A_354 = tpu.vector_load %arg8[%swap3A_351, %swap3A_352, %swap3A_353] {strides = array<i32>} : memref<2x8x4096xf32, #tpu.memory_space<vmem>>, vector<16xf32>,
      tpu.vector_store %arg8[%swap3A_351, %swap3A_352, %swap3A_353], %gather3A_14 {strides = array<i32>} : memref<2x8x4096xf32, #tpu.memory_space<vmem>>, vector<16xf32>,
    }
    %scan3A_341 = arith.constant 0 : i32
    %scan3A_342 = arith.constant 0 : i32
    %scan3A_343 = arith.constant 8 : i32
    %scan3A_344 = arith.addi %scan3A_342, %scan3A_343 : i32
    %scan3A_345 = arith.constant 1 : i32
    scf.for %scan3A_347 = %scan3A_342 to %scan3A_344 step %scan3A_345  : i32 {
      %add3A_348 = arith.addi %mul3A_0, %scan3A_347 : i32
      %and3A = arith.constant 1 : i32
      %and3A_349 = arith.andi %scan3A_347, %and3A : i32
      %mul3A_350 = arith.constant 8 : i32
      %mul3A_351 = arith.muli %mul3A_350, %arg1 : i32
      %add3A_352 = arith.constant 0 : i32
      %add3A_353 = arith.addi %mul3A_351, %add3A_352 : i32
      %multiple_of3A = tpu.assume_multiple %add3A_353, 8 : i32
      %dma_start3A = arith.constant 0 : i32
      %dma_start3A_354 = arith.constant 1920 : i32
      %dma_start3A_355 = tpu.memref_slice %arg8[%and3A_349, %dma_start3A, %dma_start3A_354] : memref<2x8x4096xf32, #tpu.memory_space<vmem>> -> memref<1x8x2048xf32, #tpu.memory_space<vmem>>
      %dma_start3A_356 = tpu.memref_squeeze %dma_start3A_355 : memref<1x8x2048xf32, #tpu.memory_space<vmem>> -> memref<8x2048xf32, #tpu.memory_space<vmem>>
      %dma_start3A_357 = arith.constant 0 : i32
      %dma_start3A_358 = tpu.memref_slice %arg4[%add3A_348, %multiple_of3A, %dma_start3A_357] : memref<16x2048x2048xf32, #tpu.memory_space<hbm>> -> memref<1x8x2048xf32, #tpu.memory_space<hbm>>
      %dma_start3A_359 = tpu.memref_squeeze %dma_start3A_358 : memref<1x8x2048xf32, #tpu.memory_space<hbm>> -> memref<8x2048xf32, #tpu.memory_space<hbm>>
      %dma_start3A_360 = arith.constant 0 : i32
      %dma_start3A_361 = tpu.memref_slice %arg4[%add3A_348, %multiple_of3A, %dma_start3A_360] : memref<16x2048x2048xf32, #tpu.memory_space<hbm>> -> memref<1x8x2048xf32, #tpu.memory_space<hbm>>
      %dma_start3A_362 = tpu.memref_squeeze %dma_start3A_361 : memref<1x8x2048xf32, #tpu.memory_space<hbm>> -> memref<8x2048xf32, #tpu.memory_space<hbm>>
      %dma_start3A_363 = arith.constant 0 : i32
      %dma_start3A_364 = arith.constant 1920 : i32
      %dma_start3A_365 = tpu.memref_slice %arg8[%and3A_349, %dma_start3A_363, %dma_start3A_364] : memref<2x8x4096xf32, #tpu.memory_space<vmem>> -> memref<1x8x2048xf32, #tpu.memory_space<vmem>>
      %dma_start3A_366 = tpu.memref_squeeze %dma_start3A_365 : memref<1x8x2048xf32, #tpu.memory_space<vmem>> -> memref<8x2048xf32, #tpu.memory_space<vmem>>
      tpu.enqueue_dma source(%dma_start3A_366 : memref<8x2048xf32, #tpu.memory_space<vmem>>) target(%dma_start3A_362 : memref<8x2048xf32, #tpu.memory_space<hbm>>) target_semaphore(%arg9 : memref<!tpu.dma_semaphore, #tpu.memory_space<semaphore_mem>>)
      %mul3A_367 = arith.constant 8 : i32
      %mul3A_368 = arith.muli %mul3A_367, %arg1 : i32
      %add3A_369 = arith.constant 128 : i32
      %add3A_370 = arith.addi %mul3A_368, %add3A_369 : i32
      %multiple_of3A_371 = tpu.assume_multiple %add3A_370, 8 : i32
      %dma_start3A_372 = arith.constant 0 : i32
      %dma_start3A_373 = arith.constant 1792 : i32
      %dma_start3A_374 = tpu.memref_slice %arg8[%and3A_349, %dma_start3A_372, %dma_start3A_373] : memref<2x8x4096xf32, #tpu.memory_space<vmem>> -> memref<1x8x2048xf32, #tpu.memory_space<vmem>>
      %dma_start3A_375 = tpu.memref_squeeze %dma_start3A_374 : memref<1x8x2048xf32, #tpu.memory_space<vmem>> -> memref<8x2048xf32, #tpu.memory_space<vmem>>
      %dma_start3A_376 = arith.constant 0 : i32
      %dma_start3A_377 = tpu.memref_slice %arg4[%add3A_348, %multiple_of3A_371, %dma_start3A_376] : memref<16x2048x2048xf32, #tpu.memory_space<hbm>> -> memref<1x8x2048xf32, #tpu.memory_space<hbm>>
      %dma_start3A_378 = tpu.memref_squeeze %dma_start3A_377 : memref<1x8x2048xf32, #tpu.memory_space<hbm>> -> memref<8x2048xf32, #tpu.memory_space<hbm>>
      %dma_start3A_379 = arith.constant 0 : i32
      %dma_start3A_380 = tpu.memref_slice %arg4[%add3A_348, %multiple_of3A_371, %dma_start3A_379] : memref<16x2048x2048xf32, #tpu.memory_space<hbm>> -> memref<1x8x2048xf32, #tpu.memory_space<hbm>>
      %dma_start3A_381 = tpu.memref_squeeze %dma_start3A_380 : memref<1x8x2048xf32, #tpu.memory_space<hbm>> -> memref<8x2048xf32, #tpu.memory_space<hbm>>
      %dma_start3A_382 = arith.constant 0 : i32
      %dma_start3A_383 = arith.constant 1792 : i32
      %dma_start3A_384 = tpu.memref_slice %arg8[%and3A_349, %dma_start3A_382, %dma_start3A_383] : memref<2x8x4096xf32, #tpu.memory_space<vmem>> -> memref<1x8x2048xf32, #tpu.memory_space<vmem>>
      %dma_start3A_385 = tpu.memref_squeeze %dma_start3A_384 : memref<1x8x2048xf32, #tpu.memory_space<vmem>> -> memref<8x2048xf32, #tpu.memory_space<vmem>>
      tpu.enqueue_dma source(%dma_start3A_385 : memref<8x2048xf32, #tpu.memory_space<vmem>>) target(%dma_start3A_381 : memref<8x2048xf32, #tpu.memory_space<hbm>>) target_semaphore(%arg9 : memref<!tpu.dma_semaphore, #tpu.memory_space<semaphore_mem>>)
      %mul3A_386 = arith.constant 8 : i32
      %mul3A_387 = arith.muli %mul3A_386, %arg1 : i32
      %add3A_388 = arith.constant 256 : i32
      %add3A_389 = arith.addi %mul3A_387, %add3A_388 : i32
      %multiple_of3A_390 = tpu.assume_multiple %add3A_389, 8 : i32
      %dma_start3A_391 = arith.constant 0 : i32
      %dma_start3A_392 = arith.constant 1664 : i32
      %dma_start3A_393 = tpu.memref_slice %arg8[%and3A_349, %dma_start3A_391, %dma_start3A_392] : memref<2x8x4096xf32, #tpu.memory_space<vmem>> -> memref<1x8x2048xf32, #tpu.memory_space<vmem>>
      %dma_start3A_394 = tpu.memref_squeeze %dma_start3A_393 : memref<1x8x2048xf32, #tpu.memory_space<vmem>> -> memref<8x2048xf32, #tpu.memory_space<vmem>>
      %dma_start3A_395 = arith.constant 0 : i32
      %dma_start3A_396 = tpu.memref_slice %arg4[%add3A_348, %multiple_of3A_390, %dma_start3A_395] : memref<16x2048x2048xf32, #tpu.memory_space<hbm>> -> memref<1x8x2048xf32, #tpu.memory_space<hbm>>
      %dma_start3A_397 = tpu.memref_squeeze %dma_start3A_396 : memref<1x8x2048xf32, #tpu.memory_space<hbm>> -> memref<8x2048xf32, #tpu.memory_space<hbm>>
      %dma_start3A_398 = arith.constant 0 : i32
      %dma_start3A_399 = tpu.memref_slice %arg4[%add3A_348, %multiple_of3A_390, %dma_start3A_398] : memref<16x2048x2048xf32, #tpu.memory_space<hbm>> -> memref<1x8x2048xf32, #tpu.memory_space<hbm>>
      %dma_start3A_400 = tpu.memref_squeeze %dma_start3A_399 : memref<1x8x2048xf32, #tpu.memory_space<hbm>> -> memref<8x2048xf32, #tpu.memory_space<hbm>>
      %dma_start3A_401 = arith.constant 0 : i32
      %dma_start3A_402 = arith.constant 1664 : i32
      %dma_start3A_403 = tpu.memref_slice %arg8[%and3A_349, %dma_start3A_401, %dma_start3A_402] : memref<2x8x4096xf32, #tpu.memory_space<vmem>> -> memref<1x8x2048xf32, #tpu.memory_space<vmem>>
      %dma_start3A_404 = tpu.memref_squeeze %dma_start3A_403 : memref<1x8x2048xf32, #tpu.memory_space<vmem>> -> memref<8x2048xf32, #tpu.memory_space<vmem>>
      tpu.enqueue_dma source(%dma_start3A_404 : memref<8x2048xf32, #tpu.memory_space<vmem>>) target(%dma_start3A_400 : memref<8x2048xf32, #tpu.memory_space<hbm>>) target_semaphore(%arg9 : memref<!tpu.dma_semaphore, #tpu.memory_space<semaphore_mem>>)
      %mul3A_405 = arith.constant 8 : i32
      %mul3A_406 = arith.muli %mul3A_405, %arg1 : i32
      %add3A_407 = arith.constant 384 : i32
      %add3A_408 = arith.addi %mul3A_406, %add3A_407 : i32
      %multiple_of3A_409 = tpu.assume_multiple %add3A_408, 8 : i32
      %dma_start3A_410 = arith.constant 0 : i32
      %dma_start3A_411 = arith.constant 1536 : i32
      %dma_start3A_412 = tpu.memref_slice %arg8[%and3A_349, %dma_start3A_410, %dma_start3A_411] : memref<2x8x4096xf32, #tpu.memory_space<vmem>> -> memref<1x8x2048xf32, #tpu.memory_space<vmem>>
      %dma_start3A_413 = tpu.memref_squeeze %dma_start3A_412 : memref<1x8x2048xf32, #tpu.memory_space<vmem>> -> memref<8x2048xf32, #tpu.memory_space<vmem>>
      %dma_start3A_414 = arith.constant 0 : i32
      %dma_start3A_415 = tpu.memref_slice %arg4[%add3A_348, %multiple_of3A_409, %dma_start3A_414] : memref<16x2048x2048xf32, #tpu.memory_space<hbm>> -> memref<1x8x2048xf32, #tpu.memory_space<hbm>>
      %dma_start3A_416 = tpu.memref_squeeze %dma_start3A_415 : memref<1x8x2048xf32, #tpu.memory_space<hbm>> -> memref<8x2048xf32, #tpu.memory_space<hbm>>
      %dma_start3A_417 = arith.constant 0 : i32
      %dma_start3A_418 = tpu.memref_slice %arg4[%add3A_348, %multiple_of3A_409, %dma_start3A_417] : memref<16x2048x2048xf32, #tpu.memory_space<hbm>> -> memref<1x8x2048xf32, #tpu.memory_space<hbm>>
      %dma_start3A_419 = tpu.memref_squeeze %dma_start3A_418 : memref<1x8x2048xf32, #tpu.memory_space<hbm>> -> memref<8x2048xf32, #tpu.memory_space<hbm>>
      %dma_start3A_420 = arith.constant 0 : i32
      %dma_start3A_421 = arith.constant 1536 : i32
      %dma_start3A_422 = tpu.memref_slice %arg8[%and3A_349, %dma_start3A_420, %dma_start3A_421] : memref<2x8x4096xf32, #tpu.memory_space<vmem>> -> memref<1x8x2048xf32, #tpu.memory_space<vmem>>
      %dma_start3A_423 = tpu.memref_squeeze %dma_start3A_422 : memref<1x8x2048xf32, #tpu.memory_space<vmem>> -> memref<8x2048xf32, #tpu.memory_space<vmem>>
      tpu.enqueue_dma source(%dma_start3A_423 : memref<8x2048xf32, #tpu.memory_space<vmem>>) target(%dma_start3A_419 : memref<8x2048xf32, #tpu.memory_space<hbm>>) target_semaphore(%arg9 : memref<!tpu.dma_semaphore, #tpu.memory_space<semaphore_mem>>)
      %mul3A_424 = arith.constant 8 : i32
      %mul3A_425 = arith.muli %mul3A_424, %arg1 : i32
      %add3A_426 = arith.constant 512 : i32
      %add3A_427 = arith.addi %mul3A_425, %add3A_426 : i32
      %multiple_of3A_428 = tpu.assume_multiple %add3A_427, 8 : i32
      %dma_start3A_429 = arith.constant 0 : i32
      %dma_start3A_430 = arith.constant 1408 : i32
      %dma_start3A_431 = tpu.memref_slice %arg8[%and3A_349, %dma_start3A_429, %dma_start3A_430] : memref<2x8x4096xf32, #tpu.memory_space<vmem>> -> memref<1x8x2048xf32, #tpu.memory_space<vmem>>
      %dma_start3A_432 = tpu.memref_squeeze %dma_start3A_431 : memref<1x8x2048xf32, #tpu.memory_space<vmem>> -> memref<8x2048xf32, #tpu.memory_space<vmem>>
      %dma_start3A_433 = arith.constant 0 : i32
      %dma_start3A_434 = tpu.memref_slice %arg4[%add3A_348, %multiple_of3A_428, %dma_start3A_433] : memref<16x2048x2048xf32, #tpu.memory_space<hbm>> -> memref<1x8x2048xf32, #tpu.memory_space<hbm>>
      %dma_start3A_435 = tpu.memref_squeeze %dma_start3A_434 : memref<1x8x2048xf32, #tpu.memory_space<hbm>> -> memref<8x2048xf32, #tpu.memory_space<hbm>>
      %dma_start3A_436 = arith.constant 0 : i32
      %dma_start3A_437 = tpu.memref_slice %arg4[%add3A_348, %multiple_of3A_428, %dma_start3A_436] : memref<16x2048x2048xf32, #tpu.memory_space<hbm>> -> memref<1x8x2048xf32, #tpu.memory_space<hbm>>
      %dma_start3A_438 = tpu.memref_squeeze %dma_start3A_437 : memref<1x8x2048xf32, #tpu.memory_space<hbm>> -> memref<8x2048xf32, #tpu.memory_space<hbm>>
      %dma_start3A_439 = arith.constant 0 : i32
      %dma_start3A_440 = arith.constant 1408 : i32
      %dma_start3A_441 = tpu.memref_slice %arg8[%and3A_349, %dma_start3A_439, %dma_start3A_440] : memref<2x8x4096xf32, #tpu.memory_space<vmem>> -> memref<1x8x2048xf32, #tpu.memory_space<vmem>>
      %dma_start3A_442 = tpu.memref_squeeze %dma_start3A_441 : memref<1x8x2048xf32, #tpu.memory_space<vmem>> -> memref<8x2048xf32, #tpu.memory_space<vmem>>
      tpu.enqueue_dma source(%dma_start3A_442 : memref<8x2048xf32, #tpu.memory_space<vmem>>) target(%dma_start3A_438 : memref<8x2048xf32, #tpu.memory_space<hbm>>) target_semaphore(%arg9 : memref<!tpu.dma_semaphore, #tpu.memory_space<semaphore_mem>>)
      %mul3A_443 = arith.constant 8 : i32
      %mul3A_444 = arith.muli %mul3A_443, %arg1 : i32
      %add3A_445 = arith.constant 640 : i32
      %add3A_446 = arith.addi %mul3A_444, %add3A_445 : i32
      %multiple_of3A_447 = tpu.assume_multiple %add3A_446, 8 : i32
      %dma_start3A_448 = arith.constant 0 : i32
      %dma_start3A_449 = arith.constant 1280 : i32
      %dma_start3A_450 = tpu.memref_slice %arg8[%and3A_349, %dma_start3A_448, %dma_start3A_449] : memref<2x8x4096xf32, #tpu.memory_space<vmem>> -> memref<1x8x2048xf32, #tpu.memory_space<vmem>>
      %dma_start3A_451 = tpu.memref_squeeze %dma_start3A_450 : memref<1x8x2048xf32, #tpu.memory_space<vmem>> -> memref<8x2048xf32, #tpu.memory_space<vmem>>
      %dma_start3A_452 = arith.constant 0 : i32
      %dma_start3A_453 = tpu.memref_slice %arg4[%add3A_348, %multiple_of3A_447, %dma_start3A_452] : memref<16x2048x2048xf32, #tpu.memory_space<hbm>> -> memref<1x8x2048xf32, #tpu.memory_space<hbm>>
      %dma_start3A_454 = tpu.memref_squeeze %dma_start3A_453 : memref<1x8x2048xf32, #tpu.memory_space<hbm>> -> memref<8x2048xf32, #tpu.memory_space<hbm>>
      %dma_start3A_455 = arith.constant 0 : i32
      %dma_start3A_456 = tpu.memref_slice %arg4[%add3A_348, %multiple_of3A_447, %dma_start3A_455] : memref<16x2048x2048xf32, #tpu.memory_space<hbm>> -> memref<1x8x2048xf32, #tpu.memory_space<hbm>>
      %dma_start3A_457 = tpu.memref_squeeze %dma_start3A_456 : memref<1x8x2048xf32, #tpu.memory_space<hbm>> -> memref<8x2048xf32, #tpu.memory_space<hbm>>
      %dma_start3A_458 = arith.constant 0 : i32
      %dma_start3A_459 = arith.constant 1280 : i32
      %dma_start3A_460 = tpu.memref_slice %arg8[%and3A_349, %dma_start3A_458, %dma_start3A_459] : memref<2x8x4096xf32, #tpu.memory_space<vmem>> -> memref<1x8x2048xf32, #tpu.memory_space<vmem>>
      %dma_start3A_461 = tpu.memref_squeeze %dma_start3A_460 : memref<1x8x2048xf32, #tpu.memory_space<vmem>> -> memref<8x2048xf32, #tpu.memory_space<vmem>>
      tpu.enqueue_dma source(%dma_start3A_461 : memref<8x2048xf32, #tpu.memory_space<vmem>>) target(%dma_start3A_457 : memref<8x2048xf32, #tpu.memory_space<hbm>>) target_semaphore(%arg9 : memref<!tpu.dma_semaphore, #tpu.memory_space<semaphore_mem>>)
      %mul3A_462 = arith.constant 8 : i32
      %mul3A_463 = arith.muli %mul3A_462, %arg1 : i32
      %add3A_464 = arith.constant 768 : i32
      %add3A_465 = arith.addi %mul3A_463, %add3A_464 : i32
      %multiple_of3A_466 = tpu.assume_multiple %add3A_465, 8 : i32
      %dma_start3A_467 = arith.constant 0 : i32
      %dma_start3A_468 = arith.constant 1152 : i32
      %dma_start3A_469 = tpu.memref_slice %arg8[%and3A_349, %dma_start3A_467, %dma_start3A_468] : memref<2x8x4096xf32, #tpu.memory_space<vmem>> -> memref<1x8x2048xf32, #tpu.memory_space<vmem>>
      %dma_start3A_470 = tpu.memref_squeeze %dma_start3A_469 : memref<1x8x2048xf32, #tpu.memory_space<vmem>> -> memref<8x2048xf32, #tpu.memory_space<vmem>>
      %dma_start3A_471 = arith.constant 0 : i32
      %dma_start3A_472 = tpu.memref_slice %arg4[%add3A_348, %multiple_of3A_466, %dma_start3A_471] : memref<16x2048x2048xf32, #tpu.memory_space<hbm>> -> memref<1x8x2048xf32, #tpu.memory_space<hbm>>
      %dma_start3A_473 = tpu.memref_squeeze %dma_start3A_472 : memref<1x8x2048xf32, #tpu.memory_space<hbm>> -> memref<8x2048xf32, #tpu.memory_space<hbm>>
      %dma_start3A_474 = arith.constant 0 : i32
      %dma_start3A_475 = tpu.memref_slice %arg4[%add3A_348, %multiple_of3A_466, %dma_start3A_474] : memref<16x2048x2048xf32, #tpu.memory_space<hbm>> -> memref<1x8x2048xf32, #tpu.memory_space<hbm>>
      %dma_start3A_476 = tpu.memref_squeeze %dma_start3A_475 : memref<1x8x2048xf32, #tpu.memory_space<hbm>> -> memref<8x2048xf32, #tpu.memory_space<hbm>>
      %dma_start3A_477 = arith.constant 0 : i32
      %dma_start3A_478 = arith.constant 1152 : i32
      %dma_start3A_479 = tpu.memref_slice %arg8[%and3A_349, %dma_start3A_477, %dma_start3A_478] : memref<2x8x4096xf32, #tpu.memory_space<vmem>> -> memref<1x8x2048xf32, #tpu.memory_space<vmem>>
      %dma_start3A_480 = tpu.memref_squeeze %dma_start3A_479 : memref<1x8x2048xf32, #tpu.memory_space<vmem>> -> memref<8x2048xf32, #tpu.memory_space<vmem>>
      tpu.enqueue_dma source(%dma_start3A_480 : memref<8x2048xf32, #tpu.memory_space<vmem>>) target(%dma_start3A_476 : memref<8x2048xf32, #tpu.memory_space<hbm>>) target_semaphore(%arg9 : memref<!tpu.dma_semaphore, #tpu.memory_space<semaphore_mem>>)
      %mul3A_481 = arith.constant 8 : i32
      %mul3A_482 = arith.muli %mul3A_481, %arg1 : i32
      %add3A_483 = arith.constant 896 : i32
      %add3A_484 = arith.addi %mul3A_482, %add3A_483 : i32
      %multiple_of3A_485 = tpu.assume_multiple %add3A_484, 8 : i32
      %dma_start3A_486 = arith.constant 0 : i32
      %dma_start3A_487 = arith.constant 1024 : i32
      %dma_start3A_488 = tpu.memref_slice %arg8[%and3A_349, %dma_start3A_486, %dma_start3A_487] : memref<2x8x4096xf32, #tpu.memory_space<vmem>> -> memref<1x8x2048xf32, #tpu.memory_space<vmem>>
      %dma_start3A_489 = tpu.memref_squeeze %dma_start3A_488 : memref<1x8x2048xf32, #tpu.memory_space<vmem>> -> memref<8x2048xf32, #tpu.memory_space<vmem>>
      %dma_start3A_490 = arith.constant 0 : i32
      %dma_start3A_491 = tpu.memref_slice %arg4[%add3A_348, %multiple_of3A_485, %dma_start3A_490] : memref<16x2048x2048xf32, #tpu.memory_space<hbm>> -> memref<1x8x2048xf32, #tpu.memory_space<hbm>>
      %dma_start3A_492 = tpu.memref_squeeze %dma_start3A_491 : memref<1x8x2048xf32, #tpu.memory_space<hbm>> -> memref<8x2048xf32, #tpu.memory_space<hbm>>
      %dma_start3A_493 = arith.constant 0 : i32
      %dma_start3A_494 = tpu.memref_slice %arg4[%add3A_348, %multiple_of3A_485, %dma_start3A_493] : memref<16x2048x2048xf32, #tpu.memory_space<hbm>> -> memref<1x8x2048xf32, #tpu.memory_space<hbm>>
      %dma_start3A_495 = tpu.memref_squeeze %dma_start3A_494 : memref<1x8x2048xf32, #tpu.memory_space<hbm>> -> memref<8x2048xf32, #tpu.memory_space<hbm>>
      %dma_start3A_496 = arith.constant 0 : i32
      %dma_start3A_497 = arith.constant 1024 : i32
      %dma_start3A_498 = tpu.memref_slice %arg8[%and3A_349, %dma_start3A_496, %dma_start3A_497] : memref<2x8x4096xf32, #tpu.memory_space<vmem>> -> memref<1x8x2048xf32, #tpu.memory_space<vmem>>
      %dma_start3A_499 = tpu.memref_squeeze %dma_start3A_498 : memref<1x8x2048xf32, #tpu.memory_space<vmem>> -> memref<8x2048xf32, #tpu.memory_space<vmem>>
      tpu.enqueue_dma source(%dma_start3A_499 : memref<8x2048xf32, #tpu.memory_space<vmem>>) target(%dma_start3A_495 : memref<8x2048xf32, #tpu.memory_space<hbm>>) target_semaphore(%arg9 : memref<!tpu.dma_semaphore, #tpu.memory_space<semaphore_mem>>)
      %mul3A_500 = arith.constant 8 : i32
      %mul3A_501 = arith.muli %mul3A_500, %arg1 : i32
      %add3A_502 = arith.constant 1024 : i32
      %add3A_503 = arith.addi %mul3A_501, %add3A_502 : i32
      %multiple_of3A_504 = tpu.assume_multiple %add3A_503, 8 : i32
      %dma_start3A_505 = arith.constant 0 : i32
      %dma_start3A_506 = arith.constant 896 : i32
      %dma_start3A_507 = tpu.memref_slice %arg8[%and3A_349, %dma_start3A_505, %dma_start3A_506] : memref<2x8x4096xf32, #tpu.memory_space<vmem>> -> memref<1x8x2048xf32, #tpu.memory_space<vmem>>
      %dma_start3A_508 = tpu.memref_squeeze %dma_start3A_507 : memref<1x8x2048xf32, #tpu.memory_space<vmem>> -> memref<8x2048xf32, #tpu.memory_space<vmem>>
      %dma_start3A_509 = arith.constant 0 : i32
      %dma_start3A_510 = tpu.memref_slice %arg4[%add3A_348, %multiple_of3A_504, %dma_start3A_509] : memref<16x2048x2048xf32, #tpu.memory_space<hbm>> -> memref<1x8x2048xf32, #tpu.memory_space<hbm>>
      %dma_start3A_511 = tpu.memref_squeeze %dma_start3A_510 : memref<1x8x2048xf32, #tpu.memory_space<hbm>> -> memref<8x2048xf32, #tpu.memory_space<hbm>>
      %dma_start3A_512 = arith.constant 0 : i32
      %dma_start3A_513 = tpu.memref_slice %arg4[%add3A_348, %multiple_of3A_504, %dma_start3A_512] : memref<16x2048x2048xf32, #tpu.memory_space<hbm>> -> memref<1x8x2048xf32, #tpu.memory_space<hbm>>
      %dma_start3A_514 = tpu.memref_squeeze %dma_start3A_513 : memref<1x8x2048xf32, #tpu.memory_space<hbm>> -> memref<8x2048xf32, #tpu.memory_space<hbm>>
      %dma_start3A_515 = arith.constant 0 : i32
      %dma_start3A_516 = arith.constant 896 : i32
      %dma_start3A_517 = tpu.memref_slice %arg8[%and3A_349, %dma_start3A_515, %dma_start3A_516] : memref<2x8x4096xf32, #tpu.memory_space<vmem>> -> memref<1x8x2048xf32, #tpu.memory_space<vmem>>
      %dma_start3A_518 = tpu.memref_squeeze %dma_start3A_517 : memref<1x8x2048xf32, #tpu.memory_space<vmem>> -> memref<8x2048xf32, #tpu.memory_space<vmem>>
      tpu.enqueue_dma source(%dma_start3A_518 : memref<8x2048xf32, #tpu.memory_space<vmem>>) target(%dma_start3A_514 : memref<8x2048xf32, #tpu.memory_space<hbm>>) target_semaphore(%arg9 : memref<!tpu.dma_semaphore, #tpu.memory_space<semaphore_mem>>)
      %mul3A_519 = arith.constant 8 : i32
      %mul3A_520 = arith.muli %mul3A_519, %arg1 : i32
      %add3A_521 = arith.constant 1152 : i32
      %add3A_522 = arith.addi %mul3A_520, %add3A_521 : i32
      %multiple_of3A_523 = tpu.assume_multiple %add3A_522, 8 : i32
      %dma_start3A_524 = arith.constant 0 : i32
      %dma_start3A_525 = arith.constant 768 : i32
      %dma_start3A_526 = tpu.memref_slice %arg8[%and3A_349, %dma_start3A_524, %dma_start3A_525] : memref<2x8x4096xf32, #tpu.memory_space<vmem>> -> memref<1x8x2048xf32, #tpu.memory_space<vmem>>
      %dma_start3A_527 = tpu.memref_squeeze %dma_start3A_526 : memref<1x8x2048xf32, #tpu.memory_space<vmem>> -> memref<8x2048xf32, #tpu.memory_space<vmem>>
      %dma_start3A_528 = arith.constant 0 : i32
      %dma_start3A_529 = tpu.memref_slice %arg4[%add3A_348, %multiple_of3A_523, %dma_start3A_528] : memref<16x2048x2048xf32, #tpu.memory_space<hbm>> -> memref<1x8x2048xf32, #tpu.memory_space<hbm>>
      %dma_start3A_530 = tpu.memref_squeeze %dma_start3A_529 : memref<1x8x2048xf32, #tpu.memory_space<hbm>> -> memref<8x2048xf32, #tpu.memory_space<hbm>>
      %dma_start3A_531 = arith.constant 0 : i32
      %dma_start3A_532 = tpu.memref_slice %arg4[%add3A_348, %multiple_of3A_523, %dma_start3A_531] : memref<16x2048x2048xf32, #tpu.memory_space<hbm>> -> memref<1x8x2048xf32, #tpu.memory_space<hbm>>
      %dma_start3A_533 = tpu.memref_squeeze %dma_start3A_532 : memref<1x8x2048xf32, #tpu.memory_space<hbm>> -> memref<8x2048xf32, #tpu.memory_space<hbm>>
      %dma_start3A_534 = arith.constant 0 : i32
      %dma_start3A_535 = arith.constant 768 : i32
      %dma_start3A_536 = tpu.memref_slice %arg8[%and3A_349, %dma_start3A_534, %dma_start3A_535] : memref<2x8x4096xf32, #tpu.memory_space<vmem>> -> memref<1x8x2048xf32, #tpu.memory_space<vmem>>
      %dma_start3A_537 = tpu.memref_squeeze %dma_start3A_536 : memref<1x8x2048xf32, #tpu.memory_space<vmem>> -> memref<8x2048xf32, #tpu.memory_space<vmem>>
      tpu.enqueue_dma source(%dma_start3A_537 : memref<8x2048xf32, #tpu.memory_space<vmem>>) target(%dma_start3A_533 : memref<8x2048xf32, #tpu.memory_space<hbm>>) target_semaphore(%arg9 : memref<!tpu.dma_semaphore, #tpu.memory_space<semaphore_mem>>)
      %mul3A_538 = arith.constant 8 : i32
      %mul3A_539 = arith.muli %mul3A_538, %arg1 : i32
      %add3A_540 = arith.constant 1280 : i32
      %add3A_541 = arith.addi %mul3A_539, %add3A_540 : i32
      %multiple_of3A_542 = tpu.assume_multiple %add3A_541, 8 : i32
      %dma_start3A_543 = arith.constant 0 : i32
      %dma_start3A_544 = arith.constant 640 : i32
      %dma_start3A_545 = tpu.memref_slice %arg8[%and3A_349, %dma_start3A_543, %dma_start3A_544] : memref<2x8x4096xf32, #tpu.memory_space<vmem>> -> memref<1x8x2048xf32, #tpu.memory_space<vmem>>
      %dma_start3A_546 = tpu.memref_squeeze %dma_start3A_545 : memref<1x8x2048xf32, #tpu.memory_space<vmem>> -> memref<8x2048xf32, #tpu.memory_space<vmem>>
      %dma_start3A_547 = arith.constant 0 : i32
      %dma_start3A_548 = tpu.memref_slice %arg4[%add3A_348, %multiple_of3A_542, %dma_start3A_547] : memref<16x2048x2048xf32, #tpu.memory_space<hbm>> -> memref<1x8x2048xf32, #tpu.memory_space<hbm>>
      %dma_start3A_549 = tpu.memref_squeeze %dma_start3A_548 : memref<1x8x2048xf32, #tpu.memory_space<hbm>> -> memref<8x2048xf32, #tpu.memory_space<hbm>>
      %dma_start3A_550 = arith.constant 0 : i32
      %dma_start3A_551 = tpu.memref_slice %arg4[%add3A_348, %multiple_of3A_542, %dma_start3A_550] : memref<16x2048x2048xf32, #tpu.memory_space<hbm>> -> memref<1x8x2048xf32, #tpu.memory_space<hbm>>
      %dma_start3A_552 = tpu.memref_squeeze %dma_start3A_551 : memref<1x8x2048xf32, #tpu.memory_space<hbm>> -> memref<8x2048xf32, #tpu.memory_space<hbm>>
      %dma_start3A_553 = arith.constant 0 : i32
      %dma_start3A_554 = arith.constant 640 : i32
      %dma_start3A_555 = tpu.memref_slice %arg8[%and3A_349, %dma_start3A_553, %dma_start3A_554] : memref<2x8x4096xf32, #tpu.memory_space<vmem>> -> memref<1x8x2048xf32, #tpu.memory_space<vmem>>
      %dma_start3A_556 = tpu.memref_squeeze %dma_start3A_555 : memref<1x8x2048xf32, #tpu.memory_space<vmem>> -> memref<8x2048xf32, #tpu.memory_space<vmem>>
      tpu.enqueue_dma source(%dma_start3A_556 : memref<8x2048xf32, #tpu.memory_space<vmem>>) target(%dma_start3A_552 : memref<8x2048xf32, #tpu.memory_space<hbm>>) target_semaphore(%arg9 : memref<!tpu.dma_semaphore, #tpu.memory_space<semaphore_mem>>)
      %mul3A_557 = arith.constant 8 : i32
      %mul3A_558 = arith.muli %mul3A_557, %arg1 : i32
      %add3A_559 = arith.constant 1408 : i32
      %add3A_560 = arith.addi %mul3A_558, %add3A_559 : i32
      %multiple_of3A_561 = tpu.assume_multiple %add3A_560, 8 : i32
      %dma_start3A_562 = arith.constant 0 : i32
      %dma_start3A_563 = arith.constant 512 : i32
      %dma_start3A_564 = tpu.memref_slice %arg8[%and3A_349, %dma_start3A_562, %dma_start3A_563] : memref<2x8x4096xf32, #tpu.memory_space<vmem>> -> memref<1x8x2048xf32, #tpu.memory_space<vmem>>
      %dma_start3A_565 = tpu.memref_squeeze %dma_start3A_564 : memref<1x8x2048xf32, #tpu.memory_space<vmem>> -> memref<8x2048xf32, #tpu.memory_space<vmem>>
      %dma_start3A_566 = arith.constant 0 : i32
      %dma_start3A_567 = tpu.memref_slice %arg4[%add3A_348, %multiple_of3A_561, %dma_start3A_566] : memref<16x2048x2048xf32, #tpu.memory_space<hbm>> -> memref<1x8x2048xf32, #tpu.memory_space<hbm>>
      %dma_start3A_568 = tpu.memref_squeeze %dma_start3A_567 : memref<1x8x2048xf32, #tpu.memory_space<hbm>> -> memref<8x2048xf32, #tpu.memory_space<hbm>>
      %dma_start3A_569 = arith.constant 0 : i32
      %dma_start3A_570 = tpu.memref_slice %arg4[%add3A_348, %multiple_of3A_561, %dma_start3A_569] : memref<16x2048x2048xf32, #tpu.memory_space<hbm>> -> memref<1x8x2048xf32, #tpu.memory_space<hbm>>
      %dma_start3A_571 = tpu.memref_squeeze %dma_start3A_570 : memref<1x8x2048xf32, #tpu.memory_space<hbm>> -> memref<8x2048xf32, #tpu.memory_space<hbm>>
      %dma_start3A_572 = arith.constant 0 : i32
      %dma_start3A_573 = arith.constant 512 : i32
      %dma_start3A_574 = tpu.memref_slice %arg8[%and3A_349, %dma_start3A_572, %dma_start3A_573] : memref<2x8x4096xf32, #tpu.memory_space<vmem>> -> memref<1x8x2048xf32, #tpu.memory_space<vmem>>
      %dma_start3A_575 = tpu.memref_squeeze %dma_start3A_574 : memref<1x8x2048xf32, #tpu.memory_space<vmem>> -> memref<8x2048xf32, #tpu.memory_space<vmem>>
      tpu.enqueue_dma source(%dma_start3A_575 : memref<8x2048xf32, #tpu.memory_space<vmem>>) target(%dma_start3A_571 : memref<8x2048xf32, #tpu.memory_space<hbm>>) target_semaphore(%arg9 : memref<!tpu.dma_semaphore, #tpu.memory_space<semaphore_mem>>)
      %mul3A_576 = arith.constant 8 : i32
      %mul3A_577 = arith.muli %mul3A_576, %arg1 : i32
      %add3A_578 = arith.constant 1536 : i32
      %add3A_579 = arith.addi %mul3A_577, %add3A_578 : i32
      %multiple_of3A_580 = tpu.assume_multiple %add3A_579, 8 : i32
      %dma_start3A_581 = arith.constant 0 : i32
      %dma_start3A_582 = arith.constant 384 : i32
      %dma_start3A_583 = tpu.memref_slice %arg8[%and3A_349, %dma_start3A_581, %dma_start3A_582] : memref<2x8x4096xf32, #tpu.memory_space<vmem>> -> memref<1x8x2048xf32, #tpu.memory_space<vmem>>
      %dma_start3A_584 = tpu.memref_squeeze %dma_start3A_583 : memref<1x8x2048xf32, #tpu.memory_space<vmem>> -> memref<8x2048xf32, #tpu.memory_space<vmem>>
      %dma_start3A_585 = arith.constant 0 : i32
      %dma_start3A_586 = tpu.memref_slice %arg4[%add3A_348, %multiple_of3A_580, %dma_start3A_585] : memref<16x2048x2048xf32, #tpu.memory_space<hbm>> -> memref<1x8x2048xf32, #tpu.memory_space<hbm>>
      %dma_start3A_587 = tpu.memref_squeeze %dma_start3A_586 : memref<1x8x2048xf32, #tpu.memory_space<hbm>> -> memref<8x2048xf32, #tpu.memory_space<hbm>>
      %dma_start3A_588 = arith.constant 0 : i32
      %dma_start3A_589 = tpu.memref_slice %arg4[%add3A_348, %multiple_of3A_580, %dma_start3A_588] : memref<16x2048x2048xf32, #tpu.memory_space<hbm>> -> memref<1x8x2048xf32, #tpu.memory_space<hbm>>
      %dma_start3A_590 = tpu.memref_squeeze %dma_start3A_589 : memref<1x8x2048xf32, #tpu.memory_space<hbm>> -> memref<8x2048xf32, #tpu.memory_space<hbm>>
      %dma_start3A_591 = arith.constant 0 : i32
      %dma_start3A_592 = arith.constant 384 : i32
      %dma_start3A_593 = tpu.memref_slice %arg8[%and3A_349, %dma_start3A_591, %dma_start3A_592] : memref<2x8x4096xf32, #tpu.memory_space<vmem>> -> memref<1x8x2048xf32, #tpu.memory_space<vmem>>
      %dma_start3A_594 = tpu.memref_squeeze %dma_start3A_593 : memref<1x8x2048xf32, #tpu.memory_space<vmem>> -> memref<8x2048xf32, #tpu.memory_space<vmem>>
      tpu.enqueue_dma source(%dma_start3A_594 : memref<8x2048xf32, #tpu.memory_space<vmem>>) target(%dma_start3A_590 : memref<8x2048xf32, #tpu.memory_space<hbm>>) target_semaphore(%arg9 : memref<!tpu.dma_semaphore, #tpu.memory_space<semaphore_mem>>)
      %mul3A_595 = arith.constant 8 : i32
      %mul3A_596 = arith.muli %mul3A_595, %arg1 : i32
      %add3A_597 = arith.constant 1664 : i32
      %add3A_598 = arith.addi %mul3A_596, %add3A_597 : i32
      %multiple_of3A_599 = tpu.assume_multiple %add3A_598, 8 : i32
      %dma_start3A_600 = arith.constant 0 : i32
      %dma_start3A_601 = arith.constant 256 : i32
      %dma_start3A_602 = tpu.memref_slice %arg8[%and3A_349, %dma_start3A_600, %dma_start3A_601] : memref<2x8x4096xf32, #tpu.memory_space<vmem>> -> memref<1x8x2048xf32, #tpu.memory_space<vmem>>
      %dma_start3A_603 = tpu.memref_squeeze %dma_start3A_602 : memref<1x8x2048xf32, #tpu.memory_space<vmem>> -> memref<8x2048xf32, #tpu.memory_space<vmem>>
      %dma_start3A_604 = arith.constant 0 : i32
      %dma_start3A_605 = tpu.memref_slice %arg4[%add3A_348, %multiple_of3A_599, %dma_start3A_604] : memref<16x2048x2048xf32, #tpu.memory_space<hbm>> -> memref<1x8x2048xf32, #tpu.memory_space<hbm>>
      %dma_start3A_606 = tpu.memref_squeeze %dma_start3A_605 : memref<1x8x2048xf32, #tpu.memory_space<hbm>> -> memref<8x2048xf32, #tpu.memory_space<hbm>>
      %dma_start3A_607 = arith.constant 0 : i32
      %dma_start3A_608 = tpu.memref_slice %arg4[%add3A_348, %multiple_of3A_599, %dma_start3A_607] : memref<16x2048x2048xf32, #tpu.memory_space<hbm>> -> memref<1x8x2048xf32, #tpu.memory_space<hbm>>
      %dma_start3A_609 = tpu.memref_squeeze %dma_start3A_608 : memref<1x8x2048xf32, #tpu.memory_space<hbm>> -> memref<8x2048xf32, #tpu.memory_space<hbm>>
      %dma_start3A_610 = arith.constant 0 : i32
      %dma_start3A_611 = arith.constant 256 : i32
      %dma_start3A_612 = tpu.memref_slice %arg8[%and3A_349, %dma_start3A_610, %dma_start3A_611] : memref<2x8x4096xf32, #tpu.memory_space<vmem>> -> memref<1x8x2048xf32, #tpu.memory_space<vmem>>
      %dma_start3A_613 = tpu.memref_squeeze %dma_start3A_612 : memref<1x8x2048xf32, #tpu.memory_space<vmem>> -> memref<8x2048xf32, #tpu.memory_space<vmem>>
      tpu.enqueue_dma source(%dma_start3A_613 : memref<8x2048xf32, #tpu.memory_space<vmem>>) target(%dma_start3A_609 : memref<8x2048xf32, #tpu.memory_space<hbm>>) target_semaphore(%arg9 : memref<!tpu.dma_semaphore, #tpu.memory_space<semaphore_mem>>)
      %mul3A_614 = arith.constant 8 : i32
      %mul3A_615 = arith.muli %mul3A_614, %arg1 : i32
      %add3A_616 = arith.constant 1792 : i32
      %add3A_617 = arith.addi %mul3A_615, %add3A_616 : i32
      %multiple_of3A_618 = tpu.assume_multiple %add3A_617, 8 : i32
      %dma_start3A_619 = arith.constant 0 : i32
      %dma_start3A_620 = arith.constant 128 : i32
      %dma_start3A_621 = tpu.memref_slice %arg8[%and3A_349, %dma_start3A_619, %dma_start3A_620] : memref<2x8x4096xf32, #tpu.memory_space<vmem>> -> memref<1x8x2048xf32, #tpu.memory_space<vmem>>
      %dma_start3A_622 = tpu.memref_squeeze %dma_start3A_621 : memref<1x8x2048xf32, #tpu.memory_space<vmem>> -> memref<8x2048xf32, #tpu.memory_space<vmem>>
      %dma_start3A_623 = arith.constant 0 : i32
      %dma_start3A_624 = tpu.memref_slice %arg4[%add3A_348, %multiple_of3A_618, %dma_start3A_623] : memref<16x2048x2048xf32, #tpu.memory_space<hbm>> -> memref<1x8x2048xf32, #tpu.memory_space<hbm>>
      %dma_start3A_625 = tpu.memref_squeeze %dma_start3A_624 : memref<1x8x2048xf32, #tpu.memory_space<hbm>> -> memref<8x2048xf32, #tpu.memory_space<hbm>>
      %dma_start3A_626 = arith.constant 0 : i32
      %dma_start3A_627 = tpu.memref_slice %arg4[%add3A_348, %multiple_of3A_618, %dma_start3A_626] : memref<16x2048x2048xf32, #tpu.memory_space<hbm>> -> memref<1x8x2048xf32, #tpu.memory_space<hbm>>
      %dma_start3A_628 = tpu.memref_squeeze %dma_start3A_627 : memref<1x8x2048xf32, #tpu.memory_space<hbm>> -> memref<8x2048xf32, #tpu.memory_space<hbm>>
      %dma_start3A_629 = arith.constant 0 : i32
      %dma_start3A_630 = arith.constant 128 : i32
      %dma_start3A_631 = tpu.memref_slice %arg8[%and3A_349, %dma_start3A_629, %dma_start3A_630] : memref<2x8x4096xf32, #tpu.memory_space<vmem>> -> memref<1x8x2048xf32, #tpu.memory_space<vmem>>
      %dma_start3A_632 = tpu.memref_squeeze %dma_start3A_631 : memref<1x8x2048xf32, #tpu.memory_space<vmem>> -> memref<8x2048xf32, #tpu.memory_space<vmem>>
      tpu.enqueue_dma source(%dma_start3A_632 : memref<8x2048xf32, #tpu.memory_space<vmem>>) target(%dma_start3A_628 : memref<8x2048xf32, #tpu.memory_space<hbm>>) target_semaphore(%arg9 : memref<!tpu.dma_semaphore, #tpu.memory_space<semaphore_mem>>)
      %mul3A_633 = arith.constant 8 : i32
      %mul3A_634 = arith.muli %mul3A_633, %arg1 : i32
      %add3A_635 = arith.constant 1920 : i32
      %add3A_636 = arith.addi %mul3A_634, %add3A_635 : i32
      %multiple_of3A_637 = tpu.assume_multiple %add3A_636, 8 : i32
      %dma_start3A_638 = arith.constant 0 : i32
      %dma_start3A_639 = arith.constant 0 : i32
      %dma_start3A_640 = tpu.memref_slice %arg8[%and3A_349, %dma_start3A_638, %dma_start3A_639] : memref<2x8x4096xf32, #tpu.memory_space<vmem>> -> memref<1x8x2048xf32, #tpu.memory_space<vmem>>
      %dma_start3A_641 = tpu.memref_squeeze %dma_start3A_640 : memref<1x8x2048xf32, #tpu.memory_space<vmem>> -> memref<8x2048xf32, #tpu.memory_space<vmem>>
      %dma_start3A_642 = arith.constant 0 : i32
      %dma_start3A_643 = tpu.memref_slice %arg4[%add3A_348, %multiple_of3A_637, %dma_start3A_642] : memref<16x2048x2048xf32, #tpu.memory_space<hbm>> -> memref<1x8x2048xf32, #tpu.memory_space<hbm>>
      %dma_start3A_644 = tpu.memref_squeeze %dma_start3A_643 : memref<1x8x2048xf32, #tpu.memory_space<hbm>> -> memref<8x2048xf32, #tpu.memory_space<hbm>>
      %dma_start3A_645 = arith.constant 0 : i32
      %dma_start3A_646 = tpu.memref_slice %arg4[%add3A_348, %multiple_of3A_637, %dma_start3A_645] : memref<16x2048x2048xf32, #tpu.memory_space<hbm>> -> memref<1x8x2048xf32, #tpu.memory_space<hbm>>
      %dma_start3A_647 = tpu.memref_squeeze %dma_start3A_646 : memref<1x8x2048xf32, #tpu.memory_space<hbm>> -> memref<8x2048xf32, #tpu.memory_space<hbm>>
      %dma_start3A_648 = arith.constant 0 : i32
      %dma_start3A_649 = arith.constant 0 : i32
      %dma_start3A_650 = tpu.memref_slice %arg8[%and3A_349, %dma_start3A_648, %dma_start3A_649] : memref<2x8x4096xf32, #tpu.memory_space<vmem>> -> memref<1x8x2048xf32, #tpu.memory_space<vmem>>
      %dma_start3A_651 = tpu.memref_squeeze %dma_start3A_650 : memref<1x8x2048xf32, #tpu.memory_space<vmem>> -> memref<8x2048xf32, #tpu.memory_space<vmem>>
      tpu.enqueue_dma source(%dma_start3A_651 : memref<8x2048xf32, #tpu.memory_space<vmem>>) target(%dma_start3A_647 : memref<8x2048xf32, #tpu.memory_space<hbm>>) target_semaphore(%arg9 : memref<!tpu.dma_semaphore, #tpu.memory_space<semaphore_mem>>)
      %add3A_652 = arith.constant 1 : i32
      %add3A_653 = arith.addi %add3A_348, %add3A_652 : i32
      %add3A_654 = arith.constant 7 : i32
      %add3A_655 = arith.addi %mul3A_0, %add3A_654 : i32
      %min3A = arith.minsi %add3A_653, %add3A_655 : i32
      %sub3A_656 = arith.constant 1 : i32
      %sub3A_657 = arith.subi %sub3A_656, %and3A_349 : i32
      %broadcast_in_dim3A_658 = vector.broadcast %min3A : i32 to vector<16xi32>
      %add3A_659 = arith.constant 240 : i32
      %add3A_660 = vector.broadcast %add3A_659 : i32 to vector<16xi32>
      %add3A_661 = arith.addi %broadcast_in_dim3A_658, %add3A_660 : vector<16xi32>
      %gather3A_662 = tpu.vector_load_idx %arg5[%add3A_661] : memref<512xf32, #tpu.memory_space<vmem>>[vector<16xi32>], vector<16xf32>,
      %add3A_663 = arith.constant 496 : i32
      %add3A_664 = vector.broadcast %add3A_663 : i32 to vector<16xi32>
      %add3A_665 = arith.addi %broadcast_in_dim3A_658, %add3A_664 : vector<16xi32>
      %gather3A_666 = tpu.vector_load_idx %arg5[%add3A_665] : memref<512xf32, #tpu.memory_space<vmem>>[vector<16xi32>], vector<16xf32>,
      %sub3A_667 = arith.constant 0 : i32
      %sub3A_668 = arith.subi %sub3A_3, %sub3A_667 : i32
      %sub3A_669 = arith.constant 1941 : i32
      %sub3A_670 = arith.subi %sub3A_669, %sub3A_668 : i32
      %shift_right_arithmetic3A_671 = arith.constant 4 : i32
      %shift_right_arithmetic3A_672 = arith.shrsi %sub3A_670, %shift_right_arithmetic3A_671 : i32
      %add3A_673 = arith.constant 1 : i32
      %add3A_674 = arith.addi %shift_right_arithmetic3A_672, %add3A_673 : i32
      %sub3A_675 = arith.constant 2153 : i32
      %sub3A_676 = arith.subi %sub3A_675, %sub3A_668 : i32
      %shift_right_arithmetic3A_677 = arith.constant 4 : i32
      %shift_right_arithmetic3A_678 = arith.shrsi %sub3A_676, %shift_right_arithmetic3A_677 : i32
      %while3A_679 = arith.constant 0 : i32
      %while3A_680 = arith.constant 0 : i32
      %while3A_681 = arith.subi %add3A_674, %while3A_680 : i32
      %while3A_682 = arith.addi %while3A_680, %while3A_681 : i32
      %while3A_683 = arith.constant 1 : i32
      %while3A_684 = arith.divsi %while3A_681, %while3A_683 : i32
      %while3A_685 = arith.muli %while3A_684, %while3A_683 : i32
      %while3A_686 = arith.addi %while3A_680, %while3A_685 : i32
      %while3A_687 = arith.constant 1 : i32
      scf.for %while3A_1218 = %while3A_680 to %while3A_686 step %while3A_687  : i32 {
        %mul3A_1219 = arith.constant 16 : i32
        %mul3A_1220 = arith.muli %while3A_1218, %mul3A_1219 : i32
        %multiple_of3A_1221 = tpu.assume_multiple %mul3A_1220, 16 : i32
        %swap3A = arith.constant 0 : i32
        %swap3A_1222 = arith.index_cast %sub3A_657 : i32 to index
        %swap3A_1223 = arith.index_cast %swap3A : i32 to index
        %swap3A_1224 = arith.index_cast %multiple_of3A_1221 : i32 to index
        %swap3A_1225 = tpu.vector_load %arg8[%swap3A_1222, %swap3A_1223, %swap3A_1224] {strides = array<i32>} : memref<2x8x4096xf32, #tpu.memory_space<vmem>>, vector<16xf32>,
        tpu.vector_store %arg8[%swap3A_1222, %swap3A_1223, %swap3A_1224], %gather3A_662 {strides = array<i32>} : memref<2x8x4096xf32, #tpu.memory_space<vmem>>, vector<16xf32>,
      }
      %while3A_688 = arith.constant 1 : i32
      scf.for %while3A_1218 = %while3A_686 to %while3A_682 step %while3A_688  : i32 {
        %mul3A_1219 = arith.constant 16 : i32
        %mul3A_1220 = arith.muli %while3A_1218, %mul3A_1219 : i32
        %multiple_of3A_1221 = tpu.assume_multiple %mul3A_1220, 16 : i32
        %swap3A = arith.constant 0 : i32
        %swap3A_1222 = arith.index_cast %sub3A_657 : i32 to index
        %swap3A_1223 = arith.index_cast %swap3A : i32 to index
        %swap3A_1224 = arith.index_cast %multiple_of3A_1221 : i32 to index
        %swap3A_1225 = tpu.vector_load %arg8[%swap3A_1222, %swap3A_1223, %swap3A_1224] {strides = array<i32>} : memref<2x8x4096xf32, #tpu.memory_space<vmem>>, vector<16xf32>,
        tpu.vector_store %arg8[%swap3A_1222, %swap3A_1223, %swap3A_1224], %gather3A_662 {strides = array<i32>} : memref<2x8x4096xf32, #tpu.memory_space<vmem>>, vector<16xf32>,
      }
      %while3A_689 = arith.constant 0 : i32
      %while3A_690 = arith.subi %shift_right_arithmetic3A_678, %add3A_674 : i32
      %while3A_691 = arith.addi %add3A_674, %while3A_690 : i32
      %while3A_692 = arith.constant 1 : i32
      %while3A_693 = arith.divsi %while3A_690, %while3A_692 : i32
      %while3A_694 = arith.muli %while3A_693, %while3A_692 : i32
      %while3A_695 = arith.addi %add3A_674, %while3A_694 : i32
      %while3A_696 = arith.constant 1 : i32
      scf.for %while3A_1218 = %add3A_674 to %while3A_695 step %while3A_696  : i32 {
        %mul3A_1219 = arith.constant 16 : i32
        %mul3A_1220 = arith.muli %while3A_1218, %mul3A_1219 : i32
        %multiple_of3A_1221 = tpu.assume_multiple %mul3A_1220, 16 : i32
        %get3A = arith.constant 0 : i32
        %get3A_1222 = arith.index_cast %get3A : i32 to index
        %get3A_1223 = arith.index_cast %multiple_of3A_1221 : i32 to index
        %get3A_1224 = tpu.vector_load %arg7[%get3A_1222, %get3A_1223] {strides = array<i32>} : memref<8x4096xi32, #tpu.memory_space<vmem>>, vector<16xi32>,
        %add3A_1225 = arith.addi %get3A_1224, %broadcast_in_dim3A_658 : vector<16xi32>
        %gather3A_1226 = tpu.vector_load_idx %arg5[%add3A_1225] : memref<512xf32, #tpu.memory_space<vmem>>[vector<16xi32>], vector<16xf32>,
        %swap3A = arith.constant 0 : i32
        %swap3A_1227 = arith.index_cast %sub3A_657 : i32 to index
        %swap3A_1228 = arith.index_cast %swap3A : i32 to index
        %swap3A_1229 = arith.index_cast %multiple_of3A_1221 : i32 to index
        %swap3A_1230 = tpu.vector_load %arg8[%swap3A_1227, %swap3A_1228, %swap3A_1229] {strides = array<i32>} : memref<2x8x4096xf32, #tpu.memory_space<vmem>>, vector<16xf32>,
        tpu.vector_store %arg8[%swap3A_1227, %swap3A_1228, %swap3A_1229], %gather3A_1226 {strides = array<i32>} : memref<2x8x4096xf32, #tpu.memory_space<vmem>>, vector<16xf32>,
      }
      %while3A_697 = arith.constant 1 : i32
      scf.for %while3A_1218 = %while3A_695 to %while3A_691 step %while3A_697  : i32 {
        %mul3A_1219 = arith.constant 16 : i32
        %mul3A_1220 = arith.muli %while3A_1218, %mul3A_1219 : i32
        %multiple_of3A_1221 = tpu.assume_multiple %mul3A_1220, 16 : i32
        %get3A = arith.constant 0 : i32
        %get3A_1222 = arith.index_cast %get3A : i32 to index
        %get3A_1223 = arith.index_cast %multiple_of3A_1221 : i32 to index
        %get3A_1224 = tpu.vector_load %arg7[%get3A_1222, %get3A_1223] {strides = array<i32>} : memref<8x4096xi32, #tpu.memory_space<vmem>>, vector<16xi32>,
        %add3A_1225 = arith.addi %get3A_1224, %broadcast_in_dim3A_658 : vector<16xi32>
        %gather3A_1226 = tpu.vector_load_idx %arg5[%add3A_1225] : memref<512xf32, #tpu.memory_space<vmem>>[vector<16xi32>], vector<16xf32>,
        %swap3A = arith.constant 0 : i32
        %swap3A_1227 = arith.index_cast %sub3A_657 : i32 to index
        %swap3A_1228 = arith.index_cast %swap3A : i32 to index
        %swap3A_1229 = arith.index_cast %multiple_of3A_1221 : i32 to index
        %swap3A_1230 = tpu.vector_load %arg8[%swap3A_1227, %swap3A_1228, %swap3A_1229] {strides = array<i32>} : memref<2x8x4096xf32, #tpu.memory_space<vmem>>, vector<16xf32>,
        tpu.vector_store %arg8[%swap3A_1227, %swap3A_1228, %swap3A_1229], %gather3A_1226 {strides = array<i32>} : memref<2x8x4096xf32, #tpu.memory_space<vmem>>, vector<16xf32>,
      }
      %while3A_698 = arith.constant 0 : i32
      %while3A_699 = arith.constant 256 : i32
      %while3A_700 = arith.subi %while3A_699, %shift_right_arithmetic3A_678 : i32
      %while3A_701 = arith.addi %shift_right_arithmetic3A_678, %while3A_700 : i32
      %while3A_702 = arith.constant 1 : i32
      %while3A_703 = arith.divsi %while3A_700, %while3A_702 : i32
      %while3A_704 = arith.muli %while3A_703, %while3A_702 : i32
      %while3A_705 = arith.addi %shift_right_arithmetic3A_678, %while3A_704 : i32
      %while3A_706 = arith.constant 1 : i32
      scf.for %while3A_1218 = %shift_right_arithmetic3A_678 to %while3A_705 step %while3A_706  : i32 {
        %mul3A_1219 = arith.constant 16 : i32
        %mul3A_1220 = arith.muli %while3A_1218, %mul3A_1219 : i32
        %multiple_of3A_1221 = tpu.assume_multiple %mul3A_1220, 16 : i32
        %swap3A = arith.constant 0 : i32
        %swap3A_1222 = arith.index_cast %sub3A_657 : i32 to index
        %swap3A_1223 = arith.index_cast %swap3A : i32 to index
        %swap3A_1224 = arith.index_cast %multiple_of3A_1221 : i32 to index
        %swap3A_1225 = tpu.vector_load %arg8[%swap3A_1222, %swap3A_1223, %swap3A_1224] {strides = array<i32>} : memref<2x8x4096xf32, #tpu.memory_space<vmem>>, vector<16xf32>,
        tpu.vector_store %arg8[%swap3A_1222, %swap3A_1223, %swap3A_1224], %gather3A_666 {strides = array<i32>} : memref<2x8x4096xf32, #tpu.memory_space<vmem>>, vector<16xf32>,
      }
      %while3A_707 = arith.constant 1 : i32
      scf.for %while3A_1218 = %while3A_705 to %while3A_701 step %while3A_707  : i32 {
        %mul3A_1219 = arith.constant 16 : i32
        %mul3A_1220 = arith.muli %while3A_1218, %mul3A_1219 : i32
        %multiple_of3A_1221 = tpu.assume_multiple %mul3A_1220, 16 : i32
        %swap3A = arith.constant 0 : i32
        %swap3A_1222 = arith.index_cast %sub3A_657 : i32 to index
        %swap3A_1223 = arith.index_cast %swap3A : i32 to index
        %swap3A_1224 = arith.index_cast %multiple_of3A_1221 : i32 to index
        %swap3A_1225 = tpu.vector_load %arg8[%swap3A_1222, %swap3A_1223, %swap3A_1224] {strides = array<i32>} : memref<2x8x4096xf32, #tpu.memory_space<vmem>>, vector<16xf32>,
        tpu.vector_store %arg8[%swap3A_1222, %swap3A_1223, %swap3A_1224], %gather3A_666 {strides = array<i32>} : memref<2x8x4096xf32, #tpu.memory_space<vmem>>, vector<16xf32>,
      }
      %sub3A_708 = arith.constant 1 : i32
      %sub3A_709 = arith.subi %sub3A_3, %sub3A_708 : i32
      %sub3A_710 = arith.constant 1941 : i32
      %sub3A_711 = arith.subi %sub3A_710, %sub3A_709 : i32
      %shift_right_arithmetic3A_712 = arith.constant 4 : i32
      %shift_right_arithmetic3A_713 = arith.shrsi %sub3A_711, %shift_right_arithmetic3A_712 : i32
      %add3A_714 = arith.constant 1 : i32
      %add3A_715 = arith.addi %shift_right_arithmetic3A_713, %add3A_714 : i32
      %sub3A_716 = arith.constant 2153 : i32
      %sub3A_717 = arith.subi %sub3A_716, %sub3A_709 : i32
      %shift_right_arithmetic3A_718 = arith.constant 4 : i32
      %shift_right_arithmetic3A_719 = arith.shrsi %sub3A_717, %shift_right_arithmetic3A_718 : i32
      %while3A_720 = arith.constant 0 : i32
      %while3A_721 = arith.constant 0 : i32
      %while3A_722 = arith.subi %add3A_715, %while3A_721 : i32
      %while3A_723 = arith.addi %while3A_721, %while3A_722 : i32
      %while3A_724 = arith.constant 1 : i32
      %while3A_725 = arith.divsi %while3A_722, %while3A_724 : i32
      %while3A_726 = arith.muli %while3A_725, %while3A_724 : i32
      %while3A_727 = arith.addi %while3A_721, %while3A_726 : i32
      %while3A_728 = arith.constant 1 : i32
      scf.for %while3A_1218 = %while3A_721 to %while3A_727 step %while3A_728  : i32 {
        %mul3A_1219 = arith.constant 16 : i32
        %mul3A_1220 = arith.muli %while3A_1218, %mul3A_1219 : i32
        %multiple_of3A_1221 = tpu.assume_multiple %mul3A_1220, 16 : i32
        %swap3A = arith.constant 1 : i32
        %swap3A_1222 = arith.index_cast %sub3A_657 : i32 to index
        %swap3A_1223 = arith.index_cast %swap3A : i32 to index
        %swap3A_1224 = arith.index_cast %multiple_of3A_1221 : i32 to index
        %swap3A_1225 = tpu.vector_load %arg8[%swap3A_1222, %swap3A_1223, %swap3A_1224] {strides = array<i32>} : memref<2x8x4096xf32, #tpu.memory_space<vmem>>, vector<16xf32>,
        tpu.vector_store %arg8[%swap3A_1222, %swap3A_1223, %swap3A_1224], %gather3A_662 {strides = array<i32>} : memref<2x8x4096xf32, #tpu.memory_space<vmem>>, vector<16xf32>,
      }
      %while3A_729 = arith.constant 1 : i32
      scf.for %while3A_1218 = %while3A_727 to %while3A_723 step %while3A_729  : i32 {
        %mul3A_1219 = arith.constant 16 : i32
        %mul3A_1220 = arith.muli %while3A_1218, %mul3A_1219 : i32
        %multiple_of3A_1221 = tpu.assume_multiple %mul3A_1220, 16 : i32
        %swap3A = arith.constant 1 : i32
        %swap3A_1222 = arith.index_cast %sub3A_657 : i32 to index
        %swap3A_1223 = arith.index_cast %swap3A : i32 to index
        %swap3A_1224 = arith.index_cast %multiple_of3A_1221 : i32 to index
        %swap3A_1225 = tpu.vector_load %arg8[%swap3A_1222, %swap3A_1223, %swap3A_1224] {strides = array<i32>} : memref<2x8x4096xf32, #tpu.memory_space<vmem>>, vector<16xf32>,
        tpu.vector_store %arg8[%swap3A_1222, %swap3A_1223, %swap3A_1224], %gather3A_662 {strides = array<i32>} : memref<2x8x4096xf32, #tpu.memory_space<vmem>>, vector<16xf32>,
      }
      %while3A_730 = arith.constant 0 : i32
      %while3A_731 = arith.subi %shift_right_arithmetic3A_719, %add3A_715 : i32
      %while3A_732 = arith.addi %add3A_715, %while3A_731 : i32
      %while3A_733 = arith.constant 1 : i32
      %while3A_734 = arith.divsi %while3A_731, %while3A_733 : i32
      %while3A_735 = arith.muli %while3A_734, %while3A_733 : i32
      %while3A_736 = arith.addi %add3A_715, %while3A_735 : i32
      %while3A_737 = arith.constant 1 : i32
      scf.for %while3A_1218 = %add3A_715 to %while3A_736 step %while3A_737  : i32 {
        %mul3A_1219 = arith.constant 16 : i32
        %mul3A_1220 = arith.muli %while3A_1218, %mul3A_1219 : i32
        %multiple_of3A_1221 = tpu.assume_multiple %mul3A_1220, 16 : i32
        %get3A = arith.constant 1 : i32
        %get3A_1222 = arith.index_cast %get3A : i32 to index
        %get3A_1223 = arith.index_cast %multiple_of3A_1221 : i32 to index
        %get3A_1224 = tpu.vector_load %arg7[%get3A_1222, %get3A_1223] {strides = array<i32>} : memref<8x4096xi32, #tpu.memory_space<vmem>>, vector<16xi32>,
        %add3A_1225 = arith.addi %get3A_1224, %broadcast_in_dim3A_658 : vector<16xi32>
        %gather3A_1226 = tpu.vector_load_idx %arg5[%add3A_1225] : memref<512xf32, #tpu.memory_space<vmem>>[vector<16xi32>], vector<16xf32>,
        %swap3A = arith.constant 1 : i32
        %swap3A_1227 = arith.index_cast %sub3A_657 : i32 to index
        %swap3A_1228 = arith.index_cast %swap3A : i32 to index
        %swap3A_1229 = arith.index_cast %multiple_of3A_1221 : i32 to index
        %swap3A_1230 = tpu.vector_load %arg8[%swap3A_1227, %swap3A_1228, %swap3A_1229] {strides = array<i32>} : memref<2x8x4096xf32, #tpu.memory_space<vmem>>, vector<16xf32>,
        tpu.vector_store %arg8[%swap3A_1227, %swap3A_1228, %swap3A_1229], %gather3A_1226 {strides = array<i32>} : memref<2x8x4096xf32, #tpu.memory_space<vmem>>, vector<16xf32>,
      }
      %while3A_738 = arith.constant 1 : i32
      scf.for %while3A_1218 = %while3A_736 to %while3A_732 step %while3A_738  : i32 {
        %mul3A_1219 = arith.constant 16 : i32
        %mul3A_1220 = arith.muli %while3A_1218, %mul3A_1219 : i32
        %multiple_of3A_1221 = tpu.assume_multiple %mul3A_1220, 16 : i32
        %get3A = arith.constant 1 : i32
        %get3A_1222 = arith.index_cast %get3A : i32 to index
        %get3A_1223 = arith.index_cast %multiple_of3A_1221 : i32 to index
        %get3A_1224 = tpu.vector_load %arg7[%get3A_1222, %get3A_1223] {strides = array<i32>} : memref<8x4096xi32, #tpu.memory_space<vmem>>, vector<16xi32>,
        %add3A_1225 = arith.addi %get3A_1224, %broadcast_in_dim3A_658 : vector<16xi32>
        %gather3A_1226 = tpu.vector_load_idx %arg5[%add3A_1225] : memref<512xf32, #tpu.memory_space<vmem>>[vector<16xi32>], vector<16xf32>,
        %swap3A = arith.constant 1 : i32
        %swap3A_1227 = arith.index_cast %sub3A_657 : i32 to index
        %swap3A_1228 = arith.index_cast %swap3A : i32 to index
        %swap3A_1229 = arith.index_cast %multiple_of3A_1221 : i32 to index
        %swap3A_1230 = tpu.vector_load %arg8[%swap3A_1227, %swap3A_1228, %swap3A_1229] {strides = array<i32>} : memref<2x8x4096xf32, #tpu.memory_space<vmem>>, vector<16xf32>,
        tpu.vector_store %arg8[%swap3A_1227, %swap3A_1228, %swap3A_1229], %gather3A_1226 {strides = array<i32>} : memref<2x8x4096xf32, #tpu.memory_space<vmem>>, vector<16xf32>,
      }
      %while3A_739 = arith.constant 0 : i32
      %while3A_740 = arith.constant 256 : i32
      %while3A_741 = arith.subi %while3A_740, %shift_right_arithmetic3A_719 : i32
      %while3A_742 = arith.addi %shift_right_arithmetic3A_719, %while3A_741 : i32
      %while3A_743 = arith.constant 1 : i32
      %while3A_744 = arith.divsi %while3A_741, %while3A_743 : i32
      %while3A_745 = arith.muli %while3A_744, %while3A_743 : i32
      %while3A_746 = arith.addi %shift_right_arithmetic3A_719, %while3A_745 : i32
      %while3A_747 = arith.constant 1 : i32
      scf.for %while3A_1218 = %shift_right_arithmetic3A_719 to %while3A_746 step %while3A_747  : i32 {
        %mul3A_1219 = arith.constant 16 : i32
        %mul3A_1220 = arith.muli %while3A_1218, %mul3A_1219 : i32
        %multiple_of3A_1221 = tpu.assume_multiple %mul3A_1220, 16 : i32
        %swap3A = arith.constant 1 : i32
        %swap3A_1222 = arith.index_cast %sub3A_657 : i32 to index
        %swap3A_1223 = arith.index_cast %swap3A : i32 to index
        %swap3A_1224 = arith.index_cast %multiple_of3A_1221 : i32 to index
        %swap3A_1225 = tpu.vector_load %arg8[%swap3A_1222, %swap3A_1223, %swap3A_1224] {strides = array<i32>} : memref<2x8x4096xf32, #tpu.memory_space<vmem>>, vector<16xf32>,
        tpu.vector_store %arg8[%swap3A_1222, %swap3A_1223, %swap3A_1224], %gather3A_666 {strides = array<i32>} : memref<2x8x4096xf32, #tpu.memory_space<vmem>>, vector<16xf32>,
      }
      %while3A_748 = arith.constant 1 : i32
      scf.for %while3A_1218 = %while3A_746 to %while3A_742 step %while3A_748  : i32 {
        %mul3A_1219 = arith.constant 16 : i32
        %mul3A_1220 = arith.muli %while3A_1218, %mul3A_1219 : i32
        %multiple_of3A_1221 = tpu.assume_multiple %mul3A_1220, 16 : i32
        %swap3A = arith.constant 1 : i32
        %swap3A_1222 = arith.index_cast %sub3A_657 : i32 to index
        %swap3A_1223 = arith.index_cast %swap3A : i32 to index
        %swap3A_1224 = arith.index_cast %multiple_of3A_1221 : i32 to index
        %swap3A_1225 = tpu.vector_load %arg8[%swap3A_1222, %swap3A_1223, %swap3A_1224] {strides = array<i32>} : memref<2x8x4096xf32, #tpu.memory_space<vmem>>, vector<16xf32>,
        tpu.vector_store %arg8[%swap3A_1222, %swap3A_1223, %swap3A_1224], %gather3A_666 {strides = array<i32>} : memref<2x8x4096xf32, #tpu.memory_space<vmem>>, vector<16xf32>,
      }
      %sub3A_749 = arith.constant 2 : i32
      %sub3A_750 = arith.subi %sub3A_3, %sub3A_749 : i32
      %sub3A_751 = arith.constant 1941 : i32
      %sub3A_752 = arith.subi %sub3A_751, %sub3A_750 : i32
      %shift_right_arithmetic3A_753 = arith.constant 4 : i32
      %shift_right_arithmetic3A_754 = arith.shrsi %sub3A_752, %shift_right_arithmetic3A_753 : i32
      %add3A_755 = arith.constant 1 : i32
      %add3A_756 = arith.addi %shift_right_arithmetic3A_754, %add3A_755 : i32
      %sub3A_757 = arith.constant 2153 : i32
      %sub3A_758 = arith.subi %sub3A_757, %sub3A_750 : i32
      %shift_right_arithmetic3A_759 = arith.constant 4 : i32
      %shift_right_arithmetic3A_760 = arith.shrsi %sub3A_758, %shift_right_arithmetic3A_759 : i32
      %while3A_761 = arith.constant 0 : i32
      %while3A_762 = arith.constant 0 : i32
      %while3A_763 = arith.subi %add3A_756, %while3A_762 : i32
      %while3A_764 = arith.addi %while3A_762, %while3A_763 : i32
      %while3A_765 = arith.constant 1 : i32
      %while3A_766 = arith.divsi %while3A_763, %while3A_765 : i32
      %while3A_767 = arith.muli %while3A_766, %while3A_765 : i32
      %while3A_768 = arith.addi %while3A_762, %while3A_767 : i32
      %while3A_769 = arith.constant 1 : i32
      scf.for %while3A_1218 = %while3A_762 to %while3A_768 step %while3A_769  : i32 {
        %mul3A_1219 = arith.constant 16 : i32
        %mul3A_1220 = arith.muli %while3A_1218, %mul3A_1219 : i32
        %multiple_of3A_1221 = tpu.assume_multiple %mul3A_1220, 16 : i32
        %swap3A = arith.constant 2 : i32
        %swap3A_1222 = arith.index_cast %sub3A_657 : i32 to index
        %swap3A_1223 = arith.index_cast %swap3A : i32 to index
        %swap3A_1224 = arith.index_cast %multiple_of3A_1221 : i32 to index
        %swap3A_1225 = tpu.vector_load %arg8[%swap3A_1222, %swap3A_1223, %swap3A_1224] {strides = array<i32>} : memref<2x8x4096xf32, #tpu.memory_space<vmem>>, vector<16xf32>,
        tpu.vector_store %arg8[%swap3A_1222, %swap3A_1223, %swap3A_1224], %gather3A_662 {strides = array<i32>} : memref<2x8x4096xf32, #tpu.memory_space<vmem>>, vector<16xf32>,
      }
      %while3A_770 = arith.constant 1 : i32
      scf.for %while3A_1218 = %while3A_768 to %while3A_764 step %while3A_770  : i32 {
        %mul3A_1219 = arith.constant 16 : i32
        %mul3A_1220 = arith.muli %while3A_1218, %mul3A_1219 : i32
        %multiple_of3A_1221 = tpu.assume_multiple %mul3A_1220, 16 : i32
        %swap3A = arith.constant 2 : i32
        %swap3A_1222 = arith.index_cast %sub3A_657 : i32 to index
        %swap3A_1223 = arith.index_cast %swap3A : i32 to index
        %swap3A_1224 = arith.index_cast %multiple_of3A_1221 : i32 to index
        %swap3A_1225 = tpu.vector_load %arg8[%swap3A_1222, %swap3A_1223, %swap3A_1224] {strides = array<i32>} : memref<2x8x4096xf32, #tpu.memory_space<vmem>>, vector<16xf32>,
        tpu.vector_store %arg8[%swap3A_1222, %swap3A_1223, %swap3A_1224], %gather3A_662 {strides = array<i32>} : memref<2x8x4096xf32, #tpu.memory_space<vmem>>, vector<16xf32>,
      }
      %while3A_771 = arith.constant 0 : i32
      %while3A_772 = arith.subi %shift_right_arithmetic3A_760, %add3A_756 : i32
      %while3A_773 = arith.addi %add3A_756, %while3A_772 : i32
      %while3A_774 = arith.constant 1 : i32
      %while3A_775 = arith.divsi %while3A_772, %while3A_774 : i32
      %while3A_776 = arith.muli %while3A_775, %while3A_774 : i32
      %while3A_777 = arith.addi %add3A_756, %while3A_776 : i32
      %while3A_778 = arith.constant 1 : i32
      scf.for %while3A_1218 = %add3A_756 to %while3A_777 step %while3A_778  : i32 {
        %mul3A_1219 = arith.constant 16 : i32
        %mul3A_1220 = arith.muli %while3A_1218, %mul3A_1219 : i32
        %multiple_of3A_1221 = tpu.assume_multiple %mul3A_1220, 16 : i32
        %get3A = arith.constant 2 : i32
        %get3A_1222 = arith.index_cast %get3A : i32 to index
        %get3A_1223 = arith.index_cast %multiple_of3A_1221 : i32 to index
        %get3A_1224 = tpu.vector_load %arg7[%get3A_1222, %get3A_1223] {strides = array<i32>} : memref<8x4096xi32, #tpu.memory_space<vmem>>, vector<16xi32>,
        %add3A_1225 = arith.addi %get3A_1224, %broadcast_in_dim3A_658 : vector<16xi32>
        %gather3A_1226 = tpu.vector_load_idx %arg5[%add3A_1225] : memref<512xf32, #tpu.memory_space<vmem>>[vector<16xi32>], vector<16xf32>,
        %swap3A = arith.constant 2 : i32
        %swap3A_1227 = arith.index_cast %sub3A_657 : i32 to index
        %swap3A_1228 = arith.index_cast %swap3A : i32 to index
        %swap3A_1229 = arith.index_cast %multiple_of3A_1221 : i32 to index
        %swap3A_1230 = tpu.vector_load %arg8[%swap3A_1227, %swap3A_1228, %swap3A_1229] {strides = array<i32>} : memref<2x8x4096xf32, #tpu.memory_space<vmem>>, vector<16xf32>,
        tpu.vector_store %arg8[%swap3A_1227, %swap3A_1228, %swap3A_1229], %gather3A_1226 {strides = array<i32>} : memref<2x8x4096xf32, #tpu.memory_space<vmem>>, vector<16xf32>,
      }
      %while3A_779 = arith.constant 1 : i32
      scf.for %while3A_1218 = %while3A_777 to %while3A_773 step %while3A_779  : i32 {
        %mul3A_1219 = arith.constant 16 : i32
        %mul3A_1220 = arith.muli %while3A_1218, %mul3A_1219 : i32
        %multiple_of3A_1221 = tpu.assume_multiple %mul3A_1220, 16 : i32
        %get3A = arith.constant 2 : i32
        %get3A_1222 = arith.index_cast %get3A : i32 to index
        %get3A_1223 = arith.index_cast %multiple_of3A_1221 : i32 to index
        %get3A_1224 = tpu.vector_load %arg7[%get3A_1222, %get3A_1223] {strides = array<i32>} : memref<8x4096xi32, #tpu.memory_space<vmem>>, vector<16xi32>,
        %add3A_1225 = arith.addi %get3A_1224, %broadcast_in_dim3A_658 : vector<16xi32>
        %gather3A_1226 = tpu.vector_load_idx %arg5[%add3A_1225] : memref<512xf32, #tpu.memory_space<vmem>>[vector<16xi32>], vector<16xf32>,
        %swap3A = arith.constant 2 : i32
        %swap3A_1227 = arith.index_cast %sub3A_657 : i32 to index
        %swap3A_1228 = arith.index_cast %swap3A : i32 to index
        %swap3A_1229 = arith.index_cast %multiple_of3A_1221 : i32 to index
        %swap3A_1230 = tpu.vector_load %arg8[%swap3A_1227, %swap3A_1228, %swap3A_1229] {strides = array<i32>} : memref<2x8x4096xf32, #tpu.memory_space<vmem>>, vector<16xf32>,
        tpu.vector_store %arg8[%swap3A_1227, %swap3A_1228, %swap3A_1229], %gather3A_1226 {strides = array<i32>} : memref<2x8x4096xf32, #tpu.memory_space<vmem>>, vector<16xf32>,
      }
      %while3A_780 = arith.constant 0 : i32
      %while3A_781 = arith.constant 256 : i32
      %while3A_782 = arith.subi %while3A_781, %shift_right_arithmetic3A_760 : i32
      %while3A_783 = arith.addi %shift_right_arithmetic3A_760, %while3A_782 : i32
      %while3A_784 = arith.constant 1 : i32
      %while3A_785 = arith.divsi %while3A_782, %while3A_784 : i32
      %while3A_786 = arith.muli %while3A_785, %while3A_784 : i32
      %while3A_787 = arith.addi %shift_right_arithmetic3A_760, %while3A_786 : i32
      %while3A_788 = arith.constant 1 : i32
      scf.for %while3A_1218 = %shift_right_arithmetic3A_760 to %while3A_787 step %while3A_788  : i32 {
        %mul3A_1219 = arith.constant 16 : i32
        %mul3A_1220 = arith.muli %while3A_1218, %mul3A_1219 : i32
        %multiple_of3A_1221 = tpu.assume_multiple %mul3A_1220, 16 : i32
        %swap3A = arith.constant 2 : i32
        %swap3A_1222 = arith.index_cast %sub3A_657 : i32 to index
        %swap3A_1223 = arith.index_cast %swap3A : i32 to index
        %swap3A_1224 = arith.index_cast %multiple_of3A_1221 : i32 to index
        %swap3A_1225 = tpu.vector_load %arg8[%swap3A_1222, %swap3A_1223, %swap3A_1224] {strides = array<i32>} : memref<2x8x4096xf32, #tpu.memory_space<vmem>>, vector<16xf32>,
        tpu.vector_store %arg8[%swap3A_1222, %swap3A_1223, %swap3A_1224], %gather3A_666 {strides = array<i32>} : memref<2x8x4096xf32, #tpu.memory_space<vmem>>, vector<16xf32>,
      }
      %while3A_789 = arith.constant 1 : i32
      scf.for %while3A_1218 = %while3A_787 to %while3A_783 step %while3A_789  : i32 {
        %mul3A_1219 = arith.constant 16 : i32
        %mul3A_1220 = arith.muli %while3A_1218, %mul3A_1219 : i32
        %multiple_of3A_1221 = tpu.assume_multiple %mul3A_1220, 16 : i32
        %swap3A = arith.constant 2 : i32
        %swap3A_1222 = arith.index_cast %sub3A_657 : i32 to index
        %swap3A_1223 = arith.index_cast %swap3A : i32 to index
        %swap3A_1224 = arith.index_cast %multiple_of3A_1221 : i32 to index
        %swap3A_1225 = tpu.vector_load %arg8[%swap3A_1222, %swap3A_1223, %swap3A_1224] {strides = array<i32>} : memref<2x8x4096xf32, #tpu.memory_space<vmem>>, vector<16xf32>,
        tpu.vector_store %arg8[%swap3A_1222, %swap3A_1223, %swap3A_1224], %gather3A_666 {strides = array<i32>} : memref<2x8x4096xf32, #tpu.memory_space<vmem>>, vector<16xf32>,
      }
      %sub3A_790 = arith.constant 3 : i32
      %sub3A_791 = arith.subi %sub3A_3, %sub3A_790 : i32
      %sub3A_792 = arith.constant 1941 : i32
      %sub3A_793 = arith.subi %sub3A_792, %sub3A_791 : i32
      %shift_right_arithmetic3A_794 = arith.constant 4 : i32
      %shift_right_arithmetic3A_795 = arith.shrsi %sub3A_793, %shift_right_arithmetic3A_794 : i32
      %add3A_796 = arith.constant 1 : i32
      %add3A_797 = arith.addi %shift_right_arithmetic3A_795, %add3A_796 : i32
      %sub3A_798 = arith.constant 2153 : i32
      %sub3A_799 = arith.subi %sub3A_798, %sub3A_791 : i32
      %shift_right_arithmetic3A_800 = arith.constant 4 : i32
      %shift_right_arithmetic3A_801 = arith.shrsi %sub3A_799, %shift_right_arithmetic3A_800 : i32
      %while3A_802 = arith.constant 0 : i32
      %while3A_803 = arith.constant 0 : i32
      %while3A_804 = arith.subi %add3A_797, %while3A_803 : i32
      %while3A_805 = arith.addi %while3A_803, %while3A_804 : i32
      %while3A_806 = arith.constant 1 : i32
      %while3A_807 = arith.divsi %while3A_804, %while3A_806 : i32
      %while3A_808 = arith.muli %while3A_807, %while3A_806 : i32
      %while3A_809 = arith.addi %while3A_803, %while3A_808 : i32
      %while3A_810 = arith.constant 1 : i32
      scf.for %while3A_1218 = %while3A_803 to %while3A_809 step %while3A_810  : i32 {
        %mul3A_1219 = arith.constant 16 : i32
        %mul3A_1220 = arith.muli %while3A_1218, %mul3A_1219 : i32
        %multiple_of3A_1221 = tpu.assume_multiple %mul3A_1220, 16 : i32
        %swap3A = arith.constant 3 : i32
        %swap3A_1222 = arith.index_cast %sub3A_657 : i32 to index
        %swap3A_1223 = arith.index_cast %swap3A : i32 to index
        %swap3A_1224 = arith.index_cast %multiple_of3A_1221 : i32 to index
        %swap3A_1225 = tpu.vector_load %arg8[%swap3A_1222, %swap3A_1223, %swap3A_1224] {strides = array<i32>} : memref<2x8x4096xf32, #tpu.memory_space<vmem>>, vector<16xf32>,
        tpu.vector_store %arg8[%swap3A_1222, %swap3A_1223, %swap3A_1224], %gather3A_662 {strides = array<i32>} : memref<2x8x4096xf32, #tpu.memory_space<vmem>>, vector<16xf32>,
      }
      %while3A_811 = arith.constant 1 : i32
      scf.for %while3A_1218 = %while3A_809 to %while3A_805 step %while3A_811  : i32 {
        %mul3A_1219 = arith.constant 16 : i32
        %mul3A_1220 = arith.muli %while3A_1218, %mul3A_1219 : i32
        %multiple_of3A_1221 = tpu.assume_multiple %mul3A_1220, 16 : i32
        %swap3A = arith.constant 3 : i32
        %swap3A_1222 = arith.index_cast %sub3A_657 : i32 to index
        %swap3A_1223 = arith.index_cast %swap3A : i32 to index
        %swap3A_1224 = arith.index_cast %multiple_of3A_1221 : i32 to index
        %swap3A_1225 = tpu.vector_load %arg8[%swap3A_1222, %swap3A_1223, %swap3A_1224] {strides = array<i32>} : memref<2x8x4096xf32, #tpu.memory_space<vmem>>, vector<16xf32>,
        tpu.vector_store %arg8[%swap3A_1222, %swap3A_1223, %swap3A_1224], %gather3A_662 {strides = array<i32>} : memref<2x8x4096xf32, #tpu.memory_space<vmem>>, vector<16xf32>,
      }
      %while3A_812 = arith.constant 0 : i32
      %while3A_813 = arith.subi %shift_right_arithmetic3A_801, %add3A_797 : i32
      %while3A_814 = arith.addi %add3A_797, %while3A_813 : i32
      %while3A_815 = arith.constant 1 : i32
      %while3A_816 = arith.divsi %while3A_813, %while3A_815 : i32
      %while3A_817 = arith.muli %while3A_816, %while3A_815 : i32
      %while3A_818 = arith.addi %add3A_797, %while3A_817 : i32
      %while3A_819 = arith.constant 1 : i32
      scf.for %while3A_1218 = %add3A_797 to %while3A_818 step %while3A_819  : i32 {
        %mul3A_1219 = arith.constant 16 : i32
        %mul3A_1220 = arith.muli %while3A_1218, %mul3A_1219 : i32
        %multiple_of3A_1221 = tpu.assume_multiple %mul3A_1220, 16 : i32
        %get3A = arith.constant 3 : i32
        %get3A_1222 = arith.index_cast %get3A : i32 to index
        %get3A_1223 = arith.index_cast %multiple_of3A_1221 : i32 to index
        %get3A_1224 = tpu.vector_load %arg7[%get3A_1222, %get3A_1223] {strides = array<i32>} : memref<8x4096xi32, #tpu.memory_space<vmem>>, vector<16xi32>,
        %add3A_1225 = arith.addi %get3A_1224, %broadcast_in_dim3A_658 : vector<16xi32>
        %gather3A_1226 = tpu.vector_load_idx %arg5[%add3A_1225] : memref<512xf32, #tpu.memory_space<vmem>>[vector<16xi32>], vector<16xf32>,
        %swap3A = arith.constant 3 : i32
        %swap3A_1227 = arith.index_cast %sub3A_657 : i32 to index
        %swap3A_1228 = arith.index_cast %swap3A : i32 to index
        %swap3A_1229 = arith.index_cast %multiple_of3A_1221 : i32 to index
        %swap3A_1230 = tpu.vector_load %arg8[%swap3A_1227, %swap3A_1228, %swap3A_1229] {strides = array<i32>} : memref<2x8x4096xf32, #tpu.memory_space<vmem>>, vector<16xf32>,
        tpu.vector_store %arg8[%swap3A_1227, %swap3A_1228, %swap3A_1229], %gather3A_1226 {strides = array<i32>} : memref<2x8x4096xf32, #tpu.memory_space<vmem>>, vector<16xf32>,
      }
      %while3A_820 = arith.constant 1 : i32
      scf.for %while3A_1218 = %while3A_818 to %while3A_814 step %while3A_820  : i32 {
        %mul3A_1219 = arith.constant 16 : i32
        %mul3A_1220 = arith.muli %while3A_1218, %mul3A_1219 : i32
        %multiple_of3A_1221 = tpu.assume_multiple %mul3A_1220, 16 : i32
        %get3A = arith.constant 3 : i32
        %get3A_1222 = arith.index_cast %get3A : i32 to index
        %get3A_1223 = arith.index_cast %multiple_of3A_1221 : i32 to index
        %get3A_1224 = tpu.vector_load %arg7[%get3A_1222, %get3A_1223] {strides = array<i32>} : memref<8x4096xi32, #tpu.memory_space<vmem>>, vector<16xi32>,
        %add3A_1225 = arith.addi %get3A_1224, %broadcast_in_dim3A_658 : vector<16xi32>
        %gather3A_1226 = tpu.vector_load_idx %arg5[%add3A_1225] : memref<512xf32, #tpu.memory_space<vmem>>[vector<16xi32>], vector<16xf32>,
        %swap3A = arith.constant 3 : i32
        %swap3A_1227 = arith.index_cast %sub3A_657 : i32 to index
        %swap3A_1228 = arith.index_cast %swap3A : i32 to index
        %swap3A_1229 = arith.index_cast %multiple_of3A_1221 : i32 to index
        %swap3A_1230 = tpu.vector_load %arg8[%swap3A_1227, %swap3A_1228, %swap3A_1229] {strides = array<i32>} : memref<2x8x4096xf32, #tpu.memory_space<vmem>>, vector<16xf32>,
        tpu.vector_store %arg8[%swap3A_1227, %swap3A_1228, %swap3A_1229], %gather3A_1226 {strides = array<i32>} : memref<2x8x4096xf32, #tpu.memory_space<vmem>>, vector<16xf32>,
      }
      %while3A_821 = arith.constant 0 : i32
      %while3A_822 = arith.constant 256 : i32
      %while3A_823 = arith.subi %while3A_822, %shift_right_arithmetic3A_801 : i32
      %while3A_824 = arith.addi %shift_right_arithmetic3A_801, %while3A_823 : i32
      %while3A_825 = arith.constant 1 : i32
      %while3A_826 = arith.divsi %while3A_823, %while3A_825 : i32
      %while3A_827 = arith.muli %while3A_826, %while3A_825 : i32
      %while3A_828 = arith.addi %shift_right_arithmetic3A_801, %while3A_827 : i32
      %while3A_829 = arith.constant 1 : i32
      scf.for %while3A_1218 = %shift_right_arithmetic3A_801 to %while3A_828 step %while3A_829  : i32 {
        %mul3A_1219 = arith.constant 16 : i32
        %mul3A_1220 = arith.muli %while3A_1218, %mul3A_1219 : i32
        %multiple_of3A_1221 = tpu.assume_multiple %mul3A_1220, 16 : i32
        %swap3A = arith.constant 3 : i32
        %swap3A_1222 = arith.index_cast %sub3A_657 : i32 to index
        %swap3A_1223 = arith.index_cast %swap3A : i32 to index
        %swap3A_1224 = arith.index_cast %multiple_of3A_1221 : i32 to index
        %swap3A_1225 = tpu.vector_load %arg8[%swap3A_1222, %swap3A_1223, %swap3A_1224] {strides = array<i32>} : memref<2x8x4096xf32, #tpu.memory_space<vmem>>, vector<16xf32>,
        tpu.vector_store %arg8[%swap3A_1222, %swap3A_1223, %swap3A_1224], %gather3A_666 {strides = array<i32>} : memref<2x8x4096xf32, #tpu.memory_space<vmem>>, vector<16xf32>,
      }
      %while3A_830 = arith.constant 1 : i32
      scf.for %while3A_1218 = %while3A_828 to %while3A_824 step %while3A_830  : i32 {
        %mul3A_1219 = arith.constant 16 : i32
        %mul3A_1220 = arith.muli %while3A_1218, %mul3A_1219 : i32
        %multiple_of3A_1221 = tpu.assume_multiple %mul3A_1220, 16 : i32
        %swap3A = arith.constant 3 : i32
        %swap3A_1222 = arith.index_cast %sub3A_657 : i32 to index
        %swap3A_1223 = arith.index_cast %swap3A : i32 to index
        %swap3A_1224 = arith.index_cast %multiple_of3A_1221 : i32 to index
        %swap3A_1225 = tpu.vector_load %arg8[%swap3A_1222, %swap3A_1223, %swap3A_1224] {strides = array<i32>} : memref<2x8x4096xf32, #tpu.memory_space<vmem>>, vector<16xf32>,
        tpu.vector_store %arg8[%swap3A_1222, %swap3A_1223, %swap3A_1224], %gather3A_666 {strides = array<i32>} : memref<2x8x4096xf32, #tpu.memory_space<vmem>>, vector<16xf32>,
      }
      %sub3A_831 = arith.constant 4 : i32
      %sub3A_832 = arith.subi %sub3A_3, %sub3A_831 : i32
      %sub3A_833 = arith.constant 1941 : i32
      %sub3A_834 = arith.subi %sub3A_833, %sub3A_832 : i32
      %shift_right_arithmetic3A_835 = arith.constant 4 : i32
      %shift_right_arithmetic3A_836 = arith.shrsi %sub3A_834, %shift_right_arithmetic3A_835 : i32
      %add3A_837 = arith.constant 1 : i32
      %add3A_838 = arith.addi %shift_right_arithmetic3A_836, %add3A_837 : i32
      %sub3A_839 = arith.constant 2153 : i32
      %sub3A_840 = arith.subi %sub3A_839, %sub3A_832 : i32
      %shift_right_arithmetic3A_841 = arith.constant 4 : i32
      %shift_right_arithmetic3A_842 = arith.shrsi %sub3A_840, %shift_right_arithmetic3A_841 : i32
      %while3A_843 = arith.constant 0 : i32
      %while3A_844 = arith.constant 0 : i32
      %while3A_845 = arith.subi %add3A_838, %while3A_844 : i32
      %while3A_846 = arith.addi %while3A_844, %while3A_845 : i32
      %while3A_847 = arith.constant 1 : i32
      %while3A_848 = arith.divsi %while3A_845, %while3A_847 : i32
      %while3A_849 = arith.muli %while3A_848, %while3A_847 : i32
      %while3A_850 = arith.addi %while3A_844, %while3A_849 : i32
      %while3A_851 = arith.constant 1 : i32
      scf.for %while3A_1218 = %while3A_844 to %while3A_850 step %while3A_851  : i32 {
        %mul3A_1219 = arith.constant 16 : i32
        %mul3A_1220 = arith.muli %while3A_1218, %mul3A_1219 : i32
        %multiple_of3A_1221 = tpu.assume_multiple %mul3A_1220, 16 : i32
        %swap3A = arith.constant 4 : i32
        %swap3A_1222 = arith.index_cast %sub3A_657 : i32 to index
        %swap3A_1223 = arith.index_cast %swap3A : i32 to index
        %swap3A_1224 = arith.index_cast %multiple_of3A_1221 : i32 to index
        %swap3A_1225 = tpu.vector_load %arg8[%swap3A_1222, %swap3A_1223, %swap3A_1224] {strides = array<i32>} : memref<2x8x4096xf32, #tpu.memory_space<vmem>>, vector<16xf32>,
        tpu.vector_store %arg8[%swap3A_1222, %swap3A_1223, %swap3A_1224], %gather3A_662 {strides = array<i32>} : memref<2x8x4096xf32, #tpu.memory_space<vmem>>, vector<16xf32>,
      }
      %while3A_852 = arith.constant 1 : i32
      scf.for %while3A_1218 = %while3A_850 to %while3A_846 step %while3A_852  : i32 {
        %mul3A_1219 = arith.constant 16 : i32
        %mul3A_1220 = arith.muli %while3A_1218, %mul3A_1219 : i32
        %multiple_of3A_1221 = tpu.assume_multiple %mul3A_1220, 16 : i32
        %swap3A = arith.constant 4 : i32
        %swap3A_1222 = arith.index_cast %sub3A_657 : i32 to index
        %swap3A_1223 = arith.index_cast %swap3A : i32 to index
        %swap3A_1224 = arith.index_cast %multiple_of3A_1221 : i32 to index
        %swap3A_1225 = tpu.vector_load %arg8[%swap3A_1222, %swap3A_1223, %swap3A_1224] {strides = array<i32>} : memref<2x8x4096xf32, #tpu.memory_space<vmem>>, vector<16xf32>,
        tpu.vector_store %arg8[%swap3A_1222, %swap3A_1223, %swap3A_1224], %gather3A_662 {strides = array<i32>} : memref<2x8x4096xf32, #tpu.memory_space<vmem>>, vector<16xf32>,
      }
      %while3A_853 = arith.constant 0 : i32
      %while3A_854 = arith.subi %shift_right_arithmetic3A_842, %add3A_838 : i32
      %while3A_855 = arith.addi %add3A_838, %while3A_854 : i32
      %while3A_856 = arith.constant 1 : i32
      %while3A_857 = arith.divsi %while3A_854, %while3A_856 : i32
      %while3A_858 = arith.muli %while3A_857, %while3A_856 : i32
      %while3A_859 = arith.addi %add3A_838, %while3A_858 : i32
      %while3A_860 = arith.constant 1 : i32
      scf.for %while3A_1218 = %add3A_838 to %while3A_859 step %while3A_860  : i32 {
        %mul3A_1219 = arith.constant 16 : i32
        %mul3A_1220 = arith.muli %while3A_1218, %mul3A_1219 : i32
        %multiple_of3A_1221 = tpu.assume_multiple %mul3A_1220, 16 : i32
        %get3A = arith.constant 4 : i32
        %get3A_1222 = arith.index_cast %get3A : i32 to index
        %get3A_1223 = arith.index_cast %multiple_of3A_1221 : i32 to index
        %get3A_1224 = tpu.vector_load %arg7[%get3A_1222, %get3A_1223] {strides = array<i32>} : memref<8x4096xi32, #tpu.memory_space<vmem>>, vector<16xi32>,
        %add3A_1225 = arith.addi %get3A_1224, %broadcast_in_dim3A_658 : vector<16xi32>
        %gather3A_1226 = tpu.vector_load_idx %arg5[%add3A_1225] : memref<512xf32, #tpu.memory_space<vmem>>[vector<16xi32>], vector<16xf32>,
        %swap3A = arith.constant 4 : i32
        %swap3A_1227 = arith.index_cast %sub3A_657 : i32 to index
        %swap3A_1228 = arith.index_cast %swap3A : i32 to index
        %swap3A_1229 = arith.index_cast %multiple_of3A_1221 : i32 to index
        %swap3A_1230 = tpu.vector_load %arg8[%swap3A_1227, %swap3A_1228, %swap3A_1229] {strides = array<i32>} : memref<2x8x4096xf32, #tpu.memory_space<vmem>>, vector<16xf32>,
        tpu.vector_store %arg8[%swap3A_1227, %swap3A_1228, %swap3A_1229], %gather3A_1226 {strides = array<i32>} : memref<2x8x4096xf32, #tpu.memory_space<vmem>>, vector<16xf32>,
      }
      %while3A_861 = arith.constant 1 : i32
      scf.for %while3A_1218 = %while3A_859 to %while3A_855 step %while3A_861  : i32 {
        %mul3A_1219 = arith.constant 16 : i32
        %mul3A_1220 = arith.muli %while3A_1218, %mul3A_1219 : i32
        %multiple_of3A_1221 = tpu.assume_multiple %mul3A_1220, 16 : i32
        %get3A = arith.constant 4 : i32
        %get3A_1222 = arith.index_cast %get3A : i32 to index
        %get3A_1223 = arith.index_cast %multiple_of3A_1221 : i32 to index
        %get3A_1224 = tpu.vector_load %arg7[%get3A_1222, %get3A_1223] {strides = array<i32>} : memref<8x4096xi32, #tpu.memory_space<vmem>>, vector<16xi32>,
        %add3A_1225 = arith.addi %get3A_1224, %broadcast_in_dim3A_658 : vector<16xi32>
        %gather3A_1226 = tpu.vector_load_idx %arg5[%add3A_1225] : memref<512xf32, #tpu.memory_space<vmem>>[vector<16xi32>], vector<16xf32>,
        %swap3A = arith.constant 4 : i32
        %swap3A_1227 = arith.index_cast %sub3A_657 : i32 to index
        %swap3A_1228 = arith.index_cast %swap3A : i32 to index
        %swap3A_1229 = arith.index_cast %multiple_of3A_1221 : i32 to index
        %swap3A_1230 = tpu.vector_load %arg8[%swap3A_1227, %swap3A_1228, %swap3A_1229] {strides = array<i32>} : memref<2x8x4096xf32, #tpu.memory_space<vmem>>, vector<16xf32>,
        tpu.vector_store %arg8[%swap3A_1227, %swap3A_1228, %swap3A_1229], %gather3A_1226 {strides = array<i32>} : memref<2x8x4096xf32, #tpu.memory_space<vmem>>, vector<16xf32>,
      }
      %while3A_862 = arith.constant 0 : i32
      %while3A_863 = arith.constant 256 : i32
      %while3A_864 = arith.subi %while3A_863, %shift_right_arithmetic3A_842 : i32
      %while3A_865 = arith.addi %shift_right_arithmetic3A_842, %while3A_864 : i32
      %while3A_866 = arith.constant 1 : i32
      %while3A_867 = arith.divsi %while3A_864, %while3A_866 : i32
      %while3A_868 = arith.muli %while3A_867, %while3A_866 : i32
      %while3A_869 = arith.addi %shift_right_arithmetic3A_842, %while3A_868 : i32
      %while3A_870 = arith.constant 1 : i32
      scf.for %while3A_1218 = %shift_right_arithmetic3A_842 to %while3A_869 step %while3A_870  : i32 {
        %mul3A_1219 = arith.constant 16 : i32
        %mul3A_1220 = arith.muli %while3A_1218, %mul3A_1219 : i32
        %multiple_of3A_1221 = tpu.assume_multiple %mul3A_1220, 16 : i32
        %swap3A = arith.constant 4 : i32
        %swap3A_1222 = arith.index_cast %sub3A_657 : i32 to index
        %swap3A_1223 = arith.index_cast %swap3A : i32 to index
        %swap3A_1224 = arith.index_cast %multiple_of3A_1221 : i32 to index
        %swap3A_1225 = tpu.vector_load %arg8[%swap3A_1222, %swap3A_1223, %swap3A_1224] {strides = array<i32>} : memref<2x8x4096xf32, #tpu.memory_space<vmem>>, vector<16xf32>,
        tpu.vector_store %arg8[%swap3A_1222, %swap3A_1223, %swap3A_1224], %gather3A_666 {strides = array<i32>} : memref<2x8x4096xf32, #tpu.memory_space<vmem>>, vector<16xf32>,
      }
      %while3A_871 = arith.constant 1 : i32
      scf.for %while3A_1218 = %while3A_869 to %while3A_865 step %while3A_871  : i32 {
        %mul3A_1219 = arith.constant 16 : i32
        %mul3A_1220 = arith.muli %while3A_1218, %mul3A_1219 : i32
        %multiple_of3A_1221 = tpu.assume_multiple %mul3A_1220, 16 : i32
        %swap3A = arith.constant 4 : i32
        %swap3A_1222 = arith.index_cast %sub3A_657 : i32 to index
        %swap3A_1223 = arith.index_cast %swap3A : i32 to index
        %swap3A_1224 = arith.index_cast %multiple_of3A_1221 : i32 to index
        %swap3A_1225 = tpu.vector_load %arg8[%swap3A_1222, %swap3A_1223, %swap3A_1224] {strides = array<i32>} : memref<2x8x4096xf32, #tpu.memory_space<vmem>>, vector<16xf32>,
        tpu.vector_store %arg8[%swap3A_1222, %swap3A_1223, %swap3A_1224], %gather3A_666 {strides = array<i32>} : memref<2x8x4096xf32, #tpu.memory_space<vmem>>, vector<16xf32>,
      }
      %sub3A_872 = arith.constant 5 : i32
      %sub3A_873 = arith.subi %sub3A_3, %sub3A_872 : i32
      %sub3A_874 = arith.constant 1941 : i32
      %sub3A_875 = arith.subi %sub3A_874, %sub3A_873 : i32
      %shift_right_arithmetic3A_876 = arith.constant 4 : i32
      %shift_right_arithmetic3A_877 = arith.shrsi %sub3A_875, %shift_right_arithmetic3A_876 : i32
      %add3A_878 = arith.constant 1 : i32
      %add3A_879 = arith.addi %shift_right_arithmetic3A_877, %add3A_878 : i32
      %sub3A_880 = arith.constant 2153 : i32
      %sub3A_881 = arith.subi %sub3A_880, %sub3A_873 : i32
      %shift_right_arithmetic3A_882 = arith.constant 4 : i32
      %shift_right_arithmetic3A_883 = arith.shrsi %sub3A_881, %shift_right_arithmetic3A_882 : i32
      %while3A_884 = arith.constant 0 : i32
      %while3A_885 = arith.constant 0 : i32
      %while3A_886 = arith.subi %add3A_879, %while3A_885 : i32
      %while3A_887 = arith.addi %while3A_885, %while3A_886 : i32
      %while3A_888 = arith.constant 1 : i32
      %while3A_889 = arith.divsi %while3A_886, %while3A_888 : i32
      %while3A_890 = arith.muli %while3A_889, %while3A_888 : i32
      %while3A_891 = arith.addi %while3A_885, %while3A_890 : i32
      %while3A_892 = arith.constant 1 : i32
      scf.for %while3A_1218 = %while3A_885 to %while3A_891 step %while3A_892  : i32 {
        %mul3A_1219 = arith.constant 16 : i32
        %mul3A_1220 = arith.muli %while3A_1218, %mul3A_1219 : i32
        %multiple_of3A_1221 = tpu.assume_multiple %mul3A_1220, 16 : i32
        %swap3A = arith.constant 5 : i32
        %swap3A_1222 = arith.index_cast %sub3A_657 : i32 to index
        %swap3A_1223 = arith.index_cast %swap3A : i32 to index
        %swap3A_1224 = arith.index_cast %multiple_of3A_1221 : i32 to index
        %swap3A_1225 = tpu.vector_load %arg8[%swap3A_1222, %swap3A_1223, %swap3A_1224] {strides = array<i32>} : memref<2x8x4096xf32, #tpu.memory_space<vmem>>, vector<16xf32>,
        tpu.vector_store %arg8[%swap3A_1222, %swap3A_1223, %swap3A_1224], %gather3A_662 {strides = array<i32>} : memref<2x8x4096xf32, #tpu.memory_space<vmem>>, vector<16xf32>,
      }
      %while3A_893 = arith.constant 1 : i32
      scf.for %while3A_1218 = %while3A_891 to %while3A_887 step %while3A_893  : i32 {
        %mul3A_1219 = arith.constant 16 : i32
        %mul3A_1220 = arith.muli %while3A_1218, %mul3A_1219 : i32
        %multiple_of3A_1221 = tpu.assume_multiple %mul3A_1220, 16 : i32
        %swap3A = arith.constant 5 : i32
        %swap3A_1222 = arith.index_cast %sub3A_657 : i32 to index
        %swap3A_1223 = arith.index_cast %swap3A : i32 to index
        %swap3A_1224 = arith.index_cast %multiple_of3A_1221 : i32 to index
        %swap3A_1225 = tpu.vector_load %arg8[%swap3A_1222, %swap3A_1223, %swap3A_1224] {strides = array<i32>} : memref<2x8x4096xf32, #tpu.memory_space<vmem>>, vector<16xf32>,
        tpu.vector_store %arg8[%swap3A_1222, %swap3A_1223, %swap3A_1224], %gather3A_662 {strides = array<i32>} : memref<2x8x4096xf32, #tpu.memory_space<vmem>>, vector<16xf32>,
      }
      %while3A_894 = arith.constant 0 : i32
      %while3A_895 = arith.subi %shift_right_arithmetic3A_883, %add3A_879 : i32
      %while3A_896 = arith.addi %add3A_879, %while3A_895 : i32
      %while3A_897 = arith.constant 1 : i32
      %while3A_898 = arith.divsi %while3A_895, %while3A_897 : i32
      %while3A_899 = arith.muli %while3A_898, %while3A_897 : i32
      %while3A_900 = arith.addi %add3A_879, %while3A_899 : i32
      %while3A_901 = arith.constant 1 : i32
      scf.for %while3A_1218 = %add3A_879 to %while3A_900 step %while3A_901  : i32 {
        %mul3A_1219 = arith.constant 16 : i32
        %mul3A_1220 = arith.muli %while3A_1218, %mul3A_1219 : i32
        %multiple_of3A_1221 = tpu.assume_multiple %mul3A_1220, 16 : i32
        %get3A = arith.constant 5 : i32
        %get3A_1222 = arith.index_cast %get3A : i32 to index
        %get3A_1223 = arith.index_cast %multiple_of3A_1221 : i32 to index
        %get3A_1224 = tpu.vector_load %arg7[%get3A_1222, %get3A_1223] {strides = array<i32>} : memref<8x4096xi32, #tpu.memory_space<vmem>>, vector<16xi32>,
        %add3A_1225 = arith.addi %get3A_1224, %broadcast_in_dim3A_658 : vector<16xi32>
        %gather3A_1226 = tpu.vector_load_idx %arg5[%add3A_1225] : memref<512xf32, #tpu.memory_space<vmem>>[vector<16xi32>], vector<16xf32>,
        %swap3A = arith.constant 5 : i32
        %swap3A_1227 = arith.index_cast %sub3A_657 : i32 to index
        %swap3A_1228 = arith.index_cast %swap3A : i32 to index
        %swap3A_1229 = arith.index_cast %multiple_of3A_1221 : i32 to index
        %swap3A_1230 = tpu.vector_load %arg8[%swap3A_1227, %swap3A_1228, %swap3A_1229] {strides = array<i32>} : memref<2x8x4096xf32, #tpu.memory_space<vmem>>, vector<16xf32>,
        tpu.vector_store %arg8[%swap3A_1227, %swap3A_1228, %swap3A_1229], %gather3A_1226 {strides = array<i32>} : memref<2x8x4096xf32, #tpu.memory_space<vmem>>, vector<16xf32>,
      }
      %while3A_902 = arith.constant 1 : i32
      scf.for %while3A_1218 = %while3A_900 to %while3A_896 step %while3A_902  : i32 {
        %mul3A_1219 = arith.constant 16 : i32
        %mul3A_1220 = arith.muli %while3A_1218, %mul3A_1219 : i32
        %multiple_of3A_1221 = tpu.assume_multiple %mul3A_1220, 16 : i32
        %get3A = arith.constant 5 : i32
        %get3A_1222 = arith.index_cast %get3A : i32 to index
        %get3A_1223 = arith.index_cast %multiple_of3A_1221 : i32 to index
        %get3A_1224 = tpu.vector_load %arg7[%get3A_1222, %get3A_1223] {strides = array<i32>} : memref<8x4096xi32, #tpu.memory_space<vmem>>, vector<16xi32>,
        %add3A_1225 = arith.addi %get3A_1224, %broadcast_in_dim3A_658 : vector<16xi32>
        %gather3A_1226 = tpu.vector_load_idx %arg5[%add3A_1225] : memref<512xf32, #tpu.memory_space<vmem>>[vector<16xi32>], vector<16xf32>,
        %swap3A = arith.constant 5 : i32
        %swap3A_1227 = arith.index_cast %sub3A_657 : i32 to index
        %swap3A_1228 = arith.index_cast %swap3A : i32 to index
        %swap3A_1229 = arith.index_cast %multiple_of3A_1221 : i32 to index
        %swap3A_1230 = tpu.vector_load %arg8[%swap3A_1227, %swap3A_1228, %swap3A_1229] {strides = array<i32>} : memref<2x8x4096xf32, #tpu.memory_space<vmem>>, vector<16xf32>,
        tpu.vector_store %arg8[%swap3A_1227, %swap3A_1228, %swap3A_1229], %gather3A_1226 {strides = array<i32>} : memref<2x8x4096xf32, #tpu.memory_space<vmem>>, vector<16xf32>,
      }
      %while3A_903 = arith.constant 0 : i32
      %while3A_904 = arith.constant 256 : i32
      %while3A_905 = arith.subi %while3A_904, %shift_right_arithmetic3A_883 : i32
      %while3A_906 = arith.addi %shift_right_arithmetic3A_883, %while3A_905 : i32
      %while3A_907 = arith.constant 1 : i32
      %while3A_908 = arith.divsi %while3A_905, %while3A_907 : i32
      %while3A_909 = arith.muli %while3A_908, %while3A_907 : i32
      %while3A_910 = arith.addi %shift_right_arithmetic3A_883, %while3A_909 : i32
      %while3A_911 = arith.constant 1 : i32
      scf.for %while3A_1218 = %shift_right_arithmetic3A_883 to %while3A_910 step %while3A_911  : i32 {
        %mul3A_1219 = arith.constant 16 : i32
        %mul3A_1220 = arith.muli %while3A_1218, %mul3A_1219 : i32
        %multiple_of3A_1221 = tpu.assume_multiple %mul3A_1220, 16 : i32
        %swap3A = arith.constant 5 : i32
        %swap3A_1222 = arith.index_cast %sub3A_657 : i32 to index
        %swap3A_1223 = arith.index_cast %swap3A : i32 to index
        %swap3A_1224 = arith.index_cast %multiple_of3A_1221 : i32 to index
        %swap3A_1225 = tpu.vector_load %arg8[%swap3A_1222, %swap3A_1223, %swap3A_1224] {strides = array<i32>} : memref<2x8x4096xf32, #tpu.memory_space<vmem>>, vector<16xf32>,
        tpu.vector_store %arg8[%swap3A_1222, %swap3A_1223, %swap3A_1224], %gather3A_666 {strides = array<i32>} : memref<2x8x4096xf32, #tpu.memory_space<vmem>>, vector<16xf32>,
      }
      %while3A_912 = arith.constant 1 : i32
      scf.for %while3A_1218 = %while3A_910 to %while3A_906 step %while3A_912  : i32 {
        %mul3A_1219 = arith.constant 16 : i32
        %mul3A_1220 = arith.muli %while3A_1218, %mul3A_1219 : i32
        %multiple_of3A_1221 = tpu.assume_multiple %mul3A_1220, 16 : i32
        %swap3A = arith.constant 5 : i32
        %swap3A_1222 = arith.index_cast %sub3A_657 : i32 to index
        %swap3A_1223 = arith.index_cast %swap3A : i32 to index
        %swap3A_1224 = arith.index_cast %multiple_of3A_1221 : i32 to index
        %swap3A_1225 = tpu.vector_load %arg8[%swap3A_1222, %swap3A_1223, %swap3A_1224] {strides = array<i32>} : memref<2x8x4096xf32, #tpu.memory_space<vmem>>, vector<16xf32>,
        tpu.vector_store %arg8[%swap3A_1222, %swap3A_1223, %swap3A_1224], %gather3A_666 {strides = array<i32>} : memref<2x8x4096xf32, #tpu.memory_space<vmem>>, vector<16xf32>,
      }
      %sub3A_913 = arith.constant 6 : i32
      %sub3A_914 = arith.subi %sub3A_3, %sub3A_913 : i32
      %sub3A_915 = arith.constant 1941 : i32
      %sub3A_916 = arith.subi %sub3A_915, %sub3A_914 : i32
      %shift_right_arithmetic3A_917 = arith.constant 4 : i32
      %shift_right_arithmetic3A_918 = arith.shrsi %sub3A_916, %shift_right_arithmetic3A_917 : i32
      %add3A_919 = arith.constant 1 : i32
      %add3A_920 = arith.addi %shift_right_arithmetic3A_918, %add3A_919 : i32
      %sub3A_921 = arith.constant 2153 : i32
      %sub3A_922 = arith.subi %sub3A_921, %sub3A_914 : i32
      %shift_right_arithmetic3A_923 = arith.constant 4 : i32
      %shift_right_arithmetic3A_924 = arith.shrsi %sub3A_922, %shift_right_arithmetic3A_923 : i32
      %while3A_925 = arith.constant 0 : i32
      %while3A_926 = arith.constant 0 : i32
      %while3A_927 = arith.subi %add3A_920, %while3A_926 : i32
      %while3A_928 = arith.addi %while3A_926, %while3A_927 : i32
      %while3A_929 = arith.constant 1 : i32
      %while3A_930 = arith.divsi %while3A_927, %while3A_929 : i32
      %while3A_931 = arith.muli %while3A_930, %while3A_929 : i32
      %while3A_932 = arith.addi %while3A_926, %while3A_931 : i32
      %while3A_933 = arith.constant 1 : i32
      scf.for %while3A_1218 = %while3A_926 to %while3A_932 step %while3A_933  : i32 {
        %mul3A_1219 = arith.constant 16 : i32
        %mul3A_1220 = arith.muli %while3A_1218, %mul3A_1219 : i32
        %multiple_of3A_1221 = tpu.assume_multiple %mul3A_1220, 16 : i32
        %swap3A = arith.constant 6 : i32
        %swap3A_1222 = arith.index_cast %sub3A_657 : i32 to index
        %swap3A_1223 = arith.index_cast %swap3A : i32 to index
        %swap3A_1224 = arith.index_cast %multiple_of3A_1221 : i32 to index
        %swap3A_1225 = tpu.vector_load %arg8[%swap3A_1222, %swap3A_1223, %swap3A_1224] {strides = array<i32>} : memref<2x8x4096xf32, #tpu.memory_space<vmem>>, vector<16xf32>,
        tpu.vector_store %arg8[%swap3A_1222, %swap3A_1223, %swap3A_1224], %gather3A_662 {strides = array<i32>} : memref<2x8x4096xf32, #tpu.memory_space<vmem>>, vector<16xf32>,
      }
      %while3A_934 = arith.constant 1 : i32
      scf.for %while3A_1218 = %while3A_932 to %while3A_928 step %while3A_934  : i32 {
        %mul3A_1219 = arith.constant 16 : i32
        %mul3A_1220 = arith.muli %while3A_1218, %mul3A_1219 : i32
        %multiple_of3A_1221 = tpu.assume_multiple %mul3A_1220, 16 : i32
        %swap3A = arith.constant 6 : i32
        %swap3A_1222 = arith.index_cast %sub3A_657 : i32 to index
        %swap3A_1223 = arith.index_cast %swap3A : i32 to index
        %swap3A_1224 = arith.index_cast %multiple_of3A_1221 : i32 to index
        %swap3A_1225 = tpu.vector_load %arg8[%swap3A_1222, %swap3A_1223, %swap3A_1224] {strides = array<i32>} : memref<2x8x4096xf32, #tpu.memory_space<vmem>>, vector<16xf32>,
        tpu.vector_store %arg8[%swap3A_1222, %swap3A_1223, %swap3A_1224], %gather3A_662 {strides = array<i32>} : memref<2x8x4096xf32, #tpu.memory_space<vmem>>, vector<16xf32>,
      }
      %while3A_935 = arith.constant 0 : i32
      %while3A_936 = arith.subi %shift_right_arithmetic3A_924, %add3A_920 : i32
      %while3A_937 = arith.addi %add3A_920, %while3A_936 : i32
      %while3A_938 = arith.constant 1 : i32
      %while3A_939 = arith.divsi %while3A_936, %while3A_938 : i32
      %while3A_940 = arith.muli %while3A_939, %while3A_938 : i32
      %while3A_941 = arith.addi %add3A_920, %while3A_940 : i32
      %while3A_942 = arith.constant 1 : i32
      scf.for %while3A_1218 = %add3A_920 to %while3A_941 step %while3A_942  : i32 {
        %mul3A_1219 = arith.constant 16 : i32
        %mul3A_1220 = arith.muli %while3A_1218, %mul3A_1219 : i32
        %multiple_of3A_1221 = tpu.assume_multiple %mul3A_1220, 16 : i32
        %get3A = arith.constant 6 : i32
        %get3A_1222 = arith.index_cast %get3A : i32 to index
        %get3A_1223 = arith.index_cast %multiple_of3A_1221 : i32 to index
        %get3A_1224 = tpu.vector_load %arg7[%get3A_1222, %get3A_1223] {strides = array<i32>} : memref<8x4096xi32, #tpu.memory_space<vmem>>, vector<16xi32>,
        %add3A_1225 = arith.addi %get3A_1224, %broadcast_in_dim3A_658 : vector<16xi32>
        %gather3A_1226 = tpu.vector_load_idx %arg5[%add3A_1225] : memref<512xf32, #tpu.memory_space<vmem>>[vector<16xi32>], vector<16xf32>,
        %swap3A = arith.constant 6 : i32
        %swap3A_1227 = arith.index_cast %sub3A_657 : i32 to index
        %swap3A_1228 = arith.index_cast %swap3A : i32 to index
        %swap3A_1229 = arith.index_cast %multiple_of3A_1221 : i32 to index
        %swap3A_1230 = tpu.vector_load %arg8[%swap3A_1227, %swap3A_1228, %swap3A_1229] {strides = array<i32>} : memref<2x8x4096xf32, #tpu.memory_space<vmem>>, vector<16xf32>,
        tpu.vector_store %arg8[%swap3A_1227, %swap3A_1228, %swap3A_1229], %gather3A_1226 {strides = array<i32>} : memref<2x8x4096xf32, #tpu.memory_space<vmem>>, vector<16xf32>,
      }
      %while3A_943 = arith.constant 1 : i32
      scf.for %while3A_1218 = %while3A_941 to %while3A_937 step %while3A_943  : i32 {
        %mul3A_1219 = arith.constant 16 : i32
        %mul3A_1220 = arith.muli %while3A_1218, %mul3A_1219 : i32
        %multiple_of3A_1221 = tpu.assume_multiple %mul3A_1220, 16 : i32
        %get3A = arith.constant 6 : i32
        %get3A_1222 = arith.index_cast %get3A : i32 to index
        %get3A_1223 = arith.index_cast %multiple_of3A_1221 : i32 to index
        %get3A_1224 = tpu.vector_load %arg7[%get3A_1222, %get3A_1223] {strides = array<i32>} : memref<8x4096xi32, #tpu.memory_space<vmem>>, vector<16xi32>,
        %add3A_1225 = arith.addi %get3A_1224, %broadcast_in_dim3A_658 : vector<16xi32>
        %gather3A_1226 = tpu.vector_load_idx %arg5[%add3A_1225] : memref<512xf32, #tpu.memory_space<vmem>>[vector<16xi32>], vector<16xf32>,
        %swap3A = arith.constant 6 : i32
        %swap3A_1227 = arith.index_cast %sub3A_657 : i32 to index
        %swap3A_1228 = arith.index_cast %swap3A : i32 to index
        %swap3A_1229 = arith.index_cast %multiple_of3A_1221 : i32 to index
        %swap3A_1230 = tpu.vector_load %arg8[%swap3A_1227, %swap3A_1228, %swap3A_1229] {strides = array<i32>} : memref<2x8x4096xf32, #tpu.memory_space<vmem>>, vector<16xf32>,
        tpu.vector_store %arg8[%swap3A_1227, %swap3A_1228, %swap3A_1229], %gather3A_1226 {strides = array<i32>} : memref<2x8x4096xf32, #tpu.memory_space<vmem>>, vector<16xf32>,
      }
      %while3A_944 = arith.constant 0 : i32
      %while3A_945 = arith.constant 256 : i32
      %while3A_946 = arith.subi %while3A_945, %shift_right_arithmetic3A_924 : i32
      %while3A_947 = arith.addi %shift_right_arithmetic3A_924, %while3A_946 : i32
      %while3A_948 = arith.constant 1 : i32
      %while3A_949 = arith.divsi %while3A_946, %while3A_948 : i32
      %while3A_950 = arith.muli %while3A_949, %while3A_948 : i32
      %while3A_951 = arith.addi %shift_right_arithmetic3A_924, %while3A_950 : i32
      %while3A_952 = arith.constant 1 : i32
      scf.for %while3A_1218 = %shift_right_arithmetic3A_924 to %while3A_951 step %while3A_952  : i32 {
        %mul3A_1219 = arith.constant 16 : i32
        %mul3A_1220 = arith.muli %while3A_1218, %mul3A_1219 : i32
        %multiple_of3A_1221 = tpu.assume_multiple %mul3A_1220, 16 : i32
        %swap3A = arith.constant 6 : i32
        %swap3A_1222 = arith.index_cast %sub3A_657 : i32 to index
        %swap3A_1223 = arith.index_cast %swap3A : i32 to index
        %swap3A_1224 = arith.index_cast %multiple_of3A_1221 : i32 to index
        %swap3A_1225 = tpu.vector_load %arg8[%swap3A_1222, %swap3A_1223, %swap3A_1224] {strides = array<i32>} : memref<2x8x4096xf32, #tpu.memory_space<vmem>>, vector<16xf32>,
        tpu.vector_store %arg8[%swap3A_1222, %swap3A_1223, %swap3A_1224], %gather3A_666 {strides = array<i32>} : memref<2x8x4096xf32, #tpu.memory_space<vmem>>, vector<16xf32>,
      }
      %while3A_953 = arith.constant 1 : i32
      scf.for %while3A_1218 = %while3A_951 to %while3A_947 step %while3A_953  : i32 {
        %mul3A_1219 = arith.constant 16 : i32
        %mul3A_1220 = arith.muli %while3A_1218, %mul3A_1219 : i32
        %multiple_of3A_1221 = tpu.assume_multiple %mul3A_1220, 16 : i32
        %swap3A = arith.constant 6 : i32
        %swap3A_1222 = arith.index_cast %sub3A_657 : i32 to index
        %swap3A_1223 = arith.index_cast %swap3A : i32 to index
        %swap3A_1224 = arith.index_cast %multiple_of3A_1221 : i32 to index
        %swap3A_1225 = tpu.vector_load %arg8[%swap3A_1222, %swap3A_1223, %swap3A_1224] {strides = array<i32>} : memref<2x8x4096xf32, #tpu.memory_space<vmem>>, vector<16xf32>,
        tpu.vector_store %arg8[%swap3A_1222, %swap3A_1223, %swap3A_1224], %gather3A_666 {strides = array<i32>} : memref<2x8x4096xf32, #tpu.memory_space<vmem>>, vector<16xf32>,
      }
      %sub3A_954 = arith.constant 7 : i32
      %sub3A_955 = arith.subi %sub3A_3, %sub3A_954 : i32
      %sub3A_956 = arith.constant 1941 : i32
      %sub3A_957 = arith.subi %sub3A_956, %sub3A_955 : i32
      %shift_right_arithmetic3A_958 = arith.constant 4 : i32
      %shift_right_arithmetic3A_959 = arith.shrsi %sub3A_957, %shift_right_arithmetic3A_958 : i32
      %add3A_960 = arith.constant 1 : i32
      %add3A_961 = arith.addi %shift_right_arithmetic3A_959, %add3A_960 : i32
      %sub3A_962 = arith.constant 2153 : i32
      %sub3A_963 = arith.subi %sub3A_962, %sub3A_955 : i32
      %shift_right_arithmetic3A_964 = arith.constant 4 : i32
      %shift_right_arithmetic3A_965 = arith.shrsi %sub3A_963, %shift_right_arithmetic3A_964 : i32
      %while3A_966 = arith.constant 0 : i32
      %while3A_967 = arith.constant 0 : i32
      %while3A_968 = arith.subi %add3A_961, %while3A_967 : i32
      %while3A_969 = arith.addi %while3A_967, %while3A_968 : i32
      %while3A_970 = arith.constant 1 : i32
      %while3A_971 = arith.divsi %while3A_968, %while3A_970 : i32
      %while3A_972 = arith.muli %while3A_971, %while3A_970 : i32
      %while3A_973 = arith.addi %while3A_967, %while3A_972 : i32
      %while3A_974 = arith.constant 1 : i32
      scf.for %while3A_1218 = %while3A_967 to %while3A_973 step %while3A_974  : i32 {
        %mul3A_1219 = arith.constant 16 : i32
        %mul3A_1220 = arith.muli %while3A_1218, %mul3A_1219 : i32
        %multiple_of3A_1221 = tpu.assume_multiple %mul3A_1220, 16 : i32
        %swap3A = arith.constant 7 : i32
        %swap3A_1222 = arith.index_cast %sub3A_657 : i32 to index
        %swap3A_1223 = arith.index_cast %swap3A : i32 to index
        %swap3A_1224 = arith.index_cast %multiple_of3A_1221 : i32 to index
        %swap3A_1225 = tpu.vector_load %arg8[%swap3A_1222, %swap3A_1223, %swap3A_1224] {strides = array<i32>} : memref<2x8x4096xf32, #tpu.memory_space<vmem>>, vector<16xf32>,
        tpu.vector_store %arg8[%swap3A_1222, %swap3A_1223, %swap3A_1224], %gather3A_662 {strides = array<i32>} : memref<2x8x4096xf32, #tpu.memory_space<vmem>>, vector<16xf32>,
      }
      %while3A_975 = arith.constant 1 : i32
      scf.for %while3A_1218 = %while3A_973 to %while3A_969 step %while3A_975  : i32 {
        %mul3A_1219 = arith.constant 16 : i32
        %mul3A_1220 = arith.muli %while3A_1218, %mul3A_1219 : i32
        %multiple_of3A_1221 = tpu.assume_multiple %mul3A_1220, 16 : i32
        %swap3A = arith.constant 7 : i32
        %swap3A_1222 = arith.index_cast %sub3A_657 : i32 to index
        %swap3A_1223 = arith.index_cast %swap3A : i32 to index
        %swap3A_1224 = arith.index_cast %multiple_of3A_1221 : i32 to index
        %swap3A_1225 = tpu.vector_load %arg8[%swap3A_1222, %swap3A_1223, %swap3A_1224] {strides = array<i32>} : memref<2x8x4096xf32, #tpu.memory_space<vmem>>, vector<16xf32>,
        tpu.vector_store %arg8[%swap3A_1222, %swap3A_1223, %swap3A_1224], %gather3A_662 {strides = array<i32>} : memref<2x8x4096xf32, #tpu.memory_space<vmem>>, vector<16xf32>,
      }
      %while3A_976 = arith.constant 0 : i32
      %while3A_977 = arith.subi %shift_right_arithmetic3A_965, %add3A_961 : i32
      %while3A_978 = arith.addi %add3A_961, %while3A_977 : i32
      %while3A_979 = arith.constant 1 : i32
      %while3A_980 = arith.divsi %while3A_977, %while3A_979 : i32
      %while3A_981 = arith.muli %while3A_980, %while3A_979 : i32
      %while3A_982 = arith.addi %add3A_961, %while3A_981 : i32
      %while3A_983 = arith.constant 1 : i32
      scf.for %while3A_1218 = %add3A_961 to %while3A_982 step %while3A_983  : i32 {
        %mul3A_1219 = arith.constant 16 : i32
        %mul3A_1220 = arith.muli %while3A_1218, %mul3A_1219 : i32
        %multiple_of3A_1221 = tpu.assume_multiple %mul3A_1220, 16 : i32
        %get3A = arith.constant 7 : i32
        %get3A_1222 = arith.index_cast %get3A : i32 to index
        %get3A_1223 = arith.index_cast %multiple_of3A_1221 : i32 to index
        %get3A_1224 = tpu.vector_load %arg7[%get3A_1222, %get3A_1223] {strides = array<i32>} : memref<8x4096xi32, #tpu.memory_space<vmem>>, vector<16xi32>,
        %add3A_1225 = arith.addi %get3A_1224, %broadcast_in_dim3A_658 : vector<16xi32>
        %gather3A_1226 = tpu.vector_load_idx %arg5[%add3A_1225] : memref<512xf32, #tpu.memory_space<vmem>>[vector<16xi32>], vector<16xf32>,
        %swap3A = arith.constant 7 : i32
        %swap3A_1227 = arith.index_cast %sub3A_657 : i32 to index
        %swap3A_1228 = arith.index_cast %swap3A : i32 to index
        %swap3A_1229 = arith.index_cast %multiple_of3A_1221 : i32 to index
        %swap3A_1230 = tpu.vector_load %arg8[%swap3A_1227, %swap3A_1228, %swap3A_1229] {strides = array<i32>} : memref<2x8x4096xf32, #tpu.memory_space<vmem>>, vector<16xf32>,
        tpu.vector_store %arg8[%swap3A_1227, %swap3A_1228, %swap3A_1229], %gather3A_1226 {strides = array<i32>} : memref<2x8x4096xf32, #tpu.memory_space<vmem>>, vector<16xf32>,
      }
      %while3A_984 = arith.constant 1 : i32
      scf.for %while3A_1218 = %while3A_982 to %while3A_978 step %while3A_984  : i32 {
        %mul3A_1219 = arith.constant 16 : i32
        %mul3A_1220 = arith.muli %while3A_1218, %mul3A_1219 : i32
        %multiple_of3A_1221 = tpu.assume_multiple %mul3A_1220, 16 : i32
        %get3A = arith.constant 7 : i32
        %get3A_1222 = arith.index_cast %get3A : i32 to index
        %get3A_1223 = arith.index_cast %multiple_of3A_1221 : i32 to index
        %get3A_1224 = tpu.vector_load %arg7[%get3A_1222, %get3A_1223] {strides = array<i32>} : memref<8x4096xi32, #tpu.memory_space<vmem>>, vector<16xi32>,
        %add3A_1225 = arith.addi %get3A_1224, %broadcast_in_dim3A_658 : vector<16xi32>
        %gather3A_1226 = tpu.vector_load_idx %arg5[%add3A_1225] : memref<512xf32, #tpu.memory_space<vmem>>[vector<16xi32>], vector<16xf32>,
        %swap3A = arith.constant 7 : i32
        %swap3A_1227 = arith.index_cast %sub3A_657 : i32 to index
        %swap3A_1228 = arith.index_cast %swap3A : i32 to index
        %swap3A_1229 = arith.index_cast %multiple_of3A_1221 : i32 to index
        %swap3A_1230 = tpu.vector_load %arg8[%swap3A_1227, %swap3A_1228, %swap3A_1229] {strides = array<i32>} : memref<2x8x4096xf32, #tpu.memory_space<vmem>>, vector<16xf32>,
        tpu.vector_store %arg8[%swap3A_1227, %swap3A_1228, %swap3A_1229], %gather3A_1226 {strides = array<i32>} : memref<2x8x4096xf32, #tpu.memory_space<vmem>>, vector<16xf32>,
      }
      %while3A_985 = arith.constant 0 : i32
      %while3A_986 = arith.constant 256 : i32
      %while3A_987 = arith.subi %while3A_986, %shift_right_arithmetic3A_965 : i32
      %while3A_988 = arith.addi %shift_right_arithmetic3A_965, %while3A_987 : i32
      %while3A_989 = arith.constant 1 : i32
      %while3A_990 = arith.divsi %while3A_987, %while3A_989 : i32
      %while3A_991 = arith.muli %while3A_990, %while3A_989 : i32
      %while3A_992 = arith.addi %shift_right_arithmetic3A_965, %while3A_991 : i32
      %while3A_993 = arith.constant 1 : i32
      scf.for %while3A_1218 = %shift_right_arithmetic3A_965 to %while3A_992 step %while3A_993  : i32 {
        %mul3A_1219 = arith.constant 16 : i32
        %mul3A_1220 = arith.muli %while3A_1218, %mul3A_1219 : i32
        %multiple_of3A_1221 = tpu.assume_multiple %mul3A_1220, 16 : i32
        %swap3A = arith.constant 7 : i32
        %swap3A_1222 = arith.index_cast %sub3A_657 : i32 to index
        %swap3A_1223 = arith.index_cast %swap3A : i32 to index
        %swap3A_1224 = arith.index_cast %multiple_of3A_1221 : i32 to index
        %swap3A_1225 = tpu.vector_load %arg8[%swap3A_1222, %swap3A_1223, %swap3A_1224] {strides = array<i32>} : memref<2x8x4096xf32, #tpu.memory_space<vmem>>, vector<16xf32>,
        tpu.vector_store %arg8[%swap3A_1222, %swap3A_1223, %swap3A_1224], %gather3A_666 {strides = array<i32>} : memref<2x8x4096xf32, #tpu.memory_space<vmem>>, vector<16xf32>,
      }
      %while3A_994 = arith.constant 1 : i32
      scf.for %while3A_1218 = %while3A_992 to %while3A_988 step %while3A_994  : i32 {
        %mul3A_1219 = arith.constant 16 : i32
        %mul3A_1220 = arith.muli %while3A_1218, %mul3A_1219 : i32
        %multiple_of3A_1221 = tpu.assume_multiple %mul3A_1220, 16 : i32
        %swap3A = arith.constant 7 : i32
        %swap3A_1222 = arith.index_cast %sub3A_657 : i32 to index
        %swap3A_1223 = arith.index_cast %swap3A : i32 to index
        %swap3A_1224 = arith.index_cast %multiple_of3A_1221 : i32 to index
        %swap3A_1225 = tpu.vector_load %arg8[%swap3A_1222, %swap3A_1223, %swap3A_1224] {strides = array<i32>} : memref<2x8x4096xf32, #tpu.memory_space<vmem>>, vector<16xf32>,
        tpu.vector_store %arg8[%swap3A_1222, %swap3A_1223, %swap3A_1224], %gather3A_666 {strides = array<i32>} : memref<2x8x4096xf32, #tpu.memory_space<vmem>>, vector<16xf32>,
      }
      %dma_wait3A = arith.constant 0 : i32
      %dma_wait3A_995 = arith.constant 1920 : i32
      %dma_wait3A_996 = tpu.memref_slice %arg8[%and3A_349, %dma_wait3A, %dma_wait3A_995] : memref<2x8x4096xf32, #tpu.memory_space<vmem>> -> memref<1x8x2048xf32, #tpu.memory_space<vmem>>
      %dma_wait3A_997 = tpu.memref_squeeze %dma_wait3A_996 : memref<1x8x2048xf32, #tpu.memory_space<vmem>> -> memref<8x2048xf32, #tpu.memory_space<vmem>>
      %dma_wait3A_998 = arith.constant 0 : i32
      %dma_wait3A_999 = tpu.memref_slice %arg4[%add3A_348, %multiple_of3A, %dma_wait3A_998] : memref<16x2048x2048xf32, #tpu.memory_space<hbm>> -> memref<1x8x2048xf32, #tpu.memory_space<hbm>>
      %dma_wait3A_1000 = tpu.memref_squeeze %dma_wait3A_999 : memref<1x8x2048xf32, #tpu.memory_space<hbm>> -> memref<8x2048xf32, #tpu.memory_space<hbm>>
      %dma_wait3A_1001 = arith.constant 0 : i32
      %dma_wait3A_1002 = tpu.memref_slice %arg4[%add3A_348, %multiple_of3A, %dma_wait3A_1001] : memref<16x2048x2048xf32, #tpu.memory_space<hbm>> -> memref<1x8x2048xf32, #tpu.memory_space<hbm>>
      %dma_wait3A_1003 = tpu.memref_squeeze %dma_wait3A_1002 : memref<1x8x2048xf32, #tpu.memory_space<hbm>> -> memref<8x2048xf32, #tpu.memory_space<hbm>>
      %dma_wait3A_1004 = arith.constant 0 : i32
      %dma_wait3A_1005 = arith.constant 1920 : i32
      %dma_wait3A_1006 = tpu.memref_slice %arg8[%and3A_349, %dma_wait3A_1004, %dma_wait3A_1005] : memref<2x8x4096xf32, #tpu.memory_space<vmem>> -> memref<1x8x2048xf32, #tpu.memory_space<vmem>>
      %dma_wait3A_1007 = tpu.memref_squeeze %dma_wait3A_1006 : memref<1x8x2048xf32, #tpu.memory_space<vmem>> -> memref<8x2048xf32, #tpu.memory_space<vmem>>
      tpu.wait_dma2 semaphore(%arg9 : memref<!tpu.dma_semaphore, #tpu.memory_space<semaphore_mem>>) src(%dma_wait3A_1007 : memref<8x2048xf32, #tpu.memory_space<vmem>>) dst(%dma_wait3A_1003 : memref<8x2048xf32, #tpu.memory_space<hbm>>)
      %dma_wait3A_1008 = arith.constant 0 : i32
      %dma_wait3A_1009 = arith.constant 1792 : i32
      %dma_wait3A_1010 = tpu.memref_slice %arg8[%and3A_349, %dma_wait3A_1008, %dma_wait3A_1009] : memref<2x8x4096xf32, #tpu.memory_space<vmem>> -> memref<1x8x2048xf32, #tpu.memory_space<vmem>>
      %dma_wait3A_1011 = tpu.memref_squeeze %dma_wait3A_1010 : memref<1x8x2048xf32, #tpu.memory_space<vmem>> -> memref<8x2048xf32, #tpu.memory_space<vmem>>
      %dma_wait3A_1012 = arith.constant 0 : i32
      %dma_wait3A_1013 = tpu.memref_slice %arg4[%add3A_348, %multiple_of3A_371, %dma_wait3A_1012] : memref<16x2048x2048xf32, #tpu.memory_space<hbm>> -> memref<1x8x2048xf32, #tpu.memory_space<hbm>>
      %dma_wait3A_1014 = tpu.memref_squeeze %dma_wait3A_1013 : memref<1x8x2048xf32, #tpu.memory_space<hbm>> -> memref<8x2048xf32, #tpu.memory_space<hbm>>
      %dma_wait3A_1015 = arith.constant 0 : i32
      %dma_wait3A_1016 = tpu.memref_slice %arg4[%add3A_348, %multiple_of3A_371, %dma_wait3A_1015] : memref<16x2048x2048xf32, #tpu.memory_space<hbm>> -> memref<1x8x2048xf32, #tpu.memory_space<hbm>>
      %dma_wait3A_1017 = tpu.memref_squeeze %dma_wait3A_1016 : memref<1x8x2048xf32, #tpu.memory_space<hbm>> -> memref<8x2048xf32, #tpu.memory_space<hbm>>
      %dma_wait3A_1018 = arith.constant 0 : i32
      %dma_wait3A_1019 = arith.constant 1792 : i32
      %dma_wait3A_1020 = tpu.memref_slice %arg8[%and3A_349, %dma_wait3A_1018, %dma_wait3A_1019] : memref<2x8x4096xf32, #tpu.memory_space<vmem>> -> memref<1x8x2048xf32, #tpu.memory_space<vmem>>
      %dma_wait3A_1021 = tpu.memref_squeeze %dma_wait3A_1020 : memref<1x8x2048xf32, #tpu.memory_space<vmem>> -> memref<8x2048xf32, #tpu.memory_space<vmem>>
      tpu.wait_dma2 semaphore(%arg9 : memref<!tpu.dma_semaphore, #tpu.memory_space<semaphore_mem>>) src(%dma_wait3A_1021 : memref<8x2048xf32, #tpu.memory_space<vmem>>) dst(%dma_wait3A_1017 : memref<8x2048xf32, #tpu.memory_space<hbm>>)
      %dma_wait3A_1022 = arith.constant 0 : i32
      %dma_wait3A_1023 = arith.constant 1664 : i32
      %dma_wait3A_1024 = tpu.memref_slice %arg8[%and3A_349, %dma_wait3A_1022, %dma_wait3A_1023] : memref<2x8x4096xf32, #tpu.memory_space<vmem>> -> memref<1x8x2048xf32, #tpu.memory_space<vmem>>
      %dma_wait3A_1025 = tpu.memref_squeeze %dma_wait3A_1024 : memref<1x8x2048xf32, #tpu.memory_space<vmem>> -> memref<8x2048xf32, #tpu.memory_space<vmem>>
      %dma_wait3A_1026 = arith.constant 0 : i32
      %dma_wait3A_1027 = tpu.memref_slice %arg4[%add3A_348, %multiple_of3A_390, %dma_wait3A_1026] : memref<16x2048x2048xf32, #tpu.memory_space<hbm>> -> memref<1x8x2048xf32, #tpu.memory_space<hbm>>
      %dma_wait3A_1028 = tpu.memref_squeeze %dma_wait3A_1027 : memref<1x8x2048xf32, #tpu.memory_space<hbm>> -> memref<8x2048xf32, #tpu.memory_space<hbm>>
      %dma_wait3A_1029 = arith.constant 0 : i32
      %dma_wait3A_1030 = tpu.memref_slice %arg4[%add3A_348, %multiple_of3A_390, %dma_wait3A_1029] : memref<16x2048x2048xf32, #tpu.memory_space<hbm>> -> memref<1x8x2048xf32, #tpu.memory_space<hbm>>
      %dma_wait3A_1031 = tpu.memref_squeeze %dma_wait3A_1030 : memref<1x8x2048xf32, #tpu.memory_space<hbm>> -> memref<8x2048xf32, #tpu.memory_space<hbm>>
      %dma_wait3A_1032 = arith.constant 0 : i32
      %dma_wait3A_1033 = arith.constant 1664 : i32
      %dma_wait3A_1034 = tpu.memref_slice %arg8[%and3A_349, %dma_wait3A_1032, %dma_wait3A_1033] : memref<2x8x4096xf32, #tpu.memory_space<vmem>> -> memref<1x8x2048xf32, #tpu.memory_space<vmem>>
      %dma_wait3A_1035 = tpu.memref_squeeze %dma_wait3A_1034 : memref<1x8x2048xf32, #tpu.memory_space<vmem>> -> memref<8x2048xf32, #tpu.memory_space<vmem>>
      tpu.wait_dma2 semaphore(%arg9 : memref<!tpu.dma_semaphore, #tpu.memory_space<semaphore_mem>>) src(%dma_wait3A_1035 : memref<8x2048xf32, #tpu.memory_space<vmem>>) dst(%dma_wait3A_1031 : memref<8x2048xf32, #tpu.memory_space<hbm>>)
      %dma_wait3A_1036 = arith.constant 0 : i32
      %dma_wait3A_1037 = arith.constant 1536 : i32
      %dma_wait3A_1038 = tpu.memref_slice %arg8[%and3A_349, %dma_wait3A_1036, %dma_wait3A_1037] : memref<2x8x4096xf32, #tpu.memory_space<vmem>> -> memref<1x8x2048xf32, #tpu.memory_space<vmem>>
      %dma_wait3A_1039 = tpu.memref_squeeze %dma_wait3A_1038 : memref<1x8x2048xf32, #tpu.memory_space<vmem>> -> memref<8x2048xf32, #tpu.memory_space<vmem>>
      %dma_wait3A_1040 = arith.constant 0 : i32
      %dma_wait3A_1041 = tpu.memref_slice %arg4[%add3A_348, %multiple_of3A_409, %dma_wait3A_1040] : memref<16x2048x2048xf32, #tpu.memory_space<hbm>> -> memref<1x8x2048xf32, #tpu.memory_space<hbm>>
      %dma_wait3A_1042 = tpu.memref_squeeze %dma_wait3A_1041 : memref<1x8x2048xf32, #tpu.memory_space<hbm>> -> memref<8x2048xf32, #tpu.memory_space<hbm>>
      %dma_wait3A_1043 = arith.constant 0 : i32
      %dma_wait3A_1044 = tpu.memref_slice %arg4[%add3A_348, %multiple_of3A_409, %dma_wait3A_1043] : memref<16x2048x2048xf32, #tpu.memory_space<hbm>> -> memref<1x8x2048xf32, #tpu.memory_space<hbm>>
      %dma_wait3A_1045 = tpu.memref_squeeze %dma_wait3A_1044 : memref<1x8x2048xf32, #tpu.memory_space<hbm>> -> memref<8x2048xf32, #tpu.memory_space<hbm>>
      %dma_wait3A_1046 = arith.constant 0 : i32
      %dma_wait3A_1047 = arith.constant 1536 : i32
      %dma_wait3A_1048 = tpu.memref_slice %arg8[%and3A_349, %dma_wait3A_1046, %dma_wait3A_1047] : memref<2x8x4096xf32, #tpu.memory_space<vmem>> -> memref<1x8x2048xf32, #tpu.memory_space<vmem>>
      %dma_wait3A_1049 = tpu.memref_squeeze %dma_wait3A_1048 : memref<1x8x2048xf32, #tpu.memory_space<vmem>> -> memref<8x2048xf32, #tpu.memory_space<vmem>>
      tpu.wait_dma2 semaphore(%arg9 : memref<!tpu.dma_semaphore, #tpu.memory_space<semaphore_mem>>) src(%dma_wait3A_1049 : memref<8x2048xf32, #tpu.memory_space<vmem>>) dst(%dma_wait3A_1045 : memref<8x2048xf32, #tpu.memory_space<hbm>>)
      %dma_wait3A_1050 = arith.constant 0 : i32
      %dma_wait3A_1051 = arith.constant 1408 : i32
      %dma_wait3A_1052 = tpu.memref_slice %arg8[%and3A_349, %dma_wait3A_1050, %dma_wait3A_1051] : memref<2x8x4096xf32, #tpu.memory_space<vmem>> -> memref<1x8x2048xf32, #tpu.memory_space<vmem>>
      %dma_wait3A_1053 = tpu.memref_squeeze %dma_wait3A_1052 : memref<1x8x2048xf32, #tpu.memory_space<vmem>> -> memref<8x2048xf32, #tpu.memory_space<vmem>>
      %dma_wait3A_1054 = arith.constant 0 : i32
      %dma_wait3A_1055 = tpu.memref_slice %arg4[%add3A_348, %multiple_of3A_428, %dma_wait3A_1054] : memref<16x2048x2048xf32, #tpu.memory_space<hbm>> -> memref<1x8x2048xf32, #tpu.memory_space<hbm>>
      %dma_wait3A_1056 = tpu.memref_squeeze %dma_wait3A_1055 : memref<1x8x2048xf32, #tpu.memory_space<hbm>> -> memref<8x2048xf32, #tpu.memory_space<hbm>>
      %dma_wait3A_1057 = arith.constant 0 : i32
      %dma_wait3A_1058 = tpu.memref_slice %arg4[%add3A_348, %multiple_of3A_428, %dma_wait3A_1057] : memref<16x2048x2048xf32, #tpu.memory_space<hbm>> -> memref<1x8x2048xf32, #tpu.memory_space<hbm>>
      %dma_wait3A_1059 = tpu.memref_squeeze %dma_wait3A_1058 : memref<1x8x2048xf32, #tpu.memory_space<hbm>> -> memref<8x2048xf32, #tpu.memory_space<hbm>>
      %dma_wait3A_1060 = arith.constant 0 : i32
      %dma_wait3A_1061 = arith.constant 1408 : i32
      %dma_wait3A_1062 = tpu.memref_slice %arg8[%and3A_349, %dma_wait3A_1060, %dma_wait3A_1061] : memref<2x8x4096xf32, #tpu.memory_space<vmem>> -> memref<1x8x2048xf32, #tpu.memory_space<vmem>>
      %dma_wait3A_1063 = tpu.memref_squeeze %dma_wait3A_1062 : memref<1x8x2048xf32, #tpu.memory_space<vmem>> -> memref<8x2048xf32, #tpu.memory_space<vmem>>
      tpu.wait_dma2 semaphore(%arg9 : memref<!tpu.dma_semaphore, #tpu.memory_space<semaphore_mem>>) src(%dma_wait3A_1063 : memref<8x2048xf32, #tpu.memory_space<vmem>>) dst(%dma_wait3A_1059 : memref<8x2048xf32, #tpu.memory_space<hbm>>)
      %dma_wait3A_1064 = arith.constant 0 : i32
      %dma_wait3A_1065 = arith.constant 1280 : i32
      %dma_wait3A_1066 = tpu.memref_slice %arg8[%and3A_349, %dma_wait3A_1064, %dma_wait3A_1065] : memref<2x8x4096xf32, #tpu.memory_space<vmem>> -> memref<1x8x2048xf32, #tpu.memory_space<vmem>>
      %dma_wait3A_1067 = tpu.memref_squeeze %dma_wait3A_1066 : memref<1x8x2048xf32, #tpu.memory_space<vmem>> -> memref<8x2048xf32, #tpu.memory_space<vmem>>
      %dma_wait3A_1068 = arith.constant 0 : i32
      %dma_wait3A_1069 = tpu.memref_slice %arg4[%add3A_348, %multiple_of3A_447, %dma_wait3A_1068] : memref<16x2048x2048xf32, #tpu.memory_space<hbm>> -> memref<1x8x2048xf32, #tpu.memory_space<hbm>>
      %dma_wait3A_1070 = tpu.memref_squeeze %dma_wait3A_1069 : memref<1x8x2048xf32, #tpu.memory_space<hbm>> -> memref<8x2048xf32, #tpu.memory_space<hbm>>
      %dma_wait3A_1071 = arith.constant 0 : i32
      %dma_wait3A_1072 = tpu.memref_slice %arg4[%add3A_348, %multiple_of3A_447, %dma_wait3A_1071] : memref<16x2048x2048xf32, #tpu.memory_space<hbm>> -> memref<1x8x2048xf32, #tpu.memory_space<hbm>>
      %dma_wait3A_1073 = tpu.memref_squeeze %dma_wait3A_1072 : memref<1x8x2048xf32, #tpu.memory_space<hbm>> -> memref<8x2048xf32, #tpu.memory_space<hbm>>
      %dma_wait3A_1074 = arith.constant 0 : i32
      %dma_wait3A_1075 = arith.constant 1280 : i32
      %dma_wait3A_1076 = tpu.memref_slice %arg8[%and3A_349, %dma_wait3A_1074, %dma_wait3A_1075] : memref<2x8x4096xf32, #tpu.memory_space<vmem>> -> memref<1x8x2048xf32, #tpu.memory_space<vmem>>
      %dma_wait3A_1077 = tpu.memref_squeeze %dma_wait3A_1076 : memref<1x8x2048xf32, #tpu.memory_space<vmem>> -> memref<8x2048xf32, #tpu.memory_space<vmem>>
      tpu.wait_dma2 semaphore(%arg9 : memref<!tpu.dma_semaphore, #tpu.memory_space<semaphore_mem>>) src(%dma_wait3A_1077 : memref<8x2048xf32, #tpu.memory_space<vmem>>) dst(%dma_wait3A_1073 : memref<8x2048xf32, #tpu.memory_space<hbm>>)
      %dma_wait3A_1078 = arith.constant 0 : i32
      %dma_wait3A_1079 = arith.constant 1152 : i32
      %dma_wait3A_1080 = tpu.memref_slice %arg8[%and3A_349, %dma_wait3A_1078, %dma_wait3A_1079] : memref<2x8x4096xf32, #tpu.memory_space<vmem>> -> memref<1x8x2048xf32, #tpu.memory_space<vmem>>
      %dma_wait3A_1081 = tpu.memref_squeeze %dma_wait3A_1080 : memref<1x8x2048xf32, #tpu.memory_space<vmem>> -> memref<8x2048xf32, #tpu.memory_space<vmem>>
      %dma_wait3A_1082 = arith.constant 0 : i32
      %dma_wait3A_1083 = tpu.memref_slice %arg4[%add3A_348, %multiple_of3A_466, %dma_wait3A_1082] : memref<16x2048x2048xf32, #tpu.memory_space<hbm>> -> memref<1x8x2048xf32, #tpu.memory_space<hbm>>
      %dma_wait3A_1084 = tpu.memref_squeeze %dma_wait3A_1083 : memref<1x8x2048xf32, #tpu.memory_space<hbm>> -> memref<8x2048xf32, #tpu.memory_space<hbm>>
      %dma_wait3A_1085 = arith.constant 0 : i32
      %dma_wait3A_1086 = tpu.memref_slice %arg4[%add3A_348, %multiple_of3A_466, %dma_wait3A_1085] : memref<16x2048x2048xf32, #tpu.memory_space<hbm>> -> memref<1x8x2048xf32, #tpu.memory_space<hbm>>
      %dma_wait3A_1087 = tpu.memref_squeeze %dma_wait3A_1086 : memref<1x8x2048xf32, #tpu.memory_space<hbm>> -> memref<8x2048xf32, #tpu.memory_space<hbm>>
      %dma_wait3A_1088 = arith.constant 0 : i32
      %dma_wait3A_1089 = arith.constant 1152 : i32
      %dma_wait3A_1090 = tpu.memref_slice %arg8[%and3A_349, %dma_wait3A_1088, %dma_wait3A_1089] : memref<2x8x4096xf32, #tpu.memory_space<vmem>> -> memref<1x8x2048xf32, #tpu.memory_space<vmem>>
      %dma_wait3A_1091 = tpu.memref_squeeze %dma_wait3A_1090 : memref<1x8x2048xf32, #tpu.memory_space<vmem>> -> memref<8x2048xf32, #tpu.memory_space<vmem>>
      tpu.wait_dma2 semaphore(%arg9 : memref<!tpu.dma_semaphore, #tpu.memory_space<semaphore_mem>>) src(%dma_wait3A_1091 : memref<8x2048xf32, #tpu.memory_space<vmem>>) dst(%dma_wait3A_1087 : memref<8x2048xf32, #tpu.memory_space<hbm>>)
      %dma_wait3A_1092 = arith.constant 0 : i32
      %dma_wait3A_1093 = arith.constant 1024 : i32
      %dma_wait3A_1094 = tpu.memref_slice %arg8[%and3A_349, %dma_wait3A_1092, %dma_wait3A_1093] : memref<2x8x4096xf32, #tpu.memory_space<vmem>> -> memref<1x8x2048xf32, #tpu.memory_space<vmem>>
      %dma_wait3A_1095 = tpu.memref_squeeze %dma_wait3A_1094 : memref<1x8x2048xf32, #tpu.memory_space<vmem>> -> memref<8x2048xf32, #tpu.memory_space<vmem>>
      %dma_wait3A_1096 = arith.constant 0 : i32
      %dma_wait3A_1097 = tpu.memref_slice %arg4[%add3A_348, %multiple_of3A_485, %dma_wait3A_1096] : memref<16x2048x2048xf32, #tpu.memory_space<hbm>> -> memref<1x8x2048xf32, #tpu.memory_space<hbm>>
      %dma_wait3A_1098 = tpu.memref_squeeze %dma_wait3A_1097 : memref<1x8x2048xf32, #tpu.memory_space<hbm>> -> memref<8x2048xf32, #tpu.memory_space<hbm>>
      %dma_wait3A_1099 = arith.constant 0 : i32
      %dma_wait3A_1100 = tpu.memref_slice %arg4[%add3A_348, %multiple_of3A_485, %dma_wait3A_1099] : memref<16x2048x2048xf32, #tpu.memory_space<hbm>> -> memref<1x8x2048xf32, #tpu.memory_space<hbm>>
      %dma_wait3A_1101 = tpu.memref_squeeze %dma_wait3A_1100 : memref<1x8x2048xf32, #tpu.memory_space<hbm>> -> memref<8x2048xf32, #tpu.memory_space<hbm>>
      %dma_wait3A_1102 = arith.constant 0 : i32
      %dma_wait3A_1103 = arith.constant 1024 : i32
      %dma_wait3A_1104 = tpu.memref_slice %arg8[%and3A_349, %dma_wait3A_1102, %dma_wait3A_1103] : memref<2x8x4096xf32, #tpu.memory_space<vmem>> -> memref<1x8x2048xf32, #tpu.memory_space<vmem>>
      %dma_wait3A_1105 = tpu.memref_squeeze %dma_wait3A_1104 : memref<1x8x2048xf32, #tpu.memory_space<vmem>> -> memref<8x2048xf32, #tpu.memory_space<vmem>>
      tpu.wait_dma2 semaphore(%arg9 : memref<!tpu.dma_semaphore, #tpu.memory_space<semaphore_mem>>) src(%dma_wait3A_1105 : memref<8x2048xf32, #tpu.memory_space<vmem>>) dst(%dma_wait3A_1101 : memref<8x2048xf32, #tpu.memory_space<hbm>>)
      %dma_wait3A_1106 = arith.constant 0 : i32
      %dma_wait3A_1107 = arith.constant 896 : i32
      %dma_wait3A_1108 = tpu.memref_slice %arg8[%and3A_349, %dma_wait3A_1106, %dma_wait3A_1107] : memref<2x8x4096xf32, #tpu.memory_space<vmem>> -> memref<1x8x2048xf32, #tpu.memory_space<vmem>>
      %dma_wait3A_1109 = tpu.memref_squeeze %dma_wait3A_1108 : memref<1x8x2048xf32, #tpu.memory_space<vmem>> -> memref<8x2048xf32, #tpu.memory_space<vmem>>
      %dma_wait3A_1110 = arith.constant 0 : i32
      %dma_wait3A_1111 = tpu.memref_slice %arg4[%add3A_348, %multiple_of3A_504, %dma_wait3A_1110] : memref<16x2048x2048xf32, #tpu.memory_space<hbm>> -> memref<1x8x2048xf32, #tpu.memory_space<hbm>>
      %dma_wait3A_1112 = tpu.memref_squeeze %dma_wait3A_1111 : memref<1x8x2048xf32, #tpu.memory_space<hbm>> -> memref<8x2048xf32, #tpu.memory_space<hbm>>
      %dma_wait3A_1113 = arith.constant 0 : i32
      %dma_wait3A_1114 = tpu.memref_slice %arg4[%add3A_348, %multiple_of3A_504, %dma_wait3A_1113] : memref<16x2048x2048xf32, #tpu.memory_space<hbm>> -> memref<1x8x2048xf32, #tpu.memory_space<hbm>>
      %dma_wait3A_1115 = tpu.memref_squeeze %dma_wait3A_1114 : memref<1x8x2048xf32, #tpu.memory_space<hbm>> -> memref<8x2048xf32, #tpu.memory_space<hbm>>
      %dma_wait3A_1116 = arith.constant 0 : i32
      %dma_wait3A_1117 = arith.constant 896 : i32
      %dma_wait3A_1118 = tpu.memref_slice %arg8[%and3A_349, %dma_wait3A_1116, %dma_wait3A_1117] : memref<2x8x4096xf32, #tpu.memory_space<vmem>> -> memref<1x8x2048xf32, #tpu.memory_space<vmem>>
      %dma_wait3A_1119 = tpu.memref_squeeze %dma_wait3A_1118 : memref<1x8x2048xf32, #tpu.memory_space<vmem>> -> memref<8x2048xf32, #tpu.memory_space<vmem>>
      tpu.wait_dma2 semaphore(%arg9 : memref<!tpu.dma_semaphore, #tpu.memory_space<semaphore_mem>>) src(%dma_wait3A_1119 : memref<8x2048xf32, #tpu.memory_space<vmem>>) dst(%dma_wait3A_1115 : memref<8x2048xf32, #tpu.memory_space<hbm>>)
      %dma_wait3A_1120 = arith.constant 0 : i32
      %dma_wait3A_1121 = arith.constant 768 : i32
      %dma_wait3A_1122 = tpu.memref_slice %arg8[%and3A_349, %dma_wait3A_1120, %dma_wait3A_1121] : memref<2x8x4096xf32, #tpu.memory_space<vmem>> -> memref<1x8x2048xf32, #tpu.memory_space<vmem>>
      %dma_wait3A_1123 = tpu.memref_squeeze %dma_wait3A_1122 : memref<1x8x2048xf32, #tpu.memory_space<vmem>> -> memref<8x2048xf32, #tpu.memory_space<vmem>>
      %dma_wait3A_1124 = arith.constant 0 : i32
      %dma_wait3A_1125 = tpu.memref_slice %arg4[%add3A_348, %multiple_of3A_523, %dma_wait3A_1124] : memref<16x2048x2048xf32, #tpu.memory_space<hbm>> -> memref<1x8x2048xf32, #tpu.memory_space<hbm>>
      %dma_wait3A_1126 = tpu.memref_squeeze %dma_wait3A_1125 : memref<1x8x2048xf32, #tpu.memory_space<hbm>> -> memref<8x2048xf32, #tpu.memory_space<hbm>>
      %dma_wait3A_1127 = arith.constant 0 : i32
      %dma_wait3A_1128 = tpu.memref_slice %arg4[%add3A_348, %multiple_of3A_523, %dma_wait3A_1127] : memref<16x2048x2048xf32, #tpu.memory_space<hbm>> -> memref<1x8x2048xf32, #tpu.memory_space<hbm>>
      %dma_wait3A_1129 = tpu.memref_squeeze %dma_wait3A_1128 : memref<1x8x2048xf32, #tpu.memory_space<hbm>> -> memref<8x2048xf32, #tpu.memory_space<hbm>>
      %dma_wait3A_1130 = arith.constant 0 : i32
      %dma_wait3A_1131 = arith.constant 768 : i32
      %dma_wait3A_1132 = tpu.memref_slice %arg8[%and3A_349, %dma_wait3A_1130, %dma_wait3A_1131] : memref<2x8x4096xf32, #tpu.memory_space<vmem>> -> memref<1x8x2048xf32, #tpu.memory_space<vmem>>
      %dma_wait3A_1133 = tpu.memref_squeeze %dma_wait3A_1132 : memref<1x8x2048xf32, #tpu.memory_space<vmem>> -> memref<8x2048xf32, #tpu.memory_space<vmem>>
      tpu.wait_dma2 semaphore(%arg9 : memref<!tpu.dma_semaphore, #tpu.memory_space<semaphore_mem>>) src(%dma_wait3A_1133 : memref<8x2048xf32, #tpu.memory_space<vmem>>) dst(%dma_wait3A_1129 : memref<8x2048xf32, #tpu.memory_space<hbm>>)
      %dma_wait3A_1134 = arith.constant 0 : i32
      %dma_wait3A_1135 = arith.constant 640 : i32
      %dma_wait3A_1136 = tpu.memref_slice %arg8[%and3A_349, %dma_wait3A_1134, %dma_wait3A_1135] : memref<2x8x4096xf32, #tpu.memory_space<vmem>> -> memref<1x8x2048xf32, #tpu.memory_space<vmem>>
      %dma_wait3A_1137 = tpu.memref_squeeze %dma_wait3A_1136 : memref<1x8x2048xf32, #tpu.memory_space<vmem>> -> memref<8x2048xf32, #tpu.memory_space<vmem>>
      %dma_wait3A_1138 = arith.constant 0 : i32
      %dma_wait3A_1139 = tpu.memref_slice %arg4[%add3A_348, %multiple_of3A_542, %dma_wait3A_1138] : memref<16x2048x2048xf32, #tpu.memory_space<hbm>> -> memref<1x8x2048xf32, #tpu.memory_space<hbm>>
      %dma_wait3A_1140 = tpu.memref_squeeze %dma_wait3A_1139 : memref<1x8x2048xf32, #tpu.memory_space<hbm>> -> memref<8x2048xf32, #tpu.memory_space<hbm>>
      %dma_wait3A_1141 = arith.constant 0 : i32
      %dma_wait3A_1142 = tpu.memref_slice %arg4[%add3A_348, %multiple_of3A_542, %dma_wait3A_1141] : memref<16x2048x2048xf32, #tpu.memory_space<hbm>> -> memref<1x8x2048xf32, #tpu.memory_space<hbm>>
      %dma_wait3A_1143 = tpu.memref_squeeze %dma_wait3A_1142 : memref<1x8x2048xf32, #tpu.memory_space<hbm>> -> memref<8x2048xf32, #tpu.memory_space<hbm>>
      %dma_wait3A_1144 = arith.constant 0 : i32
      %dma_wait3A_1145 = arith.constant 640 : i32
      %dma_wait3A_1146 = tpu.memref_slice %arg8[%and3A_349, %dma_wait3A_1144, %dma_wait3A_1145] : memref<2x8x4096xf32, #tpu.memory_space<vmem>> -> memref<1x8x2048xf32, #tpu.memory_space<vmem>>
      %dma_wait3A_1147 = tpu.memref_squeeze %dma_wait3A_1146 : memref<1x8x2048xf32, #tpu.memory_space<vmem>> -> memref<8x2048xf32, #tpu.memory_space<vmem>>
      tpu.wait_dma2 semaphore(%arg9 : memref<!tpu.dma_semaphore, #tpu.memory_space<semaphore_mem>>) src(%dma_wait3A_1147 : memref<8x2048xf32, #tpu.memory_space<vmem>>) dst(%dma_wait3A_1143 : memref<8x2048xf32, #tpu.memory_space<hbm>>)
      %dma_wait3A_1148 = arith.constant 0 : i32
      %dma_wait3A_1149 = arith.constant 512 : i32
      %dma_wait3A_1150 = tpu.memref_slice %arg8[%and3A_349, %dma_wait3A_1148, %dma_wait3A_1149] : memref<2x8x4096xf32, #tpu.memory_space<vmem>> -> memref<1x8x2048xf32, #tpu.memory_space<vmem>>
      %dma_wait3A_1151 = tpu.memref_squeeze %dma_wait3A_1150 : memref<1x8x2048xf32, #tpu.memory_space<vmem>> -> memref<8x2048xf32, #tpu.memory_space<vmem>>
      %dma_wait3A_1152 = arith.constant 0 : i32
      %dma_wait3A_1153 = tpu.memref_slice %arg4[%add3A_348, %multiple_of3A_561, %dma_wait3A_1152] : memref<16x2048x2048xf32, #tpu.memory_space<hbm>> -> memref<1x8x2048xf32, #tpu.memory_space<hbm>>
      %dma_wait3A_1154 = tpu.memref_squeeze %dma_wait3A_1153 : memref<1x8x2048xf32, #tpu.memory_space<hbm>> -> memref<8x2048xf32, #tpu.memory_space<hbm>>
      %dma_wait3A_1155 = arith.constant 0 : i32
      %dma_wait3A_1156 = tpu.memref_slice %arg4[%add3A_348, %multiple_of3A_561, %dma_wait3A_1155] : memref<16x2048x2048xf32, #tpu.memory_space<hbm>> -> memref<1x8x2048xf32, #tpu.memory_space<hbm>>
      %dma_wait3A_1157 = tpu.memref_squeeze %dma_wait3A_1156 : memref<1x8x2048xf32, #tpu.memory_space<hbm>> -> memref<8x2048xf32, #tpu.memory_space<hbm>>
      %dma_wait3A_1158 = arith.constant 0 : i32
      %dma_wait3A_1159 = arith.constant 512 : i32
      %dma_wait3A_1160 = tpu.memref_slice %arg8[%and3A_349, %dma_wait3A_1158, %dma_wait3A_1159] : memref<2x8x4096xf32, #tpu.memory_space<vmem>> -> memref<1x8x2048xf32, #tpu.memory_space<vmem>>
      %dma_wait3A_1161 = tpu.memref_squeeze %dma_wait3A_1160 : memref<1x8x2048xf32, #tpu.memory_space<vmem>> -> memref<8x2048xf32, #tpu.memory_space<vmem>>
      tpu.wait_dma2 semaphore(%arg9 : memref<!tpu.dma_semaphore, #tpu.memory_space<semaphore_mem>>) src(%dma_wait3A_1161 : memref<8x2048xf32, #tpu.memory_space<vmem>>) dst(%dma_wait3A_1157 : memref<8x2048xf32, #tpu.memory_space<hbm>>)
      %dma_wait3A_1162 = arith.constant 0 : i32
      %dma_wait3A_1163 = arith.constant 384 : i32
      %dma_wait3A_1164 = tpu.memref_slice %arg8[%and3A_349, %dma_wait3A_1162, %dma_wait3A_1163] : memref<2x8x4096xf32, #tpu.memory_space<vmem>> -> memref<1x8x2048xf32, #tpu.memory_space<vmem>>
      %dma_wait3A_1165 = tpu.memref_squeeze %dma_wait3A_1164 : memref<1x8x2048xf32, #tpu.memory_space<vmem>> -> memref<8x2048xf32, #tpu.memory_space<vmem>>
      %dma_wait3A_1166 = arith.constant 0 : i32
      %dma_wait3A_1167 = tpu.memref_slice %arg4[%add3A_348, %multiple_of3A_580, %dma_wait3A_1166] : memref<16x2048x2048xf32, #tpu.memory_space<hbm>> -> memref<1x8x2048xf32, #tpu.memory_space<hbm>>
      %dma_wait3A_1168 = tpu.memref_squeeze %dma_wait3A_1167 : memref<1x8x2048xf32, #tpu.memory_space<hbm>> -> memref<8x2048xf32, #tpu.memory_space<hbm>>
      %dma_wait3A_1169 = arith.constant 0 : i32
      %dma_wait3A_1170 = tpu.memref_slice %arg4[%add3A_348, %multiple_of3A_580, %dma_wait3A_1169] : memref<16x2048x2048xf32, #tpu.memory_space<hbm>> -> memref<1x8x2048xf32, #tpu.memory_space<hbm>>
      %dma_wait3A_1171 = tpu.memref_squeeze %dma_wait3A_1170 : memref<1x8x2048xf32, #tpu.memory_space<hbm>> -> memref<8x2048xf32, #tpu.memory_space<hbm>>
      %dma_wait3A_1172 = arith.constant 0 : i32
      %dma_wait3A_1173 = arith.constant 384 : i32
      %dma_wait3A_1174 = tpu.memref_slice %arg8[%and3A_349, %dma_wait3A_1172, %dma_wait3A_1173] : memref<2x8x4096xf32, #tpu.memory_space<vmem>> -> memref<1x8x2048xf32, #tpu.memory_space<vmem>>
      %dma_wait3A_1175 = tpu.memref_squeeze %dma_wait3A_1174 : memref<1x8x2048xf32, #tpu.memory_space<vmem>> -> memref<8x2048xf32, #tpu.memory_space<vmem>>
      tpu.wait_dma2 semaphore(%arg9 : memref<!tpu.dma_semaphore, #tpu.memory_space<semaphore_mem>>) src(%dma_wait3A_1175 : memref<8x2048xf32, #tpu.memory_space<vmem>>) dst(%dma_wait3A_1171 : memref<8x2048xf32, #tpu.memory_space<hbm>>)
      %dma_wait3A_1176 = arith.constant 0 : i32
      %dma_wait3A_1177 = arith.constant 256 : i32
      %dma_wait3A_1178 = tpu.memref_slice %arg8[%and3A_349, %dma_wait3A_1176, %dma_wait3A_1177] : memref<2x8x4096xf32, #tpu.memory_space<vmem>> -> memref<1x8x2048xf32, #tpu.memory_space<vmem>>
      %dma_wait3A_1179 = tpu.memref_squeeze %dma_wait3A_1178 : memref<1x8x2048xf32, #tpu.memory_space<vmem>> -> memref<8x2048xf32, #tpu.memory_space<vmem>>
      %dma_wait3A_1180 = arith.constant 0 : i32
      %dma_wait3A_1181 = tpu.memref_slice %arg4[%add3A_348, %multiple_of3A_599, %dma_wait3A_1180] : memref<16x2048x2048xf32, #tpu.memory_space<hbm>> -> memref<1x8x2048xf32, #tpu.memory_space<hbm>>
      %dma_wait3A_1182 = tpu.memref_squeeze %dma_wait3A_1181 : memref<1x8x2048xf32, #tpu.memory_space<hbm>> -> memref<8x2048xf32, #tpu.memory_space<hbm>>
      %dma_wait3A_1183 = arith.constant 0 : i32
      %dma_wait3A_1184 = tpu.memref_slice %arg4[%add3A_348, %multiple_of3A_599, %dma_wait3A_1183] : memref<16x2048x2048xf32, #tpu.memory_space<hbm>> -> memref<1x8x2048xf32, #tpu.memory_space<hbm>>
      %dma_wait3A_1185 = tpu.memref_squeeze %dma_wait3A_1184 : memref<1x8x2048xf32, #tpu.memory_space<hbm>> -> memref<8x2048xf32, #tpu.memory_space<hbm>>
      %dma_wait3A_1186 = arith.constant 0 : i32
      %dma_wait3A_1187 = arith.constant 256 : i32
      %dma_wait3A_1188 = tpu.memref_slice %arg8[%and3A_349, %dma_wait3A_1186, %dma_wait3A_1187] : memref<2x8x4096xf32, #tpu.memory_space<vmem>> -> memref<1x8x2048xf32, #tpu.memory_space<vmem>>
      %dma_wait3A_1189 = tpu.memref_squeeze %dma_wait3A_1188 : memref<1x8x2048xf32, #tpu.memory_space<vmem>> -> memref<8x2048xf32, #tpu.memory_space<vmem>>
      tpu.wait_dma2 semaphore(%arg9 : memref<!tpu.dma_semaphore, #tpu.memory_space<semaphore_mem>>) src(%dma_wait3A_1189 : memref<8x2048xf32, #tpu.memory_space<vmem>>) dst(%dma_wait3A_1185 : memref<8x2048xf32, #tpu.memory_space<hbm>>)
      %dma_wait3A_1190 = arith.constant 0 : i32
      %dma_wait3A_1191 = arith.constant 128 : i32
      %dma_wait3A_1192 = tpu.memref_slice %arg8[%and3A_349, %dma_wait3A_1190, %dma_wait3A_1191] : memref<2x8x4096xf32, #tpu.memory_space<vmem>> -> memref<1x8x2048xf32, #tpu.memory_space<vmem>>
      %dma_wait3A_1193 = tpu.memref_squeeze %dma_wait3A_1192 : memref<1x8x2048xf32, #tpu.memory_space<vmem>> -> memref<8x2048xf32, #tpu.memory_space<vmem>>
      %dma_wait3A_1194 = arith.constant 0 : i32
      %dma_wait3A_1195 = tpu.memref_slice %arg4[%add3A_348, %multiple_of3A_618, %dma_wait3A_1194] : memref<16x2048x2048xf32, #tpu.memory_space<hbm>> -> memref<1x8x2048xf32, #tpu.memory_space<hbm>>
      %dma_wait3A_1196 = tpu.memref_squeeze %dma_wait3A_1195 : memref<1x8x2048xf32, #tpu.memory_space<hbm>> -> memref<8x2048xf32, #tpu.memory_space<hbm>>
      %dma_wait3A_1197 = arith.constant 0 : i32
      %dma_wait3A_1198 = tpu.memref_slice %arg4[%add3A_348, %multiple_of3A_618, %dma_wait3A_1197] : memref<16x2048x2048xf32, #tpu.memory_space<hbm>> -> memref<1x8x2048xf32, #tpu.memory_space<hbm>>
      %dma_wait3A_1199 = tpu.memref_squeeze %dma_wait3A_1198 : memref<1x8x2048xf32, #tpu.memory_space<hbm>> -> memref<8x2048xf32, #tpu.memory_space<hbm>>
      %dma_wait3A_1200 = arith.constant 0 : i32
      %dma_wait3A_1201 = arith.constant 128 : i32
      %dma_wait3A_1202 = tpu.memref_slice %arg8[%and3A_349, %dma_wait3A_1200, %dma_wait3A_1201] : memref<2x8x4096xf32, #tpu.memory_space<vmem>> -> memref<1x8x2048xf32, #tpu.memory_space<vmem>>
      %dma_wait3A_1203 = tpu.memref_squeeze %dma_wait3A_1202 : memref<1x8x2048xf32, #tpu.memory_space<vmem>> -> memref<8x2048xf32, #tpu.memory_space<vmem>>
      tpu.wait_dma2 semaphore(%arg9 : memref<!tpu.dma_semaphore, #tpu.memory_space<semaphore_mem>>) src(%dma_wait3A_1203 : memref<8x2048xf32, #tpu.memory_space<vmem>>) dst(%dma_wait3A_1199 : memref<8x2048xf32, #tpu.memory_space<hbm>>)
      %dma_wait3A_1204 = arith.constant 0 : i32
      %dma_wait3A_1205 = arith.constant 0 : i32
      %dma_wait3A_1206 = tpu.memref_slice %arg8[%and3A_349, %dma_wait3A_1204, %dma_wait3A_1205] : memref<2x8x4096xf32, #tpu.memory_space<vmem>> -> memref<1x8x2048xf32, #tpu.memory_space<vmem>>
      %dma_wait3A_1207 = tpu.memref_squeeze %dma_wait3A_1206 : memref<1x8x2048xf32, #tpu.memory_space<vmem>> -> memref<8x2048xf32, #tpu.memory_space<vmem>>
      %dma_wait3A_1208 = arith.constant 0 : i32
      %dma_wait3A_1209 = tpu.memref_slice %arg4[%add3A_348, %multiple_of3A_637, %dma_wait3A_1208] : memref<16x2048x2048xf32, #tpu.memory_space<hbm>> -> memref<1x8x2048xf32, #tpu.memory_space<hbm>>
      %dma_wait3A_1210 = tpu.memref_squeeze %dma_wait3A_1209 : memref<1x8x2048xf32, #tpu.memory_space<hbm>> -> memref<8x2048xf32, #tpu.memory_space<hbm>>
      %dma_wait3A_1211 = arith.constant 0 : i32
      %dma_wait3A_1212 = tpu.memref_slice %arg4[%add3A_348, %multiple_of3A_637, %dma_wait3A_1211] : memref<16x2048x2048xf32, #tpu.memory_space<hbm>> -> memref<1x8x2048xf32, #tpu.memory_space<hbm>>
      %dma_wait3A_1213 = tpu.memref_squeeze %dma_wait3A_1212 : memref<1x8x2048xf32, #tpu.memory_space<hbm>> -> memref<8x2048xf32, #tpu.memory_space<hbm>>
      %dma_wait3A_1214 = arith.constant 0 : i32
      %dma_wait3A_1215 = arith.constant 0 : i32
      %dma_wait3A_1216 = tpu.memref_slice %arg8[%and3A_349, %dma_wait3A_1214, %dma_wait3A_1215] : memref<2x8x4096xf32, #tpu.memory_space<vmem>> -> memref<1x8x2048xf32, #tpu.memory_space<vmem>>
      %dma_wait3A_1217 = tpu.memref_squeeze %dma_wait3A_1216 : memref<1x8x2048xf32, #tpu.memory_space<vmem>> -> memref<8x2048xf32, #tpu.memory_space<vmem>>
      tpu.wait_dma2 semaphore(%arg9 : memref<!tpu.dma_semaphore, #tpu.memory_space<semaphore_mem>>) src(%dma_wait3A_1217 : memref<8x2048xf32, #tpu.memory_space<vmem>>) dst(%dma_wait3A_1213 : memref<8x2048xf32, #tpu.memory_space<hbm>>)
    }
    %scan3A_346 = arith.constant 8 : i32
    return
  }
}

</mosaic_0001>

<sc_bundles>
// kernel: kernel.3.cloned.1.call-start
scs
__scs_entry_jumppad:
0x0: {  	(pc) =	sbr.rel $0x88, $3  }
0x1: {  	(tag) =	ssettag $0x0;
	lr =	simm.s32 $0x1  }
0x2: {  	[smem:$0x3F9F] =	sst lr;
	_ =	strace $0xD0000000  }
0x3: {  	_ = 	snop  }
0x4: {  	_ = 	snop  }
0x5: {  	_ = 	snop  }
0x6: {  	_ = 	snop  }
0x7: {  	_ = 	snop  }
__scs_overlays_trampoline_lowered:
0x8: {  	[smem:$0x3FAE] =	sst s0  }
0x9: {  	[smem:$0x3FAF] =	sst s1  }
0xa: {  	[smem:$0x3FB0] =	sst s2  }
0xb: {  	[smem:$0x3FB1] =	sst s3  }
0xc: {  	[smem:$0x3FB2] =	sst s4  }
0xd: {  	[smem:$0x3FB3] =	sst s5  }
0xe: {  	[smem:$0x3FB4] =	sst s6  }
0xf: {  	[smem:$0x3FB5] =	sst s7  }
0x10: {  	[smem:$0x3FB6] =	sst s8  }
0x11: {  	[smem:$0x3FB7] =	sst s9;
	s0 =	simm.s32 @!p0 $0x0  }
0x12: {  	s1 =	sld [smem:$0x3F9D];
	s0 =	simm.s32 @p0 $0x1  }
0x13: {  	[smem:$0x3FB8] =	sst s0;
	s0 =	simm.s32 @!p1 $0x0  }
0x14: {  	s2 =	sld [smem:$0x3F9C];
	s0 =	simm.s32 @p1 $0x1  }
0x15: {  	[smem:$0x3FB9] =	sst s0;
	s0 =	simm.s32 @!p2 $0x0  }
0x16: {  	s3 =	sld [smem:$0x3FDB];
	s0 =	simm.s32 @p2 $0x1  }
0x17: {  	s4 =	simm.s32 $0x1BF5;
	[smem:$0x3FBB] =	sst s0  }
0x18: {  	s0 =	sld [smem:$0x3F9E];
	_ =	swait.ge [sflag:s4], $0x0  }
0x19: {  	s7 =	sld [smem:$0x3F9F]  }
0x1a: {  	s8 =	sadd.s32 $0xFFFFE003, lr  }
0x1b: {  	s9 =	sadd.s32 $0xFFFFFEF7, lr;
	s5 =	simm.s32 $0xFFFFFFFF;
	p2 =	slt.u32 s8, $0xFFFFF086  }
0x1c: {  	p1 =	slt.u32 s9, $0xF7A;
	s5 =	simm.s32 @!p2 $0x0  }
0x1d: {  	s5 =	simm.s32 @p1 $0x1;
	p0 =	seq.s32 s7, s2  }
0x1e: {  	s7 =	smul.u32 @!p0 $0xF7A, s2;
	p2 =	seq.s32 @!p0 s5, $0x0  }
0x1f: {  	s9 =	smul.u32 $0xF7A, s1;
	s8 =	simm.s32 @!p0 $0x1BF5;
	p2 =	por !p2, p0  }
0x20: {  	[sflag:s8] =	ssyncset.s32 @!p0 $0xFFFFF086;
	s6 =	sadd.s32 @!p0 s3, s7;
	s7 =	simm.s32 @!p0 $0x108  }
0x21: {  	s3 =	sadd.s32 s3, s9;
	s6 =	sadd.s32 @!p0 $0x88, s6;
	s7 =	simm.s32 @p2 $0x1082  }
0x22: {  	[simem:s7], [sflag:s8] =	dma.local @!p0 [hbm:s6], $0xF7A  }
0x23: {  	s9 =	sor.u32 $0xD0000000, s2;
	s6 =	simm.s32 $0x108;
	_ =	swait.ge @!p0 [sflag:s8], $0x0  }
0x24: {  	s3 =	sadd.s32 $0x88, s3;
	s6 =	simm.s32 @!p1 $0x1082;
	[sflag:s4] =	ssyncset.s32 $0xFFFFF086  }
0x25: {  	[simem:s6], [sflag:s4] =	dma.local [hbm:s3], $0xF7A  }
0x26: {  	[smem:$0x3F9F] =	sst s1;
	(tag) =	ssettag s2;
	_ =	strace s9  }
0x27: {  	s1 =	sld [smem:$0x3FAF]  }
0x28: {  	s2 =	sld [smem:$0x3FB0]  }
0x29: {  	s4 =	sld [smem:$0x3FB2]  }
0x2a: {  	p0 =	seq.s32 s5, $0x0;
	s5 =	sld [smem:$0x3FB3]  }
0x2b: {  	s6 =	sld [smem:$0x3FB4]  }
0x2c: {  	s7 =	sld [smem:$0x3FB5]  }
0x2d: {  	s3 =	simm.s32 $0x108;
	s8 =	sld [smem:$0x3FB6]  }
0x2e: {  	s3 =	simm.s32 @!p0 $0x1082;
	s9 =	sld [smem:$0x3FB7]  }
0x2f: {  	lr =	sadd.s32 s0, s3;
	s0 =	sld [smem:$0x3FAE]  }
0x30: {  	s3 =	sld [smem:$0x3FB1]  }
0x31: {  	[smem:$0x3FBA] =	sst s10  }
0x32: {  	s10 =	sld [smem:$0x3FB8];
	_ =	sdelay $0x3  }
0x33: {  	p0 =	seq.s32 s10, $0x1;
	s10 =	sld [smem:$0x3FBA];
	_ =	sdelay $0x3  }
0x34: {  	[smem:$0x3FBA] =	sst s10  }
0x35: {  	s10 =	sld [smem:$0x3FB9];
	_ =	sdelay $0x3  }
0x36: {  	p1 =	seq.s32 s10, $0x1;
	s10 =	sld [smem:$0x3FBA];
	_ =	sdelay $0x3  }
0x37: {  	[smem:$0x3FBA] =	sst s10  }
0x38: {  	s10 =	sld [smem:$0x3FBB]  }
0x39: {  	_ = 	snop;
	(pc) =	sbr.ind lr, $3  }
0x3a: {  	_ = 	snop  }
0x3b: {  	_ = 	snop  }
0x3c: {  	p2 =	seq.s32 s10, $0x1;
	s10 =	sld [smem:$0x3FBA]  }
0x3d: {  	_ =	shalt  }
0x3e: {  	_ =	shalt  }
0x3f: {  	_ =	shalt  }
0x40: {  	_ =	shalt  }
0x41: {  	_ =	shalt  }
0x42: {  	_ =	shalt  }
0x43: {  	_ =	shalt  }
0x44: {  	_ =	shalt  }
0x45: {  	_ =	shalt  }
0x46: {  	_ =	shalt  }
0x47: {  	_ =	shalt  }
0x48: {  	_ =	shalt  }
0x49: {  	_ =	shalt  }
0x4a: {  	_ =	shalt  }
0x4b: {  	_ =	shalt  }
0x4c: {  	_ =	shalt  }
0x4d: {  	_ =	shalt  }
0x4e: {  	_ =	shalt  }
0x4f: {  	_ =	shalt  }
0x50: {  	_ =	shalt  }
0x51: {  	_ =	shalt  }
0x52: {  	_ =	shalt  }
0x53: {  	_ =	shalt  }
0x54: {  	_ =	shalt  }
0x55: {  	_ =	shalt  }
0x56: {  	_ =	shalt  }
0x57: {  	_ =	shalt  }
0x58: {  	_ =	shalt  }
0x59: {  	_ =	shalt  }
0x5a: {  	_ =	shalt  }
0x5b: {  	_ =	shalt  }
0x5c: {  	_ =	shalt  }
0x5d: {  	_ =	shalt  }
0x5e: {  	_ =	shalt  }
0x5f: {  	_ =	shalt  }
0x60: {  	_ =	shalt  }
0x61: {  	_ =	shalt  }
0x62: {  	_ =	shalt  }
0x63: {  	_ =	shalt  }
0x64: {  	_ =	shalt  }
0x65: {  	_ =	shalt  }
0x66: {  	_ =	shalt  }
0x67: {  	_ =	shalt  }
0x68: {  	_ =	shalt  }
0x69: {  	_ =	shalt  }
0x6a: {  	_ =	shalt  }
0x6b: {  	_ =	shalt  }
0x6c: {  	_ =	shalt  }
0x6d: {  	_ =	shalt  }
0x6e: {  	_ =	shalt  }
0x6f: {  	_ =	shalt  }
0x70: {  	_ =	shalt  }
0x71: {  	_ =	shalt  }
0x72: {  	_ =	shalt  }
0x73: {  	_ =	shalt  }
0x74: {  	_ =	shalt  }
0x75: {  	_ =	shalt  }
0x76: {  	_ =	shalt  }
0x77: {  	_ =	shalt  }
0x78: {  	_ =	shalt  }
0x79: {  	_ =	shalt  }
0x7a: {  	_ =	shalt  }
0x7b: {  	_ =	shalt  }
0x7c: {  	_ =	shalt  }
0x7d: {  	_ =	shalt  }
0x7e: {  	_ =	shalt  }
0x7f: {  	_ =	shalt  }
0x80: {  	_ =	shalt  }
0x81: {  	_ =	shalt  }
0x82: {  	_ =	shalt  }
0x83: {  	_ =	shalt  }
0x84: {  	_ =	shalt  }
0x85: {  	_ =	shalt  }
0x86: {  	_ =	shalt  }
0x87: {  	_ =	shalt  }
.Lfunc_end0:
.L_simem_size_0:
called_computation_lowered:
.L_overlay_start_0:
0x88: {  	s2 =	sld [smem:$0x3FD9]  }
0x89: {  	s3 =	sld [smem:$0x3FFE];
	_ =	sdelay $0x1  }
0x8a: {  	s1 =	srdreg.scid  }
0x8b: {  	s0 =	sand.u32 $0x1, s1  }
0x8c: {  	s17 =	sshll.u32 s0, $0xA;
	s2 =	sadd.s32 s3, s2  }
0x8d: {  	s2 =	sadd.s32 s2, s17  }
0x8e: {  	[smem:$0x3FC6] =	sst s2  }
0x8f: {  	_ = 	snop  }
0x90: {  	s2 =	sld [smem:$0x3FD0];
	(tm) =	ssettm $0x1  }
0x91: {  	s18 =	sld [smem:$0x3FFB];
	_ =	sdelay $0x3  }
0x92: {  	_ =	strace s18  }
0x93: {  	s3 =	sld [smem:$0x3FFC];
	_ =	sdelay $0x3  }
0x94: {  	_ =	strace s3  }
0x95: {  	s3 =	sld [smem:$0x3FFD];
	_ =	sdelay $0x3  }
0x96: {  	_ =	strace s3  }
0x97: {  	_ =	strace $0x8FFFFFFF  }
0x98: {  	s19 =	sld [smem:$0x3FDB];
	_ =	sdelay $0x1  }
0x99: {  	s4 =	simm.s32 $_scs_section_size  }
0x9a: {  	s5 =	simm.s32 $_size__tile_overlayer_lowered;
	s6 =	simm.s32 $_tile_overlayer_lowered  }
0x9b: {  	s22 =	simm.s32 $0x1BFF;
	s21 =	sshll.u32 s6, $0x1;
	s3 =	sadd.s32 s4, s19  }
0x9c: {  	s7 =	simm.s32 $0x0;
	s20 =	sshll.u32 s5, $0x1;
	s5 =	sadd.s32 s21, s3  }
0x9d: {  	[timem:s7], [sflag:s22] =	dma.local [hbm:s5], s20  }
0x9e: {  	_ =	swait.ge [sflag:s22], s20  }
0x9f: {  	s4 =	ssub.s32 $0x0, s20;
	[sflag:s22] =	ssyncset.done $0x0  }
0xa0: {  	[sflag:s22] =	ssyncadd.s32 s4;
	_ =	sdelay $0x1  }
0xa1: {  	s23 =	simm.s32 $0x1B8B  }
0xa2: {  	_ =	swait.ge [sflag:s23], $0x1  }
0xa3: {  	[sflag:s23] =	ssyncset.done $0x0  }
0xa4: {  	s25 =	simm.s32 $0x1B8E;
	s24 =	sld [smem:$0x3FFE];
	[sflag:s23] =	ssyncadd.s32 $0xFFFFFFFF  }
0xa5: {  	s26 =	simm.s32 $execute0_lowered;
	[smem:$0x3FD2] =	sst s25  }
0xa6: {  	s5 =	sshll.u32 s26, $0x1;
	_ =	strace $0x80000046;
	[dreg:$0x1] =	wrdreg $0xFFFFFFFF  }
0xa7: {  	s28 =	simm.s32 $_size_execute0_lowered;
	s3 =	sadd.s32 s3, s5;
	[dreg:$0x0] =	wrdreg $0x0  }
0xa8: {  	s5 =	sshll.u32 s28, $0x1;
	[dreg:$0x2] =	wrdreg s3  }
0xa9: {  	[dreg:$0x3] =	wrdreg s5  }
0xaa: {  	[dreg:$0x4] =	wrdreg $0xC0  }
0xab: {  	_ =	task [dreg:s7], $0x5FFFF  }
0xac: {  	[dreg:$0x1] =	wrdreg $0xFFFFFFFF  }
0xad: {  	[dreg:$0x0] =	wrdreg $0x60  }
0xae: {  	[dreg:$0x2] =	wrdreg s24  }
0xaf: {  	[dreg:$0x3] =	wrdreg s2  }
0xb0: {  	[dreg:$0x4] =	wrdreg $0x9  }
0xb1: {  	_ =	task.clear_ibuf [dreg:s7], $0x5FFFF;
	_ =	strace $0x90000046  }
0xb2: {  	s29 =	simm.s32 $0x9;
	_ =	strace $0x80000048  }
0xb3: {  	_ =	swait.ge [sflag:s29], $0x1  }
0xb4: {  	[sflag:s29] =	ssyncadd.s32 $0xFFFFFFFF  }
0xb5: {  	_ =	strace $0x90000048  }
0xb6: {  	_ =	sfence  }
0xb7: {  	s30 =	sld [smem:$0x0];
	_ =	sdelay $0x2  }
0xb8: {  	s31 =	sshll.u32 s1, $0xD;
	s1 =	sshrl.u32 s1, $0x2  }
0xb9: {  	s3 =	sand.u32 $0x4000, s31;
	s1 =	sadd.s32 s1, s30  }
0xba: {  	s0 =	sor.u32 s3, s0;
	s1 =	sshll.u32 s1, $0x11  }
0xbb: {  	s0 =	sor.u32 s1, s0  }
0xbc: {  	s0 =	sadd.s32 $0x8F2B, s0  }
0xbd: {  	[sflag:s0] =	ssyncadd.remote.s32 $0x1  }
0xbe: {  	_ =	sfence.sel $0xFFFF  }
0xbf: {  	[dreg:$0x0] =	wrdreg $0xFFFFFFFF;
	(pc) =	sbr.abs _section_cstart, $3  }
0xc0: {  	[dreg:$0x1] =	wrdreg $0xFFFFFFFF  }
0xc1: {  	_ =	task.clear_ibuf [dreg:s7], $0x2FFFF;
	_ =	strace $0x9FFFFFFF  }
0xc2: {  	(tm) =	ssettm $0x7FFFFFFF  }
0xc3: {  	_ =	shalt  }
tec
execute0_lowered:
.L_overlay_start_1:
0x0: {  	(tag) =	ssettag $0x1  }
0x1: {  	s0 =	rddreg [dreg:$0x0]  }
0x2: {  	s1 =	rddreg [dreg:$0x1];
	s2 =	simm.s32 $0x0;
	s3 =	srdreg.scid  }
0x3: {  	s7 =	stileid.u32;
	[smem:$0x7FF] =	sst s2;
	s3 =	sand.u32 $0x1, s3  }
0x4: {  	s4 =	sadd.s32 $0x800, s0;
	s0 =	sadd.s32 $0x400, s0;
	s5 =	sshll.u32 s7, $0x3  }
0x5: {  	s7 =	sshll.u32 s7, $0xE;
	_ =	strace $0x80000047;
	[dreg:$0x3] =	wrdreg s4  }
0x6: {  	s20 =	ssub.s32 $0x2, s3;
	[dreg:$0x4] =	wrdreg s0;
	s22 =	sadd.s32 $0x710, s5  }
0x7: {  	s6 =	sadd.s32 $0x7E8, s5;
	s10 =	sadd.s32 $0x718, s5;
	s11 =	sadd.s32 $0x7F0, s5  }
0x8: {  	s13 =	sor.u32 $0x40000, s7;
	s23 =	sor.u32 $0x80000, s7;
	s25 =	sor.u32 $0xC0000, s7  }
0x9: {  	s26 =	sor.u32 $0x100000, s7;
	s15 =	ssub.s32 $0x0, s5;
	s14 =	sor.u32 $0x240000, s7  }
0xa: {  	s17 =	sor.u32 $0x280000, s7;
	s21 =	sshrl.u32 s20, $0x1;
	[dreg:$0x6] =	wrdreg s13  }
0xb: {  	s8 =	sshrl.u32 s22, $0x4;
	s9 =	sshrl.u32 s6, $0x4;
	[dreg:$0x7] =	wrdreg s23  }
0xc: {  	s12 =	sshrl.u32 s10, $0x4;
	s24 =	sshrl.u32 s11, $0x4;
	[dreg:$0x8] =	wrdreg s25  }
0xd: {  	[dreg:$0x9] =	wrdreg s26;
	s13 =	sshllo.u32 s3, $0x3;
	s28 =	sand.u32 $0x7F0, s22  }
0xe: {  	s19 =	sand.u32 $0xFF0, s6;
	s4 =	sand.u32 $0x7F0, s10;
	s25 =	sand.u32 $0xFF0, s11  }
0xf: {  	s10 =	sor.u32 $0x180000, s7;
	s11 =	sor.u32 $0x1C0000, s7;
	[dreg:$0x12] =	wrdreg s14  }
0x10: {  	[dreg:$0x13] =	wrdreg s17;
	s26 =	sor.u32 $0x2C0000, s7;
	s17 =	smov.u32 s7  }
0x11: {  	s0 =	ssub.s32 s20, s21;
	s21 =	sshll.u32 s3, $0x3;
	[dreg:$0xf] =	wrdreg s10  }
0x12: {  	s29 =	sadd.s32 $0xFFFFFFFF, s9;
	s30 =	sshll.u32 s8, $0x7;
	[dreg:$0x10] =	wrdreg s11  }
0x13: {  	s16 =	sadd.s32 $0x10, s28;
	s20 =	sshll.u32 s9, $0x7;
	[dreg:$0x14] =	wrdreg s26  }
0x14: {  	s5 =	sshll.u32 s12, $0x7;
	s9 =	sor.u32 $0x140000, s7;
	[dreg:$0x5] =	wrdreg s24  }
0x15: {  	s6 =	sxor.u32 $0xFFFFFFFF, s12;
	s28 =	sor.u32 $0x300000, s7;
	[dreg:$0xe] =	wrdreg s9  }
0x16: {  	s22 =	sadd.s32 $0x10, s4;
	s0 =	smax.u32 s0, $0x1;
	[dreg:$0x15] =	wrdreg s28  }
0x17: {  	s31 =	ssub.s32 s29, s8;
	s18 =	sadd.s32 $0x80, s30;
	[dreg:$0xa] =	wrdreg s0  }
0x18: {  	s3 =	ssub.s32 s29, s12;
	s23 =	sadd.s32 $0x80, s5;
	[dreg:$0xb] =	wrdreg s31  }
0x19: {  	s8 =	sadd.s32 s24, s6;
	s12 =	sor.u32 $0x200000, s7;
	[dreg:$0xc] =	wrdreg s3  }
.Ltmp0:
0x1a: {  	s29 =	sor.u32 $0x340000, s7;
	[dreg:$0xd] =	wrdreg s8;
	(pc) =	sbr.rel .LBB2_1-.Ltmp0, $4  }
0x1b: {  	s30 =	sor.u32 $0x380000, s7;
	s14 =	smov.u32 s21;
	[dreg:$0x11] =	wrdreg s12  }
0x1c: {  	v0 =	vmov s21;
	s21 =	sshll.u32 s24, $0x7;
	s24 =	sshrl.u32 s22, $0x4;
	[dreg:$0x16] =	wrdreg s29  }
0x1d: {  	s6 =	simm.s32 $0x1;
	[dreg:$0x17] =	wrdreg s30;
	s31 =	sor.u32 $0x3C0000, s7  }
0x1e: {  	v3 =	vlaneseq.u32;
	v1 =	vor.u32 $0xF0, v0;
	v2 =	vor.u32 $0x1F0, v0;
	s8 =	simm.s32 $0x200;
	s3 =	simm.s32 $0x0;
	[dreg:$0x18] =	wrdreg s31  }
.LBB2_180:
0x1f: {  	s3 =	rddreg [dreg:$0x19]  }
0x20: {  	s0 =	rddreg [dreg:$0xa];
	s3 =	sadd.s32 $0x1, s3  }
0x21: {  	p0 =	sne.s32 s3, s0  }
.Ltmp1:
0x22: {  	_ = 	snop;
	(pc) =	sbr.rel @!p0 .LBB2_181-.Ltmp1, $1  }
0x23: {  	_ =	sdelay $0x3  }
.LBB2_1:
0x24: {  	[dreg:$0x19] =	wrdreg s3  }
0x25: {  	s0 =	rddreg [dreg:$0x3];
	s4 =	simm.s32 $0x2  }
0x26: {  	[tilespmem:s2], [sflag:$0x2] =	stream.linear.gather [hbm4b:s0+s2], $0x200, $0x38;
	[tilespmem:$0x19280] =	vst v63  }
0x27: {  	s0 =	sadd.s32 $0x0, s15;
	_ =	swait.ge [sflag:s4], $0x200  }
0x28: {  	s26 =	sadd.s32 $0x7F, s0;
	[sflag:s4] =	ssyncset.done $0x0  }
0x29: {  	v4 =	vadd.s32 s26, v3;
	s28 =	rddreg [dreg:$0x4];
	[sflag:s4] =	ssyncadd.s32 $0xFFFFFE00  }
0x2a: {  	[tilespmem:s8], [sflag:$0x2] =	stream.linear.gather [hbm4b:s28+s2], $0x1080, $0x38;
	[tilespmem:$0x19280] =	vst v63  }
0x2b: {  	_ =	swait.ge [sflag:s4], $0x1080  }
0x2c: {  	[sflag:s4] =	ssyncset.done $0x0  }
0x2d: {  	[sflag:s4] =	ssyncadd.s32 $0xFFFFEF80  }
0x2e: {  	v4 =	vld.idx.msk [tilespmem:v4+s8+$0x0], $0xffff  }
0x2f: {  	s5 =	sadd.s32 $0x7E, s0  }
0x30: {  	v5 =	vadd.s32 s5, v3;
	_ =	sdelay $0x1  }
0x31: {  	s7 =	sand.u32 $0x70, s2;
	s9 =	sand.u32 $0x7C00, s2  }
0x32: {  	s3 =	sor.u32 s7, s9;
	v4 =	vshll.u32 v4, $0x4  }
0x33: {  	[tilespmem:s3+$0x1280] =	vst v4  }
0x34: {  	v4 =	vld.idx.msk [tilespmem:v5+s8+$0x0], $0xffff  }
0x35: {  	s10 =	sadd.s32 $0x7D, s0  }
0x36: {  	v5 =	vadd.s32 s10, v3;
	_ =	sdelay $0x2  }
0x37: {  	v4 =	vshll.u32 v4, $0x4  }
0x38: {  	[tilespmem:s3+$0x1300] =	vst v4  }
0x39: {  	v4 =	vld.idx.msk [tilespmem:v5+s8+$0x0], $0xffff  }
0x3a: {  	s11 =	sadd.s32 $0x7C, s0  }
0x3b: {  	v5 =	vadd.s32 s11, v3;
	_ =	sdelay $0x2  }
0x3c: {  	v4 =	vshll.u32 v4, $0x4  }
0x3d: {  	[tilespmem:s3+$0x1380] =	vst v4  }
0x3e: {  	v4 =	vld.idx.msk [tilespmem:v5+s8+$0x0], $0xffff  }
0x3f: {  	s12 =	sadd.s32 $0x7B, s0  }
0x40: {  	v5 =	vadd.s32 s12, v3;
	_ =	sdelay $0x2  }
0x41: {  	v4 =	vshll.u32 v4, $0x4  }
0x42: {  	[tilespmem:s3+$0x1400] =	vst v4  }
0x43: {  	v4 =	vld.idx.msk [tilespmem:v5+s8+$0x0], $0xffff  }
0x44: {  	s26 =	sadd.s32 $0x7A, s0  }
0x45: {  	v5 =	vadd.s32 s26, v3;
	_ =	sdelay $0x2  }
0x46: {  	v4 =	vshll.u32 v4, $0x4  }
0x47: {  	[tilespmem:s3+$0x1480] =	vst v4  }
0x48: {  	v4 =	vld.idx.msk [tilespmem:v5+s8+$0x0], $0xffff  }
0x49: {  	s28 =	sadd.s32 $0x79, s0  }
0x4a: {  	v5 =	vadd.s32 s28, v3;
	_ =	sdelay $0x2  }
0x4b: {  	v4 =	vshll.u32 v4, $0x4  }
0x4c: {  	[tilespmem:s3+$0x1500] =	vst v4  }
0x4d: {  	v4 =	vld.idx.msk [tilespmem:v5+s8+$0x0], $0xffff  }
0x4e: {  	s0 =	sadd.s32 $0x78, s0  }
0x4f: {  	v5 =	vadd.s32 s0, v3;
	_ =	sdelay $0x2  }
0x50: {  	s5 =	sand.u32 $0x7, s2;
	v4 =	vshll.u32 v4, $0x4  }
0x51: {  	s5 =	sshll.u32 s5, $0x4;
	[tilespmem:s3+$0x1580] =	vst v4  }
0x52: {  	s5 =	sadd.s32 $0x0, s5;
	v5 =	vld.idx.msk [tilespmem:v5+s8+$0x0], $0xffff  }
0x53: {  	s5 =	sor.u32 $0x380, s5  }
0x54: {  	s4 =	simm.s32 $0x20;
	s10 =	simm.s32 $0x10;
	s0 =	sadd.s32 $0x10, s15  }
0x55: {  	s12 =	simm.s32 $0x0;
	s9 =	sadd.s32 $0x7F, s0;
	s31 =	sadd.s32 $0x7C, s0  }
0x56: {  	s30 =	sadd.s32 $0x7B, s0;
	s29 =	sadd.s32 $0x7A, s0;
	s26 =	sadd.s32 $0x79, s0;
	v4 =	vadd.s32 s9, v3  }
0x57: {  	s11 =	sadd.s32 $0x78, s0;
	s3 =	sadd.s32 $0x7E, s0;
	s9 =	simm.s32 $0x0;
	v5 =	vshll.u32 v5, $0x4  }
.LBB2_2:
0x58: {  	s12 =	sadd.s32 $0x80, s12  }
0x59: {  	[tilespmem:s5+$0x1280] =	vst v5;
	s9 =	sadd.s32 $0x1, s9;
	s5 =	smov.u32 s4;
	s28 =	sadd.s32 $0x10, s4  }
0x5a: {  	p0 =	sne.s32 s4, $0xFF0  }
0x5b: {  	v4 =	vld.idx.msk [tilespmem:v4+s8+$0x0], $0xffff;
	_ =	sdelay $0x2  }
0x5c: {  	v5 =	vadd.s32 s3, v3;
	_ =	sdelay $0x1  }
0x5d: {  	s3 =	sand.u32 $0x70, s10;
	s4 =	sand.u32 $0x7C00, s12;
	s10 =	smov.u32 s5  }
0x5e: {  	s3 =	sor.u32 s3, s4;
	v4 =	vshll.u32 v4, $0x4  }
0x5f: {  	[tilespmem:s3+$0x1280] =	vst v4  }
0x60: {  	v4 =	vld.idx.msk [tilespmem:v5+s8+$0x0], $0xffff;
	_ =	sdelay $0x1  }
0x61: {  	s0 =	sadd.s32 $0x7D, s0  }
0x62: {  	v5 =	vadd.s32 s0, v3;
	_ =	sdelay $0x2  }
0x63: {  	v4 =	vshll.u32 v4, $0x4  }
0x64: {  	[tilespmem:s3+$0x1300] =	vst v4  }
0x65: {  	v4 =	vld.idx.msk [tilespmem:v5+s8+$0x0], $0xffff;
	_ =	sdelay $0x2  }
0x66: {  	v5 =	vadd.s32 s31, v3;
	_ =	sdelay $0x2  }
0x67: {  	v4 =	vshll.u32 v4, $0x4  }
0x68: {  	[tilespmem:s3+$0x1380] =	vst v4  }
0x69: {  	v4 =	vld.idx.msk [tilespmem:v5+s8+$0x0], $0xffff;
	_ =	sdelay $0x2  }
0x6a: {  	v5 =	vadd.s32 s30, v3;
	_ =	sdelay $0x2  }
0x6b: {  	v4 =	vshll.u32 v4, $0x4  }
0x6c: {  	[tilespmem:s3+$0x1400] =	vst v4  }
0x6d: {  	v4 =	vld.idx.msk [tilespmem:v5+s8+$0x0], $0xffff;
	_ =	sdelay $0x2  }
0x6e: {  	v5 =	vadd.s32 s29, v3;
	_ =	sdelay $0x2  }
0x6f: {  	v4 =	vshll.u32 v4, $0x4  }
0x70: {  	[tilespmem:s3+$0x1480] =	vst v4  }
0x71: {  	v4 =	vld.idx.msk [tilespmem:v5+s8+$0x0], $0xffff;
	_ =	sdelay $0x2  }
0x72: {  	v5 =	vadd.s32 s26, v3;
	_ =	sdelay $0x2  }
0x73: {  	v4 =	vshll.u32 v4, $0x4  }
0x74: {  	[tilespmem:s3+$0x1500] =	vst v4  }
0x75: {  	v4 =	vld.idx.msk [tilespmem:v5+s8+$0x0], $0xffff;
	_ =	sdelay $0x2  }
0x76: {  	v5 =	vadd.s32 s11, v3;
	_ =	sdelay $0x2  }
0x77: {  	v4 =	vshll.u32 v4, $0x4  }
0x78: {  	[tilespmem:s3+$0x1580] =	vst v4  }
0x79: {  	v5 =	vld.idx.msk [tilespmem:v5+s8+$0x0], $0xffff;
	_ =	sdelay $0x1  }
.Ltmp2:
0x7a: {  	s4 =	sand.u32 $0x7, s9;
	s0 =	sadd.s32 s10, s15;
	(pc) =	sbr.rel @p0 .LBB2_2-.Ltmp2, $4  }
0x7b: {  	s4 =	sshll.u32 s4, $0x4;
	s5 =	sadd.s32 $0x7F, s0;
	s3 =	sadd.s32 $0x7E, s0  }
0x7c: {  	s31 =	sadd.s32 $0x7C, s0;
	s30 =	sadd.s32 $0x7B, s0;
	s29 =	sadd.s32 $0x7A, s0;
	v4 =	vadd.s32 s5, v3  }
0x7d: {  	s4 =	sadd.s32 s4, s12;
	s26 =	sadd.s32 $0x79, s0;
	s11 =	sadd.s32 $0x78, s0  }
0x7e: {  	s5 =	sor.u32 $0x380, s4;
	s4 =	smov.u32 s28;
	v5 =	vshll.u32 v5, $0x4  }
0x7f: {  	_ =	sdelay $0x2  }
0x80: {  	[tilespmem:s5+$0x1280] =	vst v5  }
0x81: {  	v4 =	vld.idx.msk [tilespmem:v4+s8+$0x0], $0xffff;
	_ =	sdelay $0x1  }
0x82: {  	v5 =	vadd.s32 s3, v3  }
0x83: {  	s12 =	sadd.s32 $0x80, s12  }
0x84: {  	s4 =	sand.u32 $0x70, s10;
	s28 =	sand.u32 $0x7C00, s12  }
0x85: {  	s4 =	sor.u32 s4, s28;
	v4 =	vshll.u32 v4, $0x4  }
0x86: {  	[tilespmem:s4+$0x1280] =	vst v4  }
0x87: {  	v4 =	vld.idx.msk [tilespmem:v5+s8+$0x0], $0xffff  }
0x88: {  	s0 =	sadd.s32 $0x7D, s0  }
0x89: {  	v5 =	vadd.s32 s0, v3;
	_ =	sdelay $0x2  }
0x8a: {  	v4 =	vshll.u32 v4, $0x4  }
0x8b: {  	[tilespmem:s4+$0x1300] =	vst v4  }
0x8c: {  	v4 =	vld.idx.msk [tilespmem:v5+s8+$0x0], $0xffff;
	_ =	sdelay $0x1  }
0x8d: {  	v5 =	vadd.s32 s31, v3;
	_ =	sdelay $0x2  }
0x8e: {  	v4 =	vshll.u32 v4, $0x4  }
0x8f: {  	[tilespmem:s4+$0x1380] =	vst v4  }
0x90: {  	v4 =	vld.idx.msk [tilespmem:v5+s8+$0x0], $0xffff;
	_ =	sdelay $0x1  }
0x91: {  	v5 =	vadd.s32 s30, v3;
	_ =	sdelay $0x2  }
0x92: {  	v4 =	vshll.u32 v4, $0x4  }
0x93: {  	[tilespmem:s4+$0x1400] =	vst v4  }
0x94: {  	v4 =	vld.idx.msk [tilespmem:v5+s8+$0x0], $0xffff;
	_ =	sdelay $0x1  }
0x95: {  	v5 =	vadd.s32 s29, v3;
	_ =	sdelay $0x2  }
0x96: {  	v4 =	vshll.u32 v4, $0x4  }
0x97: {  	[tilespmem:s4+$0x1480] =	vst v4  }
0x98: {  	v4 =	vld.idx.msk [tilespmem:v5+s8+$0x0], $0xffff;
	_ =	sdelay $0x1  }
0x99: {  	v5 =	vadd.s32 s26, v3;
	_ =	sdelay $0x2  }
0x9a: {  	v4 =	vshll.u32 v4, $0x4  }
0x9b: {  	[tilespmem:s4+$0x1500] =	vst v4  }
0x9c: {  	v4 =	vld.idx.msk [tilespmem:v5+s8+$0x0], $0xffff;
	_ =	sdelay $0x1  }
0x9d: {  	v5 =	vadd.s32 s11, v3;
	_ =	sdelay $0x2  }
0x9e: {  	v4 =	vshll.u32 v4, $0x4  }
0x9f: {  	[tilespmem:s4+$0x1580] =	vst v4  }
0xa0: {  	v4 =	vld.idx.msk [tilespmem:v5+s8+$0x0], $0xffff  }
0xa1: {  	s29 =	sadd.s32 $0x1, s9  }
0xa2: {  	s0 =	sand.u32 $0x7, s29  }
0xa3: {  	s0 =	sshll.u32 s0, $0x4  }
0xa4: {  	s0 =	sadd.s32 s0, s12  }
0xa5: {  	s0 =	sor.u32 $0x380, s0;
	v4 =	vshll.u32 v4, $0x4  }
0xa6: {  	p0 =	sne.s32 s16, $0x10;
	[tilespmem:s0+$0x1280] =	vst v4;
	s0 =	simm.s32 $0x0  }
.Ltmp3:
0xa7: {  	v5 =	vld.idx.msk [tilespmem:v1+s0+$0x0], $0xffff;
	(pc) =	sbr.rel @!p0 .LBB2_5-.Ltmp3, $3  }
0xa8: {  	_ =	sdelay $0x1  }
0xa9: {  	s30 =	sand.u32 $0x70, s0;
	s31 =	sand.u32 $0xFFFFFC00, s0  }
0xaa: {  	s3 =	simm.s32 $0x10;
	v4 =	vld.idx.msk [tilespmem:v2+s0+$0x0], $0xffff;
	s4 =	sor.u32 s30, s31  }
.LBB2_4:
0xab: {  	[tilespmem:s4+$0x9280] =	vst v5;
	s4 =	smov.u32 s3;
	s3 =	sadd.s32 $0x10, s3  }
0xac: {  	s0 =	sadd.s32 $0x80, s0;
	p0 =	sne.s32 s16, s3  }
.Ltmp4:
0xad: {  	(pc) =	sbr.rel @p0 .LBB2_4-.Ltmp4, $3  }
0xae: {  	_ =	sdelay $0x1  }
0xaf: {  	s4 =	sand.u32 $0x70, s4;
	s5 =	sand.u32 $0xFFFFFC00, s0  }
0xb0: {  	s4 =	sor.u32 s4, s5  }
.LBB2_5:
0xb1: {  	s0 =	rddreg [dreg:$0xb]  }
0xb2: {  	p0 =	sne.s32 s0, $0x1  }
.Ltmp5:
0xb3: {  	_ = 	snop;
	(pc) =	sbr.rel @!p0 .LBB2_6-.Ltmp5, $3  }
0xb4: {  	_ =	sdelay $0x1  }
0xb5: {  	s3 =	sand.u32 $0x70, s16;
	s10 =	sand.u32 $0xFFFFFC00, s18  }
0xb6: {  	[tilespmem:s4+$0x9280] =	vst v5;
	p1 =	por $0x0, $0x0;
	p2 =	por $0x0, $0x0;
	s9 =	sadd.s32 $0xFFFFFFFF, s0  }
0xb7: {  	s0 =	sor.u32 s3, s10  }
0xb8: {  	p3 =	sne.s32 s9, $0x1;
	v6 =	vld [tilespmem:s0+$0x1280]  }
.Ltmp6:
0xb9: {  	_ = 	snop;
	(pc) =	sbr.rel @!p3 .LBB2_8-.Ltmp6, $3  }
0xba: {  	_ =	sdelay $0x1  }
0xbb: {  	s12 =	sadd.s32 $0x10, s16;
	s4 =	sadd.s32 $0x80, s18;
	s5 =	sadd.s32 $0xFFFFFFFF, s9  }
0xbc: {  	p1 =	por $0x1, $0x1;
	s3 =	sand.u32 $0x70, s12;
	s10 =	sand.u32 $0xFFFFFC00, s4;
	v7 =	vadd.s32 v0, v6  }
0xbd: {  	s11 =	sor.u32 s3, s10  }
0xbe: {  	p3 =	sne.s32 s5, $0x1;
	v8 =	vld [tilespmem:s11+$0x1280]  }
.Ltmp7:
0xbf: {  	_ = 	snop;
	(pc) =	sbr.rel @!p3 .LBB2_10-.Ltmp7, $3  }
0xc0: {  	_ =	sdelay $0x1  }
0xc1: {  	s12 =	sadd.s32 $0x10, s12;
	v6 =	vld.idx.msk [tilespmem:v7+s2+$0x0], $0xffff;
	s4 =	sadd.s32 $0x80, s4;
	s26 =	sadd.s32 $0xFFFFFFFF, s5  }
0xc2: {  	p2 =	por $0x1, $0x1;
	s3 =	sand.u32 $0x70, s12;
	s10 =	sand.u32 $0xFFFFFC00, s4;
	v7 =	vadd.s32 v0, v8  }
.LBB2_11:
0xc3: {  	p3 =	sne.s32 s26, $0x1;
	s3 =	sor.u32 s3, s10  }
0xc4: {  	v8 =	vld [tilespmem:s3+$0x1280]  }
.Ltmp8:
0xc5: {  	(pc) =	sbr.rel @p3 .LBB2_11-.Ltmp8, $4  }
0xc6: {  	[tilespmem:s0+$0x9280] =	vst v6;
	s0 =	smov.u32 s11;
	s11 =	smov.u32 s3  }
0xc7: {  	v6 =	vld.idx.msk [tilespmem:v7+s2+$0x0], $0xffff  }
0xc8: {  	s4 =	sadd.s32 $0x80, s4;
	s12 =	sadd.s32 $0x10, s12  }
0xc9: {  	s26 =	sadd.s32 $0xFFFFFFFF, s26;
	s10 =	sand.u32 $0xFFFFFC00, s4;
	s3 =	sand.u32 $0x70, s12;
	v7 =	vadd.s32 v0, v8  }
0xca: {  	s4 =	smov.u32 s0;
	s0 =	smov.u32 s11  }
.LBB2_13:
0xcb: {  	s3 =	sor.u32 s3, s10  }
0xcc: {  	v8 =	vld [tilespmem:s3+$0x1280];
	_ =	sdelay $0x1  }
0xcd: {  	[tilespmem:s4+$0x9280] =	vst @p2 v6  }
0xce: {  	v6 =	vld.idx.msk @p1 [tilespmem:v7+s2+$0x0], $0xffff;
	_ =	sdelay $0x1  }
0xcf: {  	v7 =	vadd.s32 v0, v8;
	_ =	sdelay $0x2  }
0xd0: {  	s0 =	smov.u32 @p1 s0;
	v6 =	vpsel p1, v6, v0  }
0xd1: {  	[tilespmem:s0+$0x9280] =	vst @p1 v6  }
0xd2: {  	v6 =	vld.idx.msk [tilespmem:v7+s2+$0x0], $0xffff;
	_ =	sdelay $0x4  }
0xd3: {  	s0 =	smov.u32 s20;
	[tilespmem:s3+$0x9280] =	vst v6;
	s3 =	smov.u32 s19  }
.LBB2_14:
0xd4: {  	p1 =	sne.s32 s3, $0xFF0  }
.Ltmp9:
0xd5: {  	_ = 	snop;
	(pc) =	sbr.rel @p1 .LBB2_14-.Ltmp9, $4  }
0xd6: {  	_ = 	snop  }
0xd7: {  	s4 =	sand.u32 $0x70, s3;
	s5 =	sand.u32 $0x7C00, s0  }
0xd8: {  	s4 =	sor.u32 s4, s5  }
0xd9: {  	s0 =	sadd.s32 $0x80, s0;
	s3 =	sadd.s32 $0x10, s3;
	[tilespmem:s4+$0x9280] =	vst v4  }
0xda: {  	p1 =	sne.s32 s16, $0x10  }
.Ltmp10:
0xdb: {  	_ = 	snop;
	(pc) =	sbr.rel @!p1 .LBB2_17-.Ltmp10, $4  }
0xdc: {  	_ = 	snop  }
0xdd: {  	s0 =	simm.s32 $0x0  }
0xde: {  	s4 =	sand.u32 $0x70, s0;
	s5 =	sand.u32 $0xFFFFFC00, s0  }
0xdf: {  	s3 =	simm.s32 $0x10;
	s4 =	sor.u32 s4, s5  }
.LBB2_16:
0xe0: {  	[tilespmem:s4+$0x9300] =	vst v5;
	s4 =	smov.u32 s3;
	s3 =	sadd.s32 $0x10, s3  }
0xe1: {  	s0 =	sadd.s32 $0x80, s0;
	p1 =	sne.s32 s16, s3  }
.Ltmp11:
0xe2: {  	(pc) =	sbr.rel @p1 .LBB2_16-.Ltmp11, $3  }
0xe3: {  	_ =	sdelay $0x1  }
0xe4: {  	s4 =	sand.u32 $0x70, s4;
	s5 =	sand.u32 $0xFFFFFC00, s0  }
0xe5: {  	s4 =	sor.u32 s4, s5  }
.LBB2_17:
.Ltmp12:
0xe6: {  	(pc) =	sbr.rel @!p0 .LBB2_18-.Ltmp12, $3  }
0xe7: {  	_ =	sdelay $0x1  }
0xe8: {  	s3 =	sand.u32 $0x70, s16  }
0xe9: {  	[tilespmem:s4+$0x9300] =	vst v5;
	s10 =	sand.u32 $0xFFFFFC00, s18;
	p1 =	por $0x0, $0x0;
	p2 =	por $0x0, $0x0  }
0xea: {  	s0 =	sor.u32 s10, s3  }
0xeb: {  	p3 =	sne.s32 s9, $0x1;
	v6 =	vld [tilespmem:s0+$0x1300]  }
.Ltmp13:
0xec: {  	_ = 	snop;
	(pc) =	sbr.rel @!p3 .LBB2_20-.Ltmp13, $3  }
0xed: {  	_ =	sdelay $0x1  }
0xee: {  	s12 =	sadd.s32 $0x10, s16;
	s4 =	sadd.s32 $0x80, s18;
	s5 =	sadd.s32 $0xFFFFFFFF, s9  }
0xef: {  	p1 =	por $0x1, $0x1;
	s3 =	sand.u32 $0x70, s12;
	s10 =	sand.u32 $0xFFFFFC00, s4;
	v7 =	vadd.s32 v0, v6  }
0xf0: {  	s11 =	sor.u32 s10, s3  }
0xf1: {  	p3 =	sne.s32 s5, $0x1;
	v8 =	vld [tilespmem:s11+$0x1300]  }
.Ltmp14:
0xf2: {  	_ = 	snop;
	(pc) =	sbr.rel @!p3 .LBB2_22-.Ltmp14, $3  }
0xf3: {  	_ =	sdelay $0x1  }
0xf4: {  	s12 =	sadd.s32 $0x10, s12;
	v6 =	vld.idx.msk [tilespmem:v7+s2+$0x0], $0xffff;
	s4 =	sadd.s32 $0x80, s4;
	s26 =	sadd.s32 $0xFFFFFFFF, s5  }
0xf5: {  	p2 =	por $0x1, $0x1;
	s3 =	sand.u32 $0x70, s12;
	s10 =	sand.u32 $0xFFFFFC00, s4;
	v7 =	vadd.s32 v0, v8  }
.LBB2_23:
0xf6: {  	p3 =	sne.s32 s26, $0x1;
	s3 =	sor.u32 s10, s3  }
0xf7: {  	v8 =	vld [tilespmem:s3+$0x1300]  }
.Ltmp15:
0xf8: {  	(pc) =	sbr.rel @p3 .LBB2_23-.Ltmp15, $4  }
0xf9: {  	[tilespmem:s0+$0x9300] =	vst v6;
	s0 =	smov.u32 s11;
	s11 =	smov.u32 s3  }
0xfa: {  	v6 =	vld.idx.msk [tilespmem:v7+s2+$0x0], $0xffff  }
0xfb: {  	s4 =	sadd.s32 $0x80, s4;
	s12 =	sadd.s32 $0x10, s12  }
0xfc: {  	s26 =	sadd.s32 $0xFFFFFFFF, s26;
	s10 =	sand.u32 $0xFFFFFC00, s4;
	s3 =	sand.u32 $0x70, s12;
	v7 =	vadd.s32 v0, v8  }
0xfd: {  	s4 =	smov.u32 s0;
	s0 =	smov.u32 s11  }
.LBB2_25:
0xfe: {  	s3 =	sor.u32 s10, s3  }
0xff: {  	v8 =	vld [tilespmem:s3+$0x1300];
	_ =	sdelay $0x1  }
0x100: {  	[tilespmem:s4+$0x9300] =	vst @p2 v6  }
0x101: {  	v6 =	vld.idx.msk @p1 [tilespmem:v7+s2+$0x0], $0xffff;
	_ =	sdelay $0x1  }
0x102: {  	v7 =	vadd.s32 v0, v8;
	_ =	sdelay $0x2  }
0x103: {  	s0 =	smov.u32 @p1 s0;
	v6 =	vpsel p1, v6, v0  }
0x104: {  	[tilespmem:s0+$0x9300] =	vst @p1 v6  }
0x105: {  	v6 =	vld.idx.msk [tilespmem:v7+s2+$0x0], $0xffff;
	_ =	sdelay $0x4  }
0x106: {  	s0 =	smov.u32 s20;
	[tilespmem:s3+$0x9300] =	vst v6;
	s3 =	smov.u32 s19  }
.LBB2_26:
0x107: {  	p1 =	sne.s32 s3, $0xFF0  }
.Ltmp16:
0x108: {  	_ = 	snop;
	(pc) =	sbr.rel @p1 .LBB2_26-.Ltmp16, $4  }
0x109: {  	_ = 	snop  }
0x10a: {  	s4 =	sand.u32 $0x70, s3;
	s5 =	sand.u32 $0x7C00, s0  }
0x10b: {  	s4 =	sor.u32 s4, s5  }
0x10c: {  	s0 =	sadd.s32 $0x80, s0;
	s3 =	sadd.s32 $0x10, s3;
	[tilespmem:s4+$0x9300] =	vst v4  }
0x10d: {  	p1 =	sne.s32 s22, $0x10  }
.Ltmp17:
0x10e: {  	_ = 	snop;
	(pc) =	sbr.rel @!p1 .LBB2_29-.Ltmp17, $4  }
0x10f: {  	_ = 	snop  }
0x110: {  	s0 =	simm.s32 $0x0  }
0x111: {  	s4 =	sand.u32 $0x70, s0;
	s5 =	sand.u32 $0xFFFFFC00, s0  }
0x112: {  	s3 =	simm.s32 $0x10;
	s4 =	sor.u32 s4, s5  }
.LBB2_28:
0x113: {  	[tilespmem:s4+$0x9380] =	vst v5;
	s4 =	smov.u32 s3;
	s3 =	sadd.s32 $0x10, s3  }
0x114: {  	s0 =	sadd.s32 $0x80, s0;
	p1 =	sne.s32 s22, s3  }
.Ltmp18:
0x115: {  	(pc) =	sbr.rel @p1 .LBB2_28-.Ltmp18, $3  }
0x116: {  	_ =	sdelay $0x1  }
0x117: {  	s4 =	sand.u32 $0x70, s4;
	s5 =	sand.u32 $0xFFFFFC00, s0  }
0x118: {  	s4 =	sor.u32 s4, s5  }
.LBB2_29:
0x119: {  	s0 =	rddreg [dreg:$0xc]  }
0x11a: {  	p1 =	sne.s32 s0, $0x1  }
.Ltmp19:
0x11b: {  	_ = 	snop;
	(pc) =	sbr.rel @!p1 .LBB2_30-.Ltmp19, $3  }
0x11c: {  	_ =	sdelay $0x1  }
0x11d: {  	s3 =	sand.u32 $0x70, s22;
	s11 =	sand.u32 $0xFFFFFC00, s23  }
0x11e: {  	[tilespmem:s4+$0x9380] =	vst v5;
	p2 =	por $0x0, $0x0;
	p3 =	por $0x0, $0x0;
	s10 =	sadd.s32 $0xFFFFFFFF, s0  }
0x11f: {  	s0 =	sor.u32 s11, s3  }
0x120: {  	p4 =	sne.s32 s10, $0x1;
	v6 =	vld [tilespmem:s0+$0x1380]  }
.Ltmp20:
0x121: {  	_ = 	snop;
	(pc) =	sbr.rel @!p4 .LBB2_32-.Ltmp20, $3  }
0x122: {  	_ =	sdelay $0x1  }
0x123: {  	s26 =	sadd.s32 $0x10, s22;
	s4 =	sadd.s32 $0x80, s23;
	s5 =	sadd.s32 $0xFFFFFFFF, s10  }
0x124: {  	p2 =	por $0x1, $0x1;
	s3 =	sand.u32 $0x70, s26;
	s11 =	sand.u32 $0xFFFFFC00, s4;
	v7 =	vadd.s32 v0, v6  }
0x125: {  	s12 =	sor.u32 s11, s3  }
0x126: {  	p4 =	sne.s32 s5, $0x1;
	v8 =	vld [tilespmem:s12+$0x1380]  }
.Ltmp21:
0x127: {  	_ = 	snop;
	(pc) =	sbr.rel @!p4 .LBB2_34-.Ltmp21, $3  }
0x128: {  	_ =	sdelay $0x1  }
0x129: {  	s26 =	sadd.s32 $0x10, s26;
	v6 =	vld.idx.msk [tilespmem:v7+s2+$0x0], $0xffff;
	s4 =	sadd.s32 $0x80, s4;
	s28 =	sadd.s32 $0xFFFFFFFF, s5  }
0x12a: {  	p3 =	por $0x1, $0x1;
	s3 =	sand.u32 $0x70, s26;
	s11 =	sand.u32 $0xFFFFFC00, s4;
	v7 =	vadd.s32 v0, v8  }
.LBB2_35:
0x12b: {  	p4 =	sne.s32 s28, $0x1;
	s3 =	sor.u32 s11, s3  }
0x12c: {  	v8 =	vld [tilespmem:s3+$0x1380]  }
.Ltmp22:
0x12d: {  	(pc) =	sbr.rel @p4 .LBB2_35-.Ltmp22, $4  }
0x12e: {  	[tilespmem:s0+$0x9380] =	vst v6;
	s0 =	smov.u32 s12;
	s12 =	smov.u32 s3  }
0x12f: {  	v6 =	vld.idx.msk [tilespmem:v7+s2+$0x0], $0xffff  }
0x130: {  	s4 =	sadd.s32 $0x80, s4;
	s26 =	sadd.s32 $0x10, s26  }
0x131: {  	s28 =	sadd.s32 $0xFFFFFFFF, s28;
	s11 =	sand.u32 $0xFFFFFC00, s4;
	s3 =	sand.u32 $0x70, s26;
	v7 =	vadd.s32 v0, v8  }
0x132: {  	s4 =	smov.u32 s0;
	s0 =	smov.u32 s12  }
.LBB2_37:
0x133: {  	s3 =	sor.u32 s11, s3  }
0x134: {  	v8 =	vld [tilespmem:s3+$0x1380];
	_ =	sdelay $0x1  }
0x135: {  	[tilespmem:s4+$0x9380] =	vst @p3 v6  }
0x136: {  	v6 =	vld.idx.msk @p2 [tilespmem:v7+s2+$0x0], $0xffff;
	_ =	sdelay $0x1  }
0x137: {  	v7 =	vadd.s32 v0, v8;
	_ =	sdelay $0x2  }
0x138: {  	s0 =	smov.u32 @p2 s0;
	v6 =	vpsel p2, v6, v0  }
0x139: {  	[tilespmem:s0+$0x9380] =	vst @p2 v6  }
0x13a: {  	v6 =	vld.idx.msk [tilespmem:v7+s2+$0x0], $0xffff;
	_ =	sdelay $0x4  }
0x13b: {  	s0 =	smov.u32 s20;
	[tilespmem:s3+$0x9380] =	vst v6;
	s3 =	smov.u32 s19  }
.LBB2_38:
0x13c: {  	p2 =	sne.s32 s3, $0xFF0  }
.Ltmp23:
0x13d: {  	_ = 	snop;
	(pc) =	sbr.rel @p2 .LBB2_38-.Ltmp23, $4  }
0x13e: {  	_ = 	snop  }
0x13f: {  	s4 =	sand.u32 $0x70, s3;
	s5 =	sand.u32 $0x7C00, s0  }
0x140: {  	s4 =	sor.u32 s4, s5  }
0x141: {  	s0 =	sadd.s32 $0x80, s0;
	s3 =	sadd.s32 $0x10, s3;
	[tilespmem:s4+$0x9380] =	vst v4  }
0x142: {  	p2 =	sne.s32 s22, $0x10  }
.Ltmp24:
0x143: {  	_ = 	snop;
	(pc) =	sbr.rel @!p2 .LBB2_41-.Ltmp24, $4  }
0x144: {  	_ = 	snop  }
0x145: {  	s0 =	simm.s32 $0x0  }
0x146: {  	s4 =	sand.u32 $0x70, s0;
	s5 =	sand.u32 $0xFFFFFC00, s0  }
0x147: {  	s3 =	simm.s32 $0x10;
	s4 =	sor.u32 s4, s5  }
.LBB2_40:
0x148: {  	[tilespmem:s4+$0x9400] =	vst v5;
	s4 =	smov.u32 s3;
	s3 =	sadd.s32 $0x10, s3  }
0x149: {  	s0 =	sadd.s32 $0x80, s0;
	p2 =	sne.s32 s22, s3  }
.Ltmp25:
0x14a: {  	(pc) =	sbr.rel @p2 .LBB2_40-.Ltmp25, $3  }
0x14b: {  	_ =	sdelay $0x1  }
0x14c: {  	s4 =	sand.u32 $0x70, s4;
	s5 =	sand.u32 $0xFFFFFC00, s0  }
0x14d: {  	s4 =	sor.u32 s4, s5  }
.LBB2_41:
.Ltmp26:
0x14e: {  	(pc) =	sbr.rel @!p1 .LBB2_42-.Ltmp26, $3  }
0x14f: {  	_ =	sdelay $0x1  }
0x150: {  	s3 =	sand.u32 $0x70, s22  }
0x151: {  	[tilespmem:s4+$0x9400] =	vst v5;
	s11 =	sand.u32 $0xFFFFFC00, s23;
	p2 =	por $0x0, $0x0;
	p3 =	por $0x0, $0x0  }
0x152: {  	s0 =	sor.u32 s11, s3  }
0x153: {  	p4 =	sne.s32 s10, $0x1;
	v6 =	vld [tilespmem:s0+$0x1400]  }
.Ltmp27:
0x154: {  	_ = 	snop;
	(pc) =	sbr.rel @!p4 .LBB2_44-.Ltmp27, $3  }
0x155: {  	_ =	sdelay $0x1  }
0x156: {  	s26 =	sadd.s32 $0x10, s22;
	s4 =	sadd.s32 $0x80, s23;
	s5 =	sadd.s32 $0xFFFFFFFF, s10  }
0x157: {  	p2 =	por $0x1, $0x1;
	s3 =	sand.u32 $0x70, s26;
	s11 =	sand.u32 $0xFFFFFC00, s4;
	v7 =	vadd.s32 v0, v6  }
0x158: {  	s12 =	sor.u32 s11, s3  }
0x159: {  	p4 =	sne.s32 s5, $0x1;
	v8 =	vld [tilespmem:s12+$0x1400]  }
.Ltmp28:
0x15a: {  	_ = 	snop;
	(pc) =	sbr.rel @!p4 .LBB2_46-.Ltmp28, $3  }
0x15b: {  	_ =	sdelay $0x1  }
0x15c: {  	s26 =	sadd.s32 $0x10, s26;
	v6 =	vld.idx.msk [tilespmem:v7+s2+$0x0], $0xffff;
	s4 =	sadd.s32 $0x80, s4;
	s28 =	sadd.s32 $0xFFFFFFFF, s5  }
0x15d: {  	p3 =	por $0x1, $0x1;
	s3 =	sand.u32 $0x70, s26;
	s11 =	sand.u32 $0xFFFFFC00, s4;
	v7 =	vadd.s32 v0, v8  }
.LBB2_47:
0x15e: {  	p4 =	sne.s32 s28, $0x1;
	s3 =	sor.u32 s11, s3  }
0x15f: {  	v8 =	vld [tilespmem:s3+$0x1400]  }
.Ltmp29:
0x160: {  	(pc) =	sbr.rel @p4 .LBB2_47-.Ltmp29, $4  }
0x161: {  	[tilespmem:s0+$0x9400] =	vst v6;
	s0 =	smov.u32 s12;
	s12 =	smov.u32 s3  }
0x162: {  	v6 =	vld.idx.msk [tilespmem:v7+s2+$0x0], $0xffff  }
0x163: {  	s4 =	sadd.s32 $0x80, s4;
	s26 =	sadd.s32 $0x10, s26  }
0x164: {  	s28 =	sadd.s32 $0xFFFFFFFF, s28;
	s11 =	sand.u32 $0xFFFFFC00, s4;
	s3 =	sand.u32 $0x70, s26;
	v7 =	vadd.s32 v0, v8  }
0x165: {  	s4 =	smov.u32 s0;
	s0 =	smov.u32 s12  }
.LBB2_49:
0x166: {  	s3 =	sor.u32 s11, s3  }
0x167: {  	v8 =	vld [tilespmem:s3+$0x1400];
	_ =	sdelay $0x1  }
0x168: {  	[tilespmem:s4+$0x9400] =	vst @p3 v6  }
0x169: {  	v6 =	vld.idx.msk @p2 [tilespmem:v7+s2+$0x0], $0xffff;
	_ =	sdelay $0x1  }
0x16a: {  	v7 =	vadd.s32 v0, v8;
	_ =	sdelay $0x2  }
0x16b: {  	s0 =	smov.u32 @p2 s0;
	v6 =	vpsel p2, v6, v0  }
0x16c: {  	[tilespmem:s0+$0x9400] =	vst @p2 v6  }
0x16d: {  	v6 =	vld.idx.msk [tilespmem:v7+s2+$0x0], $0xffff;
	_ =	sdelay $0x4  }
0x16e: {  	s0 =	smov.u32 s20;
	[tilespmem:s3+$0x9400] =	vst v6;
	s3 =	smov.u32 s19  }
.LBB2_50:
0x16f: {  	p2 =	sne.s32 s3, $0xFF0  }
.Ltmp30:
0x170: {  	_ = 	snop;
	(pc) =	sbr.rel @p2 .LBB2_50-.Ltmp30, $4  }
0x171: {  	_ = 	snop  }
0x172: {  	s4 =	sand.u32 $0x70, s3;
	s5 =	sand.u32 $0x7C00, s0  }
0x173: {  	s4 =	sor.u32 s4, s5  }
0x174: {  	s0 =	sadd.s32 $0x80, s0;
	s3 =	sadd.s32 $0x10, s3;
	[tilespmem:s4+$0x9400] =	vst v4  }
0x175: {  	p2 =	sne.s32 s22, $0x10  }
.Ltmp31:
0x176: {  	_ = 	snop;
	(pc) =	sbr.rel @!p2 .LBB2_53-.Ltmp31, $4  }
0x177: {  	_ = 	snop  }
0x178: {  	s0 =	simm.s32 $0x0  }
0x179: {  	s4 =	sand.u32 $0x70, s0;
	s5 =	sand.u32 $0xFFFFFC00, s0  }
0x17a: {  	s3 =	simm.s32 $0x10;
	s4 =	sor.u32 s4, s5  }
.LBB2_52:
0x17b: {  	[tilespmem:s4+$0x9480] =	vst v5;
	s4 =	smov.u32 s3;
	s3 =	sadd.s32 $0x10, s3  }
0x17c: {  	s0 =	sadd.s32 $0x80, s0;
	p2 =	sne.s32 s22, s3  }
.Ltmp32:
0x17d: {  	(pc) =	sbr.rel @p2 .LBB2_52-.Ltmp32, $3  }
0x17e: {  	_ =	sdelay $0x1  }
0x17f: {  	s4 =	sand.u32 $0x70, s4;
	s5 =	sand.u32 $0xFFFFFC00, s0  }
0x180: {  	s4 =	sor.u32 s4, s5  }
.LBB2_53:
.Ltmp33:
0x181: {  	(pc) =	sbr.rel @!p1 .LBB2_54-.Ltmp33, $3  }
0x182: {  	_ =	sdelay $0x1  }
0x183: {  	s3 =	sand.u32 $0x70, s22  }
0x184: {  	[tilespmem:s4+$0x9480] =	vst v5;
	s11 =	sand.u32 $0xFFFFFC00, s23;
	p2 =	por $0x0, $0x0;
	p3 =	por $0x0, $0x0  }
0x185: {  	s0 =	sor.u32 s11, s3  }
0x186: {  	p4 =	sne.s32 s10, $0x1;
	v6 =	vld [tilespmem:s0+$0x1480]  }
.Ltmp34:
0x187: {  	_ = 	snop;
	(pc) =	sbr.rel @!p4 .LBB2_56-.Ltmp34, $3  }
0x188: {  	_ =	sdelay $0x1  }
0x189: {  	s26 =	sadd.s32 $0x10, s22;
	s4 =	sadd.s32 $0x80, s23;
	s5 =	sadd.s32 $0xFFFFFFFF, s10  }
0x18a: {  	p2 =	por $0x1, $0x1;
	s3 =	sand.u32 $0x70, s26;
	s11 =	sand.u32 $0xFFFFFC00, s4;
	v7 =	vadd.s32 v0, v6  }
0x18b: {  	s12 =	sor.u32 s11, s3  }
0x18c: {  	p4 =	sne.s32 s5, $0x1;
	v8 =	vld [tilespmem:s12+$0x1480]  }
.Ltmp35:
0x18d: {  	_ = 	snop;
	(pc) =	sbr.rel @!p4 .LBB2_58-.Ltmp35, $3  }
0x18e: {  	_ =	sdelay $0x1  }
0x18f: {  	s26 =	sadd.s32 $0x10, s26;
	v6 =	vld.idx.msk [tilespmem:v7+s2+$0x0], $0xffff;
	s4 =	sadd.s32 $0x80, s4;
	s28 =	sadd.s32 $0xFFFFFFFF, s5  }
0x190: {  	p3 =	por $0x1, $0x1;
	s3 =	sand.u32 $0x70, s26;
	s11 =	sand.u32 $0xFFFFFC00, s4;
	v7 =	vadd.s32 v0, v8  }
.LBB2_59:
0x191: {  	p4 =	sne.s32 s28, $0x1;
	s3 =	sor.u32 s11, s3  }
0x192: {  	v8 =	vld [tilespmem:s3+$0x1480]  }
.Ltmp36:
0x193: {  	(pc) =	sbr.rel @p4 .LBB2_59-.Ltmp36, $4  }
0x194: {  	[tilespmem:s0+$0x9480] =	vst v6;
	s0 =	smov.u32 s12;
	s12 =	smov.u32 s3  }
0x195: {  	v6 =	vld.idx.msk [tilespmem:v7+s2+$0x0], $0xffff  }
0x196: {  	s4 =	sadd.s32 $0x80, s4;
	s26 =	sadd.s32 $0x10, s26  }
0x197: {  	s28 =	sadd.s32 $0xFFFFFFFF, s28;
	s11 =	sand.u32 $0xFFFFFC00, s4;
	s3 =	sand.u32 $0x70, s26;
	v7 =	vadd.s32 v0, v8  }
0x198: {  	s4 =	smov.u32 s0;
	s0 =	smov.u32 s12  }
.LBB2_61:
0x199: {  	s3 =	sor.u32 s11, s3  }
0x19a: {  	v8 =	vld [tilespmem:s3+$0x1480];
	_ =	sdelay $0x1  }
0x19b: {  	[tilespmem:s4+$0x9480] =	vst @p3 v6  }
0x19c: {  	v6 =	vld.idx.msk @p2 [tilespmem:v7+s2+$0x0], $0xffff;
	_ =	sdelay $0x1  }
0x19d: {  	v7 =	vadd.s32 v0, v8;
	_ =	sdelay $0x2  }
0x19e: {  	s0 =	smov.u32 @p2 s0;
	v6 =	vpsel p2, v6, v0  }
0x19f: {  	[tilespmem:s0+$0x9480] =	vst @p2 v6  }
0x1a0: {  	v6 =	vld.idx.msk [tilespmem:v7+s2+$0x0], $0xffff;
	_ =	sdelay $0x4  }
0x1a1: {  	s0 =	smov.u32 s20;
	[tilespmem:s3+$0x9480] =	vst v6;
	s3 =	smov.u32 s19  }
.LBB2_62:
0x1a2: {  	p2 =	sne.s32 s3, $0xFF0  }
.Ltmp37:
0x1a3: {  	_ = 	snop;
	(pc) =	sbr.rel @p2 .LBB2_62-.Ltmp37, $4  }
0x1a4: {  	_ = 	snop  }
0x1a5: {  	s4 =	sand.u32 $0x70, s3;
	s5 =	sand.u32 $0x7C00, s0  }
0x1a6: {  	s4 =	sor.u32 s4, s5  }
0x1a7: {  	s0 =	sadd.s32 $0x80, s0;
	s3 =	sadd.s32 $0x10, s3;
	[tilespmem:s4+$0x9480] =	vst v4  }
0x1a8: {  	p2 =	sne.s32 s22, $0x10  }
.Ltmp38:
0x1a9: {  	_ = 	snop;
	(pc) =	sbr.rel @!p2 .LBB2_65-.Ltmp38, $4  }
0x1aa: {  	_ = 	snop  }
0x1ab: {  	s0 =	simm.s32 $0x0  }
0x1ac: {  	s4 =	sand.u32 $0x70, s0;
	s5 =	sand.u32 $0xFFFFFC00, s0  }
0x1ad: {  	s3 =	simm.s32 $0x10;
	s4 =	sor.u32 s4, s5  }
.LBB2_64:
0x1ae: {  	[tilespmem:s4+$0x9500] =	vst v5;
	s4 =	smov.u32 s3;
	s3 =	sadd.s32 $0x10, s3  }
0x1af: {  	s0 =	sadd.s32 $0x80, s0;
	p2 =	sne.s32 s22, s3  }
.Ltmp39:
0x1b0: {  	(pc) =	sbr.rel @p2 .LBB2_64-.Ltmp39, $3  }
0x1b1: {  	_ =	sdelay $0x1  }
0x1b2: {  	s4 =	sand.u32 $0x70, s4;
	s5 =	sand.u32 $0xFFFFFC00, s0  }
0x1b3: {  	s4 =	sor.u32 s4, s5  }
.LBB2_65:
.Ltmp40:
0x1b4: {  	(pc) =	sbr.rel @!p1 .LBB2_66-.Ltmp40, $3  }
0x1b5: {  	_ =	sdelay $0x1  }
0x1b6: {  	s3 =	sand.u32 $0x70, s22  }
0x1b7: {  	[tilespmem:s4+$0x9500] =	vst v5;
	s11 =	sand.u32 $0xFFFFFC00, s23;
	p2 =	por $0x0, $0x0;
	p3 =	por $0x0, $0x0  }
0x1b8: {  	s0 =	sor.u32 s11, s3  }
0x1b9: {  	p4 =	sne.s32 s10, $0x1;
	v6 =	vld [tilespmem:s0+$0x1500]  }
.Ltmp41:
0x1ba: {  	_ = 	snop;
	(pc) =	sbr.rel @!p4 .LBB2_68-.Ltmp41, $3  }
0x1bb: {  	_ =	sdelay $0x1  }
0x1bc: {  	s26 =	sadd.s32 $0x10, s22;
	s4 =	sadd.s32 $0x80, s23;
	s5 =	sadd.s32 $0xFFFFFFFF, s10  }
0x1bd: {  	p2 =	por $0x1, $0x1;
	s3 =	sand.u32 $0x70, s26;
	s11 =	sand.u32 $0xFFFFFC00, s4;
	v7 =	vadd.s32 v0, v6  }
0x1be: {  	s12 =	sor.u32 s11, s3  }
0x1bf: {  	p4 =	sne.s32 s5, $0x1;
	v8 =	vld [tilespmem:s12+$0x1500]  }
.Ltmp42:
0x1c0: {  	_ = 	snop;
	(pc) =	sbr.rel @!p4 .LBB2_70-.Ltmp42, $3  }
0x1c1: {  	_ =	sdelay $0x1  }
0x1c2: {  	s26 =	sadd.s32 $0x10, s26;
	v6 =	vld.idx.msk [tilespmem:v7+s2+$0x0], $0xffff;
	s4 =	sadd.s32 $0x80, s4;
	s28 =	sadd.s32 $0xFFFFFFFF, s5  }
0x1c3: {  	p3 =	por $0x1, $0x1;
	s3 =	sand.u32 $0x70, s26;
	s11 =	sand.u32 $0xFFFFFC00, s4;
	v7 =	vadd.s32 v0, v8  }
.LBB2_71:
0x1c4: {  	p4 =	sne.s32 s28, $0x1;
	s3 =	sor.u32 s11, s3  }
0x1c5: {  	v8 =	vld [tilespmem:s3+$0x1500]  }
.Ltmp43:
0x1c6: {  	(pc) =	sbr.rel @p4 .LBB2_71-.Ltmp43, $4  }
0x1c7: {  	[tilespmem:s0+$0x9500] =	vst v6;
	s0 =	smov.u32 s12;
	s12 =	smov.u32 s3  }
0x1c8: {  	v6 =	vld.idx.msk [tilespmem:v7+s2+$0x0], $0xffff  }
0x1c9: {  	s4 =	sadd.s32 $0x80, s4;
	s26 =	sadd.s32 $0x10, s26  }
0x1ca: {  	s28 =	sadd.s32 $0xFFFFFFFF, s28;
	s11 =	sand.u32 $0xFFFFFC00, s4;
	s3 =	sand.u32 $0x70, s26;
	v7 =	vadd.s32 v0, v8  }
0x1cb: {  	s4 =	smov.u32 s0;
	s0 =	smov.u32 s12  }
.LBB2_73:
0x1cc: {  	s3 =	sor.u32 s11, s3  }
0x1cd: {  	v8 =	vld [tilespmem:s3+$0x1500];
	_ =	sdelay $0x1  }
0x1ce: {  	[tilespmem:s4+$0x9500] =	vst @p3 v6  }
0x1cf: {  	v6 =	vld.idx.msk @p2 [tilespmem:v7+s2+$0x0], $0xffff;
	_ =	sdelay $0x1  }
0x1d0: {  	v7 =	vadd.s32 v0, v8;
	_ =	sdelay $0x2  }
0x1d1: {  	s0 =	smov.u32 @p2 s0;
	v6 =	vpsel p2, v6, v0  }
0x1d2: {  	[tilespmem:s0+$0x9500] =	vst @p2 v6  }
0x1d3: {  	v6 =	vld.idx.msk [tilespmem:v7+s2+$0x0], $0xffff;
	_ =	sdelay $0x4  }
0x1d4: {  	s0 =	smov.u32 s20;
	[tilespmem:s3+$0x9500] =	vst v6;
	s3 =	smov.u32 s19  }
.LBB2_74:
0x1d5: {  	p2 =	sne.s32 s3, $0xFF0  }
.Ltmp44:
0x1d6: {  	_ = 	snop;
	(pc) =	sbr.rel @p2 .LBB2_74-.Ltmp44, $4  }
0x1d7: {  	_ = 	snop  }
0x1d8: {  	s4 =	sand.u32 $0x70, s3;
	s5 =	sand.u32 $0x7C00, s0  }
0x1d9: {  	s4 =	sor.u32 s4, s5  }
0x1da: {  	s0 =	sadd.s32 $0x80, s0;
	s3 =	sadd.s32 $0x10, s3;
	[tilespmem:s4+$0x9500] =	vst v4  }
0x1db: {  	p2 =	sne.s32 s22, $0x10  }
.Ltmp45:
0x1dc: {  	_ = 	snop;
	(pc) =	sbr.rel @!p2 .LBB2_77-.Ltmp45, $4  }
0x1dd: {  	_ = 	snop  }
0x1de: {  	s0 =	simm.s32 $0x0  }
0x1df: {  	s4 =	sand.u32 $0x70, s0;
	s5 =	sand.u32 $0xFFFFFC00, s0  }
0x1e0: {  	s3 =	simm.s32 $0x10;
	s4 =	sor.u32 s4, s5  }
.LBB2_76:
0x1e1: {  	[tilespmem:s4+$0x9580] =	vst v5;
	s4 =	smov.u32 s3;
	s3 =	sadd.s32 $0x10, s3  }
0x1e2: {  	s0 =	sadd.s32 $0x80, s0;
	p2 =	sne.s32 s22, s3  }
.Ltmp46:
0x1e3: {  	(pc) =	sbr.rel @p2 .LBB2_76-.Ltmp46, $3  }
0x1e4: {  	_ =	sdelay $0x1  }
0x1e5: {  	s4 =	sand.u32 $0x70, s4;
	s5 =	sand.u32 $0xFFFFFC00, s0  }
0x1e6: {  	s4 =	sor.u32 s4, s5  }
.LBB2_77:
0x1e7: {  	s0 =	rddreg [dreg:$0xd]  }
0x1e8: {  	p2 =	sne.s32 s0, $0x1  }
.Ltmp47:
0x1e9: {  	_ = 	snop;
	(pc) =	sbr.rel @!p2 .LBB2_78-.Ltmp47, $3  }
0x1ea: {  	_ =	sdelay $0x1  }
0x1eb: {  	s3 =	sand.u32 $0x70, s22;
	s12 =	sand.u32 $0xFFFFFC00, s23  }
0x1ec: {  	[tilespmem:s4+$0x9580] =	vst v5;
	p3 =	por $0x0, $0x0;
	p4 =	por $0x0, $0x0;
	s11 =	sadd.s32 $0xFFFFFFFF, s0  }
0x1ed: {  	s0 =	sor.u32 s12, s3  }
0x1ee: {  	p5 =	sne.s32 s11, $0x1;
	v6 =	vld [tilespmem:s0+$0x1580]  }
.Ltmp48:
0x1ef: {  	_ = 	snop;
	(pc) =	sbr.rel @!p5 .LBB2_80-.Ltmp48, $3  }
0x1f0: {  	_ =	sdelay $0x1  }
0x1f1: {  	s28 =	sadd.s32 $0x10, s22;
	s4 =	sadd.s32 $0x80, s23;
	s5 =	sadd.s32 $0xFFFFFFFF, s11  }
0x1f2: {  	p3 =	por $0x1, $0x1;
	s3 =	sand.u32 $0x70, s28;
	s12 =	sand.u32 $0xFFFFFC00, s4;
	v7 =	vadd.s32 v0, v6  }
0x1f3: {  	s26 =	sor.u32 s12, s3  }
0x1f4: {  	p5 =	sne.s32 s5, $0x1;
	v8 =	vld [tilespmem:s26+$0x1580]  }
.Ltmp49:
0x1f5: {  	_ = 	snop;
	(pc) =	sbr.rel @!p5 .LBB2_82-.Ltmp49, $3  }
0x1f6: {  	_ =	sdelay $0x1  }
0x1f7: {  	s28 =	sadd.s32 $0x10, s28;
	v6 =	vld.idx.msk [tilespmem:v7+s2+$0x0], $0xffff;
	s4 =	sadd.s32 $0x80, s4;
	s29 =	sadd.s32 $0xFFFFFFFF, s5  }
0x1f8: {  	p4 =	por $0x1, $0x1;
	s3 =	sand.u32 $0x70, s28;
	s12 =	sand.u32 $0xFFFFFC00, s4;
	v7 =	vadd.s32 v0, v8  }
.LBB2_83:
0x1f9: {  	p5 =	sne.s32 s29, $0x1;
	s3 =	sor.u32 s12, s3  }
0x1fa: {  	v8 =	vld [tilespmem:s3+$0x1580]  }
.Ltmp50:
0x1fb: {  	(pc) =	sbr.rel @p5 .LBB2_83-.Ltmp50, $4  }
0x1fc: {  	[tilespmem:s0+$0x9580] =	vst v6;
	s0 =	smov.u32 s26;
	s26 =	smov.u32 s3  }
0x1fd: {  	v6 =	vld.idx.msk [tilespmem:v7+s2+$0x0], $0xffff  }
0x1fe: {  	s4 =	sadd.s32 $0x80, s4;
	s28 =	sadd.s32 $0x10, s28  }
0x1ff: {  	s29 =	sadd.s32 $0xFFFFFFFF, s29;
	s12 =	sand.u32 $0xFFFFFC00, s4;
	s3 =	sand.u32 $0x70, s28;
	v7 =	vadd.s32 v0, v8  }
0x200: {  	s4 =	smov.u32 s0;
	s0 =	smov.u32 s26  }
.LBB2_85:
0x201: {  	s3 =	sor.u32 s12, s3  }
0x202: {  	v8 =	vld [tilespmem:s3+$0x1580];
	_ =	sdelay $0x1  }
0x203: {  	[tilespmem:s4+$0x9580] =	vst @p4 v6  }
0x204: {  	v6 =	vld.idx.msk @p3 [tilespmem:v7+s2+$0x0], $0xffff;
	_ =	sdelay $0x1  }
0x205: {  	v7 =	vadd.s32 v0, v8;
	_ =	sdelay $0x2  }
0x206: {  	s0 =	smov.u32 @p3 s0;
	v6 =	vpsel p3, v6, v0  }
0x207: {  	[tilespmem:s0+$0x9580] =	vst @p3 v6  }
0x208: {  	v6 =	vld.idx.msk [tilespmem:v7+s2+$0x0], $0xffff;
	_ =	sdelay $0x4  }
0x209: {  	s0 =	smov.u32 s21;
	[tilespmem:s3+$0x9580] =	vst v6;
	s3 =	smov.u32 s25  }
.LBB2_86:
0x20a: {  	p3 =	sne.s32 s3, $0xFF0  }
.Ltmp51:
0x20b: {  	_ = 	snop;
	(pc) =	sbr.rel @p3 .LBB2_86-.Ltmp51, $4  }
0x20c: {  	_ = 	snop  }
0x20d: {  	s4 =	sand.u32 $0x70, s3;
	s5 =	sand.u32 $0x7C00, s0  }
0x20e: {  	s4 =	sor.u32 s4, s5  }
0x20f: {  	s0 =	sadd.s32 $0x80, s0;
	s3 =	sadd.s32 $0x10, s3;
	[tilespmem:s4+$0x9580] =	vst v4  }
0x210: {  	p3 =	sne.s32 s22, $0x10  }
.Ltmp52:
0x211: {  	s0 =	simm.s32 $0x0;
	(pc) =	sbr.rel @!p3 .LBB2_89-.Ltmp52, $4  }
0x212: {  	s3 =	sand.u32 $0x7, s0  }
0x213: {  	s3 =	sshll.u32 s3, $0x4  }
0x214: {  	s4 =	sadd.s32 $0x0, s3  }
0x215: {  	s3 =	simm.s32 $0x10;
	s5 =	sor.u32 $0x380, s4;
	s4 =	simm.s32 $0x0  }
.LBB2_88:
0x216: {  	s3 =	sadd.s32 $0x10, s3  }
0x217: {  	[tilespmem:s5+$0x9280] =	vst v5;
	s0 =	sadd.s32 $0x80, s0;
	s4 =	sadd.s32 $0x1, s4;
	p3 =	sne.s32 s22, s3  }
.Ltmp53:
0x218: {  	(pc) =	sbr.rel @p3 .LBB2_88-.Ltmp53, $4  }
0x219: {  	s5 =	sand.u32 $0x7, s4  }
0x21a: {  	s5 =	sshll.u32 s5, $0x4  }
0x21b: {  	s5 =	sadd.s32 s5, s0  }
0x21c: {  	s5 =	sor.u32 $0x380, s5  }
.LBB2_89:
.Ltmp54:
0x21d: {  	(pc) =	sbr.rel @!p2 .LBB2_90-.Ltmp54, $2  }
0x21e: {  	_ =	sdelay $0x2  }
0x21f: {  	[tilespmem:s5+$0x9280] =	vst v5;
	s12 =	sand.u32 $0x7, s24;
	p3 =	por $0x0, $0x0;
	p4 =	por $0x0, $0x0  }
0x220: {  	p5 =	sne.s32 s11, $0x1  }
.Ltmp55:
0x221: {  	_ = 	snop;
	(pc) =	sbr.rel @!p5 .LBB2_92-.Ltmp55, $4  }
0x222: {  	s0 =	sshll.u32 s12, $0x4  }
0x223: {  	s0 =	sadd.s32 s0, s23  }
0x224: {  	s4 =	sadd.s32 $0x1, s24;
	s0 =	sor.u32 $0x380, s0  }
0x225: {  	s5 =	sadd.s32 $0xFFFFFFFF, s11;
	p3 =	por $0x1, $0x1;
	s12 =	sand.u32 $0x7, s4;
	v5 =	vld [tilespmem:s0+$0x1280]  }
0x226: {  	_ =	sdelay $0x2  }
0x227: {  	s12 =	sshll.u32 s12, $0x4;
	s3 =	sadd.s32 $0x80, s23  }
0x228: {  	p5 =	sne.s32 s5, $0x1;
	s12 =	sadd.s32 s12, s3;
	v6 =	vadd.s32 v0, v5  }
.Ltmp56:
0x229: {  	s26 =	sor.u32 $0x380, s12;
	(pc) =	sbr.rel @!p5 .LBB2_94-.Ltmp56, $3  }
0x22a: {  	v5 =	vld [tilespmem:s26+$0x1280];
	_ =	sdelay $0x1  }
0x22b: {  	s4 =	sadd.s32 $0x1, s4  }
0x22c: {  	s28 =	sadd.s32 $0xFFFFFFFF, s5;
	p4 =	por $0x1, $0x1;
	s12 =	sand.u32 $0x7, s4;
	v6 =	vld.idx.msk [tilespmem:v6+s2+$0x0], $0xffff  }
.LBB2_95:
0x22d: {  	p5 =	sne.s32 s28, $0x1;
	s5 =	sshll.u32 s12, $0x4;
	s3 =	sadd.s32 $0x80, s3  }
0x22e: {  	s5 =	sadd.s32 s5, s3;
	v7 =	vadd.s32 v0, v5  }
.Ltmp57:
0x22f: {  	s5 =	sor.u32 $0x380, s5;
	(pc) =	sbr.rel @p5 .LBB2_95-.Ltmp57, $3  }
0x230: {  	v5 =	vld [tilespmem:s5+$0x1280];
	_ =	sdelay $0x1  }
0x231: {  	s4 =	sadd.s32 $0x1, s4;
	[tilespmem:s0+$0x9280] =	vst v6;
	s0 =	smov.u32 s26;
	s26 =	smov.u32 s5  }
0x232: {  	s28 =	sadd.s32 $0xFFFFFFFF, s28;
	s12 =	sand.u32 $0x7, s4;
	v6 =	vld.idx.msk [tilespmem:v7+s2+$0x0], $0xffff  }
0x233: {  	s4 =	smov.u32 s0;
	s0 =	smov.u32 s26  }
.LBB2_97:
0x234: {  	s3 =	sadd.s32 @p3 $0x80, s3;
	s5 =	smov.u32 s23  }
0x235: {  	s12 =	sshll.u32 s12, $0x4;
	s5 =	smov.u32 @p3 s3  }
0x236: {  	v5 =	vadd.s32 @p3 v0, v5;
	s3 =	sadd.s32 s12, s5  }
0x237: {  	s3 =	sor.u32 $0x380, s3  }
0x238: {  	v7 =	vld [tilespmem:s3+$0x1280];
	_ =	sdelay $0x1  }
0x239: {  	[tilespmem:s4+$0x9280] =	vst @p4 v6  }
0x23a: {  	v5 =	vld.idx.msk @p3 [tilespmem:v5+s2+$0x0], $0xffff;
	_ =	sdelay $0x1  }
0x23b: {  	v6 =	vadd.s32 v0, v7;
	_ =	sdelay $0x2  }
0x23c: {  	s0 =	smov.u32 @p3 s0;
	v5 =	vpsel p3, v5, v0  }
0x23d: {  	[tilespmem:s0+$0x9280] =	vst @p3 v5  }
0x23e: {  	v5 =	vld.idx.msk [tilespmem:v6+s2+$0x0], $0xffff  }
0x23f: {  	s29 =	rddreg [dreg:$0x5];
	p3 =	sne.s32 s25, $0xFF0  }
.Ltmp58:
0x240: {  	s30 =	sand.u32 $0x7, s29;
	(pc) =	sbr.rel @!p3 .LBB2_99-.Ltmp58, $4  }
0x241: {  	s0 =	sshll.u32 s30, $0x4  }
0x242: {  	s0 =	sadd.s32 s0, s21  }
0x243: {  	s12 =	simm.s32 $0x0;
	s31 =	sor.u32 $0x380, s0;
	[tilespmem:s3+$0x9280] =	vst v5  }
0x244: {  	s4 =	smov.u32 s21;
	s0 =	sadd.s32 $0x10, s25;
	s3 =	sadd.s32 $0x1, s29;
	[tilespmem:s31+$0x9280] =	vst v4  }
.LBB2_98:
0x245: {  	s5 =	sand.u32 $0x7, s3;
	p4 =	sne.s32 s0, $0xFF0;
	s0 =	sadd.s32 $0x10, s0  }
.Ltmp59:
0x246: {  	s4 =	sadd.s32 $0x80, s4;
	s5 =	sshll.u32 s5, $0x4;
	(pc) =	sbr.rel @p4 .LBB2_98-.Ltmp59, $4  }
0x247: {  	s5 =	sadd.s32 s5, s4  }
0x248: {  	s5 =	sor.u32 $0x380, s5  }
0x249: {  	[tilespmem:s5+$0x9280] =	vst v4  }
0x24a: {  	s3 =	sadd.s32 $0x1, s3  }
.LBB2_99:
0x24b: {  	s26 =	smov.u32 s12  }
.LBB2_100:
0x24c: {  	s31 =	sor.u32 s14, s26  }
0x24d: {  	s0 =	sshll.u32 s26, $0x11;
	s29 =	sshll.u32 s31, $0x16  }
0x24e: {  	s28 =	sand.u32 $0x20000, s0;
	s3 =	sor.u32 s17, s29  }
0x24f: {  	s30 =	sshrl.u32 s28, $0x2;
	s3 =	sshrl.u32 s3, $0x3  }
0x250: {  	s5 =	rddreg [dreg:$0x6];
	s4 =	sadd.s32 $0xCE80, s30;
	s0 =	sadd.s32 s1, s3  }
0x251: {  	[hbm4b:s0+s12] =	stream.linear.scatter [tilespmem:s4], [sflag:$0x1], $0x4000, $0x38;
	[tilespmem:$0x19280] =	vst v63  }
0x252: {  	s0 =	sor.u32 s5, s29  }
0x253: {  	s0 =	sshrl.u32 s0, $0x3  }
0x254: {  	s7 =	sadd.s32 $0xCA80, s30;
	s3 =	rddreg [dreg:$0x7];
	s0 =	sadd.s32 s1, s0  }
0x255: {  	[hbm4b:s0+s12] =	stream.linear.scatter [tilespmem:s7], [sflag:$0x1], $0x4000, $0x38;
	[tilespmem:$0x19280] =	vst v63  }
0x256: {  	s0 =	sor.u32 s3, s29  }
0x257: {  	s0 =	sshrl.u32 s0, $0x3  }
0x258: {  	s4 =	sadd.s32 $0xC680, s30;
	s5 =	rddreg [dreg:$0x8];
	s0 =	sadd.s32 s1, s0  }
0x259: {  	[hbm4b:s0+s12] =	stream.linear.scatter [tilespmem:s4], [sflag:$0x1], $0x4000, $0x38;
	[tilespmem:$0x19280] =	vst v63  }
0x25a: {  	s0 =	sor.u32 s5, s29  }
0x25b: {  	s0 =	sshrl.u32 s0, $0x3  }
0x25c: {  	s7 =	sadd.s32 $0xC280, s30;
	s3 =	rddreg [dreg:$0x9];
	s0 =	sadd.s32 s1, s0  }
0x25d: {  	[hbm4b:s0+s12] =	stream.linear.scatter [tilespmem:s7], [sflag:$0x1], $0x4000, $0x38;
	[tilespmem:$0x19280] =	vst v63  }
0x25e: {  	s0 =	sor.u32 s3, s29  }
0x25f: {  	s0 =	sshrl.u32 s0, $0x3  }
0x260: {  	s4 =	sadd.s32 $0xBE80, s30;
	s5 =	rddreg [dreg:$0xe];
	s0 =	sadd.s32 s1, s0  }
0x261: {  	[hbm4b:s0+s12] =	stream.linear.scatter [tilespmem:s4], [sflag:$0x1], $0x4000, $0x38;
	[tilespmem:$0x19280] =	vst v63  }
0x262: {  	s0 =	sor.u32 s5, s29  }
0x263: {  	s0 =	sshrl.u32 s0, $0x3  }
0x264: {  	s7 =	sadd.s32 $0xBA80, s30;
	s3 =	rddreg [dreg:$0xf];
	s0 =	sadd.s32 s1, s0  }
0x265: {  	[hbm4b:s0+s12] =	stream.linear.scatter [tilespmem:s7], [sflag:$0x1], $0x4000, $0x38;
	[tilespmem:$0x19280] =	vst v63  }
0x266: {  	s0 =	sor.u32 s3, s29  }
0x267: {  	s0 =	sshrl.u32 s0, $0x3  }
0x268: {  	s4 =	sadd.s32 $0xB680, s30;
	s5 =	rddreg [dreg:$0x10];
	s0 =	sadd.s32 s1, s0  }
0x269: {  	[hbm4b:s0+s12] =	stream.linear.scatter [tilespmem:s4], [sflag:$0x1], $0x4000, $0x38;
	[tilespmem:$0x19280] =	vst v63  }
0x26a: {  	s0 =	sor.u32 s5, s29  }
0x26b: {  	s0 =	sshrl.u32 s0, $0x3  }
0x26c: {  	s7 =	sadd.s32 $0xB280, s30;
	s3 =	rddreg [dreg:$0x11];
	s0 =	sadd.s32 s1, s0  }
0x26d: {  	[hbm4b:s0+s12] =	stream.linear.scatter [tilespmem:s7], [sflag:$0x1], $0x4000, $0x38;
	[tilespmem:$0x19280] =	vst v63  }
0x26e: {  	s0 =	sor.u32 s3, s29  }
0x26f: {  	s0 =	sshrl.u32 s0, $0x3  }
0x270: {  	s4 =	sadd.s32 $0xAE80, s30;
	s5 =	rddreg [dreg:$0x12];
	s0 =	sadd.s32 s1, s0  }
0x271: {  	[hbm4b:s0+s12] =	stream.linear.scatter [tilespmem:s4], [sflag:$0x1], $0x4000, $0x38;
	[tilespmem:$0x19280] =	vst v63  }
0x272: {  	s0 =	sor.u32 s5, s29  }
0x273: {  	s0 =	sshrl.u32 s0, $0x3  }
0x274: {  	s7 =	sadd.s32 $0xAA80, s30;
	s3 =	rddreg [dreg:$0x13];
	s0 =	sadd.s32 s1, s0  }
0x275: {  	[hbm4b:s0+s12] =	stream.linear.scatter [tilespmem:s7], [sflag:$0x1], $0x4000, $0x38;
	[tilespmem:$0x19280] =	vst v63  }
0x276: {  	s0 =	sor.u32 s3, s29  }
0x277: {  	s0 =	sshrl.u32 s0, $0x3  }
0x278: {  	s4 =	sadd.s32 $0xA680, s30;
	s5 =	rddreg [dreg:$0x14];
	s0 =	sadd.s32 s1, s0  }
0x279: {  	[hbm4b:s0+s12] =	stream.linear.scatter [tilespmem:s4], [sflag:$0x1], $0x4000, $0x38;
	[tilespmem:$0x19280] =	vst v63  }
0x27a: {  	s0 =	sor.u32 s5, s29  }
0x27b: {  	s0 =	sshrl.u32 s0, $0x3  }
0x27c: {  	s7 =	sadd.s32 $0xA280, s30;
	s3 =	rddreg [dreg:$0x15];
	s0 =	sadd.s32 s1, s0  }
0x27d: {  	[hbm4b:s0+s12] =	stream.linear.scatter [tilespmem:s7], [sflag:$0x1], $0x4000, $0x38;
	[tilespmem:$0x19280] =	vst v63  }
0x27e: {  	s0 =	sor.u32 s3, s29  }
0x27f: {  	s0 =	sshrl.u32 s0, $0x3  }
0x280: {  	s4 =	sadd.s32 $0x9E80, s30;
	s5 =	rddreg [dreg:$0x16];
	s0 =	sadd.s32 s1, s0  }
0x281: {  	[hbm4b:s0+s12] =	stream.linear.scatter [tilespmem:s4], [sflag:$0x1], $0x4000, $0x38;
	[tilespmem:$0x19280] =	vst v63  }
0x282: {  	s0 =	sor.u32 s5, s29  }
0x283: {  	s0 =	sshrl.u32 s0, $0x3  }
0x284: {  	s7 =	sadd.s32 $0x9A80, s30;
	s4 =	rddreg [dreg:$0x17];
	s0 =	sadd.s32 s1, s0  }
0x285: {  	[hbm4b:s0+s12] =	stream.linear.scatter [tilespmem:s7], [sflag:$0x1], $0x4000, $0x38;
	[tilespmem:$0x19280] =	vst v63  }
0x286: {  	s0 =	sor.u32 s4, s29  }
0x287: {  	s0 =	sshrl.u32 s0, $0x3  }
0x288: {  	s5 =	sadd.s32 $0x9680, s30;
	s0 =	sadd.s32 s1, s0  }
0x289: {  	[hbm4b:s0+s12] =	stream.linear.scatter [tilespmem:s5], [sflag:$0x1], $0x4000, $0x38;
	[tilespmem:$0x19280] =	vst v63  }
0x28a: {  	s0 =	sadd.s32 $0x1, s31  }
0x28b: {  	s3 =	smov.u32 s13;
	s7 =	rddreg [dreg:$0x18];
	p4 =	slt.s32 s0, s13  }
0x28c: {  	s3 =	smov.u32 @p4 s0;
	s0 =	sor.u32 s7, s29  }
0x28d: {  	s0 =	sshrl.u32 s0, $0x3;
	v5 =	vmov s3  }
0x28e: {  	s29 =	sadd.s32 $0x9280, s30;
	s30 =	sxor.u32 $0x20000, s28;
	s0 =	sadd.s32 s1, s0;
	v4 =	vor.u32 $0xF0, v5  }
0x28f: {  	v7 =	vor.u32 $0x1F0, v5;
	[hbm4b:s0+s12] =	stream.linear.scatter [tilespmem:s29], [sflag:$0x1], $0x4000, $0x38;
	[tilespmem:$0x19280] =	vst v63  }
0x290: {  	s0 =	sshrl.u32 s30, $0x2  }
0x291: {  	s28 =	sadd.s32 $0x9280, s0;
	s0 =	sadd.s32 $0x10, s12  }
0x292: {  	p4 =	sne.s32 s16, s0  }
.Ltmp60:
0x293: {  	v6 =	vld.idx.msk [tilespmem:v4+s12+$0x0], $0xffff;
	(pc) =	sbr.rel @!p4 .LBB2_102-.Ltmp60, $4  }
0x294: {  	v4 =	vld.idx.msk [tilespmem:v7+s12+$0x0], $0xffff  }
0x295: {  	s31 =	sand.u32 $0xFFFFFC00, s12  }
0x296: {  	s4 =	sand.u32 $0x70, s12;
	s3 =	sadd.s32 s31, s28  }
0x297: {  	s4 =	sadd.s32 s4, s3;
	s3 =	smov.u32 s12  }
.LBB2_101:
0x298: {  	[tilespmem:s4+$0x0] =	vst v6;
	s4 =	smov.u32 s0;
	s0 =	sadd.s32 $0x10, s0  }
0x299: {  	s3 =	sadd.s32 $0x80, s3;
	p4 =	sne.s32 s16, s0  }
.Ltmp61:
0x29a: {  	(pc) =	sbr.rel @p4 .LBB2_101-.Ltmp61, $4  }
0x29b: {  	_ = 	snop  }
0x29c: {  	s5 =	sand.u32 $0xFFFFFC00, s3  }
0x29d: {  	s4 =	sand.u32 $0x70, s4;
	s5 =	sadd.s32 s5, s28  }
0x29e: {  	s4 =	sadd.s32 s4, s5  }
.LBB2_102:
.Ltmp62:
0x29f: {  	(pc) =	sbr.rel @!p0 .LBB2_103-.Ltmp62, $2  }
0x2a0: {  	_ =	sdelay $0x2  }
0x2a1: {  	[tilespmem:s4+$0x0] =	vst v6;
	s4 =	sand.u32 $0x70, s16;
	s0 =	sand.u32 $0xFFFFFC00, s18;
	p4 =	por $0x0, $0x0  }
0x2a2: {  	s3 =	sor.u32 s4, s0  }
0x2a3: {  	v7 =	vld [tilespmem:s3+$0x1280];
	_ =	sdelay $0x4  }
0x2a4: {  	v7 =	vadd.s32 v5, v7;
	_ =	sdelay $0x3  }
0x2a5: {  	p5 =	sne.s32 s9, $0x1  }
.Ltmp63:
0x2a6: {  	v7 =	vld.idx.msk [tilespmem:v7+s2+$0x0], $0xffff;
	(pc) =	sbr.rel @!p5 .LBB2_105-.Ltmp63, $4  }
0x2a7: {  	_ = 	snop  }
0x2a8: {  	s5 =	sadd.s32 s0, s28;
	s29 =	sadd.s32 $0x80, s18  }
0x2a9: {  	s30 =	sadd.s32 $0xFFFFFFFF, s9;
	p4 =	por $0x1, $0x1;
	s3 =	sadd.s32 $0x10, s16  }
0x2aa: {  	s0 =	sand.u32 $0xFFFFFC00, s29;
	s5 =	sadd.s32 s4, s5;
	s31 =	sand.u32 $0x70, s3  }
.LBB2_106:
0x2ab: {  	p5 =	sne.s32 s30, $0x1;
	s4 =	sor.u32 s31, s0;
	[tilespmem:s5+$0x0] =	vst v7;
	s5 =	smov.u32 s31  }
0x2ac: {  	v7 =	vld [tilespmem:s4+$0x1280];
	_ =	sdelay $0x4  }
0x2ad: {  	v7 =	vadd.s32 v5, v7;
	_ =	sdelay $0x4  }
0x2ae: {  	v7 =	vld.idx.msk [tilespmem:v7+s2+$0x0], $0xffff  }
.Ltmp64:
0x2af: {  	(pc) =	sbr.rel @p5 .LBB2_106-.Ltmp64, $4  }
0x2b0: {  	_ = 	snop  }
0x2b1: {  	s3 =	sadd.s32 $0x10, s3  }
0x2b2: {  	s29 =	sadd.s32 $0x80, s29;
	s31 =	sand.u32 $0x70, s3;
	s4 =	sadd.s32 s0, s28  }
0x2b3: {  	s30 =	sadd.s32 $0xFFFFFFFF, s30;
	s0 =	sand.u32 $0xFFFFFC00, s29;
	s5 =	sadd.s32 s5, s4  }
0x2b4: {  	s4 =	smov.u32 s31  }
.LBB2_108:
0x2b5: {  	s3 =	sor.u32 s4, s0;
	[tilespmem:s5+$0x0] =	vst @p4 v7  }
0x2b6: {  	v7 =	vld [tilespmem:s3+$0x1280];
	_ =	sdelay $0x4  }
0x2b7: {  	v7 =	vadd.s32 v5, v7;
	_ =	sdelay $0x4  }
0x2b8: {  	v7 =	vld.idx.msk [tilespmem:v7+s2+$0x0], $0xffff;
	_ =	sdelay $0x2  }
0x2b9: {  	s31 =	sadd.s32 s0, s28  }
0x2ba: {  	s0 =	sadd.s32 s4, s31  }
0x2bb: {  	s3 =	smov.u32 s19;
	[tilespmem:s0+$0x0] =	vst v7;
	s0 =	smov.u32 s20  }
.LBB2_109:
0x2bc: {  	p4 =	sne.s32 s3, $0xFF0  }
.Ltmp65:
0x2bd: {  	_ = 	snop;
	(pc) =	sbr.rel @p4 .LBB2_109-.Ltmp65, $4  }
0x2be: {  	s4 =	sand.u32 $0x7C00, s0  }
0x2bf: {  	s5 =	sand.u32 $0x70, s3;
	s4 =	sadd.s32 s4, s28  }
0x2c0: {  	s4 =	sadd.s32 s5, s4  }
0x2c1: {  	s0 =	sadd.s32 $0x80, s0;
	s3 =	sadd.s32 $0x10, s3;
	[tilespmem:s4+$0x0] =	vst v4  }
0x2c2: {  	p4 =	sne.s32 s16, $0x10  }
.Ltmp66:
0x2c3: {  	_ = 	snop;
	(pc) =	sbr.rel @!p4 .LBB2_112-.Ltmp66, $4  }
0x2c4: {  	s0 =	simm.s32 $0x0  }
0x2c5: {  	s3 =	sand.u32 $0xFFFFFC00, s0  }
0x2c6: {  	s4 =	sand.u32 $0x70, s0;
	s5 =	sadd.s32 s3, s28  }
0x2c7: {  	s3 =	simm.s32 $0x10;
	s4 =	sadd.s32 s4, s5  }
.LBB2_111:
0x2c8: {  	[tilespmem:s4+$0x80] =	vst v6;
	s4 =	smov.u32 s3;
	s3 =	sadd.s32 $0x10, s3  }
0x2c9: {  	s0 =	sadd.s32 $0x80, s0;
	p4 =	sne.s32 s16, s3  }
.Ltmp67:
0x2ca: {  	(pc) =	sbr.rel @p4 .LBB2_111-.Ltmp67, $4  }
0x2cb: {  	_ = 	snop  }
0x2cc: {  	s5 =	sand.u32 $0xFFFFFC00, s0  }
0x2cd: {  	s4 =	sand.u32 $0x70, s4;
	s5 =	sadd.s32 s5, s28  }
0x2ce: {  	s4 =	sadd.s32 s4, s5  }
.LBB2_112:
.Ltmp68:
0x2cf: {  	(pc) =	sbr.rel @!p0 .LBB2_113-.Ltmp68, $2  }
0x2d0: {  	_ =	sdelay $0x2  }
0x2d1: {  	[tilespmem:s4+$0x80] =	vst v6;
	s4 =	sand.u32 $0x70, s16;
	s0 =	sand.u32 $0xFFFFFC00, s18;
	p4 =	por $0x0, $0x0  }
0x2d2: {  	s3 =	sor.u32 s4, s0  }
0x2d3: {  	v7 =	vld [tilespmem:s3+$0x1300];
	_ =	sdelay $0x4  }
0x2d4: {  	v7 =	vadd.s32 v5, v7;
	_ =	sdelay $0x3  }
0x2d5: {  	p5 =	sne.s32 s9, $0x1  }
.Ltmp69:
0x2d6: {  	v7 =	vld.idx.msk [tilespmem:v7+s2+$0x0], $0xffff;
	(pc) =	sbr.rel @!p5 .LBB2_115-.Ltmp69, $4  }
0x2d7: {  	_ = 	snop  }
0x2d8: {  	s5 =	sadd.s32 s0, s28;
	s29 =	sadd.s32 $0x80, s18  }
0x2d9: {  	s30 =	sadd.s32 $0xFFFFFFFF, s9;
	p4 =	por $0x1, $0x1;
	s3 =	sadd.s32 $0x10, s16  }
0x2da: {  	s0 =	sand.u32 $0xFFFFFC00, s29;
	s5 =	sadd.s32 s4, s5;
	s31 =	sand.u32 $0x70, s3  }
.LBB2_116:
0x2db: {  	p5 =	sne.s32 s30, $0x1;
	s4 =	sor.u32 s31, s0;
	[tilespmem:s5+$0x80] =	vst v7;
	s5 =	smov.u32 s31  }
0x2dc: {  	v7 =	vld [tilespmem:s4+$0x1300];
	_ =	sdelay $0x4  }
0x2dd: {  	v7 =	vadd.s32 v5, v7;
	_ =	sdelay $0x4  }
0x2de: {  	v7 =	vld.idx.msk [tilespmem:v7+s2+$0x0], $0xffff  }
.Ltmp70:
0x2df: {  	(pc) =	sbr.rel @p5 .LBB2_116-.Ltmp70, $4  }
0x2e0: {  	_ = 	snop  }
0x2e1: {  	s3 =	sadd.s32 $0x10, s3  }
0x2e2: {  	s29 =	sadd.s32 $0x80, s29;
	s31 =	sand.u32 $0x70, s3;
	s4 =	sadd.s32 s0, s28  }
0x2e3: {  	s30 =	sadd.s32 $0xFFFFFFFF, s30;
	s0 =	sand.u32 $0xFFFFFC00, s29;
	s5 =	sadd.s32 s5, s4  }
0x2e4: {  	s4 =	smov.u32 s31  }
.LBB2_118:
0x2e5: {  	s3 =	sor.u32 s4, s0;
	[tilespmem:s5+$0x80] =	vst @p4 v7  }
0x2e6: {  	v7 =	vld [tilespmem:s3+$0x1300];
	_ =	sdelay $0x4  }
0x2e7: {  	v7 =	vadd.s32 v5, v7;
	_ =	sdelay $0x4  }
0x2e8: {  	v7 =	vld.idx.msk [tilespmem:v7+s2+$0x0], $0xffff;
	_ =	sdelay $0x2  }
0x2e9: {  	s31 =	sadd.s32 s0, s28  }
0x2ea: {  	s0 =	sadd.s32 s4, s31  }
0x2eb: {  	s3 =	smov.u32 s19;
	[tilespmem:s0+$0x80] =	vst v7;
	s0 =	smov.u32 s20  }
.LBB2_119:
0x2ec: {  	p4 =	sne.s32 s3, $0xFF0  }
.Ltmp71:
0x2ed: {  	_ = 	snop;
	(pc) =	sbr.rel @p4 .LBB2_119-.Ltmp71, $4  }
0x2ee: {  	s4 =	sand.u32 $0x7C00, s0  }
0x2ef: {  	s5 =	sand.u32 $0x70, s3;
	s4 =	sadd.s32 s4, s28  }
0x2f0: {  	s4 =	sadd.s32 s5, s4  }
0x2f1: {  	s0 =	sadd.s32 $0x80, s0;
	s3 =	sadd.s32 $0x10, s3;
	[tilespmem:s4+$0x80] =	vst v4  }
0x2f2: {  	p4 =	sne.s32 s22, $0x10  }
.Ltmp72:
0x2f3: {  	_ = 	snop;
	(pc) =	sbr.rel @!p4 .LBB2_122-.Ltmp72, $4  }
0x2f4: {  	s0 =	simm.s32 $0x0  }
0x2f5: {  	s3 =	sand.u32 $0xFFFFFC00, s0  }
0x2f6: {  	s4 =	sand.u32 $0x70, s0;
	s5 =	sadd.s32 s3, s28  }
0x2f7: {  	s3 =	simm.s32 $0x10;
	s4 =	sadd.s32 s4, s5  }
.LBB2_121:
0x2f8: {  	[tilespmem:s4+$0x100] =	vst v6;
	s4 =	smov.u32 s3;
	s3 =	sadd.s32 $0x10, s3  }
0x2f9: {  	s0 =	sadd.s32 $0x80, s0;
	p4 =	sne.s32 s22, s3  }
.Ltmp73:
0x2fa: {  	(pc) =	sbr.rel @p4 .LBB2_121-.Ltmp73, $4  }
0x2fb: {  	_ = 	snop  }
0x2fc: {  	s5 =	sand.u32 $0xFFFFFC00, s0  }
0x2fd: {  	s4 =	sand.u32 $0x70, s4;
	s5 =	sadd.s32 s5, s28  }
0x2fe: {  	s4 =	sadd.s32 s4, s5  }
.LBB2_122:
.Ltmp74:
0x2ff: {  	(pc) =	sbr.rel @!p1 .LBB2_123-.Ltmp74, $2  }
0x300: {  	_ =	sdelay $0x2  }
0x301: {  	[tilespmem:s4+$0x100] =	vst v6;
	s4 =	sand.u32 $0x70, s22;
	s0 =	sand.u32 $0xFFFFFC00, s23;
	p4 =	por $0x0, $0x0  }
0x302: {  	s3 =	sor.u32 s4, s0  }
0x303: {  	v7 =	vld [tilespmem:s3+$0x1380];
	_ =	sdelay $0x4  }
0x304: {  	v7 =	vadd.s32 v5, v7;
	_ =	sdelay $0x3  }
0x305: {  	p5 =	sne.s32 s10, $0x1  }
.Ltmp75:
0x306: {  	v7 =	vld.idx.msk [tilespmem:v7+s2+$0x0], $0xffff;
	(pc) =	sbr.rel @!p5 .LBB2_125-.Ltmp75, $4  }
0x307: {  	_ = 	snop  }
0x308: {  	s5 =	sadd.s32 s0, s28;
	s29 =	sadd.s32 $0x80, s23  }
0x309: {  	s30 =	sadd.s32 $0xFFFFFFFF, s10;
	p4 =	por $0x1, $0x1;
	s3 =	sadd.s32 $0x10, s22  }
0x30a: {  	s0 =	sand.u32 $0xFFFFFC00, s29;
	s5 =	sadd.s32 s4, s5;
	s31 =	sand.u32 $0x70, s3  }
.LBB2_126:
0x30b: {  	p5 =	sne.s32 s30, $0x1;
	s4 =	sor.u32 s31, s0;
	[tilespmem:s5+$0x100] =	vst v7;
	s5 =	smov.u32 s31  }
0x30c: {  	v7 =	vld [tilespmem:s4+$0x1380];
	_ =	sdelay $0x4  }
0x30d: {  	v7 =	vadd.s32 v5, v7;
	_ =	sdelay $0x4  }
0x30e: {  	v7 =	vld.idx.msk [tilespmem:v7+s2+$0x0], $0xffff  }
.Ltmp76:
0x30f: {  	(pc) =	sbr.rel @p5 .LBB2_126-.Ltmp76, $4  }
0x310: {  	_ = 	snop  }
0x311: {  	s3 =	sadd.s32 $0x10, s3  }
0x312: {  	s29 =	sadd.s32 $0x80, s29;
	s31 =	sand.u32 $0x70, s3;
	s4 =	sadd.s32 s0, s28  }
0x313: {  	s30 =	sadd.s32 $0xFFFFFFFF, s30;
	s0 =	sand.u32 $0xFFFFFC00, s29;
	s5 =	sadd.s32 s5, s4  }
0x314: {  	s4 =	smov.u32 s31  }
.LBB2_128:
0x315: {  	s3 =	sor.u32 s4, s0;
	[tilespmem:s5+$0x100] =	vst @p4 v7  }
0x316: {  	v7 =	vld [tilespmem:s3+$0x1380];
	_ =	sdelay $0x4  }
0x317: {  	v7 =	vadd.s32 v5, v7;
	_ =	sdelay $0x4  }
0x318: {  	v7 =	vld.idx.msk [tilespmem:v7+s2+$0x0], $0xffff;
	_ =	sdelay $0x2  }
0x319: {  	s31 =	sadd.s32 s0, s28  }
0x31a: {  	s0 =	sadd.s32 s4, s31  }
0x31b: {  	s3 =	smov.u32 s19;
	[tilespmem:s0+$0x100] =	vst v7;
	s0 =	smov.u32 s20  }
.LBB2_129:
0x31c: {  	p4 =	sne.s32 s3, $0xFF0  }
.Ltmp77:
0x31d: {  	_ = 	snop;
	(pc) =	sbr.rel @p4 .LBB2_129-.Ltmp77, $4  }
0x31e: {  	s4 =	sand.u32 $0x7C00, s0  }
0x31f: {  	s5 =	sand.u32 $0x70, s3;
	s4 =	sadd.s32 s4, s28  }
0x320: {  	s4 =	sadd.s32 s5, s4  }
0x321: {  	s0 =	sadd.s32 $0x80, s0;
	s3 =	sadd.s32 $0x10, s3;
	[tilespmem:s4+$0x100] =	vst v4  }
0x322: {  	p4 =	sne.s32 s22, $0x10  }
.Ltmp78:
0x323: {  	_ = 	snop;
	(pc) =	sbr.rel @!p4 .LBB2_132-.Ltmp78, $4  }
0x324: {  	s0 =	simm.s32 $0x0  }
0x325: {  	s3 =	sand.u32 $0xFFFFFC00, s0  }
0x326: {  	s4 =	sand.u32 $0x70, s0;
	s5 =	sadd.s32 s3, s28  }
0x327: {  	s3 =	simm.s32 $0x10;
	s4 =	sadd.s32 s4, s5  }
.LBB2_131:
0x328: {  	[tilespmem:s4+$0x180] =	vst v6;
	s4 =	smov.u32 s3;
	s3 =	sadd.s32 $0x10, s3  }
0x329: {  	s0 =	sadd.s32 $0x80, s0;
	p4 =	sne.s32 s22, s3  }
.Ltmp79:
0x32a: {  	(pc) =	sbr.rel @p4 .LBB2_131-.Ltmp79, $4  }
0x32b: {  	_ = 	snop  }
0x32c: {  	s5 =	sand.u32 $0xFFFFFC00, s0  }
0x32d: {  	s4 =	sand.u32 $0x70, s4;
	s5 =	sadd.s32 s5, s28  }
0x32e: {  	s4 =	sadd.s32 s4, s5  }
.LBB2_132:
.Ltmp80:
0x32f: {  	(pc) =	sbr.rel @!p1 .LBB2_133-.Ltmp80, $2  }
0x330: {  	_ =	sdelay $0x2  }
0x331: {  	[tilespmem:s4+$0x180] =	vst v6;
	s4 =	sand.u32 $0x70, s22;
	s0 =	sand.u32 $0xFFFFFC00, s23;
	p4 =	por $0x0, $0x0  }
0x332: {  	s3 =	sor.u32 s4, s0  }
0x333: {  	v7 =	vld [tilespmem:s3+$0x1400];
	_ =	sdelay $0x4  }
0x334: {  	v7 =	vadd.s32 v5, v7;
	_ =	sdelay $0x3  }
0x335: {  	p5 =	sne.s32 s10, $0x1  }
.Ltmp81:
0x336: {  	v7 =	vld.idx.msk [tilespmem:v7+s2+$0x0], $0xffff;
	(pc) =	sbr.rel @!p5 .LBB2_135-.Ltmp81, $4  }
0x337: {  	_ = 	snop  }
0x338: {  	s5 =	sadd.s32 s0, s28;
	s29 =	sadd.s32 $0x80, s23  }
0x339: {  	s30 =	sadd.s32 $0xFFFFFFFF, s10;
	p4 =	por $0x1, $0x1;
	s3 =	sadd.s32 $0x10, s22  }
0x33a: {  	s0 =	sand.u32 $0xFFFFFC00, s29;
	s5 =	sadd.s32 s4, s5;
	s31 =	sand.u32 $0x70, s3  }
.LBB2_136:
0x33b: {  	p5 =	sne.s32 s30, $0x1;
	s4 =	sor.u32 s31, s0;
	[tilespmem:s5+$0x180] =	vst v7;
	s5 =	smov.u32 s31  }
0x33c: {  	v7 =	vld [tilespmem:s4+$0x1400];
	_ =	sdelay $0x4  }
0x33d: {  	v7 =	vadd.s32 v5, v7;
	_ =	sdelay $0x4  }
0x33e: {  	v7 =	vld.idx.msk [tilespmem:v7+s2+$0x0], $0xffff  }
.Ltmp82:
0x33f: {  	(pc) =	sbr.rel @p5 .LBB2_136-.Ltmp82, $4  }
0x340: {  	_ = 	snop  }
0x341: {  	s3 =	sadd.s32 $0x10, s3  }
0x342: {  	s29 =	sadd.s32 $0x80, s29;
	s31 =	sand.u32 $0x70, s3;
	s4 =	sadd.s32 s0, s28  }
0x343: {  	s30 =	sadd.s32 $0xFFFFFFFF, s30;
	s0 =	sand.u32 $0xFFFFFC00, s29;
	s5 =	sadd.s32 s5, s4  }
0x344: {  	s4 =	smov.u32 s31  }
.LBB2_138:
0x345: {  	s3 =	sor.u32 s4, s0;
	[tilespmem:s5+$0x180] =	vst @p4 v7  }
0x346: {  	v7 =	vld [tilespmem:s3+$0x1400];
	_ =	sdelay $0x4  }
0x347: {  	v7 =	vadd.s32 v5, v7;
	_ =	sdelay $0x4  }
0x348: {  	v7 =	vld.idx.msk [tilespmem:v7+s2+$0x0], $0xffff;
	_ =	sdelay $0x2  }
0x349: {  	s31 =	sadd.s32 s0, s28  }
0x34a: {  	s0 =	sadd.s32 s4, s31  }
0x34b: {  	s3 =	smov.u32 s19;
	[tilespmem:s0+$0x180] =	vst v7;
	s0 =	smov.u32 s20  }
.LBB2_139:
0x34c: {  	p4 =	sne.s32 s3, $0xFF0  }
.Ltmp83:
0x34d: {  	_ = 	snop;
	(pc) =	sbr.rel @p4 .LBB2_139-.Ltmp83, $4  }
0x34e: {  	s4 =	sand.u32 $0x7C00, s0  }
0x34f: {  	s5 =	sand.u32 $0x70, s3;
	s4 =	sadd.s32 s4, s28  }
0x350: {  	s4 =	sadd.s32 s5, s4  }
0x351: {  	s0 =	sadd.s32 $0x80, s0;
	s3 =	sadd.s32 $0x10, s3;
	[tilespmem:s4+$0x180] =	vst v4  }
0x352: {  	p4 =	sne.s32 s22, $0x10  }
.Ltmp84:
0x353: {  	_ = 	snop;
	(pc) =	sbr.rel @!p4 .LBB2_142-.Ltmp84, $4  }
0x354: {  	s0 =	simm.s32 $0x0  }
0x355: {  	s3 =	sand.u32 $0xFFFFFC00, s0  }
0x356: {  	s4 =	sand.u32 $0x70, s0;
	s5 =	sadd.s32 s3, s28  }
0x357: {  	s3 =	simm.s32 $0x10;
	s4 =	sadd.s32 s4, s5  }
.LBB2_141:
0x358: {  	[tilespmem:s4+$0x200] =	vst v6;
	s4 =	smov.u32 s3;
	s3 =	sadd.s32 $0x10, s3  }
0x359: {  	s0 =	sadd.s32 $0x80, s0;
	p4 =	sne.s32 s22, s3  }
.Ltmp85:
0x35a: {  	(pc) =	sbr.rel @p4 .LBB2_141-.Ltmp85, $4  }
0x35b: {  	_ = 	snop  }
0x35c: {  	s5 =	sand.u32 $0xFFFFFC00, s0  }
0x35d: {  	s4 =	sand.u32 $0x70, s4;
	s5 =	sadd.s32 s5, s28  }
0x35e: {  	s4 =	sadd.s32 s4, s5  }
.LBB2_142:
.Ltmp86:
0x35f: {  	(pc) =	sbr.rel @!p1 .LBB2_143-.Ltmp86, $2  }
0x360: {  	_ =	sdelay $0x2  }
0x361: {  	[tilespmem:s4+$0x200] =	vst v6;
	s4 =	sand.u32 $0x70, s22;
	s0 =	sand.u32 $0xFFFFFC00, s23;
	p4 =	por $0x0, $0x0  }
0x362: {  	s3 =	sor.u32 s4, s0  }
0x363: {  	v7 =	vld [tilespmem:s3+$0x1480];
	_ =	sdelay $0x4  }
0x364: {  	v7 =	vadd.s32 v5, v7;
	_ =	sdelay $0x3  }
0x365: {  	p5 =	sne.s32 s10, $0x1  }
.Ltmp87:
0x366: {  	v7 =	vld.idx.msk [tilespmem:v7+s2+$0x0], $0xffff;
	(pc) =	sbr.rel @!p5 .LBB2_145-.Ltmp87, $4  }
0x367: {  	_ = 	snop  }
0x368: {  	s5 =	sadd.s32 s0, s28;
	s29 =	sadd.s32 $0x80, s23  }
0x369: {  	s30 =	sadd.s32 $0xFFFFFFFF, s10;
	p4 =	por $0x1, $0x1;
	s3 =	sadd.s32 $0x10, s22  }
0x36a: {  	s0 =	sand.u32 $0xFFFFFC00, s29;
	s5 =	sadd.s32 s4, s5;
	s31 =	sand.u32 $0x70, s3  }
.LBB2_146:
0x36b: {  	p5 =	sne.s32 s30, $0x1;
	s4 =	sor.u32 s31, s0;
	[tilespmem:s5+$0x200] =	vst v7;
	s5 =	smov.u32 s31  }
0x36c: {  	v7 =	vld [tilespmem:s4+$0x1480];
	_ =	sdelay $0x4  }
0x36d: {  	v7 =	vadd.s32 v5, v7;
	_ =	sdelay $0x4  }
0x36e: {  	v7 =	vld.idx.msk [tilespmem:v7+s2+$0x0], $0xffff  }
.Ltmp88:
0x36f: {  	(pc) =	sbr.rel @p5 .LBB2_146-.Ltmp88, $4  }
0x370: {  	_ = 	snop  }
0x371: {  	s3 =	sadd.s32 $0x10, s3  }
0x372: {  	s29 =	sadd.s32 $0x80, s29;
	s31 =	sand.u32 $0x70, s3;
	s4 =	sadd.s32 s0, s28  }
0x373: {  	s30 =	sadd.s32 $0xFFFFFFFF, s30;
	s0 =	sand.u32 $0xFFFFFC00, s29;
	s5 =	sadd.s32 s5, s4  }
0x374: {  	s4 =	smov.u32 s31  }
.LBB2_148:
0x375: {  	s3 =	sor.u32 s4, s0;
	[tilespmem:s5+$0x200] =	vst @p4 v7  }
0x376: {  	v7 =	vld [tilespmem:s3+$0x1480];
	_ =	sdelay $0x4  }
0x377: {  	v7 =	vadd.s32 v5, v7;
	_ =	sdelay $0x4  }
0x378: {  	v7 =	vld.idx.msk [tilespmem:v7+s2+$0x0], $0xffff;
	_ =	sdelay $0x2  }
0x379: {  	s31 =	sadd.s32 s0, s28  }
0x37a: {  	s0 =	sadd.s32 s4, s31  }
0x37b: {  	s3 =	smov.u32 s19;
	[tilespmem:s0+$0x200] =	vst v7;
	s0 =	smov.u32 s20  }
.LBB2_149:
0x37c: {  	p4 =	sne.s32 s3, $0xFF0  }
.Ltmp89:
0x37d: {  	_ = 	snop;
	(pc) =	sbr.rel @p4 .LBB2_149-.Ltmp89, $4  }
0x37e: {  	s4 =	sand.u32 $0x7C00, s0  }
0x37f: {  	s5 =	sand.u32 $0x70, s3;
	s4 =	sadd.s32 s4, s28  }
0x380: {  	s4 =	sadd.s32 s5, s4  }
0x381: {  	s0 =	sadd.s32 $0x80, s0;
	s3 =	sadd.s32 $0x10, s3;
	[tilespmem:s4+$0x200] =	vst v4  }
0x382: {  	p4 =	sne.s32 s22, $0x10  }
.Ltmp90:
0x383: {  	_ = 	snop;
	(pc) =	sbr.rel @!p4 .LBB2_152-.Ltmp90, $4  }
0x384: {  	s0 =	simm.s32 $0x0  }
0x385: {  	s3 =	sand.u32 $0xFFFFFC00, s0  }
0x386: {  	s4 =	sand.u32 $0x70, s0;
	s5 =	sadd.s32 s3, s28  }
0x387: {  	s3 =	simm.s32 $0x10;
	s4 =	sadd.s32 s4, s5  }
.LBB2_151:
0x388: {  	[tilespmem:s4+$0x280] =	vst v6;
	s4 =	smov.u32 s3;
	s3 =	sadd.s32 $0x10, s3  }
0x389: {  	s0 =	sadd.s32 $0x80, s0;
	p4 =	sne.s32 s22, s3  }
.Ltmp91:
0x38a: {  	(pc) =	sbr.rel @p4 .LBB2_151-.Ltmp91, $4  }
0x38b: {  	_ = 	snop  }
0x38c: {  	s5 =	sand.u32 $0xFFFFFC00, s0  }
0x38d: {  	s4 =	sand.u32 $0x70, s4;
	s5 =	sadd.s32 s5, s28  }
0x38e: {  	s4 =	sadd.s32 s4, s5  }
.LBB2_152:
.Ltmp92:
0x38f: {  	(pc) =	sbr.rel @!p1 .LBB2_153-.Ltmp92, $2  }
0x390: {  	_ =	sdelay $0x2  }
0x391: {  	[tilespmem:s4+$0x280] =	vst v6;
	s4 =	sand.u32 $0x70, s22;
	s0 =	sand.u32 $0xFFFFFC00, s23;
	p4 =	por $0x0, $0x0  }
0x392: {  	s3 =	sor.u32 s4, s0  }
0x393: {  	v7 =	vld [tilespmem:s3+$0x1500];
	_ =	sdelay $0x4  }
0x394: {  	v7 =	vadd.s32 v5, v7;
	_ =	sdelay $0x3  }
0x395: {  	p5 =	sne.s32 s10, $0x1  }
.Ltmp93:
0x396: {  	v7 =	vld.idx.msk [tilespmem:v7+s2+$0x0], $0xffff;
	(pc) =	sbr.rel @!p5 .LBB2_155-.Ltmp93, $4  }
0x397: {  	_ = 	snop  }
0x398: {  	s5 =	sadd.s32 s0, s28;
	s29 =	sadd.s32 $0x80, s23  }
0x399: {  	s30 =	sadd.s32 $0xFFFFFFFF, s10;
	p4 =	por $0x1, $0x1;
	s3 =	sadd.s32 $0x10, s22  }
0x39a: {  	s0 =	sand.u32 $0xFFFFFC00, s29;
	s5 =	sadd.s32 s4, s5;
	s31 =	sand.u32 $0x70, s3  }
.LBB2_156:
0x39b: {  	p5 =	sne.s32 s30, $0x1;
	s4 =	sor.u32 s31, s0;
	[tilespmem:s5+$0x280] =	vst v7;
	s5 =	smov.u32 s31  }
0x39c: {  	v7 =	vld [tilespmem:s4+$0x1500];
	_ =	sdelay $0x4  }
0x39d: {  	v7 =	vadd.s32 v5, v7;
	_ =	sdelay $0x4  }
0x39e: {  	v7 =	vld.idx.msk [tilespmem:v7+s2+$0x0], $0xffff  }
.Ltmp94:
0x39f: {  	(pc) =	sbr.rel @p5 .LBB2_156-.Ltmp94, $4  }
0x3a0: {  	_ = 	snop  }
0x3a1: {  	s3 =	sadd.s32 $0x10, s3  }
0x3a2: {  	s29 =	sadd.s32 $0x80, s29;
	s31 =	sand.u32 $0x70, s3;
	s4 =	sadd.s32 s0, s28  }
0x3a3: {  	s30 =	sadd.s32 $0xFFFFFFFF, s30;
	s0 =	sand.u32 $0xFFFFFC00, s29;
	s5 =	sadd.s32 s5, s4  }
0x3a4: {  	s4 =	smov.u32 s31  }
.LBB2_158:
0x3a5: {  	s3 =	sor.u32 s4, s0;
	[tilespmem:s5+$0x280] =	vst @p4 v7  }
0x3a6: {  	v7 =	vld [tilespmem:s3+$0x1500];
	_ =	sdelay $0x4  }
0x3a7: {  	v7 =	vadd.s32 v5, v7;
	_ =	sdelay $0x4  }
0x3a8: {  	v7 =	vld.idx.msk [tilespmem:v7+s2+$0x0], $0xffff;
	_ =	sdelay $0x2  }
0x3a9: {  	s31 =	sadd.s32 s0, s28  }
0x3aa: {  	s0 =	sadd.s32 s4, s31  }
0x3ab: {  	s3 =	smov.u32 s19;
	[tilespmem:s0+$0x280] =	vst v7;
	s0 =	smov.u32 s20  }
.LBB2_159:
0x3ac: {  	p4 =	sne.s32 s3, $0xFF0  }
.Ltmp95:
0x3ad: {  	_ = 	snop;
	(pc) =	sbr.rel @p4 .LBB2_159-.Ltmp95, $4  }
0x3ae: {  	s4 =	sand.u32 $0x7C00, s0  }
0x3af: {  	s5 =	sand.u32 $0x70, s3;
	s4 =	sadd.s32 s4, s28  }
0x3b0: {  	s4 =	sadd.s32 s5, s4  }
0x3b1: {  	s0 =	sadd.s32 $0x80, s0;
	s3 =	sadd.s32 $0x10, s3;
	[tilespmem:s4+$0x280] =	vst v4  }
0x3b2: {  	p4 =	sne.s32 s22, $0x10  }
.Ltmp96:
0x3b3: {  	_ = 	snop;
	(pc) =	sbr.rel @!p4 .LBB2_162-.Ltmp96, $4  }
0x3b4: {  	s0 =	simm.s32 $0x0  }
0x3b5: {  	s3 =	sand.u32 $0xFFFFFC00, s0  }
0x3b6: {  	s4 =	sand.u32 $0x70, s0;
	s5 =	sadd.s32 s3, s28  }
0x3b7: {  	s3 =	simm.s32 $0x10;
	s4 =	sadd.s32 s4, s5  }
.LBB2_161:
0x3b8: {  	[tilespmem:s4+$0x300] =	vst v6;
	s4 =	smov.u32 s3;
	s3 =	sadd.s32 $0x10, s3  }
0x3b9: {  	s0 =	sadd.s32 $0x80, s0;
	p4 =	sne.s32 s22, s3  }
.Ltmp97:
0x3ba: {  	(pc) =	sbr.rel @p4 .LBB2_161-.Ltmp97, $4  }
0x3bb: {  	_ = 	snop  }
0x3bc: {  	s5 =	sand.u32 $0xFFFFFC00, s0  }
0x3bd: {  	s4 =	sand.u32 $0x70, s4;
	s5 =	sadd.s32 s5, s28  }
0x3be: {  	s4 =	sadd.s32 s4, s5  }
.LBB2_162:
.Ltmp98:
0x3bf: {  	(pc) =	sbr.rel @!p2 .LBB2_163-.Ltmp98, $2  }
0x3c0: {  	_ =	sdelay $0x2  }
0x3c1: {  	[tilespmem:s4+$0x300] =	vst v6;
	s4 =	sand.u32 $0x70, s22;
	s0 =	sand.u32 $0xFFFFFC00, s23;
	p4 =	por $0x0, $0x0  }
0x3c2: {  	s3 =	sor.u32 s4, s0  }
0x3c3: {  	v7 =	vld [tilespmem:s3+$0x1580];
	_ =	sdelay $0x4  }
0x3c4: {  	v7 =	vadd.s32 v5, v7;
	_ =	sdelay $0x3  }
0x3c5: {  	p5 =	sne.s32 s11, $0x1  }
.Ltmp99:
0x3c6: {  	v7 =	vld.idx.msk [tilespmem:v7+s2+$0x0], $0xffff;
	(pc) =	sbr.rel @!p5 .LBB2_165-.Ltmp99, $4  }
0x3c7: {  	_ = 	snop  }
0x3c8: {  	s5 =	sadd.s32 s0, s28;
	s29 =	sadd.s32 $0x80, s23  }
0x3c9: {  	s30 =	sadd.s32 $0xFFFFFFFF, s11;
	p4 =	por $0x1, $0x1;
	s3 =	sadd.s32 $0x10, s22  }
0x3ca: {  	s0 =	sand.u32 $0xFFFFFC00, s29;
	s5 =	sadd.s32 s4, s5;
	s31 =	sand.u32 $0x70, s3  }
.LBB2_166:
0x3cb: {  	p5 =	sne.s32 s30, $0x1;
	s4 =	sor.u32 s31, s0;
	[tilespmem:s5+$0x300] =	vst v7;
	s5 =	smov.u32 s31  }
0x3cc: {  	v7 =	vld [tilespmem:s4+$0x1580];
	_ =	sdelay $0x4  }
0x3cd: {  	v7 =	vadd.s32 v5, v7;
	_ =	sdelay $0x4  }
0x3ce: {  	v7 =	vld.idx.msk [tilespmem:v7+s2+$0x0], $0xffff  }
.Ltmp100:
0x3cf: {  	(pc) =	sbr.rel @p5 .LBB2_166-.Ltmp100, $4  }
0x3d0: {  	_ = 	snop  }
0x3d1: {  	s3 =	sadd.s32 $0x10, s3  }
0x3d2: {  	s29 =	sadd.s32 $0x80, s29;
	s31 =	sand.u32 $0x70, s3;
	s4 =	sadd.s32 s0, s28  }
0x3d3: {  	s30 =	sadd.s32 $0xFFFFFFFF, s30;
	s0 =	sand.u32 $0xFFFFFC00, s29;
	s5 =	sadd.s32 s5, s4  }
0x3d4: {  	s4 =	smov.u32 s31  }
.LBB2_168:
0x3d5: {  	s3 =	sor.u32 s4, s0;
	[tilespmem:s5+$0x300] =	vst @p4 v7  }
0x3d6: {  	v7 =	vld [tilespmem:s3+$0x1580];
	_ =	sdelay $0x4  }
0x3d7: {  	v7 =	vadd.s32 v5, v7;
	_ =	sdelay $0x4  }
0x3d8: {  	v7 =	vld.idx.msk [tilespmem:v7+s2+$0x0], $0xffff;
	_ =	sdelay $0x2  }
0x3d9: {  	s31 =	sadd.s32 s0, s28  }
0x3da: {  	s0 =	sadd.s32 s4, s31  }
0x3db: {  	s3 =	smov.u32 s25;
	[tilespmem:s0+$0x300] =	vst v7;
	s0 =	smov.u32 s21  }
.LBB2_169:
0x3dc: {  	p4 =	sne.s32 s3, $0xFF0  }
.Ltmp101:
0x3dd: {  	_ = 	snop;
	(pc) =	sbr.rel @p4 .LBB2_169-.Ltmp101, $4  }
0x3de: {  	s4 =	sand.u32 $0x7C00, s0  }
0x3df: {  	s5 =	sand.u32 $0x70, s3;
	s4 =	sadd.s32 s4, s28  }
0x3e0: {  	s4 =	sadd.s32 s5, s4  }
0x3e1: {  	s0 =	sadd.s32 $0x80, s0;
	s3 =	sadd.s32 $0x10, s3;
	[tilespmem:s4+$0x300] =	vst v4  }
0x3e2: {  	p4 =	sne.s32 s22, $0x10  }
.Ltmp102:
0x3e3: {  	_ = 	snop;
	(pc) =	sbr.rel @!p4 .LBB2_172-.Ltmp102, $4  }
0x3e4: {  	s0 =	simm.s32 $0x0  }
0x3e5: {  	s3 =	sand.u32 $0xFFFFFC00, s0  }
0x3e6: {  	s4 =	sand.u32 $0x70, s0;
	s5 =	sadd.s32 s3, s28  }
0x3e7: {  	s3 =	simm.s32 $0x10;
	s4 =	sadd.s32 s4, s5  }
.LBB2_171:
0x3e8: {  	[tilespmem:s4+$0x380] =	vst v6;
	s4 =	smov.u32 s3;
	s3 =	sadd.s32 $0x10, s3  }
0x3e9: {  	s0 =	sadd.s32 $0x80, s0;
	p4 =	sne.s32 s22, s3  }
.Ltmp103:
0x3ea: {  	(pc) =	sbr.rel @p4 .LBB2_171-.Ltmp103, $4  }
0x3eb: {  	_ = 	snop  }
0x3ec: {  	s5 =	sand.u32 $0xFFFFFC00, s0  }
0x3ed: {  	s4 =	sand.u32 $0x70, s4;
	s5 =	sadd.s32 s5, s28  }
0x3ee: {  	s4 =	sadd.s32 s4, s5  }
.LBB2_172:
.Ltmp104:
0x3ef: {  	(pc) =	sbr.rel @!p2 .LBB2_173-.Ltmp104, $2  }
0x3f0: {  	_ =	sdelay $0x2  }
0x3f1: {  	[tilespmem:s4+$0x380] =	vst v6;
	s4 =	sand.u32 $0x7, s24;
	p4 =	por $0x0, $0x0  }
0x3f2: {  	s0 =	sshll.u32 s4, $0x4  }
0x3f3: {  	s0 =	sadd.s32 s0, s23  }
0x3f4: {  	s0 =	sor.u32 $0x380, s0  }
0x3f5: {  	v6 =	vld [tilespmem:s0+$0x1280];
	_ =	sdelay $0x4  }
0x3f6: {  	v6 =	vadd.s32 v5, v6;
	_ =	sdelay $0x1  }
0x3f7: {  	p5 =	sne.s32 s11, $0x1  }
.Ltmp105:
0x3f8: {  	_ = 	snop;
	(pc) =	sbr.rel @!p5 .LBB2_175-.Ltmp105, $4  }
0x3f9: {  	_ = 	snop  }
0x3fa: {  	s29 =	sadd.s32 $0x1, s24;
	s31 =	sand.u32 $0x70, s22;
	v6 =	vld.idx.msk [tilespmem:v6+s2+$0x0], $0xffff  }
0x3fb: {  	s30 =	sadd.s32 $0xFFFFFFFF, s11;
	s5 =	sand.u32 $0xFFFFFC00, s23;
	p4 =	por $0x1, $0x1  }
0x3fc: {  	s3 =	smov.u32 s22;
	s4 =	sand.u32 $0x7, s29;
	s0 =	sadd.s32 $0x80, s23  }
.LBB2_176:
0x3fd: {  	p5 =	sne.s32 s30, $0x1;
	s4 =	sshll.u32 s4, $0x4;
	s5 =	sadd.s32 s5, s28  }
0x3fe: {  	s7 =	smov.u32 s0;
	s4 =	sadd.s32 s4, s0;
	s5 =	sadd.s32 s31, s5  }
0x3ff: {  	s4 =	sor.u32 $0x380, s4;
	[tilespmem:s5+$0x380] =	vst v6  }
0x400: {  	v6 =	vld [tilespmem:s4+$0x1280];
	_ =	sdelay $0x4  }
0x401: {  	v6 =	vadd.s32 v5, v6;
	_ =	sdelay $0x3  }
.Ltmp106:
0x402: {  	(pc) =	sbr.rel @p5 .LBB2_176-.Ltmp106, $4  }
0x403: {  	v6 =	vld.idx.msk [tilespmem:v6+s2+$0x0], $0xffff  }
0x404: {  	s3 =	sadd.s32 $0x10, s3  }
0x405: {  	s29 =	sadd.s32 $0x1, s29;
	s31 =	sand.u32 $0x70, s3;
	s0 =	sadd.s32 $0x80, s0  }
0x406: {  	s30 =	sadd.s32 $0xFFFFFFFF, s30;
	s5 =	sand.u32 $0xFFFFFC00, s7;
	s4 =	sand.u32 $0x7, s29  }
.LBB2_177:
0x407: {  	s4 =	sshll.u32 s4, $0x4;
	s5 =	sadd.s32 @p4 s5, s28  }
0x408: {  	s4 =	sadd.s32 s4, s0;
	s5 =	sadd.s32 @p4 s31, s5  }
0x409: {  	s4 =	sor.u32 $0x380, s4;
	[tilespmem:s5+$0x380] =	vst @p4 v6  }
0x40a: {  	v6 =	vld [tilespmem:s4+$0x1280];
	_ =	sdelay $0x4  }
0x40b: {  	v5 =	vadd.s32 v5, v6;
	_ =	sdelay $0x4  }
0x40c: {  	v5 =	vld.idx.msk [tilespmem:v5+s2+$0x0], $0xffff  }
.Ltmp107:
0x40d: {  	s3 =	sadd.s32 @p4 $0x10, s3;
	s4 =	smov.u32 s22;
	(pc) =	sbr.rel @!p3 .LBB2_179-.Ltmp107, $4  }
0x40e: {  	s29 =	sand.u32 $0xFFFFFC00, s0;
	s4 =	smov.u32 @p4 s3  }
0x40f: {  	s30 =	sand.u32 $0x7C00, s21;
	s0 =	sadd.s32 s29, s28;
	s3 =	sand.u32 $0x70, s4  }
0x410: {  	s31 =	sand.u32 $0x70, s25;
	s4 =	sadd.s32 s30, s28;
	s0 =	sadd.s32 s3, s0  }
0x411: {  	s4 =	sadd.s32 s31, s4;
	s3 =	smov.u32 s21;
	[tilespmem:s0+$0x380] =	vst v5;
	s0 =	sadd.s32 $0x10, s25  }
.LBB2_178:
0x412: {  	p4 =	sne.s32 s0, $0xFF0  }
0x413: {  	[tilespmem:s4+$0x380] =	vst v4;
	s3 =	sadd.s32 $0x80, s3;
	s4 =	smov.u32 s0;
	s0 =	sadd.s32 $0x10, s0  }
.Ltmp108:
0x414: {  	(pc) =	sbr.rel @p4 .LBB2_178-.Ltmp108, $4  }
0x415: {  	_ = 	snop  }
0x416: {  	s5 =	sand.u32 $0x7C00, s3  }
0x417: {  	s4 =	sand.u32 $0x70, s4;
	s5 =	sadd.s32 s5, s28  }
0x418: {  	s4 =	sadd.s32 s4, s5  }
.LBB2_179:
0x419: {  	[tilespmem:s4+$0x380] =	vst v4  }
0x41a: {  	_ =	swait.ge [sflag:s6], $0x4000  }
0x41b: {  	[sflag:s6] =	ssyncset.done $0x0  }
0x41c: {  	[sflag:s6] =	ssyncadd.s32 $0xFFFFC000  }
0x41d: {  	_ =	swait.ge [sflag:s6], $0x4000  }
0x41e: {  	[sflag:s6] =	ssyncset.done $0x0  }
0x41f: {  	[sflag:s6] =	ssyncadd.s32 $0xFFFFC000  }
0x420: {  	_ =	swait.ge [sflag:s6], $0x4000  }
0x421: {  	[sflag:s6] =	ssyncset.done $0x0  }
0x422: {  	[sflag:s6] =	ssyncadd.s32 $0xFFFFC000  }
0x423: {  	_ =	swait.ge [sflag:s6], $0x4000  }
0x424: {  	[sflag:s6] =	ssyncset.done $0x0  }
0x425: {  	[sflag:s6] =	ssyncadd.s32 $0xFFFFC000  }
0x426: {  	_ =	swait.ge [sflag:s6], $0x4000  }
0x427: {  	[sflag:s6] =	ssyncset.done $0x0  }
0x428: {  	[sflag:s6] =	ssyncadd.s32 $0xFFFFC000  }
0x429: {  	_ =	swait.ge [sflag:s6], $0x4000  }
0x42a: {  	[sflag:s6] =	ssyncset.done $0x0  }
0x42b: {  	[sflag:s6] =	ssyncadd.s32 $0xFFFFC000  }
0x42c: {  	_ =	swait.ge [sflag:s6], $0x4000  }
0x42d: {  	[sflag:s6] =	ssyncset.done $0x0  }
0x42e: {  	[sflag:s6] =	ssyncadd.s32 $0xFFFFC000  }
0x42f: {  	_ =	swait.ge [sflag:s6], $0x4000  }
0x430: {  	[sflag:s6] =	ssyncset.done $0x0  }
0x431: {  	[sflag:s6] =	ssyncadd.s32 $0xFFFFC000  }
0x432: {  	_ =	swait.ge [sflag:s6], $0x4000  }
0x433: {  	[sflag:s6] =	ssyncset.done $0x0  }
0x434: {  	[sflag:s6] =	ssyncadd.s32 $0xFFFFC000  }
0x435: {  	_ =	swait.ge [sflag:s6], $0x4000  }
0x436: {  	[sflag:s6] =	ssyncset.done $0x0  }
0x437: {  	[sflag:s6] =	ssyncadd.s32 $0xFFFFC000  }
0x438: {  	_ =	swait.ge [sflag:s6], $0x4000  }
0x439: {  	[sflag:s6] =	ssyncset.done $0x0  }
0x43a: {  	[sflag:s6] =	ssyncadd.s32 $0xFFFFC000  }
0x43b: {  	_ =	swait.ge [sflag:s6], $0x4000  }
0x43c: {  	[sflag:s6] =	ssyncset.done $0x0  }
0x43d: {  	[sflag:s6] =	ssyncadd.s32 $0xFFFFC000  }
0x43e: {  	_ =	swait.ge [sflag:s6], $0x4000  }
0x43f: {  	[sflag:s6] =	ssyncset.done $0x0  }
0x440: {  	[sflag:s6] =	ssyncadd.s32 $0xFFFFC000  }
0x441: {  	_ =	swait.ge [sflag:s6], $0x4000  }
0x442: {  	[sflag:s6] =	ssyncset.done $0x0  }
0x443: {  	s26 =	sadd.s32 $0x1, s26;
	[sflag:s6] =	ssyncadd.s32 $0xFFFFC000  }
0x444: {  	p4 =	sne.s32 s26, $0x8;
	_ =	swait.ge [sflag:s6], $0x4000  }
.Ltmp109:
0x445: {  	[sflag:s6] =	ssyncset.done $0x0;
	(pc) =	sbr.rel @p4 .LBB2_100-.Ltmp109, $4  }
.Ltmp110:
0x446: {  	[sflag:s6] =	ssyncadd.s32 $0xFFFFC000;
	(pc) =	sbr.rel @!p4 .LBB2_180-.Ltmp110, $4  }
0x447: {  	_ =	swait.ge [sflag:s6], $0x4000  }
0x448: {  	[sflag:s6] =	ssyncset.done $0x0  }
0x449: {  	[sflag:s6] =	ssyncadd.s32 $0xFFFFC000  }
0x44a: {  	_ = 	snop  }
.LBB2_103:
.Ltmp111:
0x44b: {  	(pc) =	sbr.rel .LBB2_108-.Ltmp111, $2  }
0x44c: {  	_ =	sdelay $0x2  }
0x44d: {  	_ = 	snop  }
.LBB2_113:
.Ltmp112:
0x44e: {  	(pc) =	sbr.rel .LBB2_118-.Ltmp112, $2  }
0x44f: {  	_ =	sdelay $0x2  }
0x450: {  	_ = 	snop  }
.LBB2_123:
.Ltmp113:
0x451: {  	(pc) =	sbr.rel .LBB2_128-.Ltmp113, $2  }
0x452: {  	_ =	sdelay $0x2  }
0x453: {  	_ = 	snop  }
.LBB2_133:
.Ltmp114:
0x454: {  	(pc) =	sbr.rel .LBB2_138-.Ltmp114, $2  }
0x455: {  	_ =	sdelay $0x2  }
0x456: {  	_ = 	snop  }
.LBB2_143:
.Ltmp115:
0x457: {  	(pc) =	sbr.rel .LBB2_148-.Ltmp115, $2  }
0x458: {  	_ =	sdelay $0x2  }
0x459: {  	_ = 	snop  }
.LBB2_153:
.Ltmp116:
0x45a: {  	(pc) =	sbr.rel .LBB2_158-.Ltmp116, $2  }
0x45b: {  	_ =	sdelay $0x2  }
0x45c: {  	_ = 	snop  }
.LBB2_163:
.Ltmp117:
0x45d: {  	(pc) =	sbr.rel .LBB2_168-.Ltmp117, $2  }
0x45e: {  	_ =	sdelay $0x2  }
0x45f: {  	_ = 	snop  }
.LBB2_173:
.Ltmp118:
0x460: {  	(pc) =	sbr.rel .LBB2_177-.Ltmp118, $2  }
0x461: {  	_ =	sdelay $0x2  }
0x462: {  	s0 =	smov.u32 s23;
	s3 =	smov.u32 s22  }
.LBB2_105:
.Ltmp119:
0x463: {  	(pc) =	sbr.rel .LBB2_108-.Ltmp119, $2  }
0x464: {  	_ =	sdelay $0x2  }
0x465: {  	s4 =	smov.u32 s31  }
.LBB2_115:
.Ltmp120:
0x466: {  	(pc) =	sbr.rel .LBB2_118-.Ltmp120, $2  }
0x467: {  	_ =	sdelay $0x2  }
0x468: {  	s4 =	smov.u32 s31  }
.LBB2_125:
.Ltmp121:
0x469: {  	(pc) =	sbr.rel .LBB2_128-.Ltmp121, $2  }
0x46a: {  	_ =	sdelay $0x2  }
0x46b: {  	s4 =	smov.u32 s31  }
.LBB2_135:
.Ltmp122:
0x46c: {  	(pc) =	sbr.rel .LBB2_138-.Ltmp122, $2  }
0x46d: {  	_ =	sdelay $0x2  }
0x46e: {  	s4 =	smov.u32 s31  }
.LBB2_145:
.Ltmp123:
0x46f: {  	(pc) =	sbr.rel .LBB2_148-.Ltmp123, $2  }
0x470: {  	_ =	sdelay $0x2  }
0x471: {  	s4 =	smov.u32 s31  }
.LBB2_155:
.Ltmp124:
0x472: {  	(pc) =	sbr.rel .LBB2_158-.Ltmp124, $2  }
0x473: {  	_ =	sdelay $0x2  }
0x474: {  	s4 =	smov.u32 s31  }
.LBB2_165:
.Ltmp125:
0x475: {  	(pc) =	sbr.rel .LBB2_168-.Ltmp125, $2  }
0x476: {  	_ =	sdelay $0x2  }
0x477: {  	s4 =	smov.u32 s31  }
.LBB2_175:
.Ltmp126:
0x478: {  	(pc) =	sbr.rel .LBB2_177-.Ltmp126, $2  }
0x479: {  	_ =	sdelay $0x2  }
0x47a: {  	s3 =	smov.u32 s22  }
.LBB2_6:
.Ltmp127:
0x47b: {  	(pc) =	sbr.rel .LBB2_13-.Ltmp127, $2  }
0x47c: {  	_ =	sdelay $0x2  }
0x47d: {  	_ = 	snop  }
.LBB2_18:
.Ltmp128:
0x47e: {  	(pc) =	sbr.rel .LBB2_25-.Ltmp128, $2  }
0x47f: {  	_ =	sdelay $0x2  }
0x480: {  	_ = 	snop  }
.LBB2_30:
.Ltmp129:
0x481: {  	(pc) =	sbr.rel .LBB2_37-.Ltmp129, $2  }
0x482: {  	_ =	sdelay $0x2  }
0x483: {  	_ = 	snop  }
.LBB2_42:
.Ltmp130:
0x484: {  	(pc) =	sbr.rel .LBB2_49-.Ltmp130, $2  }
0x485: {  	_ =	sdelay $0x2  }
0x486: {  	_ = 	snop  }
.LBB2_54:
.Ltmp131:
0x487: {  	(pc) =	sbr.rel .LBB2_61-.Ltmp131, $2  }
0x488: {  	_ =	sdelay $0x2  }
0x489: {  	_ = 	snop  }
.LBB2_66:
.Ltmp132:
0x48a: {  	(pc) =	sbr.rel .LBB2_73-.Ltmp132, $2  }
0x48b: {  	_ =	sdelay $0x2  }
0x48c: {  	_ = 	snop  }
.LBB2_78:
.Ltmp133:
0x48d: {  	(pc) =	sbr.rel .LBB2_85-.Ltmp133, $2  }
0x48e: {  	_ =	sdelay $0x2  }
0x48f: {  	_ = 	snop  }
.LBB2_90:
.Ltmp134:
0x490: {  	(pc) =	sbr.rel .LBB2_97-.Ltmp134, $2  }
0x491: {  	_ =	sdelay $0x2  }
0x492: {  	s3 =	smov.u32 s23  }
.LBB2_8:
.Ltmp135:
0x493: {  	(pc) =	sbr.rel .LBB2_13-.Ltmp135, $2  }
0x494: {  	_ =	sdelay $0x2  }
0x495: {  	_ = 	snop  }
.LBB2_20:
.Ltmp136:
0x496: {  	(pc) =	sbr.rel .LBB2_25-.Ltmp136, $2  }
0x497: {  	_ =	sdelay $0x2  }
0x498: {  	_ = 	snop  }
.LBB2_32:
.Ltmp137:
0x499: {  	(pc) =	sbr.rel .LBB2_37-.Ltmp137, $2  }
0x49a: {  	_ =	sdelay $0x2  }
0x49b: {  	_ = 	snop  }
.LBB2_44:
.Ltmp138:
0x49c: {  	(pc) =	sbr.rel .LBB2_49-.Ltmp138, $2  }
0x49d: {  	_ =	sdelay $0x2  }
0x49e: {  	_ = 	snop  }
.LBB2_56:
.Ltmp139:
0x49f: {  	(pc) =	sbr.rel .LBB2_61-.Ltmp139, $2  }
0x4a0: {  	_ =	sdelay $0x2  }
0x4a1: {  	_ = 	snop  }
.LBB2_68:
.Ltmp140:
0x4a2: {  	(pc) =	sbr.rel .LBB2_73-.Ltmp140, $2  }
0x4a3: {  	_ =	sdelay $0x2  }
0x4a4: {  	_ = 	snop  }
.LBB2_80:
.Ltmp141:
0x4a5: {  	(pc) =	sbr.rel .LBB2_85-.Ltmp141, $2  }
0x4a6: {  	_ =	sdelay $0x2  }
0x4a7: {  	_ = 	snop  }
.LBB2_92:
.Ltmp142:
0x4a8: {  	(pc) =	sbr.rel .LBB2_97-.Ltmp142, $2  }
0x4a9: {  	_ =	sdelay $0x2  }
0x4aa: {  	s3 =	smov.u32 s23  }
.LBB2_10:
.Ltmp143:
0x4ab: {  	(pc) =	sbr.rel .LBB2_13-.Ltmp143, $2  }
0x4ac: {  	_ =	sdelay $0x2  }
0x4ad: {  	s4 =	smov.u32 s0;
	s0 =	smov.u32 s11  }
.LBB2_22:
.Ltmp144:
0x4ae: {  	(pc) =	sbr.rel .LBB2_25-.Ltmp144, $2  }
0x4af: {  	_ =	sdelay $0x2  }
0x4b0: {  	s4 =	smov.u32 s0;
	s0 =	smov.u32 s11  }
.LBB2_34:
.Ltmp145:
0x4b1: {  	(pc) =	sbr.rel .LBB2_37-.Ltmp145, $2  }
0x4b2: {  	_ =	sdelay $0x2  }
0x4b3: {  	s4 =	smov.u32 s0;
	s0 =	smov.u32 s12  }
.LBB2_46:
.Ltmp146:
0x4b4: {  	(pc) =	sbr.rel .LBB2_49-.Ltmp146, $2  }
0x4b5: {  	_ =	sdelay $0x2  }
0x4b6: {  	s4 =	smov.u32 s0;
	s0 =	smov.u32 s12  }
.LBB2_58:
.Ltmp147:
0x4b7: {  	(pc) =	sbr.rel .LBB2_61-.Ltmp147, $2  }
0x4b8: {  	_ =	sdelay $0x2  }
0x4b9: {  	s4 =	smov.u32 s0;
	s0 =	smov.u32 s12  }
.LBB2_70:
.Ltmp148:
0x4ba: {  	(pc) =	sbr.rel .LBB2_73-.Ltmp148, $2  }
0x4bb: {  	_ =	sdelay $0x2  }
0x4bc: {  	s4 =	smov.u32 s0;
	s0 =	smov.u32 s12  }
.LBB2_82:
.Ltmp149:
0x4bd: {  	(pc) =	sbr.rel .LBB2_85-.Ltmp149, $2  }
0x4be: {  	_ =	sdelay $0x2  }
0x4bf: {  	s4 =	smov.u32 s0;
	s0 =	smov.u32 s26  }
.LBB2_94:
.Ltmp150:
0x4c0: {  	(pc) =	sbr.rel .LBB2_97-.Ltmp150, $2  }
0x4c1: {  	_ =	sdelay $0x2  }
0x4c2: {  	s4 =	smov.u32 s0;
	s0 =	smov.u32 s26  }
.LBB2_181:
0x4c3: {  	_ =	sfence.sel $0x180000  }
0x4c4: {  	[bflag:$0x0] =	sbarrier.arrive $0xFFFF  }
0x4c5: {  	_ =	strace $0x90000047  }
0x4c6: {  	s0 =	stileid.u32;
	[bflag:$0x2] =	sbarrier.arrive $0xFFFF  }
0x4c7: {  	p0 =	sne.s32 s0, $0x0;
	s0 =	rddreg [dreg:$0x2]  }
0x4c8: {  	s0 =	sadd.s32 @!p0 $0x100000, s0  }
0x4c9: {  	[sflag:s0] =	ssyncadd.tile.s32 @!p0 $0x1;
	_ =	shalt  }
.Lfunc_end2:
_tile_overlayer_lowered:
.L_overlay_start_2:
0x4ca: {  	(tag) =	ssettag $0x2  }
0x4cb: {  	s0 =	rddreg [dreg:$0x0];
	s2 =	stileid.u32  }
0x4cc: {  	s1 =	rddreg [dreg:$0x1];
	p0 =	sne.s32 s2, $0x0  }
0x4cd: {  	s3 =	rddreg [dreg:$0x2];
	[bflag:$0x3] =	sbarrier.arrive $0xFFFF;
	s2 =	simm.s32 @!p0 $0x1C02  }
0x4ce: {  	[timem:s3], [sflag:s2] =	dma.local @!p0 [hbm:s0], s1  }
0x4cf: {  	s0 =	simm.s32 @!p0 $0x2  }
0x4d0: {  	_ =	swait.ge @!p0 [sflag:s0], s1  }
0x4d1: {  	s1 =	ssub.s32 @!p0 $0x0, s1;
	[sflag:s0] =	ssyncset.done @!p0 $0x0  }
0x4d2: {  	[sflag:s0] =	ssyncadd.s32 @!p0 s1  }
0x4d3: {  	[bflag:$0x3] =	sbarrier.arrive $0xFFFF  }
0x4d4: {  	_ =	shalt  }

</sc_bundles>
